<compile_context>
chip_gen: v7x
topology: tpu7x:2x2x1
jax: 0.10.2.dev20260603
libtpu: 0.0.44.dev20260713+nightly
codegen_flags: <defaults>
</compile_context>

<pallas_src>
import jax
import jax.numpy as jnp
from jax import lax
from jax.experimental import pallas as pl
from jax.experimental.pallas import tpu as pltpu
from jax.experimental.pallas import tpu_sc as plsc

_D = 1024
_LANES = 16
_NC, _NS = 2, 16
_NW = _NC * _NS
_CHUNK = 8
_NBUF = 4
_LEAD = 2


def _pe_body(x_hbm, pos_hbm, tab_hbm, out_hbm,
             idx_all, rowbuf, xbuf, *sems):
    gsems = sems[0:_NBUF]
    xsems = sems[_NBUF:2 * _NBUF]
    osems = sems[2 * _NBUF:3 * _NBUF]
    wid = lax.axis_index("s") * _NC + lax.axis_index("c")
    n_rows = pos_hbm.shape[0]
    rows_per_w = n_rows // _NW
    base_w = wid * rows_per_w
    n_chunks = rows_per_w // _CHUNK

    pltpu.sync_copy(pos_hbm.at[pl.ds(base_w, rows_per_w)], idx_all)

    def start_gather(c, slot):
        idx = idx_all.at[pl.ds(c * _CHUNK, _CHUNK)]
        pltpu.async_copy(tab_hbm.at[idx], rowbuf.at[slot], gsems[slot])

    def wait_gather(c, slot):
        idx = idx_all.at[pl.ds(c * _CHUNK, _CHUNK)]
        pltpu.make_async_copy(tab_hbm.at[idx], rowbuf.at[slot],
                              gsems[slot]).wait()

    def start_x(c, slot):
        pltpu.async_copy(x_hbm.at[pl.ds(base_w + c * _CHUNK, _CHUNK)],
                         xbuf.at[slot], xsems[slot])

    def wait_x(c, slot):
        pltpu.make_async_copy(x_hbm.at[pl.ds(base_w + c * _CHUNK, _CHUNK)],
                              xbuf.at[slot], xsems[slot]).wait()

    def start_out(c, slot):
        pltpu.async_copy(rowbuf.at[slot],
                         out_hbm.at[pl.ds(base_w + c * _CHUNK, _CHUNK)],
                         osems[slot])

    def wait_out(c, slot):
        pltpu.make_async_copy(rowbuf.at[slot],
                              out_hbm.at[pl.ds(base_w + c * _CHUNK, _CHUNK)],
                              osems[slot]).wait()

    def accumulate(slot):
        def row_body(r, c2):
            for j in range(_D // _LANES):
                off = j * _LANES
                v = xbuf[slot, r, pl.ds(off, _LANES)]
                plsc.addupdate(rowbuf.at[slot, r, pl.ds(off, _LANES)], v)
            return c2
        lax.fori_loop(0, _CHUNK, row_body, 0)

    for c in range(_LEAD):
        start_gather(c, c % _NBUF)
        start_x(c, c % _NBUF)

    def outer(i0, carry):
        for u in range(_NBUF):
            j = i0 * _NBUF + u

            @pl.when(j >= 1)
            def _flush_prev():
                start_out(j - 1, (u - 1) % _NBUF)

            wait_gather(j, u)
            wait_x(j, u)
            nxt_slot = (u + _LEAD) % _NBUF

            @pl.when(j >= _NBUF - _LEAD)
            def _drain():
                wait_out(j - (_NBUF - _LEAD), nxt_slot)

            @pl.when(j + _LEAD < n_chunks)
            def _issue():
                start_gather(j + _LEAD, nxt_slot)
                start_x(j + _LEAD, nxt_slot)

            accumulate(u)
        return carry

    lax.fori_loop(0, n_chunks // _NBUF, outer, 0)

    start_out(n_chunks - 1, (n_chunks - 1) % _NBUF)
    for c in range(n_chunks - (_NBUF - _LEAD), n_chunks):
        wait_out(c, c % _NBUF)


def kernel(x, positions, pos_table):
    b, s, d = x.shape
    n = b * s
    x2 = x.reshape(n, d)
    pos = positions.reshape(n).astype(jnp.int32)
    mesh = plsc.VectorSubcoreMesh(core_axis_name="c", subcore_axis_name="s")
    f = pl.kernel(
        _pe_body,
        mesh=mesh,
        out_type=jax.ShapeDtypeStruct((n, d), jnp.float32),
        scratch_types=[
            pltpu.VMEM((n // _NW,), jnp.int32),
            pltpu.VMEM((_NBUF, _CHUNK, d), jnp.float32),
            pltpu.VMEM((_NBUF, _CHUNK, d), jnp.float32),
        ] + [pltpu.SemaphoreType.DMA] * (3 * _NBUF),
    )
    out = f(x2, pos, pos_table)
    return out.reshape(b, s, d)

# --- scband reference (transcript-rebuilt; emitter-appended) ---
"""Pipeline reference for scband-learned-positional-encoding-18021682774460 (READ-ONLY COPY).

The authoritative reference and input builder live on the scoring server;
editing this copy changes nothing except your own understanding.
"""

import jax, jax.numpy as jnp
import numpy as np

D_MODEL = 1024
MAX_LEN = 8192
BATCH = 4
SEQ_LEN = 8192

def setup_inputs(seed: int = 0) -> dict:
    key = jax.random.key(seed)
    k1, k2, k3 = jax.random.split(key, 3)
    x = jax.random.normal(k1, (BATCH, SEQ_LEN, D_MODEL), dtype=jnp.float32)
    positions = jax.random.randint(k2, (BATCH, SEQ_LEN), 0, MAX_LEN, dtype=jnp.int64 if jax.config.jax_enable_x64 else jnp.int32)
    pos_table = 0.02 * jax.random.normal(k3, (MAX_LEN, D_MODEL), dtype=jnp.float32)
    return {"x": x, "positions": positions, "pos_table": pos_table}

def reference(x, positions, pos_table):
    # gather positional embeddings: table[positions] -> (B, S, D)
    pos_embed = jnp.take(pos_table, positions, axis=0)
    out = x + pos_embed
    # dropout_p = 0.0 -> identity
    return out

if __name__ == "__main__":
    import jax
    _d = setup_inputs()
    print(jax.jit(kernel)(*tuple(_d.values())))

</pallas_src>

<mosaic_0001>
#map = affine_map<(d0, d1) -> (0, 0)>
#map1 = affine_map<(d0, d1) -> (0)>
module attributes {stable_mosaic.version = 14 : i64} {
  func.func @_pe_body(%arg0: i32, %arg1: i32, %arg2: memref<32768x1024xf32, #tpu.memory_space<hbm>>, %arg3: memref<32768xi32, #tpu.memory_space<hbm>>, %arg4: memref<8192x1024xf32, #tpu.memory_space<hbm>>, %arg5: memref<32768x1024xf32, #tpu.memory_space<hbm>>, %arg6: memref<1024xi32, #tpu.memory_space<vmem>>, %arg7: memref<4x8x1024xf32, #tpu.memory_space<vmem>>, %arg8: memref<4x8x1024xf32, #tpu.memory_space<vmem>>, %arg9: memref<!tpu.dma_semaphore, #tpu.memory_space<semaphore_mem>>, %arg10: memref<!tpu.dma_semaphore, #tpu.memory_space<semaphore_mem>>, %arg11: memref<!tpu.dma_semaphore, #tpu.memory_space<semaphore_mem>>, %arg12: memref<!tpu.dma_semaphore, #tpu.memory_space<semaphore_mem>>, %arg13: memref<!tpu.dma_semaphore, #tpu.memory_space<semaphore_mem>>, %arg14: memref<!tpu.dma_semaphore, #tpu.memory_space<semaphore_mem>>, %arg15: memref<!tpu.dma_semaphore, #tpu.memory_space<semaphore_mem>>, %arg16: memref<!tpu.dma_semaphore, #tpu.memory_space<semaphore_mem>>, %arg17: memref<!tpu.dma_semaphore, #tpu.memory_space<semaphore_mem>>, %arg18: memref<!tpu.dma_semaphore, #tpu.memory_space<semaphore_mem>>, %arg19: memref<!tpu.dma_semaphore, #tpu.memory_space<semaphore_mem>>, %arg20: memref<!tpu.dma_semaphore, #tpu.memory_space<semaphore_mem>>) attributes {dimension_semantics = [#tpu.dimension_semantics<core_parallel>, #tpu.dimension_semantics<subcore_parallel>], iteration_bounds = array<i64: 2, 16>, scalar_prefetch = 0 : i64, scratch_operands = 15 : i64, tpu.core_type = #tpu.core_type<sc_vector_subcore>, window_params = [{transform_indices = #map}, {transform_indices = #map1}, {transform_indices = #map}, {transform_indices = #map}]} {
    %mul3A = arith.constant 2 : i32
    %mul3A_0 = arith.muli %arg1, %mul3A : i32
    %add3A = arith.addi %mul3A_0, %arg0 : i32
    %mul3A_1 = arith.constant 1024 : i32
    %mul3A_2 = arith.muli %add3A, %mul3A_1 : i32
    "tpu.region"() ({
      %run_scoped3A = tpu.sem_alloc : memref<!tpu.dma_semaphore, #tpu.memory_space<semaphore_mem>>
      %dma_start3A_101 = tpu.memref_slice %arg3[%mul3A_2] : memref<32768xi32, #tpu.memory_space<hbm>> -> memref<1024xi32, #tpu.memory_space<hbm>>
      %dma_start3A_102 = tpu.memref_slice %arg3[%mul3A_2] : memref<32768xi32, #tpu.memory_space<hbm>> -> memref<1024xi32, #tpu.memory_space<hbm>>
      tpu.enqueue_dma source(%dma_start3A_102 : memref<1024xi32, #tpu.memory_space<hbm>>) target(%arg6 : memref<1024xi32, #tpu.memory_space<vmem>>) target_semaphore(%run_scoped3A : memref<!tpu.dma_semaphore, #tpu.memory_space<semaphore_mem>>)
      %dma_wait3A_103 = tpu.memref_slice %arg3[%mul3A_2] : memref<32768xi32, #tpu.memory_space<hbm>> -> memref<1024xi32, #tpu.memory_space<hbm>>
      %dma_wait3A_104 = tpu.memref_slice %arg3[%mul3A_2] : memref<32768xi32, #tpu.memory_space<hbm>> -> memref<1024xi32, #tpu.memory_space<hbm>>
      tpu.wait_dma2 semaphore(%run_scoped3A : memref<!tpu.dma_semaphore, #tpu.memory_space<semaphore_mem>>) src(%dma_wait3A_104 : memref<1024xi32, #tpu.memory_space<hbm>>) dst(%arg6 : memref<1024xi32, #tpu.memory_space<vmem>>)
      tpu.yield
    }) : () -> ()
    %dma_start3A = arith.constant 0 : i32
    %dma_start3A_3 = arith.constant 0 : i32
    %dma_start3A_4 = arith.constant 0 : i32
    %dma_start3A_5 = tpu.memref_slice %arg7[%dma_start3A, %dma_start3A_3, %dma_start3A_4] : memref<4x8x1024xf32, #tpu.memory_space<vmem>> -> memref<1x8x1024xf32, #tpu.memory_space<vmem>>
    %dma_start3A_6 = tpu.memref_squeeze %dma_start3A_5 : memref<1x8x1024xf32, #tpu.memory_space<vmem>> -> memref<8x1024xf32, #tpu.memory_space<vmem>>
    %dma_start3A_7 = arith.constant 0 : i32
    %dma_start3A_8 = tpu.memref_slice %arg6[%dma_start3A_7] : memref<1024xi32, #tpu.memory_space<vmem>> -> memref<8xi32, #tpu.memory_space<vmem>>
    %dma_start3A_9 = arith.constant 0 : i32
    %dma_start3A_10 = arith.constant 0 : i32
    %dma_start3A_11 = tpu.memref_slice %arg4[%dma_start3A_9, %dma_start3A_10] : memref<8192x1024xf32, #tpu.memory_space<hbm>> -> memref<8192x1024xf32, #tpu.memory_space<hbm>>
    tpu.enqueue_indirect_dma source(%dma_start3A_11 : memref<8192x1024xf32, #tpu.memory_space<hbm>>) target(%dma_start3A_6 : memref<8x1024xf32, #tpu.memory_space<vmem>>) offsets(%dma_start3A_8 : memref<8xi32, #tpu.memory_space<vmem>>) semaphore(%arg9 : memref<!tpu.dma_semaphore, #tpu.memory_space<semaphore_mem>>)
    %add3A_12 = arith.constant 0 : i32
    %add3A_13 = arith.addi %mul3A_2, %add3A_12 : i32
    %dma_start3A_14 = arith.constant 0 : i32
    %dma_start3A_15 = arith.constant 0 : i32
    %dma_start3A_16 = arith.constant 0 : i32
    %dma_start3A_17 = tpu.memref_slice %arg8[%dma_start3A_14, %dma_start3A_15, %dma_start3A_16] : memref<4x8x1024xf32, #tpu.memory_space<vmem>> -> memref<1x8x1024xf32, #tpu.memory_space<vmem>>
    %dma_start3A_18 = tpu.memref_squeeze %dma_start3A_17 : memref<1x8x1024xf32, #tpu.memory_space<vmem>> -> memref<8x1024xf32, #tpu.memory_space<vmem>>
    %dma_start3A_19 = arith.constant 0 : i32
    %dma_start3A_20 = tpu.memref_slice %arg2[%add3A_13, %dma_start3A_19] : memref<32768x1024xf32, #tpu.memory_space<hbm>> -> memref<8x1024xf32, #tpu.memory_space<hbm>>
    %dma_start3A_21 = arith.constant 0 : i32
    %dma_start3A_22 = arith.constant 0 : i32
    %dma_start3A_23 = tpu.memref_slice %arg8[%dma_start3A_14, %dma_start3A_21, %dma_start3A_22] : memref<4x8x1024xf32, #tpu.memory_space<vmem>> -> memref<1x8x1024xf32, #tpu.memory_space<vmem>>
    %dma_start3A_24 = tpu.memref_squeeze %dma_start3A_23 : memref<1x8x1024xf32, #tpu.memory_space<vmem>> -> memref<8x1024xf32, #tpu.memory_space<vmem>>
    %dma_start3A_25 = arith.constant 0 : i32
    %dma_start3A_26 = tpu.memref_slice %arg2[%add3A_13, %dma_start3A_25] : memref<32768x1024xf32, #tpu.memory_space<hbm>> -> memref<8x1024xf32, #tpu.memory_space<hbm>>
    tpu.enqueue_dma source(%dma_start3A_26 : memref<8x1024xf32, #tpu.memory_space<hbm>>) target(%dma_start3A_24 : memref<8x1024xf32, #tpu.memory_space<vmem>>) target_semaphore(%arg13 : memref<!tpu.dma_semaphore, #tpu.memory_space<semaphore_mem>>)
    %dma_start3A_27 = arith.constant 1 : i32
    %dma_start3A_28 = arith.constant 0 : i32
    %dma_start3A_29 = arith.constant 0 : i32
    %dma_start3A_30 = tpu.memref_slice %arg7[%dma_start3A_27, %dma_start3A_28, %dma_start3A_29] : memref<4x8x1024xf32, #tpu.memory_space<vmem>> -> memref<1x8x1024xf32, #tpu.memory_space<vmem>>
    %dma_start3A_31 = tpu.memref_squeeze %dma_start3A_30 : memref<1x8x1024xf32, #tpu.memory_space<vmem>> -> memref<8x1024xf32, #tpu.memory_space<vmem>>
    %dma_start3A_32 = arith.constant 8 : i32
    %dma_start3A_33 = tpu.memref_slice %arg6[%dma_start3A_32] : memref<1024xi32, #tpu.memory_space<vmem>> -> memref<8xi32, #tpu.memory_space<vmem>>
    %dma_start3A_34 = arith.constant 0 : i32
    %dma_start3A_35 = arith.constant 0 : i32
    %dma_start3A_36 = tpu.memref_slice %arg4[%dma_start3A_34, %dma_start3A_35] : memref<8192x1024xf32, #tpu.memory_space<hbm>> -> memref<8192x1024xf32, #tpu.memory_space<hbm>>
    tpu.enqueue_indirect_dma source(%dma_start3A_36 : memref<8192x1024xf32, #tpu.memory_space<hbm>>) target(%dma_start3A_31 : memref<8x1024xf32, #tpu.memory_space<vmem>>) offsets(%dma_start3A_33 : memref<8xi32, #tpu.memory_space<vmem>>) semaphore(%arg10 : memref<!tpu.dma_semaphore, #tpu.memory_space<semaphore_mem>>)
    %add3A_37 = arith.constant 8 : i32
    %add3A_38 = arith.addi %mul3A_2, %add3A_37 : i32
    %dma_start3A_39 = arith.constant 1 : i32
    %dma_start3A_40 = arith.constant 0 : i32
    %dma_start3A_41 = arith.constant 0 : i32
    %dma_start3A_42 = tpu.memref_slice %arg8[%dma_start3A_39, %dma_start3A_40, %dma_start3A_41] : memref<4x8x1024xf32, #tpu.memory_space<vmem>> -> memref<1x8x1024xf32, #tpu.memory_space<vmem>>
    %dma_start3A_43 = tpu.memref_squeeze %dma_start3A_42 : memref<1x8x1024xf32, #tpu.memory_space<vmem>> -> memref<8x1024xf32, #tpu.memory_space<vmem>>
    %dma_start3A_44 = arith.constant 0 : i32
    %dma_start3A_45 = tpu.memref_slice %arg2[%add3A_38, %dma_start3A_44] : memref<32768x1024xf32, #tpu.memory_space<hbm>> -> memref<8x1024xf32, #tpu.memory_space<hbm>>
    %dma_start3A_46 = arith.constant 0 : i32
    %dma_start3A_47 = arith.constant 0 : i32
    %dma_start3A_48 = tpu.memref_slice %arg8[%dma_start3A_39, %dma_start3A_46, %dma_start3A_47] : memref<4x8x1024xf32, #tpu.memory_space<vmem>> -> memref<1x8x1024xf32, #tpu.memory_space<vmem>>
    %dma_start3A_49 = tpu.memref_squeeze %dma_start3A_48 : memref<1x8x1024xf32, #tpu.memory_space<vmem>> -> memref<8x1024xf32, #tpu.memory_space<vmem>>
    %dma_start3A_50 = arith.constant 0 : i32
    %dma_start3A_51 = tpu.memref_slice %arg2[%add3A_38, %dma_start3A_50] : memref<32768x1024xf32, #tpu.memory_space<hbm>> -> memref<8x1024xf32, #tpu.memory_space<hbm>>
    tpu.enqueue_dma source(%dma_start3A_51 : memref<8x1024xf32, #tpu.memory_space<hbm>>) target(%dma_start3A_49 : memref<8x1024xf32, #tpu.memory_space<vmem>>) target_semaphore(%arg14 : memref<!tpu.dma_semaphore, #tpu.memory_space<semaphore_mem>>)
    %scan3A = arith.constant 0 : i32
    %scan3A_52 = arith.constant 0 : i32
    %scan3A_53 = arith.constant 32 : i32
    %scan3A_54 = arith.addi %scan3A_52, %scan3A_53 : i32
    %scan3A_55 = arith.constant 1 : i32
    scf.for %scan3A_101 = %scan3A_52 to %scan3A_54 step %scan3A_55  : i32 {
      %mul3A_102 = arith.constant 4 : i32
      %mul3A_103 = arith.muli %scan3A_101, %mul3A_102 : i32
      %add3A_104 = arith.constant 0 : i32
      %add3A_105 = arith.addi %mul3A_103, %add3A_104 : i32
      %ge3A = arith.constant 1 : i32
      %ge3A_106 = arith.cmpi sge, %add3A_105, %ge3A : i32
      %convert_element_type3A = arith.extui %ge3A_106 : i1 to i32
      %cond3A = arith.constant 0 : i32
      %cond3A_107 = arith.cmpi ne, %convert_element_type3A, %cond3A : i32
      scf.if %cond3A_107 {
        %sub3A = arith.constant 1 : i32
        %sub3A_314 = arith.subi %add3A_105, %sub3A : i32
        %mul3A_315 = arith.constant 8 : i32
        %mul3A_316 = arith.muli %sub3A_314, %mul3A_315 : i32
        %add3A_317 = arith.addi %mul3A_2, %mul3A_316 : i32
        %dma_start3A_318 = arith.constant 3 : i32
        %dma_start3A_319 = arith.constant 0 : i32
        %dma_start3A_320 = arith.constant 0 : i32
        %dma_start3A_321 = tpu.memref_slice %arg7[%dma_start3A_318, %dma_start3A_319, %dma_start3A_320] : memref<4x8x1024xf32, #tpu.memory_space<vmem>> -> memref<1x8x1024xf32, #tpu.memory_space<vmem>>
        %dma_start3A_322 = tpu.memref_squeeze %dma_start3A_321 : memref<1x8x1024xf32, #tpu.memory_space<vmem>> -> memref<8x1024xf32, #tpu.memory_space<vmem>>
        %dma_start3A_323 = arith.constant 0 : i32
        %dma_start3A_324 = tpu.memref_slice %arg5[%add3A_317, %dma_start3A_323] : memref<32768x1024xf32, #tpu.memory_space<hbm>> -> memref<8x1024xf32, #tpu.memory_space<hbm>>
        %dma_start3A_325 = arith.constant 0 : i32
        %dma_start3A_326 = tpu.memref_slice %arg5[%add3A_317, %dma_start3A_325] : memref<32768x1024xf32, #tpu.memory_space<hbm>> -> memref<8x1024xf32, #tpu.memory_space<hbm>>
        %dma_start3A_327 = arith.constant 0 : i32
        %dma_start3A_328 = arith.constant 0 : i32
        %dma_start3A_329 = tpu.memref_slice %arg7[%dma_start3A_318, %dma_start3A_327, %dma_start3A_328] : memref<4x8x1024xf32, #tpu.memory_space<vmem>> -> memref<1x8x1024xf32, #tpu.memory_space<vmem>>
        %dma_start3A_330 = tpu.memref_squeeze %dma_start3A_329 : memref<1x8x1024xf32, #tpu.memory_space<vmem>> -> memref<8x1024xf32, #tpu.memory_space<vmem>>
        tpu.enqueue_dma source(%dma_start3A_330 : memref<8x1024xf32, #tpu.memory_space<vmem>>) target(%dma_start3A_326 : memref<8x1024xf32, #tpu.memory_space<hbm>>) target_semaphore(%arg20 : memref<!tpu.dma_semaphore, #tpu.memory_space<semaphore_mem>>)
      } else {
      }
      %mul3A_108 = arith.constant 8 : i32
      %mul3A_109 = arith.muli %add3A_105, %mul3A_108 : i32
      %dma_wait3A_110 = arith.constant 0 : i32
      %dma_wait3A_111 = arith.constant 0 : i32
      %dma_wait3A_112 = arith.constant 0 : i32
      %dma_wait3A_113 = tpu.memref_slice %arg7[%dma_wait3A_110, %dma_wait3A_111, %dma_wait3A_112] : memref<4x8x1024xf32, #tpu.memory_space<vmem>> -> memref<1x8x1024xf32, #tpu.memory_space<vmem>>
      %dma_wait3A_114 = tpu.memref_squeeze %dma_wait3A_113 : memref<1x8x1024xf32, #tpu.memory_space<vmem>> -> memref<8x1024xf32, #tpu.memory_space<vmem>>
      %dma_wait3A_115 = tpu.memref_slice %arg6[%mul3A_109] : memref<1024xi32, #tpu.memory_space<vmem>> -> memref<8xi32, #tpu.memory_space<vmem>>
      %dma_wait3A_116 = arith.constant 0 : i32
      %dma_wait3A_117 = arith.constant 0 : i32
      %dma_wait3A_118 = tpu.memref_slice %arg4[%dma_wait3A_116, %dma_wait3A_117] : memref<8192x1024xf32, #tpu.memory_space<hbm>> -> memref<8192x1024xf32, #tpu.memory_space<hbm>>
      tpu.wait_indirect_dma semaphore(%arg9 : memref<!tpu.dma_semaphore, #tpu.memory_space<semaphore_mem>>) src(%dma_wait3A_118 : memref<8192x1024xf32, #tpu.memory_space<hbm>>) dst(%dma_wait3A_114 : memref<8x1024xf32, #tpu.memory_space<vmem>>)
      %mul3A_119 = arith.constant 8 : i32
      %mul3A_120 = arith.muli %add3A_105, %mul3A_119 : i32
      %add3A_121 = arith.addi %mul3A_2, %mul3A_120 : i32
      %dma_wait3A_122 = arith.constant 0 : i32
      %dma_wait3A_123 = arith.constant 0 : i32
      %dma_wait3A_124 = arith.constant 0 : i32
      %dma_wait3A_125 = tpu.memref_slice %arg8[%dma_wait3A_122, %dma_wait3A_123, %dma_wait3A_124] : memref<4x8x1024xf32, #tpu.memory_space<vmem>> -> memref<1x8x1024xf32, #tpu.memory_space<vmem>>
      %dma_wait3A_126 = tpu.memref_squeeze %dma_wait3A_125 : memref<1x8x1024xf32, #tpu.memory_space<vmem>> -> memref<8x1024xf32, #tpu.memory_space<vmem>>
      %dma_wait3A_127 = arith.constant 0 : i32
      %dma_wait3A_128 = tpu.memref_slice %arg2[%add3A_121, %dma_wait3A_127] : memref<32768x1024xf32, #tpu.memory_space<hbm>> -> memref<8x1024xf32, #tpu.memory_space<hbm>>
      %dma_wait3A_129 = arith.constant 0 : i32
      %dma_wait3A_130 = arith.constant 0 : i32
      %dma_wait3A_131 = tpu.memref_slice %arg8[%dma_wait3A_122, %dma_wait3A_129, %dma_wait3A_130] : memref<4x8x1024xf32, #tpu.memory_space<vmem>> -> memref<1x8x1024xf32, #tpu.memory_space<vmem>>
      %dma_wait3A_132 = tpu.memref_squeeze %dma_wait3A_131 : memref<1x8x1024xf32, #tpu.memory_space<vmem>> -> memref<8x1024xf32, #tpu.memory_space<vmem>>
      %dma_wait3A_133 = arith.constant 0 : i32
      %dma_wait3A_134 = tpu.memref_slice %arg2[%add3A_121, %dma_wait3A_133] : memref<32768x1024xf32, #tpu.memory_space<hbm>> -> memref<8x1024xf32, #tpu.memory_space<hbm>>
      tpu.wait_dma2 semaphore(%arg13 : memref<!tpu.dma_semaphore, #tpu.memory_space<semaphore_mem>>) src(%dma_wait3A_134 : memref<8x1024xf32, #tpu.memory_space<hbm>>) dst(%dma_wait3A_132 : memref<8x1024xf32, #tpu.memory_space<vmem>>)
      %ge3A_135 = arith.constant 2 : i32
      %ge3A_136 = arith.cmpi sge, %add3A_105, %ge3A_135 : i32
      %convert_element_type3A_137 = arith.extui %ge3A_136 : i1 to i32
      %cond3A_138 = arith.constant 0 : i32
      %cond3A_139 = arith.cmpi ne, %convert_element_type3A_137, %cond3A_138 : i32
      scf.if %cond3A_139 {
        %sub3A = arith.constant 2 : i32
        %sub3A_314 = arith.subi %add3A_105, %sub3A : i32
        %mul3A_315 = arith.constant 8 : i32
        %mul3A_316 = arith.muli %sub3A_314, %mul3A_315 : i32
        %add3A_317 = arith.addi %mul3A_2, %mul3A_316 : i32
        %dma_wait3A_318 = arith.constant 2 : i32
        %dma_wait3A_319 = arith.constant 0 : i32
        %dma_wait3A_320 = arith.constant 0 : i32
        %dma_wait3A_321 = tpu.memref_slice %arg7[%dma_wait3A_318, %dma_wait3A_319, %dma_wait3A_320] : memref<4x8x1024xf32, #tpu.memory_space<vmem>> -> memref<1x8x1024xf32, #tpu.memory_space<vmem>>
        %dma_wait3A_322 = tpu.memref_squeeze %dma_wait3A_321 : memref<1x8x1024xf32, #tpu.memory_space<vmem>> -> memref<8x1024xf32, #tpu.memory_space<vmem>>
        %dma_wait3A_323 = arith.constant 0 : i32
        %dma_wait3A_324 = tpu.memref_slice %arg5[%add3A_317, %dma_wait3A_323] : memref<32768x1024xf32, #tpu.memory_space<hbm>> -> memref<8x1024xf32, #tpu.memory_space<hbm>>
        %dma_wait3A_325 = arith.constant 0 : i32
        %dma_wait3A_326 = tpu.memref_slice %arg5[%add3A_317, %dma_wait3A_325] : memref<32768x1024xf32, #tpu.memory_space<hbm>> -> memref<8x1024xf32, #tpu.memory_space<hbm>>
        %dma_wait3A_327 = arith.constant 0 : i32
        %dma_wait3A_328 = arith.constant 0 : i32
        %dma_wait3A_329 = tpu.memref_slice %arg7[%dma_wait3A_318, %dma_wait3A_327, %dma_wait3A_328] : memref<4x8x1024xf32, #tpu.memory_space<vmem>> -> memref<1x8x1024xf32, #tpu.memory_space<vmem>>
        %dma_wait3A_330 = tpu.memref_squeeze %dma_wait3A_329 : memref<1x8x1024xf32, #tpu.memory_space<vmem>> -> memref<8x1024xf32, #tpu.memory_space<vmem>>
        tpu.wait_dma2 semaphore(%arg19 : memref<!tpu.dma_semaphore, #tpu.memory_space<semaphore_mem>>) src(%dma_wait3A_330 : memref<8x1024xf32, #tpu.memory_space<vmem>>) dst(%dma_wait3A_326 : memref<8x1024xf32, #tpu.memory_space<hbm>>)
      } else {
      }
      %add3A_140 = arith.constant 2 : i32
      %add3A_141 = arith.addi %add3A_105, %add3A_140 : i32
      %lt3A = arith.constant 128 : i32
      %lt3A_142 = arith.cmpi slt, %add3A_141, %lt3A : i32
      %convert_element_type3A_143 = arith.extui %lt3A_142 : i1 to i32
      %cond3A_144 = arith.constant 0 : i32
      %cond3A_145 = arith.cmpi ne, %convert_element_type3A_143, %cond3A_144 : i32
      scf.if %cond3A_145 {
        %add3A_314 = arith.constant 2 : i32
        %add3A_315 = arith.addi %add3A_105, %add3A_314 : i32
        %mul3A_316 = arith.constant 8 : i32
        %mul3A_317 = arith.muli %add3A_315, %mul3A_316 : i32
        %dma_start3A_318 = arith.constant 2 : i32
        %dma_start3A_319 = arith.constant 0 : i32
        %dma_start3A_320 = arith.constant 0 : i32
        %dma_start3A_321 = tpu.memref_slice %arg7[%dma_start3A_318, %dma_start3A_319, %dma_start3A_320] : memref<4x8x1024xf32, #tpu.memory_space<vmem>> -> memref<1x8x1024xf32, #tpu.memory_space<vmem>>
        %dma_start3A_322 = tpu.memref_squeeze %dma_start3A_321 : memref<1x8x1024xf32, #tpu.memory_space<vmem>> -> memref<8x1024xf32, #tpu.memory_space<vmem>>
        %dma_start3A_323 = tpu.memref_slice %arg6[%mul3A_317] : memref<1024xi32, #tpu.memory_space<vmem>> -> memref<8xi32, #tpu.memory_space<vmem>>
        %dma_start3A_324 = arith.constant 0 : i32
        %dma_start3A_325 = arith.constant 0 : i32
        %dma_start3A_326 = tpu.memref_slice %arg4[%dma_start3A_324, %dma_start3A_325] : memref<8192x1024xf32, #tpu.memory_space<hbm>> -> memref<8192x1024xf32, #tpu.memory_space<hbm>>
        tpu.enqueue_indirect_dma source(%dma_start3A_326 : memref<8192x1024xf32, #tpu.memory_space<hbm>>) target(%dma_start3A_322 : memref<8x1024xf32, #tpu.memory_space<vmem>>) offsets(%dma_start3A_323 : memref<8xi32, #tpu.memory_space<vmem>>) semaphore(%arg11 : memref<!tpu.dma_semaphore, #tpu.memory_space<semaphore_mem>>)
        %add3A_327 = arith.constant 2 : i32
        %add3A_328 = arith.addi %add3A_105, %add3A_327 : i32
        %mul3A_329 = arith.constant 8 : i32
        %mul3A_330 = arith.muli %add3A_328, %mul3A_329 : i32
        %add3A_331 = arith.addi %mul3A_2, %mul3A_330 : i32
        %dma_start3A_332 = arith.constant 2 : i32
        %dma_start3A_333 = arith.constant 0 : i32
        %dma_start3A_334 = arith.constant 0 : i32
        %dma_start3A_335 = tpu.memref_slice %arg8[%dma_start3A_332, %dma_start3A_333, %dma_start3A_334] : memref<4x8x1024xf32, #tpu.memory_space<vmem>> -> memref<1x8x1024xf32, #tpu.memory_space<vmem>>
        %dma_start3A_336 = tpu.memref_squeeze %dma_start3A_335 : memref<1x8x1024xf32, #tpu.memory_space<vmem>> -> memref<8x1024xf32, #tpu.memory_space<vmem>>
        %dma_start3A_337 = arith.constant 0 : i32
        %dma_start3A_338 = tpu.memref_slice %arg2[%add3A_331, %dma_start3A_337] : memref<32768x1024xf32, #tpu.memory_space<hbm>> -> memref<8x1024xf32, #tpu.memory_space<hbm>>
        %dma_start3A_339 = arith.constant 0 : i32
        %dma_start3A_340 = arith.constant 0 : i32
        %dma_start3A_341 = tpu.memref_slice %arg8[%dma_start3A_332, %dma_start3A_339, %dma_start3A_340] : memref<4x8x1024xf32, #tpu.memory_space<vmem>> -> memref<1x8x1024xf32, #tpu.memory_space<vmem>>
        %dma_start3A_342 = tpu.memref_squeeze %dma_start3A_341 : memref<1x8x1024xf32, #tpu.memory_space<vmem>> -> memref<8x1024xf32, #tpu.memory_space<vmem>>
        %dma_start3A_343 = arith.constant 0 : i32
        %dma_start3A_344 = tpu.memref_slice %arg2[%add3A_331, %dma_start3A_343] : memref<32768x1024xf32, #tpu.memory_space<hbm>> -> memref<8x1024xf32, #tpu.memory_space<hbm>>
        tpu.enqueue_dma source(%dma_start3A_344 : memref<8x1024xf32, #tpu.memory_space<hbm>>) target(%dma_start3A_342 : memref<8x1024xf32, #tpu.memory_space<vmem>>) target_semaphore(%arg15 : memref<!tpu.dma_semaphore, #tpu.memory_space<semaphore_mem>>)
      } else {
      }
      %scan3A_146 = arith.constant 0 : i32
      %scan3A_147 = arith.constant 0 : i32
      %scan3A_148 = arith.constant 8 : i32
      %scan3A_149 = arith.addi %scan3A_147, %scan3A_148 : i32
      %scan3A_150 = arith.constant 1 : i32
      scf.for %scan3A_314 = %scan3A_147 to %scan3A_149 step %scan3A_150  : i32 {
        %get3A = arith.constant 0 : i32
        %get3A_315 = arith.index_cast %get3A : i32 to index
        %get3A_316 = arith.index_cast %scan3A_314 : i32 to index
        %get3A_317 = arith.constant 0 : index
        %get3A_318 = tpu.vector_load %arg8[%get3A_315, %get3A_316, %get3A_317] {strides = array<i32>} : memref<4x8x1024xf32, #tpu.memory_space<vmem>>, vector<1x1x16xf32>,
        %get3A_319 = vector.shape_cast %get3A_318 : vector<1x1x16xf32> to vector<16xf32>
        %swap3A = arith.constant 0 : i32
        %swap3A_320 = arith.index_cast %swap3A : i32 to index
        %swap3A_321 = arith.index_cast %scan3A_314 : i32 to index
        %swap3A_322 = arith.constant 0 : index
        %swap3A_323 = tpu.vector_load %arg7[%swap3A_320, %swap3A_321, %swap3A_322] {strides = array<i32>} : memref<4x8x1024xf32, #tpu.memory_space<vmem>>, vector<1x1x16xf32>,
        %swap3A_324 = vector.shape_cast %swap3A_323 : vector<1x1x16xf32> to vector<16xf32>
        %swap3A_325 = vector.shape_cast %get3A_319 : vector<16xf32> to vector<1x1x16xf32>
        tpu.vector_store %arg7[%swap3A_320, %swap3A_321, %swap3A_322], %swap3A_325 {add = true, strides = array<i32>} : memref<4x8x1024xf32, #tpu.memory_space<vmem>>, vector<1x1x16xf32>,
        %get3A_326 = arith.constant 0 : i32
        %get3A_327 = arith.index_cast %get3A_326 : i32 to index
        %get3A_328 = arith.index_cast %scan3A_314 : i32 to index
        %get3A_329 = arith.constant 16 : index
        %get3A_330 = tpu.vector_load %arg8[%get3A_327, %get3A_328, %get3A_329] {strides = array<i32>} : memref<4x8x1024xf32, #tpu.memory_space<vmem>>, vector<1x1x16xf32>,
        %get3A_331 = vector.shape_cast %get3A_330 : vector<1x1x16xf32> to vector<16xf32>
        %swap3A_332 = arith.constant 0 : i32
        %swap3A_333 = arith.index_cast %swap3A_332 : i32 to index
        %swap3A_334 = arith.index_cast %scan3A_314 : i32 to index
        %swap3A_335 = arith.constant 16 : index
        %swap3A_336 = tpu.vector_load %arg7[%swap3A_333, %swap3A_334, %swap3A_335] {strides = array<i32>} : memref<4x8x1024xf32, #tpu.memory_space<vmem>>, vector<1x1x16xf32>,
        %swap3A_337 = vector.shape_cast %swap3A_336 : vector<1x1x16xf32> to vector<16xf32>
        %swap3A_338 = vector.shape_cast %get3A_331 : vector<16xf32> to vector<1x1x16xf32>
        tpu.vector_store %arg7[%swap3A_333, %swap3A_334, %swap3A_335], %swap3A_338 {add = true, strides = array<i32>} : memref<4x8x1024xf32, #tpu.memory_space<vmem>>, vector<1x1x16xf32>,
        %get3A_339 = arith.constant 0 : i32
        %get3A_340 = arith.index_cast %get3A_339 : i32 to index
        %get3A_341 = arith.index_cast %scan3A_314 : i32 to index
        %get3A_342 = arith.constant 32 : index
        %get3A_343 = tpu.vector_load %arg8[%get3A_340, %get3A_341, %get3A_342] {strides = array<i32>} : memref<4x8x1024xf32, #tpu.memory_space<vmem>>, vector<1x1x16xf32>,
        %get3A_344 = vector.shape_cast %get3A_343 : vector<1x1x16xf32> to vector<16xf32>
        %swap3A_345 = arith.constant 0 : i32
        %swap3A_346 = arith.index_cast %swap3A_345 : i32 to index
        %swap3A_347 = arith.index_cast %scan3A_314 : i32 to index
        %swap3A_348 = arith.constant 32 : index
        %swap3A_349 = tpu.vector_load %arg7[%swap3A_346, %swap3A_347, %swap3A_348] {strides = array<i32>} : memref<4x8x1024xf32, #tpu.memory_space<vmem>>, vector<1x1x16xf32>,
        %swap3A_350 = vector.shape_cast %swap3A_349 : vector<1x1x16xf32> to vector<16xf32>
        %swap3A_351 = vector.shape_cast %get3A_344 : vector<16xf32> to vector<1x1x16xf32>
        tpu.vector_store %arg7[%swap3A_346, %swap3A_347, %swap3A_348], %swap3A_351 {add = true, strides = array<i32>} : memref<4x8x1024xf32, #tpu.memory_space<vmem>>, vector<1x1x16xf32>,
        %get3A_352 = arith.constant 0 : i32
        %get3A_353 = arith.index_cast %get3A_352 : i32 to index
        %get3A_354 = arith.index_cast %scan3A_314 : i32 to index
        %get3A_355 = arith.constant 48 : index
        %get3A_356 = tpu.vector_load %arg8[%get3A_353, %get3A_354, %get3A_355] {strides = array<i32>} : memref<4x8x1024xf32, #tpu.memory_space<vmem>>, vector<1x1x16xf32>,
        %get3A_357 = vector.shape_cast %get3A_356 : vector<1x1x16xf32> to vector<16xf32>
        %swap3A_358 = arith.constant 0 : i32
        %swap3A_359 = arith.index_cast %swap3A_358 : i32 to index
        %swap3A_360 = arith.index_cast %scan3A_314 : i32 to index
        %swap3A_361 = arith.constant 48 : index
        %swap3A_362 = tpu.vector_load %arg7[%swap3A_359, %swap3A_360, %swap3A_361] {strides = array<i32>} : memref<4x8x1024xf32, #tpu.memory_space<vmem>>, vector<1x1x16xf32>,
        %swap3A_363 = vector.shape_cast %swap3A_362 : vector<1x1x16xf32> to vector<16xf32>
        %swap3A_364 = vector.shape_cast %get3A_357 : vector<16xf32> to vector<1x1x16xf32>
        tpu.vector_store %arg7[%swap3A_359, %swap3A_360, %swap3A_361], %swap3A_364 {add = true, strides = array<i32>} : memref<4x8x1024xf32, #tpu.memory_space<vmem>>, vector<1x1x16xf32>,
        %get3A_365 = arith.constant 0 : i32
        %get3A_366 = arith.index_cast %get3A_365 : i32 to index
        %get3A_367 = arith.index_cast %scan3A_314 : i32 to index
        %get3A_368 = arith.constant 64 : index
        %get3A_369 = tpu.vector_load %arg8[%get3A_366, %get3A_367, %get3A_368] {strides = array<i32>} : memref<4x8x1024xf32, #tpu.memory_space<vmem>>, vector<1x1x16xf32>,
        %get3A_370 = vector.shape_cast %get3A_369 : vector<1x1x16xf32> to vector<16xf32>
        %swap3A_371 = arith.constant 0 : i32
        %swap3A_372 = arith.index_cast %swap3A_371 : i32 to index
        %swap3A_373 = arith.index_cast %scan3A_314 : i32 to index
        %swap3A_374 = arith.constant 64 : index
        %swap3A_375 = tpu.vector_load %arg7[%swap3A_372, %swap3A_373, %swap3A_374] {strides = array<i32>} : memref<4x8x1024xf32, #tpu.memory_space<vmem>>, vector<1x1x16xf32>,
        %swap3A_376 = vector.shape_cast %swap3A_375 : vector<1x1x16xf32> to vector<16xf32>
        %swap3A_377 = vector.shape_cast %get3A_370 : vector<16xf32> to vector<1x1x16xf32>
        tpu.vector_store %arg7[%swap3A_372, %swap3A_373, %swap3A_374], %swap3A_377 {add = true, strides = array<i32>} : memref<4x8x1024xf32, #tpu.memory_space<vmem>>, vector<1x1x16xf32>,
        %get3A_378 = arith.constant 0 : i32
        %get3A_379 = arith.index_cast %get3A_378 : i32 to index
        %get3A_380 = arith.index_cast %scan3A_314 : i32 to index
        %get3A_381 = arith.constant 80 : index
        %get3A_382 = tpu.vector_load %arg8[%get3A_379, %get3A_380, %get3A_381] {strides = array<i32>} : memref<4x8x1024xf32, #tpu.memory_space<vmem>>, vector<1x1x16xf32>,
        %get3A_383 = vector.shape_cast %get3A_382 : vector<1x1x16xf32> to vector<16xf32>
        %swap3A_384 = arith.constant 0 : i32
        %swap3A_385 = arith.index_cast %swap3A_384 : i32 to index
        %swap3A_386 = arith.index_cast %scan3A_314 : i32 to index
        %swap3A_387 = arith.constant 80 : index
        %swap3A_388 = tpu.vector_load %arg7[%swap3A_385, %swap3A_386, %swap3A_387] {strides = array<i32>} : memref<4x8x1024xf32, #tpu.memory_space<vmem>>, vector<1x1x16xf32>,
        %swap3A_389 = vector.shape_cast %swap3A_388 : vector<1x1x16xf32> to vector<16xf32>
        %swap3A_390 = vector.shape_cast %get3A_383 : vector<16xf32> to vector<1x1x16xf32>
        tpu.vector_store %arg7[%swap3A_385, %swap3A_386, %swap3A_387], %swap3A_390 {add = true, strides = array<i32>} : memref<4x8x1024xf32, #tpu.memory_space<vmem>>, vector<1x1x16xf32>,
        %get3A_391 = arith.constant 0 : i32
        %get3A_392 = arith.index_cast %get3A_391 : i32 to index
        %get3A_393 = arith.index_cast %scan3A_314 : i32 to index
        %get3A_394 = arith.constant 96 : index
        %get3A_395 = tpu.vector_load %arg8[%get3A_392, %get3A_393, %get3A_394] {strides = array<i32>} : memref<4x8x1024xf32, #tpu.memory_space<vmem>>, vector<1x1x16xf32>,
        %get3A_396 = vector.shape_cast %get3A_395 : vector<1x1x16xf32> to vector<16xf32>
        %swap3A_397 = arith.constant 0 : i32
        %swap3A_398 = arith.index_cast %swap3A_397 : i32 to index
        %swap3A_399 = arith.index_cast %scan3A_314 : i32 to index
        %swap3A_400 = arith.constant 96 : index
        %swap3A_401 = tpu.vector_load %arg7[%swap3A_398, %swap3A_399, %swap3A_400] {strides = array<i32>} : memref<4x8x1024xf32, #tpu.memory_space<vmem>>, vector<1x1x16xf32>,
        %swap3A_402 = vector.shape_cast %swap3A_401 : vector<1x1x16xf32> to vector<16xf32>
        %swap3A_403 = vector.shape_cast %get3A_396 : vector<16xf32> to vector<1x1x16xf32>
        tpu.vector_store %arg7[%swap3A_398, %swap3A_399, %swap3A_400], %swap3A_403 {add = true, strides = array<i32>} : memref<4x8x1024xf32, #tpu.memory_space<vmem>>, vector<1x1x16xf32>,
        %get3A_404 = arith.constant 0 : i32
        %get3A_405 = arith.index_cast %get3A_404 : i32 to index
        %get3A_406 = arith.index_cast %scan3A_314 : i32 to index
        %get3A_407 = arith.constant 112 : index
        %get3A_408 = tpu.vector_load %arg8[%get3A_405, %get3A_406, %get3A_407] {strides = array<i32>} : memref<4x8x1024xf32, #tpu.memory_space<vmem>>, vector<1x1x16xf32>,
        %get3A_409 = vector.shape_cast %get3A_408 : vector<1x1x16xf32> to vector<16xf32>
        %swap3A_410 = arith.constant 0 : i32
        %swap3A_411 = arith.index_cast %swap3A_410 : i32 to index
        %swap3A_412 = arith.index_cast %scan3A_314 : i32 to index
        %swap3A_413 = arith.constant 112 : index
        %swap3A_414 = tpu.vector_load %arg7[%swap3A_411, %swap3A_412, %swap3A_413] {strides = array<i32>} : memref<4x8x1024xf32, #tpu.memory_space<vmem>>, vector<1x1x16xf32>,
        %swap3A_415 = vector.shape_cast %swap3A_414 : vector<1x1x16xf32> to vector<16xf32>
        %swap3A_416 = vector.shape_cast %get3A_409 : vector<16xf32> to vector<1x1x16xf32>
        tpu.vector_store %arg7[%swap3A_411, %swap3A_412, %swap3A_413], %swap3A_416 {add = true, strides = array<i32>} : memref<4x8x1024xf32, #tpu.memory_space<vmem>>, vector<1x1x16xf32>,
        %get3A_417 = arith.constant 0 : i32
        %get3A_418 = arith.index_cast %get3A_417 : i32 to index
        %get3A_419 = arith.index_cast %scan3A_314 : i32 to index
        %get3A_420 = arith.constant 128 : index
        %get3A_421 = tpu.vector_load %arg8[%get3A_418, %get3A_419, %get3A_420] {strides = array<i32>} : memref<4x8x1024xf32, #tpu.memory_space<vmem>>, vector<1x1x16xf32>,
        %get3A_422 = vector.shape_cast %get3A_421 : vector<1x1x16xf32> to vector<16xf32>
        %swap3A_423 = arith.constant 0 : i32
        %swap3A_424 = arith.index_cast %swap3A_423 : i32 to index
        %swap3A_425 = arith.index_cast %scan3A_314 : i32 to index
        %swap3A_426 = arith.constant 128 : index
        %swap3A_427 = tpu.vector_load %arg7[%swap3A_424, %swap3A_425, %swap3A_426] {strides = array<i32>} : memref<4x8x1024xf32, #tpu.memory_space<vmem>>, vector<1x1x16xf32>,
        %swap3A_428 = vector.shape_cast %swap3A_427 : vector<1x1x16xf32> to vector<16xf32>
        %swap3A_429 = vector.shape_cast %get3A_422 : vector<16xf32> to vector<1x1x16xf32>
        tpu.vector_store %arg7[%swap3A_424, %swap3A_425, %swap3A_426], %swap3A_429 {add = true, strides = array<i32>} : memref<4x8x1024xf32, #tpu.memory_space<vmem>>, vector<1x1x16xf32>,
        %get3A_430 = arith.constant 0 : i32
        %get3A_431 = arith.index_cast %get3A_430 : i32 to index
        %get3A_432 = arith.index_cast %scan3A_314 : i32 to index
        %get3A_433 = arith.constant 144 : index
        %get3A_434 = tpu.vector_load %arg8[%get3A_431, %get3A_432, %get3A_433] {strides = array<i32>} : memref<4x8x1024xf32, #tpu.memory_space<vmem>>, vector<1x1x16xf32>,
        %get3A_435 = vector.shape_cast %get3A_434 : vector<1x1x16xf32> to vector<16xf32>
        %swap3A_436 = arith.constant 0 : i32
        %swap3A_437 = arith.index_cast %swap3A_436 : i32 to index
        %swap3A_438 = arith.index_cast %scan3A_314 : i32 to index
        %swap3A_439 = arith.constant 144 : index
        %swap3A_440 = tpu.vector_load %arg7[%swap3A_437, %swap3A_438, %swap3A_439] {strides = array<i32>} : memref<4x8x1024xf32, #tpu.memory_space<vmem>>, vector<1x1x16xf32>,
        %swap3A_441 = vector.shape_cast %swap3A_440 : vector<1x1x16xf32> to vector<16xf32>
        %swap3A_442 = vector.shape_cast %get3A_435 : vector<16xf32> to vector<1x1x16xf32>
        tpu.vector_store %arg7[%swap3A_437, %swap3A_438, %swap3A_439], %swap3A_442 {add = true, strides = array<i32>} : memref<4x8x1024xf32, #tpu.memory_space<vmem>>, vector<1x1x16xf32>,
        %get3A_443 = arith.constant 0 : i32
        %get3A_444 = arith.index_cast %get3A_443 : i32 to index
        %get3A_445 = arith.index_cast %scan3A_314 : i32 to index
        %get3A_446 = arith.constant 160 : index
        %get3A_447 = tpu.vector_load %arg8[%get3A_444, %get3A_445, %get3A_446] {strides = array<i32>} : memref<4x8x1024xf32, #tpu.memory_space<vmem>>, vector<1x1x16xf32>,
        %get3A_448 = vector.shape_cast %get3A_447 : vector<1x1x16xf32> to vector<16xf32>
        %swap3A_449 = arith.constant 0 : i32
        %swap3A_450 = arith.index_cast %swap3A_449 : i32 to index
        %swap3A_451 = arith.index_cast %scan3A_314 : i32 to index
        %swap3A_452 = arith.constant 160 : index
        %swap3A_453 = tpu.vector_load %arg7[%swap3A_450, %swap3A_451, %swap3A_452] {strides = array<i32>} : memref<4x8x1024xf32, #tpu.memory_space<vmem>>, vector<1x1x16xf32>,
        %swap3A_454 = vector.shape_cast %swap3A_453 : vector<1x1x16xf32> to vector<16xf32>
        %swap3A_455 = vector.shape_cast %get3A_448 : vector<16xf32> to vector<1x1x16xf32>
        tpu.vector_store %arg7[%swap3A_450, %swap3A_451, %swap3A_452], %swap3A_455 {add = true, strides = array<i32>} : memref<4x8x1024xf32, #tpu.memory_space<vmem>>, vector<1x1x16xf32>,
        %get3A_456 = arith.constant 0 : i32
        %get3A_457 = arith.index_cast %get3A_456 : i32 to index
        %get3A_458 = arith.index_cast %scan3A_314 : i32 to index
        %get3A_459 = arith.constant 176 : index
        %get3A_460 = tpu.vector_load %arg8[%get3A_457, %get3A_458, %get3A_459] {strides = array<i32>} : memref<4x8x1024xf32, #tpu.memory_space<vmem>>, vector<1x1x16xf32>,
        %get3A_461 = vector.shape_cast %get3A_460 : vector<1x1x16xf32> to vector<16xf32>
        %swap3A_462 = arith.constant 0 : i32
        %swap3A_463 = arith.index_cast %swap3A_462 : i32 to index
        %swap3A_464 = arith.index_cast %scan3A_314 : i32 to index
        %swap3A_465 = arith.constant 176 : index
        %swap3A_466 = tpu.vector_load %arg7[%swap3A_463, %swap3A_464, %swap3A_465] {strides = array<i32>} : memref<4x8x1024xf32, #tpu.memory_space<vmem>>, vector<1x1x16xf32>,
        %swap3A_467 = vector.shape_cast %swap3A_466 : vector<1x1x16xf32> to vector<16xf32>
        %swap3A_468 = vector.shape_cast %get3A_461 : vector<16xf32> to vector<1x1x16xf32>
        tpu.vector_store %arg7[%swap3A_463, %swap3A_464, %swap3A_465], %swap3A_468 {add = true, strides = array<i32>} : memref<4x8x1024xf32, #tpu.memory_space<vmem>>, vector<1x1x16xf32>,
        %get3A_469 = arith.constant 0 : i32
        %get3A_470 = arith.index_cast %get3A_469 : i32 to index
        %get3A_471 = arith.index_cast %scan3A_314 : i32 to index
        %get3A_472 = arith.constant 192 : index
        %get3A_473 = tpu.vector_load %arg8[%get3A_470, %get3A_471, %get3A_472] {strides = array<i32>} : memref<4x8x1024xf32, #tpu.memory_space<vmem>>, vector<1x1x16xf32>,
        %get3A_474 = vector.shape_cast %get3A_473 : vector<1x1x16xf32> to vector<16xf32>
        %swap3A_475 = arith.constant 0 : i32
        %swap3A_476 = arith.index_cast %swap3A_475 : i32 to index
        %swap3A_477 = arith.index_cast %scan3A_314 : i32 to index
        %swap3A_478 = arith.constant 192 : index
        %swap3A_479 = tpu.vector_load %arg7[%swap3A_476, %swap3A_477, %swap3A_478] {strides = array<i32>} : memref<4x8x1024xf32, #tpu.memory_space<vmem>>, vector<1x1x16xf32>,
        %swap3A_480 = vector.shape_cast %swap3A_479 : vector<1x1x16xf32> to vector<16xf32>
        %swap3A_481 = vector.shape_cast %get3A_474 : vector<16xf32> to vector<1x1x16xf32>
        tpu.vector_store %arg7[%swap3A_476, %swap3A_477, %swap3A_478], %swap3A_481 {add = true, strides = array<i32>} : memref<4x8x1024xf32, #tpu.memory_space<vmem>>, vector<1x1x16xf32>,
        %get3A_482 = arith.constant 0 : i32
        %get3A_483 = arith.index_cast %get3A_482 : i32 to index
        %get3A_484 = arith.index_cast %scan3A_314 : i32 to index
        %get3A_485 = arith.constant 208 : index
        %get3A_486 = tpu.vector_load %arg8[%get3A_483, %get3A_484, %get3A_485] {strides = array<i32>} : memref<4x8x1024xf32, #tpu.memory_space<vmem>>, vector<1x1x16xf32>,
        %get3A_487 = vector.shape_cast %get3A_486 : vector<1x1x16xf32> to vector<16xf32>
        %swap3A_488 = arith.constant 0 : i32
        %swap3A_489 = arith.index_cast %swap3A_488 : i32 to index
        %swap3A_490 = arith.index_cast %scan3A_314 : i32 to index
        %swap3A_491 = arith.constant 208 : index
        %swap3A_492 = tpu.vector_load %arg7[%swap3A_489, %swap3A_490, %swap3A_491] {strides = array<i32>} : memref<4x8x1024xf32, #tpu.memory_space<vmem>>, vector<1x1x16xf32>,
        %swap3A_493 = vector.shape_cast %swap3A_492 : vector<1x1x16xf32> to vector<16xf32>
        %swap3A_494 = vector.shape_cast %get3A_487 : vector<16xf32> to vector<1x1x16xf32>
        tpu.vector_store %arg7[%swap3A_489, %swap3A_490, %swap3A_491], %swap3A_494 {add = true, strides = array<i32>} : memref<4x8x1024xf32, #tpu.memory_space<vmem>>, vector<1x1x16xf32>,
        %get3A_495 = arith.constant 0 : i32
        %get3A_496 = arith.index_cast %get3A_495 : i32 to index
        %get3A_497 = arith.index_cast %scan3A_314 : i32 to index
        %get3A_498 = arith.constant 224 : index
        %get3A_499 = tpu.vector_load %arg8[%get3A_496, %get3A_497, %get3A_498] {strides = array<i32>} : memref<4x8x1024xf32, #tpu.memory_space<vmem>>, vector<1x1x16xf32>,
        %get3A_500 = vector.shape_cast %get3A_499 : vector<1x1x16xf32> to vector<16xf32>
        %swap3A_501 = arith.constant 0 : i32
        %swap3A_502 = arith.index_cast %swap3A_501 : i32 to index
        %swap3A_503 = arith.index_cast %scan3A_314 : i32 to index
        %swap3A_504 = arith.constant 224 : index
        %swap3A_505 = tpu.vector_load %arg7[%swap3A_502, %swap3A_503, %swap3A_504] {strides = array<i32>} : memref<4x8x1024xf32, #tpu.memory_space<vmem>>, vector<1x1x16xf32>,
        %swap3A_506 = vector.shape_cast %swap3A_505 : vector<1x1x16xf32> to vector<16xf32>
        %swap3A_507 = vector.shape_cast %get3A_500 : vector<16xf32> to vector<1x1x16xf32>
        tpu.vector_store %arg7[%swap3A_502, %swap3A_503, %swap3A_504], %swap3A_507 {add = true, strides = array<i32>} : memref<4x8x1024xf32, #tpu.memory_space<vmem>>, vector<1x1x16xf32>,
        %get3A_508 = arith.constant 0 : i32
        %get3A_509 = arith.index_cast %get3A_508 : i32 to index
        %get3A_510 = arith.index_cast %scan3A_314 : i32 to index
        %get3A_511 = arith.constant 240 : index
        %get3A_512 = tpu.vector_load %arg8[%get3A_509, %get3A_510, %get3A_511] {strides = array<i32>} : memref<4x8x1024xf32, #tpu.memory_space<vmem>>, vector<1x1x16xf32>,
        %get3A_513 = vector.shape_cast %get3A_512 : vector<1x1x16xf32> to vector<16xf32>
        %swap3A_514 = arith.constant 0 : i32
        %swap3A_515 = arith.index_cast %swap3A_514 : i32 to index
        %swap3A_516 = arith.index_cast %scan3A_314 : i32 to index
        %swap3A_517 = arith.constant 240 : index
        %swap3A_518 = tpu.vector_load %arg7[%swap3A_515, %swap3A_516, %swap3A_517] {strides = array<i32>} : memref<4x8x1024xf32, #tpu.memory_space<vmem>>, vector<1x1x16xf32>,
        %swap3A_519 = vector.shape_cast %swap3A_518 : vector<1x1x16xf32> to vector<16xf32>
        %swap3A_520 = vector.shape_cast %get3A_513 : vector<16xf32> to vector<1x1x16xf32>
        tpu.vector_store %arg7[%swap3A_515, %swap3A_516, %swap3A_517], %swap3A_520 {add = true, strides = array<i32>} : memref<4x8x1024xf32, #tpu.memory_space<vmem>>, vector<1x1x16xf32>,
        %get3A_521 = arith.constant 0 : i32
        %get3A_522 = arith.index_cast %get3A_521 : i32 to index
        %get3A_523 = arith.index_cast %scan3A_314 : i32 to index
        %get3A_524 = arith.constant 256 : index
        %get3A_525 = tpu.vector_load %arg8[%get3A_522, %get3A_523, %get3A_524] {strides = array<i32>} : memref<4x8x1024xf32, #tpu.memory_space<vmem>>, vector<1x1x16xf32>,
        %get3A_526 = vector.shape_cast %get3A_525 : vector<1x1x16xf32> to vector<16xf32>
        %swap3A_527 = arith.constant 0 : i32
        %swap3A_528 = arith.index_cast %swap3A_527 : i32 to index
        %swap3A_529 = arith.index_cast %scan3A_314 : i32 to index
        %swap3A_530 = arith.constant 256 : index
        %swap3A_531 = tpu.vector_load %arg7[%swap3A_528, %swap3A_529, %swap3A_530] {strides = array<i32>} : memref<4x8x1024xf32, #tpu.memory_space<vmem>>, vector<1x1x16xf32>,
        %swap3A_532 = vector.shape_cast %swap3A_531 : vector<1x1x16xf32> to vector<16xf32>
        %swap3A_533 = vector.shape_cast %get3A_526 : vector<16xf32> to vector<1x1x16xf32>
        tpu.vector_store %arg7[%swap3A_528, %swap3A_529, %swap3A_530], %swap3A_533 {add = true, strides = array<i32>} : memref<4x8x1024xf32, #tpu.memory_space<vmem>>, vector<1x1x16xf32>,
        %get3A_534 = arith.constant 0 : i32
        %get3A_535 = arith.index_cast %get3A_534 : i32 to index
        %get3A_536 = arith.index_cast %scan3A_314 : i32 to index
        %get3A_537 = arith.constant 272 : index
        %get3A_538 = tpu.vector_load %arg8[%get3A_535, %get3A_536, %get3A_537] {strides = array<i32>} : memref<4x8x1024xf32, #tpu.memory_space<vmem>>, vector<1x1x16xf32>,
        %get3A_539 = vector.shape_cast %get3A_538 : vector<1x1x16xf32> to vector<16xf32>
        %swap3A_540 = arith.constant 0 : i32
        %swap3A_541 = arith.index_cast %swap3A_540 : i32 to index
        %swap3A_542 = arith.index_cast %scan3A_314 : i32 to index
        %swap3A_543 = arith.constant 272 : index
        %swap3A_544 = tpu.vector_load %arg7[%swap3A_541, %swap3A_542, %swap3A_543] {strides = array<i32>} : memref<4x8x1024xf32, #tpu.memory_space<vmem>>, vector<1x1x16xf32>,
        %swap3A_545 = vector.shape_cast %swap3A_544 : vector<1x1x16xf32> to vector<16xf32>
        %swap3A_546 = vector.shape_cast %get3A_539 : vector<16xf32> to vector<1x1x16xf32>
        tpu.vector_store %arg7[%swap3A_541, %swap3A_542, %swap3A_543], %swap3A_546 {add = true, strides = array<i32>} : memref<4x8x1024xf32, #tpu.memory_space<vmem>>, vector<1x1x16xf32>,
        %get3A_547 = arith.constant 0 : i32
        %get3A_548 = arith.index_cast %get3A_547 : i32 to index
        %get3A_549 = arith.index_cast %scan3A_314 : i32 to index
        %get3A_550 = arith.constant 288 : index
        %get3A_551 = tpu.vector_load %arg8[%get3A_548, %get3A_549, %get3A_550] {strides = array<i32>} : memref<4x8x1024xf32, #tpu.memory_space<vmem>>, vector<1x1x16xf32>,
        %get3A_552 = vector.shape_cast %get3A_551 : vector<1x1x16xf32> to vector<16xf32>
        %swap3A_553 = arith.constant 0 : i32
        %swap3A_554 = arith.index_cast %swap3A_553 : i32 to index
        %swap3A_555 = arith.index_cast %scan3A_314 : i32 to index
        %swap3A_556 = arith.constant 288 : index
        %swap3A_557 = tpu.vector_load %arg7[%swap3A_554, %swap3A_555, %swap3A_556] {strides = array<i32>} : memref<4x8x1024xf32, #tpu.memory_space<vmem>>, vector<1x1x16xf32>,
        %swap3A_558 = vector.shape_cast %swap3A_557 : vector<1x1x16xf32> to vector<16xf32>
        %swap3A_559 = vector.shape_cast %get3A_552 : vector<16xf32> to vector<1x1x16xf32>
        tpu.vector_store %arg7[%swap3A_554, %swap3A_555, %swap3A_556], %swap3A_559 {add = true, strides = array<i32>} : memref<4x8x1024xf32, #tpu.memory_space<vmem>>, vector<1x1x16xf32>,
        %get3A_560 = arith.constant 0 : i32
        %get3A_561 = arith.index_cast %get3A_560 : i32 to index
        %get3A_562 = arith.index_cast %scan3A_314 : i32 to index
        %get3A_563 = arith.constant 304 : index
        %get3A_564 = tpu.vector_load %arg8[%get3A_561, %get3A_562, %get3A_563] {strides = array<i32>} : memref<4x8x1024xf32, #tpu.memory_space<vmem>>, vector<1x1x16xf32>,
        %get3A_565 = vector.shape_cast %get3A_564 : vector<1x1x16xf32> to vector<16xf32>
        %swap3A_566 = arith.constant 0 : i32
        %swap3A_567 = arith.index_cast %swap3A_566 : i32 to index
        %swap3A_568 = arith.index_cast %scan3A_314 : i32 to index
        %swap3A_569 = arith.constant 304 : index
        %swap3A_570 = tpu.vector_load %arg7[%swap3A_567, %swap3A_568, %swap3A_569] {strides = array<i32>} : memref<4x8x1024xf32, #tpu.memory_space<vmem>>, vector<1x1x16xf32>,
        %swap3A_571 = vector.shape_cast %swap3A_570 : vector<1x1x16xf32> to vector<16xf32>
        %swap3A_572 = vector.shape_cast %get3A_565 : vector<16xf32> to vector<1x1x16xf32>
        tpu.vector_store %arg7[%swap3A_567, %swap3A_568, %swap3A_569], %swap3A_572 {add = true, strides = array<i32>} : memref<4x8x1024xf32, #tpu.memory_space<vmem>>, vector<1x1x16xf32>,
        %get3A_573 = arith.constant 0 : i32
        %get3A_574 = arith.index_cast %get3A_573 : i32 to index
        %get3A_575 = arith.index_cast %scan3A_314 : i32 to index
        %get3A_576 = arith.constant 320 : index
        %get3A_577 = tpu.vector_load %arg8[%get3A_574, %get3A_575, %get3A_576] {strides = array<i32>} : memref<4x8x1024xf32, #tpu.memory_space<vmem>>, vector<1x1x16xf32>,
        %get3A_578 = vector.shape_cast %get3A_577 : vector<1x1x16xf32> to vector<16xf32>
        %swap3A_579 = arith.constant 0 : i32
        %swap3A_580 = arith.index_cast %swap3A_579 : i32 to index
        %swap3A_581 = arith.index_cast %scan3A_314 : i32 to index
        %swap3A_582 = arith.constant 320 : index
        %swap3A_583 = tpu.vector_load %arg7[%swap3A_580, %swap3A_581, %swap3A_582] {strides = array<i32>} : memref<4x8x1024xf32, #tpu.memory_space<vmem>>, vector<1x1x16xf32>,
        %swap3A_584 = vector.shape_cast %swap3A_583 : vector<1x1x16xf32> to vector<16xf32>
        %swap3A_585 = vector.shape_cast %get3A_578 : vector<16xf32> to vector<1x1x16xf32>
        tpu.vector_store %arg7[%swap3A_580, %swap3A_581, %swap3A_582], %swap3A_585 {add = true, strides = array<i32>} : memref<4x8x1024xf32, #tpu.memory_space<vmem>>, vector<1x1x16xf32>,
        %get3A_586 = arith.constant 0 : i32
        %get3A_587 = arith.index_cast %get3A_586 : i32 to index
        %get3A_588 = arith.index_cast %scan3A_314 : i32 to index
        %get3A_589 = arith.constant 336 : index
        %get3A_590 = tpu.vector_load %arg8[%get3A_587, %get3A_588, %get3A_589] {strides = array<i32>} : memref<4x8x1024xf32, #tpu.memory_space<vmem>>, vector<1x1x16xf32>,
        %get3A_591 = vector.shape_cast %get3A_590 : vector<1x1x16xf32> to vector<16xf32>
        %swap3A_592 = arith.constant 0 : i32
        %swap3A_593 = arith.index_cast %swap3A_592 : i32 to index
        %swap3A_594 = arith.index_cast %scan3A_314 : i32 to index
        %swap3A_595 = arith.constant 336 : index
        %swap3A_596 = tpu.vector_load %arg7[%swap3A_593, %swap3A_594, %swap3A_595] {strides = array<i32>} : memref<4x8x1024xf32, #tpu.memory_space<vmem>>, vector<1x1x16xf32>,
        %swap3A_597 = vector.shape_cast %swap3A_596 : vector<1x1x16xf32> to vector<16xf32>
        %swap3A_598 = vector.shape_cast %get3A_591 : vector<16xf32> to vector<1x1x16xf32>
        tpu.vector_store %arg7[%swap3A_593, %swap3A_594, %swap3A_595], %swap3A_598 {add = true, strides = array<i32>} : memref<4x8x1024xf32, #tpu.memory_space<vmem>>, vector<1x1x16xf32>,
        %get3A_599 = arith.constant 0 : i32
        %get3A_600 = arith.index_cast %get3A_599 : i32 to index
        %get3A_601 = arith.index_cast %scan3A_314 : i32 to index
        %get3A_602 = arith.constant 352 : index
        %get3A_603 = tpu.vector_load %arg8[%get3A_600, %get3A_601, %get3A_602] {strides = array<i32>} : memref<4x8x1024xf32, #tpu.memory_space<vmem>>, vector<1x1x16xf32>,
        %get3A_604 = vector.shape_cast %get3A_603 : vector<1x1x16xf32> to vector<16xf32>
        %swap3A_605 = arith.constant 0 : i32
        %swap3A_606 = arith.index_cast %swap3A_605 : i32 to index
        %swap3A_607 = arith.index_cast %scan3A_314 : i32 to index
        %swap3A_608 = arith.constant 352 : index
        %swap3A_609 = tpu.vector_load %arg7[%swap3A_606, %swap3A_607, %swap3A_608] {strides = array<i32>} : memref<4x8x1024xf32, #tpu.memory_space<vmem>>, vector<1x1x16xf32>,
        %swap3A_610 = vector.shape_cast %swap3A_609 : vector<1x1x16xf32> to vector<16xf32>
        %swap3A_611 = vector.shape_cast %get3A_604 : vector<16xf32> to vector<1x1x16xf32>
        tpu.vector_store %arg7[%swap3A_606, %swap3A_607, %swap3A_608], %swap3A_611 {add = true, strides = array<i32>} : memref<4x8x1024xf32, #tpu.memory_space<vmem>>, vector<1x1x16xf32>,
        %get3A_612 = arith.constant 0 : i32
        %get3A_613 = arith.index_cast %get3A_612 : i32 to index
        %get3A_614 = arith.index_cast %scan3A_314 : i32 to index
        %get3A_615 = arith.constant 368 : index
        %get3A_616 = tpu.vector_load %arg8[%get3A_613, %get3A_614, %get3A_615] {strides = array<i32>} : memref<4x8x1024xf32, #tpu.memory_space<vmem>>, vector<1x1x16xf32>,
        %get3A_617 = vector.shape_cast %get3A_616 : vector<1x1x16xf32> to vector<16xf32>
        %swap3A_618 = arith.constant 0 : i32
        %swap3A_619 = arith.index_cast %swap3A_618 : i32 to index
        %swap3A_620 = arith.index_cast %scan3A_314 : i32 to index
        %swap3A_621 = arith.constant 368 : index
        %swap3A_622 = tpu.vector_load %arg7[%swap3A_619, %swap3A_620, %swap3A_621] {strides = array<i32>} : memref<4x8x1024xf32, #tpu.memory_space<vmem>>, vector<1x1x16xf32>,
        %swap3A_623 = vector.shape_cast %swap3A_622 : vector<1x1x16xf32> to vector<16xf32>
        %swap3A_624 = vector.shape_cast %get3A_617 : vector<16xf32> to vector<1x1x16xf32>
        tpu.vector_store %arg7[%swap3A_619, %swap3A_620, %swap3A_621], %swap3A_624 {add = true, strides = array<i32>} : memref<4x8x1024xf32, #tpu.memory_space<vmem>>, vector<1x1x16xf32>,
        %get3A_625 = arith.constant 0 : i32
        %get3A_626 = arith.index_cast %get3A_625 : i32 to index
        %get3A_627 = arith.index_cast %scan3A_314 : i32 to index
        %get3A_628 = arith.constant 384 : index
        %get3A_629 = tpu.vector_load %arg8[%get3A_626, %get3A_627, %get3A_628] {strides = array<i32>} : memref<4x8x1024xf32, #tpu.memory_space<vmem>>, vector<1x1x16xf32>,
        %get3A_630 = vector.shape_cast %get3A_629 : vector<1x1x16xf32> to vector<16xf32>
        %swap3A_631 = arith.constant 0 : i32
        %swap3A_632 = arith.index_cast %swap3A_631 : i32 to index
        %swap3A_633 = arith.index_cast %scan3A_314 : i32 to index
        %swap3A_634 = arith.constant 384 : index
        %swap3A_635 = tpu.vector_load %arg7[%swap3A_632, %swap3A_633, %swap3A_634] {strides = array<i32>} : memref<4x8x1024xf32, #tpu.memory_space<vmem>>, vector<1x1x16xf32>,
        %swap3A_636 = vector.shape_cast %swap3A_635 : vector<1x1x16xf32> to vector<16xf32>
        %swap3A_637 = vector.shape_cast %get3A_630 : vector<16xf32> to vector<1x1x16xf32>
        tpu.vector_store %arg7[%swap3A_632, %swap3A_633, %swap3A_634], %swap3A_637 {add = true, strides = array<i32>} : memref<4x8x1024xf32, #tpu.memory_space<vmem>>, vector<1x1x16xf32>,
        %get3A_638 = arith.constant 0 : i32
        %get3A_639 = arith.index_cast %get3A_638 : i32 to index
        %get3A_640 = arith.index_cast %scan3A_314 : i32 to index
        %get3A_641 = arith.constant 400 : index
        %get3A_642 = tpu.vector_load %arg8[%get3A_639, %get3A_640, %get3A_641] {strides = array<i32>} : memref<4x8x1024xf32, #tpu.memory_space<vmem>>, vector<1x1x16xf32>,
        %get3A_643 = vector.shape_cast %get3A_642 : vector<1x1x16xf32> to vector<16xf32>
        %swap3A_644 = arith.constant 0 : i32
        %swap3A_645 = arith.index_cast %swap3A_644 : i32 to index
        %swap3A_646 = arith.index_cast %scan3A_314 : i32 to index
        %swap3A_647 = arith.constant 400 : index
        %swap3A_648 = tpu.vector_load %arg7[%swap3A_645, %swap3A_646, %swap3A_647] {strides = array<i32>} : memref<4x8x1024xf32, #tpu.memory_space<vmem>>, vector<1x1x16xf32>,
        %swap3A_649 = vector.shape_cast %swap3A_648 : vector<1x1x16xf32> to vector<16xf32>
        %swap3A_650 = vector.shape_cast %get3A_643 : vector<16xf32> to vector<1x1x16xf32>
        tpu.vector_store %arg7[%swap3A_645, %swap3A_646, %swap3A_647], %swap3A_650 {add = true, strides = array<i32>} : memref<4x8x1024xf32, #tpu.memory_space<vmem>>, vector<1x1x16xf32>,
        %get3A_651 = arith.constant 0 : i32
        %get3A_652 = arith.index_cast %get3A_651 : i32 to index
        %get3A_653 = arith.index_cast %scan3A_314 : i32 to index
        %get3A_654 = arith.constant 416 : index
        %get3A_655 = tpu.vector_load %arg8[%get3A_652, %get3A_653, %get3A_654] {strides = array<i32>} : memref<4x8x1024xf32, #tpu.memory_space<vmem>>, vector<1x1x16xf32>,
        %get3A_656 = vector.shape_cast %get3A_655 : vector<1x1x16xf32> to vector<16xf32>
        %swap3A_657 = arith.constant 0 : i32
        %swap3A_658 = arith.index_cast %swap3A_657 : i32 to index
        %swap3A_659 = arith.index_cast %scan3A_314 : i32 to index
        %swap3A_660 = arith.constant 416 : index
        %swap3A_661 = tpu.vector_load %arg7[%swap3A_658, %swap3A_659, %swap3A_660] {strides = array<i32>} : memref<4x8x1024xf32, #tpu.memory_space<vmem>>, vector<1x1x16xf32>,
        %swap3A_662 = vector.shape_cast %swap3A_661 : vector<1x1x16xf32> to vector<16xf32>
        %swap3A_663 = vector.shape_cast %get3A_656 : vector<16xf32> to vector<1x1x16xf32>
        tpu.vector_store %arg7[%swap3A_658, %swap3A_659, %swap3A_660], %swap3A_663 {add = true, strides = array<i32>} : memref<4x8x1024xf32, #tpu.memory_space<vmem>>, vector<1x1x16xf32>,
        %get3A_664 = arith.constant 0 : i32
        %get3A_665 = arith.index_cast %get3A_664 : i32 to index
        %get3A_666 = arith.index_cast %scan3A_314 : i32 to index
        %get3A_667 = arith.constant 432 : index
        %get3A_668 = tpu.vector_load %arg8[%get3A_665, %get3A_666, %get3A_667] {strides = array<i32>} : memref<4x8x1024xf32, #tpu.memory_space<vmem>>, vector<1x1x16xf32>,
        %get3A_669 = vector.shape_cast %get3A_668 : vector<1x1x16xf32> to vector<16xf32>
        %swap3A_670 = arith.constant 0 : i32
        %swap3A_671 = arith.index_cast %swap3A_670 : i32 to index
        %swap3A_672 = arith.index_cast %scan3A_314 : i32 to index
        %swap3A_673 = arith.constant 432 : index
        %swap3A_674 = tpu.vector_load %arg7[%swap3A_671, %swap3A_672, %swap3A_673] {strides = array<i32>} : memref<4x8x1024xf32, #tpu.memory_space<vmem>>, vector<1x1x16xf32>,
        %swap3A_675 = vector.shape_cast %swap3A_674 : vector<1x1x16xf32> to vector<16xf32>
        %swap3A_676 = vector.shape_cast %get3A_669 : vector<16xf32> to vector<1x1x16xf32>
        tpu.vector_store %arg7[%swap3A_671, %swap3A_672, %swap3A_673], %swap3A_676 {add = true, strides = array<i32>} : memref<4x8x1024xf32, #tpu.memory_space<vmem>>, vector<1x1x16xf32>,
        %get3A_677 = arith.constant 0 : i32
        %get3A_678 = arith.index_cast %get3A_677 : i32 to index
        %get3A_679 = arith.index_cast %scan3A_314 : i32 to index
        %get3A_680 = arith.constant 448 : index
        %get3A_681 = tpu.vector_load %arg8[%get3A_678, %get3A_679, %get3A_680] {strides = array<i32>} : memref<4x8x1024xf32, #tpu.memory_space<vmem>>, vector<1x1x16xf32>,
        %get3A_682 = vector.shape_cast %get3A_681 : vector<1x1x16xf32> to vector<16xf32>
        %swap3A_683 = arith.constant 0 : i32
        %swap3A_684 = arith.index_cast %swap3A_683 : i32 to index
        %swap3A_685 = arith.index_cast %scan3A_314 : i32 to index
        %swap3A_686 = arith.constant 448 : index
        %swap3A_687 = tpu.vector_load %arg7[%swap3A_684, %swap3A_685, %swap3A_686] {strides = array<i32>} : memref<4x8x1024xf32, #tpu.memory_space<vmem>>, vector<1x1x16xf32>,
        %swap3A_688 = vector.shape_cast %swap3A_687 : vector<1x1x16xf32> to vector<16xf32>
        %swap3A_689 = vector.shape_cast %get3A_682 : vector<16xf32> to vector<1x1x16xf32>
        tpu.vector_store %arg7[%swap3A_684, %swap3A_685, %swap3A_686], %swap3A_689 {add = true, strides = array<i32>} : memref<4x8x1024xf32, #tpu.memory_space<vmem>>, vector<1x1x16xf32>,
        %get3A_690 = arith.constant 0 : i32
        %get3A_691 = arith.index_cast %get3A_690 : i32 to index
        %get3A_692 = arith.index_cast %scan3A_314 : i32 to index
        %get3A_693 = arith.constant 464 : index
        %get3A_694 = tpu.vector_load %arg8[%get3A_691, %get3A_692, %get3A_693] {strides = array<i32>} : memref<4x8x1024xf32, #tpu.memory_space<vmem>>, vector<1x1x16xf32>,
        %get3A_695 = vector.shape_cast %get3A_694 : vector<1x1x16xf32> to vector<16xf32>
        %swap3A_696 = arith.constant 0 : i32
        %swap3A_697 = arith.index_cast %swap3A_696 : i32 to index
        %swap3A_698 = arith.index_cast %scan3A_314 : i32 to index
        %swap3A_699 = arith.constant 464 : index
        %swap3A_700 = tpu.vector_load %arg7[%swap3A_697, %swap3A_698, %swap3A_699] {strides = array<i32>} : memref<4x8x1024xf32, #tpu.memory_space<vmem>>, vector<1x1x16xf32>,
        %swap3A_701 = vector.shape_cast %swap3A_700 : vector<1x1x16xf32> to vector<16xf32>
        %swap3A_702 = vector.shape_cast %get3A_695 : vector<16xf32> to vector<1x1x16xf32>
        tpu.vector_store %arg7[%swap3A_697, %swap3A_698, %swap3A_699], %swap3A_702 {add = true, strides = array<i32>} : memref<4x8x1024xf32, #tpu.memory_space<vmem>>, vector<1x1x16xf32>,
        %get3A_703 = arith.constant 0 : i32
        %get3A_704 = arith.index_cast %get3A_703 : i32 to index
        %get3A_705 = arith.index_cast %scan3A_314 : i32 to index
        %get3A_706 = arith.constant 480 : index
        %get3A_707 = tpu.vector_load %arg8[%get3A_704, %get3A_705, %get3A_706] {strides = array<i32>} : memref<4x8x1024xf32, #tpu.memory_space<vmem>>, vector<1x1x16xf32>,
        %get3A_708 = vector.shape_cast %get3A_707 : vector<1x1x16xf32> to vector<16xf32>
        %swap3A_709 = arith.constant 0 : i32
        %swap3A_710 = arith.index_cast %swap3A_709 : i32 to index
        %swap3A_711 = arith.index_cast %scan3A_314 : i32 to index
        %swap3A_712 = arith.constant 480 : index
        %swap3A_713 = tpu.vector_load %arg7[%swap3A_710, %swap3A_711, %swap3A_712] {strides = array<i32>} : memref<4x8x1024xf32, #tpu.memory_space<vmem>>, vector<1x1x16xf32>,
        %swap3A_714 = vector.shape_cast %swap3A_713 : vector<1x1x16xf32> to vector<16xf32>
        %swap3A_715 = vector.shape_cast %get3A_708 : vector<16xf32> to vector<1x1x16xf32>
        tpu.vector_store %arg7[%swap3A_710, %swap3A_711, %swap3A_712], %swap3A_715 {add = true, strides = array<i32>} : memref<4x8x1024xf32, #tpu.memory_space<vmem>>, vector<1x1x16xf32>,
        %get3A_716 = arith.constant 0 : i32
        %get3A_717 = arith.index_cast %get3A_716 : i32 to index
        %get3A_718 = arith.index_cast %scan3A_314 : i32 to index
        %get3A_719 = arith.constant 496 : index
        %get3A_720 = tpu.vector_load %arg8[%get3A_717, %get3A_718, %get3A_719] {strides = array<i32>} : memref<4x8x1024xf32, #tpu.memory_space<vmem>>, vector<1x1x16xf32>,
        %get3A_721 = vector.shape_cast %get3A_720 : vector<1x1x16xf32> to vector<16xf32>
        %swap3A_722 = arith.constant 0 : i32
        %swap3A_723 = arith.index_cast %swap3A_722 : i32 to index
        %swap3A_724 = arith.index_cast %scan3A_314 : i32 to index
        %swap3A_725 = arith.constant 496 : index
        %swap3A_726 = tpu.vector_load %arg7[%swap3A_723, %swap3A_724, %swap3A_725] {strides = array<i32>} : memref<4x8x1024xf32, #tpu.memory_space<vmem>>, vector<1x1x16xf32>,
        %swap3A_727 = vector.shape_cast %swap3A_726 : vector<1x1x16xf32> to vector<16xf32>
        %swap3A_728 = vector.shape_cast %get3A_721 : vector<16xf32> to vector<1x1x16xf32>
        tpu.vector_store %arg7[%swap3A_723, %swap3A_724, %swap3A_725], %swap3A_728 {add = true, strides = array<i32>} : memref<4x8x1024xf32, #tpu.memory_space<vmem>>, vector<1x1x16xf32>,
        %get3A_729 = arith.constant 0 : i32
        %get3A_730 = arith.index_cast %get3A_729 : i32 to index
        %get3A_731 = arith.index_cast %scan3A_314 : i32 to index
        %get3A_732 = arith.constant 512 : index
        %get3A_733 = tpu.vector_load %arg8[%get3A_730, %get3A_731, %get3A_732] {strides = array<i32>} : memref<4x8x1024xf32, #tpu.memory_space<vmem>>, vector<1x1x16xf32>,
        %get3A_734 = vector.shape_cast %get3A_733 : vector<1x1x16xf32> to vector<16xf32>
        %swap3A_735 = arith.constant 0 : i32
        %swap3A_736 = arith.index_cast %swap3A_735 : i32 to index
        %swap3A_737 = arith.index_cast %scan3A_314 : i32 to index
        %swap3A_738 = arith.constant 512 : index
        %swap3A_739 = tpu.vector_load %arg7[%swap3A_736, %swap3A_737, %swap3A_738] {strides = array<i32>} : memref<4x8x1024xf32, #tpu.memory_space<vmem>>, vector<1x1x16xf32>,
        %swap3A_740 = vector.shape_cast %swap3A_739 : vector<1x1x16xf32> to vector<16xf32>
        %swap3A_741 = vector.shape_cast %get3A_734 : vector<16xf32> to vector<1x1x16xf32>
        tpu.vector_store %arg7[%swap3A_736, %swap3A_737, %swap3A_738], %swap3A_741 {add = true, strides = array<i32>} : memref<4x8x1024xf32, #tpu.memory_space<vmem>>, vector<1x1x16xf32>,
        %get3A_742 = arith.constant 0 : i32
        %get3A_743 = arith.index_cast %get3A_742 : i32 to index
        %get3A_744 = arith.index_cast %scan3A_314 : i32 to index
        %get3A_745 = arith.constant 528 : index
        %get3A_746 = tpu.vector_load %arg8[%get3A_743, %get3A_744, %get3A_745] {strides = array<i32>} : memref<4x8x1024xf32, #tpu.memory_space<vmem>>, vector<1x1x16xf32>,
        %get3A_747 = vector.shape_cast %get3A_746 : vector<1x1x16xf32> to vector<16xf32>
        %swap3A_748 = arith.constant 0 : i32
        %swap3A_749 = arith.index_cast %swap3A_748 : i32 to index
        %swap3A_750 = arith.index_cast %scan3A_314 : i32 to index
        %swap3A_751 = arith.constant 528 : index
        %swap3A_752 = tpu.vector_load %arg7[%swap3A_749, %swap3A_750, %swap3A_751] {strides = array<i32>} : memref<4x8x1024xf32, #tpu.memory_space<vmem>>, vector<1x1x16xf32>,
        %swap3A_753 = vector.shape_cast %swap3A_752 : vector<1x1x16xf32> to vector<16xf32>
        %swap3A_754 = vector.shape_cast %get3A_747 : vector<16xf32> to vector<1x1x16xf32>
        tpu.vector_store %arg7[%swap3A_749, %swap3A_750, %swap3A_751], %swap3A_754 {add = true, strides = array<i32>} : memref<4x8x1024xf32, #tpu.memory_space<vmem>>, vector<1x1x16xf32>,
        %get3A_755 = arith.constant 0 : i32
        %get3A_756 = arith.index_cast %get3A_755 : i32 to index
        %get3A_757 = arith.index_cast %scan3A_314 : i32 to index
        %get3A_758 = arith.constant 544 : index
        %get3A_759 = tpu.vector_load %arg8[%get3A_756, %get3A_757, %get3A_758] {strides = array<i32>} : memref<4x8x1024xf32, #tpu.memory_space<vmem>>, vector<1x1x16xf32>,
        %get3A_760 = vector.shape_cast %get3A_759 : vector<1x1x16xf32> to vector<16xf32>
        %swap3A_761 = arith.constant 0 : i32
        %swap3A_762 = arith.index_cast %swap3A_761 : i32 to index
        %swap3A_763 = arith.index_cast %scan3A_314 : i32 to index
        %swap3A_764 = arith.constant 544 : index
        %swap3A_765 = tpu.vector_load %arg7[%swap3A_762, %swap3A_763, %swap3A_764] {strides = array<i32>} : memref<4x8x1024xf32, #tpu.memory_space<vmem>>, vector<1x1x16xf32>,
        %swap3A_766 = vector.shape_cast %swap3A_765 : vector<1x1x16xf32> to vector<16xf32>
        %swap3A_767 = vector.shape_cast %get3A_760 : vector<16xf32> to vector<1x1x16xf32>
        tpu.vector_store %arg7[%swap3A_762, %swap3A_763, %swap3A_764], %swap3A_767 {add = true, strides = array<i32>} : memref<4x8x1024xf32, #tpu.memory_space<vmem>>, vector<1x1x16xf32>,
        %get3A_768 = arith.constant 0 : i32
        %get3A_769 = arith.index_cast %get3A_768 : i32 to index
        %get3A_770 = arith.index_cast %scan3A_314 : i32 to index
        %get3A_771 = arith.constant 560 : index
        %get3A_772 = tpu.vector_load %arg8[%get3A_769, %get3A_770, %get3A_771] {strides = array<i32>} : memref<4x8x1024xf32, #tpu.memory_space<vmem>>, vector<1x1x16xf32>,
        %get3A_773 = vector.shape_cast %get3A_772 : vector<1x1x16xf32> to vector<16xf32>
        %swap3A_774 = arith.constant 0 : i32
        %swap3A_775 = arith.index_cast %swap3A_774 : i32 to index
        %swap3A_776 = arith.index_cast %scan3A_314 : i32 to index
        %swap3A_777 = arith.constant 560 : index
        %swap3A_778 = tpu.vector_load %arg7[%swap3A_775, %swap3A_776, %swap3A_777] {strides = array<i32>} : memref<4x8x1024xf32, #tpu.memory_space<vmem>>, vector<1x1x16xf32>,
        %swap3A_779 = vector.shape_cast %swap3A_778 : vector<1x1x16xf32> to vector<16xf32>
        %swap3A_780 = vector.shape_cast %get3A_773 : vector<16xf32> to vector<1x1x16xf32>
        tpu.vector_store %arg7[%swap3A_775, %swap3A_776, %swap3A_777], %swap3A_780 {add = true, strides = array<i32>} : memref<4x8x1024xf32, #tpu.memory_space<vmem>>, vector<1x1x16xf32>,
        %get3A_781 = arith.constant 0 : i32
        %get3A_782 = arith.index_cast %get3A_781 : i32 to index
        %get3A_783 = arith.index_cast %scan3A_314 : i32 to index
        %get3A_784 = arith.constant 576 : index
        %get3A_785 = tpu.vector_load %arg8[%get3A_782, %get3A_783, %get3A_784] {strides = array<i32>} : memref<4x8x1024xf32, #tpu.memory_space<vmem>>, vector<1x1x16xf32>,
        %get3A_786 = vector.shape_cast %get3A_785 : vector<1x1x16xf32> to vector<16xf32>
        %swap3A_787 = arith.constant 0 : i32
        %swap3A_788 = arith.index_cast %swap3A_787 : i32 to index
        %swap3A_789 = arith.index_cast %scan3A_314 : i32 to index
        %swap3A_790 = arith.constant 576 : index
        %swap3A_791 = tpu.vector_load %arg7[%swap3A_788, %swap3A_789, %swap3A_790] {strides = array<i32>} : memref<4x8x1024xf32, #tpu.memory_space<vmem>>, vector<1x1x16xf32>,
        %swap3A_792 = vector.shape_cast %swap3A_791 : vector<1x1x16xf32> to vector<16xf32>
        %swap3A_793 = vector.shape_cast %get3A_786 : vector<16xf32> to vector<1x1x16xf32>
        tpu.vector_store %arg7[%swap3A_788, %swap3A_789, %swap3A_790], %swap3A_793 {add = true, strides = array<i32>} : memref<4x8x1024xf32, #tpu.memory_space<vmem>>, vector<1x1x16xf32>,
        %get3A_794 = arith.constant 0 : i32
        %get3A_795 = arith.index_cast %get3A_794 : i32 to index
        %get3A_796 = arith.index_cast %scan3A_314 : i32 to index
        %get3A_797 = arith.constant 592 : index
        %get3A_798 = tpu.vector_load %arg8[%get3A_795, %get3A_796, %get3A_797] {strides = array<i32>} : memref<4x8x1024xf32, #tpu.memory_space<vmem>>, vector<1x1x16xf32>,
        %get3A_799 = vector.shape_cast %get3A_798 : vector<1x1x16xf32> to vector<16xf32>
        %swap3A_800 = arith.constant 0 : i32
        %swap3A_801 = arith.index_cast %swap3A_800 : i32 to index
        %swap3A_802 = arith.index_cast %scan3A_314 : i32 to index
        %swap3A_803 = arith.constant 592 : index
        %swap3A_804 = tpu.vector_load %arg7[%swap3A_801, %swap3A_802, %swap3A_803] {strides = array<i32>} : memref<4x8x1024xf32, #tpu.memory_space<vmem>>, vector<1x1x16xf32>,
        %swap3A_805 = vector.shape_cast %swap3A_804 : vector<1x1x16xf32> to vector<16xf32>
        %swap3A_806 = vector.shape_cast %get3A_799 : vector<16xf32> to vector<1x1x16xf32>
        tpu.vector_store %arg7[%swap3A_801, %swap3A_802, %swap3A_803], %swap3A_806 {add = true, strides = array<i32>} : memref<4x8x1024xf32, #tpu.memory_space<vmem>>, vector<1x1x16xf32>,
        %get3A_807 = arith.constant 0 : i32
        %get3A_808 = arith.index_cast %get3A_807 : i32 to index
        %get3A_809 = arith.index_cast %scan3A_314 : i32 to index
        %get3A_810 = arith.constant 608 : index
        %get3A_811 = tpu.vector_load %arg8[%get3A_808, %get3A_809, %get3A_810] {strides = array<i32>} : memref<4x8x1024xf32, #tpu.memory_space<vmem>>, vector<1x1x16xf32>,
        %get3A_812 = vector.shape_cast %get3A_811 : vector<1x1x16xf32> to vector<16xf32>
        %swap3A_813 = arith.constant 0 : i32
        %swap3A_814 = arith.index_cast %swap3A_813 : i32 to index
        %swap3A_815 = arith.index_cast %scan3A_314 : i32 to index
        %swap3A_816 = arith.constant 608 : index
        %swap3A_817 = tpu.vector_load %arg7[%swap3A_814, %swap3A_815, %swap3A_816] {strides = array<i32>} : memref<4x8x1024xf32, #tpu.memory_space<vmem>>, vector<1x1x16xf32>,
        %swap3A_818 = vector.shape_cast %swap3A_817 : vector<1x1x16xf32> to vector<16xf32>
        %swap3A_819 = vector.shape_cast %get3A_812 : vector<16xf32> to vector<1x1x16xf32>
        tpu.vector_store %arg7[%swap3A_814, %swap3A_815, %swap3A_816], %swap3A_819 {add = true, strides = array<i32>} : memref<4x8x1024xf32, #tpu.memory_space<vmem>>, vector<1x1x16xf32>,
        %get3A_820 = arith.constant 0 : i32
        %get3A_821 = arith.index_cast %get3A_820 : i32 to index
        %get3A_822 = arith.index_cast %scan3A_314 : i32 to index
        %get3A_823 = arith.constant 624 : index
        %get3A_824 = tpu.vector_load %arg8[%get3A_821, %get3A_822, %get3A_823] {strides = array<i32>} : memref<4x8x1024xf32, #tpu.memory_space<vmem>>, vector<1x1x16xf32>,
        %get3A_825 = vector.shape_cast %get3A_824 : vector<1x1x16xf32> to vector<16xf32>
        %swap3A_826 = arith.constant 0 : i32
        %swap3A_827 = arith.index_cast %swap3A_826 : i32 to index
        %swap3A_828 = arith.index_cast %scan3A_314 : i32 to index
        %swap3A_829 = arith.constant 624 : index
        %swap3A_830 = tpu.vector_load %arg7[%swap3A_827, %swap3A_828, %swap3A_829] {strides = array<i32>} : memref<4x8x1024xf32, #tpu.memory_space<vmem>>, vector<1x1x16xf32>,
        %swap3A_831 = vector.shape_cast %swap3A_830 : vector<1x1x16xf32> to vector<16xf32>
        %swap3A_832 = vector.shape_cast %get3A_825 : vector<16xf32> to vector<1x1x16xf32>
        tpu.vector_store %arg7[%swap3A_827, %swap3A_828, %swap3A_829], %swap3A_832 {add = true, strides = array<i32>} : memref<4x8x1024xf32, #tpu.memory_space<vmem>>, vector<1x1x16xf32>,
        %get3A_833 = arith.constant 0 : i32
        %get3A_834 = arith.index_cast %get3A_833 : i32 to index
        %get3A_835 = arith.index_cast %scan3A_314 : i32 to index
        %get3A_836 = arith.constant 640 : index
        %get3A_837 = tpu.vector_load %arg8[%get3A_834, %get3A_835, %get3A_836] {strides = array<i32>} : memref<4x8x1024xf32, #tpu.memory_space<vmem>>, vector<1x1x16xf32>,
        %get3A_838 = vector.shape_cast %get3A_837 : vector<1x1x16xf32> to vector<16xf32>
        %swap3A_839 = arith.constant 0 : i32
        %swap3A_840 = arith.index_cast %swap3A_839 : i32 to index
        %swap3A_841 = arith.index_cast %scan3A_314 : i32 to index
        %swap3A_842 = arith.constant 640 : index
        %swap3A_843 = tpu.vector_load %arg7[%swap3A_840, %swap3A_841, %swap3A_842] {strides = array<i32>} : memref<4x8x1024xf32, #tpu.memory_space<vmem>>, vector<1x1x16xf32>,
        %swap3A_844 = vector.shape_cast %swap3A_843 : vector<1x1x16xf32> to vector<16xf32>
        %swap3A_845 = vector.shape_cast %get3A_838 : vector<16xf32> to vector<1x1x16xf32>
        tpu.vector_store %arg7[%swap3A_840, %swap3A_841, %swap3A_842], %swap3A_845 {add = true, strides = array<i32>} : memref<4x8x1024xf32, #tpu.memory_space<vmem>>, vector<1x1x16xf32>,
        %get3A_846 = arith.constant 0 : i32
        %get3A_847 = arith.index_cast %get3A_846 : i32 to index
        %get3A_848 = arith.index_cast %scan3A_314 : i32 to index
        %get3A_849 = arith.constant 656 : index
        %get3A_850 = tpu.vector_load %arg8[%get3A_847, %get3A_848, %get3A_849] {strides = array<i32>} : memref<4x8x1024xf32, #tpu.memory_space<vmem>>, vector<1x1x16xf32>,
        %get3A_851 = vector.shape_cast %get3A_850 : vector<1x1x16xf32> to vector<16xf32>
        %swap3A_852 = arith.constant 0 : i32
        %swap3A_853 = arith.index_cast %swap3A_852 : i32 to index
        %swap3A_854 = arith.index_cast %scan3A_314 : i32 to index
        %swap3A_855 = arith.constant 656 : index
        %swap3A_856 = tpu.vector_load %arg7[%swap3A_853, %swap3A_854, %swap3A_855] {strides = array<i32>} : memref<4x8x1024xf32, #tpu.memory_space<vmem>>, vector<1x1x16xf32>,
        %swap3A_857 = vector.shape_cast %swap3A_856 : vector<1x1x16xf32> to vector<16xf32>
        %swap3A_858 = vector.shape_cast %get3A_851 : vector<16xf32> to vector<1x1x16xf32>
        tpu.vector_store %arg7[%swap3A_853, %swap3A_854, %swap3A_855], %swap3A_858 {add = true, strides = array<i32>} : memref<4x8x1024xf32, #tpu.memory_space<vmem>>, vector<1x1x16xf32>,
        %get3A_859 = arith.constant 0 : i32
        %get3A_860 = arith.index_cast %get3A_859 : i32 to index
        %get3A_861 = arith.index_cast %scan3A_314 : i32 to index
        %get3A_862 = arith.constant 672 : index
        %get3A_863 = tpu.vector_load %arg8[%get3A_860, %get3A_861, %get3A_862] {strides = array<i32>} : memref<4x8x1024xf32, #tpu.memory_space<vmem>>, vector<1x1x16xf32>,
        %get3A_864 = vector.shape_cast %get3A_863 : vector<1x1x16xf32> to vector<16xf32>
        %swap3A_865 = arith.constant 0 : i32
        %swap3A_866 = arith.index_cast %swap3A_865 : i32 to index
        %swap3A_867 = arith.index_cast %scan3A_314 : i32 to index
        %swap3A_868 = arith.constant 672 : index
        %swap3A_869 = tpu.vector_load %arg7[%swap3A_866, %swap3A_867, %swap3A_868] {strides = array<i32>} : memref<4x8x1024xf32, #tpu.memory_space<vmem>>, vector<1x1x16xf32>,
        %swap3A_870 = vector.shape_cast %swap3A_869 : vector<1x1x16xf32> to vector<16xf32>
        %swap3A_871 = vector.shape_cast %get3A_864 : vector<16xf32> to vector<1x1x16xf32>
        tpu.vector_store %arg7[%swap3A_866, %swap3A_867, %swap3A_868], %swap3A_871 {add = true, strides = array<i32>} : memref<4x8x1024xf32, #tpu.memory_space<vmem>>, vector<1x1x16xf32>,
        %get3A_872 = arith.constant 0 : i32
        %get3A_873 = arith.index_cast %get3A_872 : i32 to index
        %get3A_874 = arith.index_cast %scan3A_314 : i32 to index
        %get3A_875 = arith.constant 688 : index
        %get3A_876 = tpu.vector_load %arg8[%get3A_873, %get3A_874, %get3A_875] {strides = array<i32>} : memref<4x8x1024xf32, #tpu.memory_space<vmem>>, vector<1x1x16xf32>,
        %get3A_877 = vector.shape_cast %get3A_876 : vector<1x1x16xf32> to vector<16xf32>
        %swap3A_878 = arith.constant 0 : i32
        %swap3A_879 = arith.index_cast %swap3A_878 : i32 to index
        %swap3A_880 = arith.index_cast %scan3A_314 : i32 to index
        %swap3A_881 = arith.constant 688 : index
        %swap3A_882 = tpu.vector_load %arg7[%swap3A_879, %swap3A_880, %swap3A_881] {strides = array<i32>} : memref<4x8x1024xf32, #tpu.memory_space<vmem>>, vector<1x1x16xf32>,
        %swap3A_883 = vector.shape_cast %swap3A_882 : vector<1x1x16xf32> to vector<16xf32>
        %swap3A_884 = vector.shape_cast %get3A_877 : vector<16xf32> to vector<1x1x16xf32>
        tpu.vector_store %arg7[%swap3A_879, %swap3A_880, %swap3A_881], %swap3A_884 {add = true, strides = array<i32>} : memref<4x8x1024xf32, #tpu.memory_space<vmem>>, vector<1x1x16xf32>,
        %get3A_885 = arith.constant 0 : i32
        %get3A_886 = arith.index_cast %get3A_885 : i32 to index
        %get3A_887 = arith.index_cast %scan3A_314 : i32 to index
        %get3A_888 = arith.constant 704 : index
        %get3A_889 = tpu.vector_load %arg8[%get3A_886, %get3A_887, %get3A_888] {strides = array<i32>} : memref<4x8x1024xf32, #tpu.memory_space<vmem>>, vector<1x1x16xf32>,
        %get3A_890 = vector.shape_cast %get3A_889 : vector<1x1x16xf32> to vector<16xf32>
        %swap3A_891 = arith.constant 0 : i32
        %swap3A_892 = arith.index_cast %swap3A_891 : i32 to index
        %swap3A_893 = arith.index_cast %scan3A_314 : i32 to index
        %swap3A_894 = arith.constant 704 : index
        %swap3A_895 = tpu.vector_load %arg7[%swap3A_892, %swap3A_893, %swap3A_894] {strides = array<i32>} : memref<4x8x1024xf32, #tpu.memory_space<vmem>>, vector<1x1x16xf32>,
        %swap3A_896 = vector.shape_cast %swap3A_895 : vector<1x1x16xf32> to vector<16xf32>
        %swap3A_897 = vector.shape_cast %get3A_890 : vector<16xf32> to vector<1x1x16xf32>
        tpu.vector_store %arg7[%swap3A_892, %swap3A_893, %swap3A_894], %swap3A_897 {add = true, strides = array<i32>} : memref<4x8x1024xf32, #tpu.memory_space<vmem>>, vector<1x1x16xf32>,
        %get3A_898 = arith.constant 0 : i32
        %get3A_899 = arith.index_cast %get3A_898 : i32 to index
        %get3A_900 = arith.index_cast %scan3A_314 : i32 to index
        %get3A_901 = arith.constant 720 : index
        %get3A_902 = tpu.vector_load %arg8[%get3A_899, %get3A_900, %get3A_901] {strides = array<i32>} : memref<4x8x1024xf32, #tpu.memory_space<vmem>>, vector<1x1x16xf32>,
        %get3A_903 = vector.shape_cast %get3A_902 : vector<1x1x16xf32> to vector<16xf32>
        %swap3A_904 = arith.constant 0 : i32
        %swap3A_905 = arith.index_cast %swap3A_904 : i32 to index
        %swap3A_906 = arith.index_cast %scan3A_314 : i32 to index
        %swap3A_907 = arith.constant 720 : index
        %swap3A_908 = tpu.vector_load %arg7[%swap3A_905, %swap3A_906, %swap3A_907] {strides = array<i32>} : memref<4x8x1024xf32, #tpu.memory_space<vmem>>, vector<1x1x16xf32>,
        %swap3A_909 = vector.shape_cast %swap3A_908 : vector<1x1x16xf32> to vector<16xf32>
        %swap3A_910 = vector.shape_cast %get3A_903 : vector<16xf32> to vector<1x1x16xf32>
        tpu.vector_store %arg7[%swap3A_905, %swap3A_906, %swap3A_907], %swap3A_910 {add = true, strides = array<i32>} : memref<4x8x1024xf32, #tpu.memory_space<vmem>>, vector<1x1x16xf32>,
        %get3A_911 = arith.constant 0 : i32
        %get3A_912 = arith.index_cast %get3A_911 : i32 to index
        %get3A_913 = arith.index_cast %scan3A_314 : i32 to index
        %get3A_914 = arith.constant 736 : index
        %get3A_915 = tpu.vector_load %arg8[%get3A_912, %get3A_913, %get3A_914] {strides = array<i32>} : memref<4x8x1024xf32, #tpu.memory_space<vmem>>, vector<1x1x16xf32>,
        %get3A_916 = vector.shape_cast %get3A_915 : vector<1x1x16xf32> to vector<16xf32>
        %swap3A_917 = arith.constant 0 : i32
        %swap3A_918 = arith.index_cast %swap3A_917 : i32 to index
        %swap3A_919 = arith.index_cast %scan3A_314 : i32 to index
        %swap3A_920 = arith.constant 736 : index
        %swap3A_921 = tpu.vector_load %arg7[%swap3A_918, %swap3A_919, %swap3A_920] {strides = array<i32>} : memref<4x8x1024xf32, #tpu.memory_space<vmem>>, vector<1x1x16xf32>,
        %swap3A_922 = vector.shape_cast %swap3A_921 : vector<1x1x16xf32> to vector<16xf32>
        %swap3A_923 = vector.shape_cast %get3A_916 : vector<16xf32> to vector<1x1x16xf32>
        tpu.vector_store %arg7[%swap3A_918, %swap3A_919, %swap3A_920], %swap3A_923 {add = true, strides = array<i32>} : memref<4x8x1024xf32, #tpu.memory_space<vmem>>, vector<1x1x16xf32>,
        %get3A_924 = arith.constant 0 : i32
        %get3A_925 = arith.index_cast %get3A_924 : i32 to index
        %get3A_926 = arith.index_cast %scan3A_314 : i32 to index
        %get3A_927 = arith.constant 752 : index
        %get3A_928 = tpu.vector_load %arg8[%get3A_925, %get3A_926, %get3A_927] {strides = array<i32>} : memref<4x8x1024xf32, #tpu.memory_space<vmem>>, vector<1x1x16xf32>,
        %get3A_929 = vector.shape_cast %get3A_928 : vector<1x1x16xf32> to vector<16xf32>
        %swap3A_930 = arith.constant 0 : i32
        %swap3A_931 = arith.index_cast %swap3A_930 : i32 to index
        %swap3A_932 = arith.index_cast %scan3A_314 : i32 to index
        %swap3A_933 = arith.constant 752 : index
        %swap3A_934 = tpu.vector_load %arg7[%swap3A_931, %swap3A_932, %swap3A_933] {strides = array<i32>} : memref<4x8x1024xf32, #tpu.memory_space<vmem>>, vector<1x1x16xf32>,
        %swap3A_935 = vector.shape_cast %swap3A_934 : vector<1x1x16xf32> to vector<16xf32>
        %swap3A_936 = vector.shape_cast %get3A_929 : vector<16xf32> to vector<1x1x16xf32>
        tpu.vector_store %arg7[%swap3A_931, %swap3A_932, %swap3A_933], %swap3A_936 {add = true, strides = array<i32>} : memref<4x8x1024xf32, #tpu.memory_space<vmem>>, vector<1x1x16xf32>,
        %get3A_937 = arith.constant 0 : i32
        %get3A_938 = arith.index_cast %get3A_937 : i32 to index
        %get3A_939 = arith.index_cast %scan3A_314 : i32 to index
        %get3A_940 = arith.constant 768 : index
        %get3A_941 = tpu.vector_load %arg8[%get3A_938, %get3A_939, %get3A_940] {strides = array<i32>} : memref<4x8x1024xf32, #tpu.memory_space<vmem>>, vector<1x1x16xf32>,
        %get3A_942 = vector.shape_cast %get3A_941 : vector<1x1x16xf32> to vector<16xf32>
        %swap3A_943 = arith.constant 0 : i32
        %swap3A_944 = arith.index_cast %swap3A_943 : i32 to index
        %swap3A_945 = arith.index_cast %scan3A_314 : i32 to index
        %swap3A_946 = arith.constant 768 : index
        %swap3A_947 = tpu.vector_load %arg7[%swap3A_944, %swap3A_945, %swap3A_946] {strides = array<i32>} : memref<4x8x1024xf32, #tpu.memory_space<vmem>>, vector<1x1x16xf32>,
        %swap3A_948 = vector.shape_cast %swap3A_947 : vector<1x1x16xf32> to vector<16xf32>
        %swap3A_949 = vector.shape_cast %get3A_942 : vector<16xf32> to vector<1x1x16xf32>
        tpu.vector_store %arg7[%swap3A_944, %swap3A_945, %swap3A_946], %swap3A_949 {add = true, strides = array<i32>} : memref<4x8x1024xf32, #tpu.memory_space<vmem>>, vector<1x1x16xf32>,
        %get3A_950 = arith.constant 0 : i32
        %get3A_951 = arith.index_cast %get3A_950 : i32 to index
        %get3A_952 = arith.index_cast %scan3A_314 : i32 to index
        %get3A_953 = arith.constant 784 : index
        %get3A_954 = tpu.vector_load %arg8[%get3A_951, %get3A_952, %get3A_953] {strides = array<i32>} : memref<4x8x1024xf32, #tpu.memory_space<vmem>>, vector<1x1x16xf32>,
        %get3A_955 = vector.shape_cast %get3A_954 : vector<1x1x16xf32> to vector<16xf32>
        %swap3A_956 = arith.constant 0 : i32
        %swap3A_957 = arith.index_cast %swap3A_956 : i32 to index
        %swap3A_958 = arith.index_cast %scan3A_314 : i32 to index
        %swap3A_959 = arith.constant 784 : index
        %swap3A_960 = tpu.vector_load %arg7[%swap3A_957, %swap3A_958, %swap3A_959] {strides = array<i32>} : memref<4x8x1024xf32, #tpu.memory_space<vmem>>, vector<1x1x16xf32>,
        %swap3A_961 = vector.shape_cast %swap3A_960 : vector<1x1x16xf32> to vector<16xf32>
        %swap3A_962 = vector.shape_cast %get3A_955 : vector<16xf32> to vector<1x1x16xf32>
        tpu.vector_store %arg7[%swap3A_957, %swap3A_958, %swap3A_959], %swap3A_962 {add = true, strides = array<i32>} : memref<4x8x1024xf32, #tpu.memory_space<vmem>>, vector<1x1x16xf32>,
        %get3A_963 = arith.constant 0 : i32
        %get3A_964 = arith.index_cast %get3A_963 : i32 to index
        %get3A_965 = arith.index_cast %scan3A_314 : i32 to index
        %get3A_966 = arith.constant 800 : index
        %get3A_967 = tpu.vector_load %arg8[%get3A_964, %get3A_965, %get3A_966] {strides = array<i32>} : memref<4x8x1024xf32, #tpu.memory_space<vmem>>, vector<1x1x16xf32>,
        %get3A_968 = vector.shape_cast %get3A_967 : vector<1x1x16xf32> to vector<16xf32>
        %swap3A_969 = arith.constant 0 : i32
        %swap3A_970 = arith.index_cast %swap3A_969 : i32 to index
        %swap3A_971 = arith.index_cast %scan3A_314 : i32 to index
        %swap3A_972 = arith.constant 800 : index
        %swap3A_973 = tpu.vector_load %arg7[%swap3A_970, %swap3A_971, %swap3A_972] {strides = array<i32>} : memref<4x8x1024xf32, #tpu.memory_space<vmem>>, vector<1x1x16xf32>,
        %swap3A_974 = vector.shape_cast %swap3A_973 : vector<1x1x16xf32> to vector<16xf32>
        %swap3A_975 = vector.shape_cast %get3A_968 : vector<16xf32> to vector<1x1x16xf32>
        tpu.vector_store %arg7[%swap3A_970, %swap3A_971, %swap3A_972], %swap3A_975 {add = true, strides = array<i32>} : memref<4x8x1024xf32, #tpu.memory_space<vmem>>, vector<1x1x16xf32>,
        %get3A_976 = arith.constant 0 : i32
        %get3A_977 = arith.index_cast %get3A_976 : i32 to index
        %get3A_978 = arith.index_cast %scan3A_314 : i32 to index
        %get3A_979 = arith.constant 816 : index
        %get3A_980 = tpu.vector_load %arg8[%get3A_977, %get3A_978, %get3A_979] {strides = array<i32>} : memref<4x8x1024xf32, #tpu.memory_space<vmem>>, vector<1x1x16xf32>,
        %get3A_981 = vector.shape_cast %get3A_980 : vector<1x1x16xf32> to vector<16xf32>
        %swap3A_982 = arith.constant 0 : i32
        %swap3A_983 = arith.index_cast %swap3A_982 : i32 to index
        %swap3A_984 = arith.index_cast %scan3A_314 : i32 to index
        %swap3A_985 = arith.constant 816 : index
        %swap3A_986 = tpu.vector_load %arg7[%swap3A_983, %swap3A_984, %swap3A_985] {strides = array<i32>} : memref<4x8x1024xf32, #tpu.memory_space<vmem>>, vector<1x1x16xf32>,
        %swap3A_987 = vector.shape_cast %swap3A_986 : vector<1x1x16xf32> to vector<16xf32>
        %swap3A_988 = vector.shape_cast %get3A_981 : vector<16xf32> to vector<1x1x16xf32>
        tpu.vector_store %arg7[%swap3A_983, %swap3A_984, %swap3A_985], %swap3A_988 {add = true, strides = array<i32>} : memref<4x8x1024xf32, #tpu.memory_space<vmem>>, vector<1x1x16xf32>,
        %get3A_989 = arith.constant 0 : i32
        %get3A_990 = arith.index_cast %get3A_989 : i32 to index
        %get3A_991 = arith.index_cast %scan3A_314 : i32 to index
        %get3A_992 = arith.constant 832 : index
        %get3A_993 = tpu.vector_load %arg8[%get3A_990, %get3A_991, %get3A_992] {strides = array<i32>} : memref<4x8x1024xf32, #tpu.memory_space<vmem>>, vector<1x1x16xf32>,
        %get3A_994 = vector.shape_cast %get3A_993 : vector<1x1x16xf32> to vector<16xf32>
        %swap3A_995 = arith.constant 0 : i32
        %swap3A_996 = arith.index_cast %swap3A_995 : i32 to index
        %swap3A_997 = arith.index_cast %scan3A_314 : i32 to index
        %swap3A_998 = arith.constant 832 : index
        %swap3A_999 = tpu.vector_load %arg7[%swap3A_996, %swap3A_997, %swap3A_998] {strides = array<i32>} : memref<4x8x1024xf32, #tpu.memory_space<vmem>>, vector<1x1x16xf32>,
        %swap3A_1000 = vector.shape_cast %swap3A_999 : vector<1x1x16xf32> to vector<16xf32>
        %swap3A_1001 = vector.shape_cast %get3A_994 : vector<16xf32> to vector<1x1x16xf32>
        tpu.vector_store %arg7[%swap3A_996, %swap3A_997, %swap3A_998], %swap3A_1001 {add = true, strides = array<i32>} : memref<4x8x1024xf32, #tpu.memory_space<vmem>>, vector<1x1x16xf32>,
        %get3A_1002 = arith.constant 0 : i32
        %get3A_1003 = arith.index_cast %get3A_1002 : i32 to index
        %get3A_1004 = arith.index_cast %scan3A_314 : i32 to index
        %get3A_1005 = arith.constant 848 : index
        %get3A_1006 = tpu.vector_load %arg8[%get3A_1003, %get3A_1004, %get3A_1005] {strides = array<i32>} : memref<4x8x1024xf32, #tpu.memory_space<vmem>>, vector<1x1x16xf32>,
        %get3A_1007 = vector.shape_cast %get3A_1006 : vector<1x1x16xf32> to vector<16xf32>
        %swap3A_1008 = arith.constant 0 : i32
        %swap3A_1009 = arith.index_cast %swap3A_1008 : i32 to index
        %swap3A_1010 = arith.index_cast %scan3A_314 : i32 to index
        %swap3A_1011 = arith.constant 848 : index
        %swap3A_1012 = tpu.vector_load %arg7[%swap3A_1009, %swap3A_1010, %swap3A_1011] {strides = array<i32>} : memref<4x8x1024xf32, #tpu.memory_space<vmem>>, vector<1x1x16xf32>,
        %swap3A_1013 = vector.shape_cast %swap3A_1012 : vector<1x1x16xf32> to vector<16xf32>
        %swap3A_1014 = vector.shape_cast %get3A_1007 : vector<16xf32> to vector<1x1x16xf32>
        tpu.vector_store %arg7[%swap3A_1009, %swap3A_1010, %swap3A_1011], %swap3A_1014 {add = true, strides = array<i32>} : memref<4x8x1024xf32, #tpu.memory_space<vmem>>, vector<1x1x16xf32>,
        %get3A_1015 = arith.constant 0 : i32
        %get3A_1016 = arith.index_cast %get3A_1015 : i32 to index
        %get3A_1017 = arith.index_cast %scan3A_314 : i32 to index
        %get3A_1018 = arith.constant 864 : index
        %get3A_1019 = tpu.vector_load %arg8[%get3A_1016, %get3A_1017, %get3A_1018] {strides = array<i32>} : memref<4x8x1024xf32, #tpu.memory_space<vmem>>, vector<1x1x16xf32>,
        %get3A_1020 = vector.shape_cast %get3A_1019 : vector<1x1x16xf32> to vector<16xf32>
        %swap3A_1021 = arith.constant 0 : i32
        %swap3A_1022 = arith.index_cast %swap3A_1021 : i32 to index
        %swap3A_1023 = arith.index_cast %scan3A_314 : i32 to index
        %swap3A_1024 = arith.constant 864 : index
        %swap3A_1025 = tpu.vector_load %arg7[%swap3A_1022, %swap3A_1023, %swap3A_1024] {strides = array<i32>} : memref<4x8x1024xf32, #tpu.memory_space<vmem>>, vector<1x1x16xf32>,
        %swap3A_1026 = vector.shape_cast %swap3A_1025 : vector<1x1x16xf32> to vector<16xf32>
        %swap3A_1027 = vector.shape_cast %get3A_1020 : vector<16xf32> to vector<1x1x16xf32>
        tpu.vector_store %arg7[%swap3A_1022, %swap3A_1023, %swap3A_1024], %swap3A_1027 {add = true, strides = array<i32>} : memref<4x8x1024xf32, #tpu.memory_space<vmem>>, vector<1x1x16xf32>,
        %get3A_1028 = arith.constant 0 : i32
        %get3A_1029 = arith.index_cast %get3A_1028 : i32 to index
        %get3A_1030 = arith.index_cast %scan3A_314 : i32 to index
        %get3A_1031 = arith.constant 880 : index
        %get3A_1032 = tpu.vector_load %arg8[%get3A_1029, %get3A_1030, %get3A_1031] {strides = array<i32>} : memref<4x8x1024xf32, #tpu.memory_space<vmem>>, vector<1x1x16xf32>,
        %get3A_1033 = vector.shape_cast %get3A_1032 : vector<1x1x16xf32> to vector<16xf32>
        %swap3A_1034 = arith.constant 0 : i32
        %swap3A_1035 = arith.index_cast %swap3A_1034 : i32 to index
        %swap3A_1036 = arith.index_cast %scan3A_314 : i32 to index
        %swap3A_1037 = arith.constant 880 : index
        %swap3A_1038 = tpu.vector_load %arg7[%swap3A_1035, %swap3A_1036, %swap3A_1037] {strides = array<i32>} : memref<4x8x1024xf32, #tpu.memory_space<vmem>>, vector<1x1x16xf32>,
        %swap3A_1039 = vector.shape_cast %swap3A_1038 : vector<1x1x16xf32> to vector<16xf32>
        %swap3A_1040 = vector.shape_cast %get3A_1033 : vector<16xf32> to vector<1x1x16xf32>
        tpu.vector_store %arg7[%swap3A_1035, %swap3A_1036, %swap3A_1037], %swap3A_1040 {add = true, strides = array<i32>} : memref<4x8x1024xf32, #tpu.memory_space<vmem>>, vector<1x1x16xf32>,
        %get3A_1041 = arith.constant 0 : i32
        %get3A_1042 = arith.index_cast %get3A_1041 : i32 to index
        %get3A_1043 = arith.index_cast %scan3A_314 : i32 to index
        %get3A_1044 = arith.constant 896 : index
        %get3A_1045 = tpu.vector_load %arg8[%get3A_1042, %get3A_1043, %get3A_1044] {strides = array<i32>} : memref<4x8x1024xf32, #tpu.memory_space<vmem>>, vector<1x1x16xf32>,
        %get3A_1046 = vector.shape_cast %get3A_1045 : vector<1x1x16xf32> to vector<16xf32>
        %swap3A_1047 = arith.constant 0 : i32
        %swap3A_1048 = arith.index_cast %swap3A_1047 : i32 to index
        %swap3A_1049 = arith.index_cast %scan3A_314 : i32 to index
        %swap3A_1050 = arith.constant 896 : index
        %swap3A_1051 = tpu.vector_load %arg7[%swap3A_1048, %swap3A_1049, %swap3A_1050] {strides = array<i32>} : memref<4x8x1024xf32, #tpu.memory_space<vmem>>, vector<1x1x16xf32>,
        %swap3A_1052 = vector.shape_cast %swap3A_1051 : vector<1x1x16xf32> to vector<16xf32>
        %swap3A_1053 = vector.shape_cast %get3A_1046 : vector<16xf32> to vector<1x1x16xf32>
        tpu.vector_store %arg7[%swap3A_1048, %swap3A_1049, %swap3A_1050], %swap3A_1053 {add = true, strides = array<i32>} : memref<4x8x1024xf32, #tpu.memory_space<vmem>>, vector<1x1x16xf32>,
        %get3A_1054 = arith.constant 0 : i32
        %get3A_1055 = arith.index_cast %get3A_1054 : i32 to index
        %get3A_1056 = arith.index_cast %scan3A_314 : i32 to index
        %get3A_1057 = arith.constant 912 : index
        %get3A_1058 = tpu.vector_load %arg8[%get3A_1055, %get3A_1056, %get3A_1057] {strides = array<i32>} : memref<4x8x1024xf32, #tpu.memory_space<vmem>>, vector<1x1x16xf32>,
        %get3A_1059 = vector.shape_cast %get3A_1058 : vector<1x1x16xf32> to vector<16xf32>
        %swap3A_1060 = arith.constant 0 : i32
        %swap3A_1061 = arith.index_cast %swap3A_1060 : i32 to index
        %swap3A_1062 = arith.index_cast %scan3A_314 : i32 to index
        %swap3A_1063 = arith.constant 912 : index
        %swap3A_1064 = tpu.vector_load %arg7[%swap3A_1061, %swap3A_1062, %swap3A_1063] {strides = array<i32>} : memref<4x8x1024xf32, #tpu.memory_space<vmem>>, vector<1x1x16xf32>,
        %swap3A_1065 = vector.shape_cast %swap3A_1064 : vector<1x1x16xf32> to vector<16xf32>
        %swap3A_1066 = vector.shape_cast %get3A_1059 : vector<16xf32> to vector<1x1x16xf32>
        tpu.vector_store %arg7[%swap3A_1061, %swap3A_1062, %swap3A_1063], %swap3A_1066 {add = true, strides = array<i32>} : memref<4x8x1024xf32, #tpu.memory_space<vmem>>, vector<1x1x16xf32>,
        %get3A_1067 = arith.constant 0 : i32
        %get3A_1068 = arith.index_cast %get3A_1067 : i32 to index
        %get3A_1069 = arith.index_cast %scan3A_314 : i32 to index
        %get3A_1070 = arith.constant 928 : index
        %get3A_1071 = tpu.vector_load %arg8[%get3A_1068, %get3A_1069, %get3A_1070] {strides = array<i32>} : memref<4x8x1024xf32, #tpu.memory_space<vmem>>, vector<1x1x16xf32>,
        %get3A_1072 = vector.shape_cast %get3A_1071 : vector<1x1x16xf32> to vector<16xf32>
        %swap3A_1073 = arith.constant 0 : i32
        %swap3A_1074 = arith.index_cast %swap3A_1073 : i32 to index
        %swap3A_1075 = arith.index_cast %scan3A_314 : i32 to index
        %swap3A_1076 = arith.constant 928 : index
        %swap3A_1077 = tpu.vector_load %arg7[%swap3A_1074, %swap3A_1075, %swap3A_1076] {strides = array<i32>} : memref<4x8x1024xf32, #tpu.memory_space<vmem>>, vector<1x1x16xf32>,
        %swap3A_1078 = vector.shape_cast %swap3A_1077 : vector<1x1x16xf32> to vector<16xf32>
        %swap3A_1079 = vector.shape_cast %get3A_1072 : vector<16xf32> to vector<1x1x16xf32>
        tpu.vector_store %arg7[%swap3A_1074, %swap3A_1075, %swap3A_1076], %swap3A_1079 {add = true, strides = array<i32>} : memref<4x8x1024xf32, #tpu.memory_space<vmem>>, vector<1x1x16xf32>,
        %get3A_1080 = arith.constant 0 : i32
        %get3A_1081 = arith.index_cast %get3A_1080 : i32 to index
        %get3A_1082 = arith.index_cast %scan3A_314 : i32 to index
        %get3A_1083 = arith.constant 944 : index
        %get3A_1084 = tpu.vector_load %arg8[%get3A_1081, %get3A_1082, %get3A_1083] {strides = array<i32>} : memref<4x8x1024xf32, #tpu.memory_space<vmem>>, vector<1x1x16xf32>,
        %get3A_1085 = vector.shape_cast %get3A_1084 : vector<1x1x16xf32> to vector<16xf32>
        %swap3A_1086 = arith.constant 0 : i32
        %swap3A_1087 = arith.index_cast %swap3A_1086 : i32 to index
        %swap3A_1088 = arith.index_cast %scan3A_314 : i32 to index
        %swap3A_1089 = arith.constant 944 : index
        %swap3A_1090 = tpu.vector_load %arg7[%swap3A_1087, %swap3A_1088, %swap3A_1089] {strides = array<i32>} : memref<4x8x1024xf32, #tpu.memory_space<vmem>>, vector<1x1x16xf32>,
        %swap3A_1091 = vector.shape_cast %swap3A_1090 : vector<1x1x16xf32> to vector<16xf32>
        %swap3A_1092 = vector.shape_cast %get3A_1085 : vector<16xf32> to vector<1x1x16xf32>
        tpu.vector_store %arg7[%swap3A_1087, %swap3A_1088, %swap3A_1089], %swap3A_1092 {add = true, strides = array<i32>} : memref<4x8x1024xf32, #tpu.memory_space<vmem>>, vector<1x1x16xf32>,
        %get3A_1093 = arith.constant 0 : i32
        %get3A_1094 = arith.index_cast %get3A_1093 : i32 to index
        %get3A_1095 = arith.index_cast %scan3A_314 : i32 to index
        %get3A_1096 = arith.constant 960 : index
        %get3A_1097 = tpu.vector_load %arg8[%get3A_1094, %get3A_1095, %get3A_1096] {strides = array<i32>} : memref<4x8x1024xf32, #tpu.memory_space<vmem>>, vector<1x1x16xf32>,
        %get3A_1098 = vector.shape_cast %get3A_1097 : vector<1x1x16xf32> to vector<16xf32>
        %swap3A_1099 = arith.constant 0 : i32
        %swap3A_1100 = arith.index_cast %swap3A_1099 : i32 to index
        %swap3A_1101 = arith.index_cast %scan3A_314 : i32 to index
        %swap3A_1102 = arith.constant 960 : index
        %swap3A_1103 = tpu.vector_load %arg7[%swap3A_1100, %swap3A_1101, %swap3A_1102] {strides = array<i32>} : memref<4x8x1024xf32, #tpu.memory_space<vmem>>, vector<1x1x16xf32>,
        %swap3A_1104 = vector.shape_cast %swap3A_1103 : vector<1x1x16xf32> to vector<16xf32>
        %swap3A_1105 = vector.shape_cast %get3A_1098 : vector<16xf32> to vector<1x1x16xf32>
        tpu.vector_store %arg7[%swap3A_1100, %swap3A_1101, %swap3A_1102], %swap3A_1105 {add = true, strides = array<i32>} : memref<4x8x1024xf32, #tpu.memory_space<vmem>>, vector<1x1x16xf32>,
        %get3A_1106 = arith.constant 0 : i32
        %get3A_1107 = arith.index_cast %get3A_1106 : i32 to index
        %get3A_1108 = arith.index_cast %scan3A_314 : i32 to index
        %get3A_1109 = arith.constant 976 : index
        %get3A_1110 = tpu.vector_load %arg8[%get3A_1107, %get3A_1108, %get3A_1109] {strides = array<i32>} : memref<4x8x1024xf32, #tpu.memory_space<vmem>>, vector<1x1x16xf32>,
        %get3A_1111 = vector.shape_cast %get3A_1110 : vector<1x1x16xf32> to vector<16xf32>
        %swap3A_1112 = arith.constant 0 : i32
        %swap3A_1113 = arith.index_cast %swap3A_1112 : i32 to index
        %swap3A_1114 = arith.index_cast %scan3A_314 : i32 to index
        %swap3A_1115 = arith.constant 976 : index
        %swap3A_1116 = tpu.vector_load %arg7[%swap3A_1113, %swap3A_1114, %swap3A_1115] {strides = array<i32>} : memref<4x8x1024xf32, #tpu.memory_space<vmem>>, vector<1x1x16xf32>,
        %swap3A_1117 = vector.shape_cast %swap3A_1116 : vector<1x1x16xf32> to vector<16xf32>
        %swap3A_1118 = vector.shape_cast %get3A_1111 : vector<16xf32> to vector<1x1x16xf32>
        tpu.vector_store %arg7[%swap3A_1113, %swap3A_1114, %swap3A_1115], %swap3A_1118 {add = true, strides = array<i32>} : memref<4x8x1024xf32, #tpu.memory_space<vmem>>, vector<1x1x16xf32>,
        %get3A_1119 = arith.constant 0 : i32
        %get3A_1120 = arith.index_cast %get3A_1119 : i32 to index
        %get3A_1121 = arith.index_cast %scan3A_314 : i32 to index
        %get3A_1122 = arith.constant 992 : index
        %get3A_1123 = tpu.vector_load %arg8[%get3A_1120, %get3A_1121, %get3A_1122] {strides = array<i32>} : memref<4x8x1024xf32, #tpu.memory_space<vmem>>, vector<1x1x16xf32>,
        %get3A_1124 = vector.shape_cast %get3A_1123 : vector<1x1x16xf32> to vector<16xf32>
        %swap3A_1125 = arith.constant 0 : i32
        %swap3A_1126 = arith.index_cast %swap3A_1125 : i32 to index
        %swap3A_1127 = arith.index_cast %scan3A_314 : i32 to index
        %swap3A_1128 = arith.constant 992 : index
        %swap3A_1129 = tpu.vector_load %arg7[%swap3A_1126, %swap3A_1127, %swap3A_1128] {strides = array<i32>} : memref<4x8x1024xf32, #tpu.memory_space<vmem>>, vector<1x1x16xf32>,
        %swap3A_1130 = vector.shape_cast %swap3A_1129 : vector<1x1x16xf32> to vector<16xf32>
        %swap3A_1131 = vector.shape_cast %get3A_1124 : vector<16xf32> to vector<1x1x16xf32>
        tpu.vector_store %arg7[%swap3A_1126, %swap3A_1127, %swap3A_1128], %swap3A_1131 {add = true, strides = array<i32>} : memref<4x8x1024xf32, #tpu.memory_space<vmem>>, vector<1x1x16xf32>,
        %get3A_1132 = arith.constant 0 : i32
        %get3A_1133 = arith.index_cast %get3A_1132 : i32 to index
        %get3A_1134 = arith.index_cast %scan3A_314 : i32 to index
        %get3A_1135 = arith.constant 1008 : index
        %get3A_1136 = tpu.vector_load %arg8[%get3A_1133, %get3A_1134, %get3A_1135] {strides = array<i32>} : memref<4x8x1024xf32, #tpu.memory_space<vmem>>, vector<1x1x16xf32>,
        %get3A_1137 = vector.shape_cast %get3A_1136 : vector<1x1x16xf32> to vector<16xf32>
        %swap3A_1138 = arith.constant 0 : i32
        %swap3A_1139 = arith.index_cast %swap3A_1138 : i32 to index
        %swap3A_1140 = arith.index_cast %scan3A_314 : i32 to index
        %swap3A_1141 = arith.constant 1008 : index
        %swap3A_1142 = tpu.vector_load %arg7[%swap3A_1139, %swap3A_1140, %swap3A_1141] {strides = array<i32>} : memref<4x8x1024xf32, #tpu.memory_space<vmem>>, vector<1x1x16xf32>,
        %swap3A_1143 = vector.shape_cast %swap3A_1142 : vector<1x1x16xf32> to vector<16xf32>
        %swap3A_1144 = vector.shape_cast %get3A_1137 : vector<16xf32> to vector<1x1x16xf32>
        tpu.vector_store %arg7[%swap3A_1139, %swap3A_1140, %swap3A_1141], %swap3A_1144 {add = true, strides = array<i32>} : memref<4x8x1024xf32, #tpu.memory_space<vmem>>, vector<1x1x16xf32>,
      }
      %scan3A_151 = arith.constant 8 : i32
      %mul3A_152 = arith.constant 4 : i32
      %mul3A_153 = arith.muli %scan3A_101, %mul3A_152 : i32
      %add3A_154 = arith.constant 1 : i32
      %add3A_155 = arith.addi %mul3A_153, %add3A_154 : i32
      %ge3A_156 = arith.constant 1 : i32
      %ge3A_157 = arith.cmpi sge, %add3A_155, %ge3A_156 : i32
      %convert_element_type3A_158 = arith.extui %ge3A_157 : i1 to i32
      %cond3A_159 = arith.constant 0 : i32
      %cond3A_160 = arith.cmpi ne, %convert_element_type3A_158, %cond3A_159 : i32
      scf.if %cond3A_160 {
        %sub3A = arith.constant 1 : i32
        %sub3A_314 = arith.subi %add3A_155, %sub3A : i32
        %mul3A_315 = arith.constant 8 : i32
        %mul3A_316 = arith.muli %sub3A_314, %mul3A_315 : i32
        %add3A_317 = arith.addi %mul3A_2, %mul3A_316 : i32
        %dma_start3A_318 = arith.constant 0 : i32
        %dma_start3A_319 = arith.constant 0 : i32
        %dma_start3A_320 = arith.constant 0 : i32
        %dma_start3A_321 = tpu.memref_slice %arg7[%dma_start3A_318, %dma_start3A_319, %dma_start3A_320] : memref<4x8x1024xf32, #tpu.memory_space<vmem>> -> memref<1x8x1024xf32, #tpu.memory_space<vmem>>
        %dma_start3A_322 = tpu.memref_squeeze %dma_start3A_321 : memref<1x8x1024xf32, #tpu.memory_space<vmem>> -> memref<8x1024xf32, #tpu.memory_space<vmem>>
        %dma_start3A_323 = arith.constant 0 : i32
        %dma_start3A_324 = tpu.memref_slice %arg5[%add3A_317, %dma_start3A_323] : memref<32768x1024xf32, #tpu.memory_space<hbm>> -> memref<8x1024xf32, #tpu.memory_space<hbm>>
        %dma_start3A_325 = arith.constant 0 : i32
        %dma_start3A_326 = tpu.memref_slice %arg5[%add3A_317, %dma_start3A_325] : memref<32768x1024xf32, #tpu.memory_space<hbm>> -> memref<8x1024xf32, #tpu.memory_space<hbm>>
        %dma_start3A_327 = arith.constant 0 : i32
        %dma_start3A_328 = arith.constant 0 : i32
        %dma_start3A_329 = tpu.memref_slice %arg7[%dma_start3A_318, %dma_start3A_327, %dma_start3A_328] : memref<4x8x1024xf32, #tpu.memory_space<vmem>> -> memref<1x8x1024xf32, #tpu.memory_space<vmem>>
        %dma_start3A_330 = tpu.memref_squeeze %dma_start3A_329 : memref<1x8x1024xf32, #tpu.memory_space<vmem>> -> memref<8x1024xf32, #tpu.memory_space<vmem>>
        tpu.enqueue_dma source(%dma_start3A_330 : memref<8x1024xf32, #tpu.memory_space<vmem>>) target(%dma_start3A_326 : memref<8x1024xf32, #tpu.memory_space<hbm>>) target_semaphore(%arg17 : memref<!tpu.dma_semaphore, #tpu.memory_space<semaphore_mem>>)
      } else {
      }
      %mul3A_161 = arith.constant 8 : i32
      %mul3A_162 = arith.muli %add3A_155, %mul3A_161 : i32
      %dma_wait3A_163 = arith.constant 1 : i32
      %dma_wait3A_164 = arith.constant 0 : i32
      %dma_wait3A_165 = arith.constant 0 : i32
      %dma_wait3A_166 = tpu.memref_slice %arg7[%dma_wait3A_163, %dma_wait3A_164, %dma_wait3A_165] : memref<4x8x1024xf32, #tpu.memory_space<vmem>> -> memref<1x8x1024xf32, #tpu.memory_space<vmem>>
      %dma_wait3A_167 = tpu.memref_squeeze %dma_wait3A_166 : memref<1x8x1024xf32, #tpu.memory_space<vmem>> -> memref<8x1024xf32, #tpu.memory_space<vmem>>
      %dma_wait3A_168 = tpu.memref_slice %arg6[%mul3A_162] : memref<1024xi32, #tpu.memory_space<vmem>> -> memref<8xi32, #tpu.memory_space<vmem>>
      %dma_wait3A_169 = arith.constant 0 : i32
      %dma_wait3A_170 = arith.constant 0 : i32
      %dma_wait3A_171 = tpu.memref_slice %arg4[%dma_wait3A_169, %dma_wait3A_170] : memref<8192x1024xf32, #tpu.memory_space<hbm>> -> memref<8192x1024xf32, #tpu.memory_space<hbm>>
      tpu.wait_indirect_dma semaphore(%arg10 : memref<!tpu.dma_semaphore, #tpu.memory_space<semaphore_mem>>) src(%dma_wait3A_171 : memref<8192x1024xf32, #tpu.memory_space<hbm>>) dst(%dma_wait3A_167 : memref<8x1024xf32, #tpu.memory_space<vmem>>)
      %mul3A_172 = arith.constant 8 : i32
      %mul3A_173 = arith.muli %add3A_155, %mul3A_172 : i32
      %add3A_174 = arith.addi %mul3A_2, %mul3A_173 : i32
      %dma_wait3A_175 = arith.constant 1 : i32
      %dma_wait3A_176 = arith.constant 0 : i32
      %dma_wait3A_177 = arith.constant 0 : i32
      %dma_wait3A_178 = tpu.memref_slice %arg8[%dma_wait3A_175, %dma_wait3A_176, %dma_wait3A_177] : memref<4x8x1024xf32, #tpu.memory_space<vmem>> -> memref<1x8x1024xf32, #tpu.memory_space<vmem>>
      %dma_wait3A_179 = tpu.memref_squeeze %dma_wait3A_178 : memref<1x8x1024xf32, #tpu.memory_space<vmem>> -> memref<8x1024xf32, #tpu.memory_space<vmem>>
      %dma_wait3A_180 = arith.constant 0 : i32
      %dma_wait3A_181 = tpu.memref_slice %arg2[%add3A_174, %dma_wait3A_180] : memref<32768x1024xf32, #tpu.memory_space<hbm>> -> memref<8x1024xf32, #tpu.memory_space<hbm>>
      %dma_wait3A_182 = arith.constant 0 : i32
      %dma_wait3A_183 = arith.constant 0 : i32
      %dma_wait3A_184 = tpu.memref_slice %arg8[%dma_wait3A_175, %dma_wait3A_182, %dma_wait3A_183] : memref<4x8x1024xf32, #tpu.memory_space<vmem>> -> memref<1x8x1024xf32, #tpu.memory_space<vmem>>
      %dma_wait3A_185 = tpu.memref_squeeze %dma_wait3A_184 : memref<1x8x1024xf32, #tpu.memory_space<vmem>> -> memref<8x1024xf32, #tpu.memory_space<vmem>>
      %dma_wait3A_186 = arith.constant 0 : i32
      %dma_wait3A_187 = tpu.memref_slice %arg2[%add3A_174, %dma_wait3A_186] : memref<32768x1024xf32, #tpu.memory_space<hbm>> -> memref<8x1024xf32, #tpu.memory_space<hbm>>
      tpu.wait_dma2 semaphore(%arg14 : memref<!tpu.dma_semaphore, #tpu.memory_space<semaphore_mem>>) src(%dma_wait3A_187 : memref<8x1024xf32, #tpu.memory_space<hbm>>) dst(%dma_wait3A_185 : memref<8x1024xf32, #tpu.memory_space<vmem>>)
      %ge3A_188 = arith.constant 2 : i32
      %ge3A_189 = arith.cmpi sge, %add3A_155, %ge3A_188 : i32
      %convert_element_type3A_190 = arith.extui %ge3A_189 : i1 to i32
      %cond3A_191 = arith.constant 0 : i32
      %cond3A_192 = arith.cmpi ne, %convert_element_type3A_190, %cond3A_191 : i32
      scf.if %cond3A_192 {
        %sub3A = arith.constant 2 : i32
        %sub3A_314 = arith.subi %add3A_155, %sub3A : i32
        %mul3A_315 = arith.constant 8 : i32
        %mul3A_316 = arith.muli %sub3A_314, %mul3A_315 : i32
        %add3A_317 = arith.addi %mul3A_2, %mul3A_316 : i32
        %dma_wait3A_318 = arith.constant 3 : i32
        %dma_wait3A_319 = arith.constant 0 : i32
        %dma_wait3A_320 = arith.constant 0 : i32
        %dma_wait3A_321 = tpu.memref_slice %arg7[%dma_wait3A_318, %dma_wait3A_319, %dma_wait3A_320] : memref<4x8x1024xf32, #tpu.memory_space<vmem>> -> memref<1x8x1024xf32, #tpu.memory_space<vmem>>
        %dma_wait3A_322 = tpu.memref_squeeze %dma_wait3A_321 : memref<1x8x1024xf32, #tpu.memory_space<vmem>> -> memref<8x1024xf32, #tpu.memory_space<vmem>>
        %dma_wait3A_323 = arith.constant 0 : i32
        %dma_wait3A_324 = tpu.memref_slice %arg5[%add3A_317, %dma_wait3A_323] : memref<32768x1024xf32, #tpu.memory_space<hbm>> -> memref<8x1024xf32, #tpu.memory_space<hbm>>
        %dma_wait3A_325 = arith.constant 0 : i32
        %dma_wait3A_326 = tpu.memref_slice %arg5[%add3A_317, %dma_wait3A_325] : memref<32768x1024xf32, #tpu.memory_space<hbm>> -> memref<8x1024xf32, #tpu.memory_space<hbm>>
        %dma_wait3A_327 = arith.constant 0 : i32
        %dma_wait3A_328 = arith.constant 0 : i32
        %dma_wait3A_329 = tpu.memref_slice %arg7[%dma_wait3A_318, %dma_wait3A_327, %dma_wait3A_328] : memref<4x8x1024xf32, #tpu.memory_space<vmem>> -> memref<1x8x1024xf32, #tpu.memory_space<vmem>>
        %dma_wait3A_330 = tpu.memref_squeeze %dma_wait3A_329 : memref<1x8x1024xf32, #tpu.memory_space<vmem>> -> memref<8x1024xf32, #tpu.memory_space<vmem>>
        tpu.wait_dma2 semaphore(%arg20 : memref<!tpu.dma_semaphore, #tpu.memory_space<semaphore_mem>>) src(%dma_wait3A_330 : memref<8x1024xf32, #tpu.memory_space<vmem>>) dst(%dma_wait3A_326 : memref<8x1024xf32, #tpu.memory_space<hbm>>)
      } else {
      }
      %add3A_193 = arith.constant 2 : i32
      %add3A_194 = arith.addi %add3A_155, %add3A_193 : i32
      %lt3A_195 = arith.constant 128 : i32
      %lt3A_196 = arith.cmpi slt, %add3A_194, %lt3A_195 : i32
      %convert_element_type3A_197 = arith.extui %lt3A_196 : i1 to i32
      %cond3A_198 = arith.constant 0 : i32
      %cond3A_199 = arith.cmpi ne, %convert_element_type3A_197, %cond3A_198 : i32
      scf.if %cond3A_199 {
        %add3A_314 = arith.constant 2 : i32
        %add3A_315 = arith.addi %add3A_155, %add3A_314 : i32
        %mul3A_316 = arith.constant 8 : i32
        %mul3A_317 = arith.muli %add3A_315, %mul3A_316 : i32
        %dma_start3A_318 = arith.constant 3 : i32
        %dma_start3A_319 = arith.constant 0 : i32
        %dma_start3A_320 = arith.constant 0 : i32
        %dma_start3A_321 = tpu.memref_slice %arg7[%dma_start3A_318, %dma_start3A_319, %dma_start3A_320] : memref<4x8x1024xf32, #tpu.memory_space<vmem>> -> memref<1x8x1024xf32, #tpu.memory_space<vmem>>
        %dma_start3A_322 = tpu.memref_squeeze %dma_start3A_321 : memref<1x8x1024xf32, #tpu.memory_space<vmem>> -> memref<8x1024xf32, #tpu.memory_space<vmem>>
        %dma_start3A_323 = tpu.memref_slice %arg6[%mul3A_317] : memref<1024xi32, #tpu.memory_space<vmem>> -> memref<8xi32, #tpu.memory_space<vmem>>
        %dma_start3A_324 = arith.constant 0 : i32
        %dma_start3A_325 = arith.constant 0 : i32
        %dma_start3A_326 = tpu.memref_slice %arg4[%dma_start3A_324, %dma_start3A_325] : memref<8192x1024xf32, #tpu.memory_space<hbm>> -> memref<8192x1024xf32, #tpu.memory_space<hbm>>
        tpu.enqueue_indirect_dma source(%dma_start3A_326 : memref<8192x1024xf32, #tpu.memory_space<hbm>>) target(%dma_start3A_322 : memref<8x1024xf32, #tpu.memory_space<vmem>>) offsets(%dma_start3A_323 : memref<8xi32, #tpu.memory_space<vmem>>) semaphore(%arg12 : memref<!tpu.dma_semaphore, #tpu.memory_space<semaphore_mem>>)
        %add3A_327 = arith.constant 2 : i32
        %add3A_328 = arith.addi %add3A_155, %add3A_327 : i32
        %mul3A_329 = arith.constant 8 : i32
        %mul3A_330 = arith.muli %add3A_328, %mul3A_329 : i32
        %add3A_331 = arith.addi %mul3A_2, %mul3A_330 : i32
        %dma_start3A_332 = arith.constant 3 : i32
        %dma_start3A_333 = arith.constant 0 : i32
        %dma_start3A_334 = arith.constant 0 : i32
        %dma_start3A_335 = tpu.memref_slice %arg8[%dma_start3A_332, %dma_start3A_333, %dma_start3A_334] : memref<4x8x1024xf32, #tpu.memory_space<vmem>> -> memref<1x8x1024xf32, #tpu.memory_space<vmem>>
        %dma_start3A_336 = tpu.memref_squeeze %dma_start3A_335 : memref<1x8x1024xf32, #tpu.memory_space<vmem>> -> memref<8x1024xf32, #tpu.memory_space<vmem>>
        %dma_start3A_337 = arith.constant 0 : i32
        %dma_start3A_338 = tpu.memref_slice %arg2[%add3A_331, %dma_start3A_337] : memref<32768x1024xf32, #tpu.memory_space<hbm>> -> memref<8x1024xf32, #tpu.memory_space<hbm>>
        %dma_start3A_339 = arith.constant 0 : i32
        %dma_start3A_340 = arith.constant 0 : i32
        %dma_start3A_341 = tpu.memref_slice %arg8[%dma_start3A_332, %dma_start3A_339, %dma_start3A_340] : memref<4x8x1024xf32, #tpu.memory_space<vmem>> -> memref<1x8x1024xf32, #tpu.memory_space<vmem>>
        %dma_start3A_342 = tpu.memref_squeeze %dma_start3A_341 : memref<1x8x1024xf32, #tpu.memory_space<vmem>> -> memref<8x1024xf32, #tpu.memory_space<vmem>>
        %dma_start3A_343 = arith.constant 0 : i32
        %dma_start3A_344 = tpu.memref_slice %arg2[%add3A_331, %dma_start3A_343] : memref<32768x1024xf32, #tpu.memory_space<hbm>> -> memref<8x1024xf32, #tpu.memory_space<hbm>>
        tpu.enqueue_dma source(%dma_start3A_344 : memref<8x1024xf32, #tpu.memory_space<hbm>>) target(%dma_start3A_342 : memref<8x1024xf32, #tpu.memory_space<vmem>>) target_semaphore(%arg16 : memref<!tpu.dma_semaphore, #tpu.memory_space<semaphore_mem>>)
      } else {
      }
      %scan3A_200 = arith.constant 0 : i32
      %scan3A_201 = arith.constant 0 : i32
      %scan3A_202 = arith.constant 8 : i32
      %scan3A_203 = arith.addi %scan3A_201, %scan3A_202 : i32
      %scan3A_204 = arith.constant 1 : i32
      scf.for %scan3A_314 = %scan3A_201 to %scan3A_203 step %scan3A_204  : i32 {
        %get3A = arith.constant 1 : i32
        %get3A_315 = arith.index_cast %get3A : i32 to index
        %get3A_316 = arith.index_cast %scan3A_314 : i32 to index
        %get3A_317 = arith.constant 0 : index
        %get3A_318 = tpu.vector_load %arg8[%get3A_315, %get3A_316, %get3A_317] {strides = array<i32>} : memref<4x8x1024xf32, #tpu.memory_space<vmem>>, vector<1x1x16xf32>,
        %get3A_319 = vector.shape_cast %get3A_318 : vector<1x1x16xf32> to vector<16xf32>
        %swap3A = arith.constant 1 : i32
        %swap3A_320 = arith.index_cast %swap3A : i32 to index
        %swap3A_321 = arith.index_cast %scan3A_314 : i32 to index
        %swap3A_322 = arith.constant 0 : index
        %swap3A_323 = tpu.vector_load %arg7[%swap3A_320, %swap3A_321, %swap3A_322] {strides = array<i32>} : memref<4x8x1024xf32, #tpu.memory_space<vmem>>, vector<1x1x16xf32>,
        %swap3A_324 = vector.shape_cast %swap3A_323 : vector<1x1x16xf32> to vector<16xf32>
        %swap3A_325 = vector.shape_cast %get3A_319 : vector<16xf32> to vector<1x1x16xf32>
        tpu.vector_store %arg7[%swap3A_320, %swap3A_321, %swap3A_322], %swap3A_325 {add = true, strides = array<i32>} : memref<4x8x1024xf32, #tpu.memory_space<vmem>>, vector<1x1x16xf32>,
        %get3A_326 = arith.constant 1 : i32
        %get3A_327 = arith.index_cast %get3A_326 : i32 to index
        %get3A_328 = arith.index_cast %scan3A_314 : i32 to index
        %get3A_329 = arith.constant 16 : index
        %get3A_330 = tpu.vector_load %arg8[%get3A_327, %get3A_328, %get3A_329] {strides = array<i32>} : memref<4x8x1024xf32, #tpu.memory_space<vmem>>, vector<1x1x16xf32>,
        %get3A_331 = vector.shape_cast %get3A_330 : vector<1x1x16xf32> to vector<16xf32>
        %swap3A_332 = arith.constant 1 : i32
        %swap3A_333 = arith.index_cast %swap3A_332 : i32 to index
        %swap3A_334 = arith.index_cast %scan3A_314 : i32 to index
        %swap3A_335 = arith.constant 16 : index
        %swap3A_336 = tpu.vector_load %arg7[%swap3A_333, %swap3A_334, %swap3A_335] {strides = array<i32>} : memref<4x8x1024xf32, #tpu.memory_space<vmem>>, vector<1x1x16xf32>,
        %swap3A_337 = vector.shape_cast %swap3A_336 : vector<1x1x16xf32> to vector<16xf32>
        %swap3A_338 = vector.shape_cast %get3A_331 : vector<16xf32> to vector<1x1x16xf32>
        tpu.vector_store %arg7[%swap3A_333, %swap3A_334, %swap3A_335], %swap3A_338 {add = true, strides = array<i32>} : memref<4x8x1024xf32, #tpu.memory_space<vmem>>, vector<1x1x16xf32>,
        %get3A_339 = arith.constant 1 : i32
        %get3A_340 = arith.index_cast %get3A_339 : i32 to index
        %get3A_341 = arith.index_cast %scan3A_314 : i32 to index
        %get3A_342 = arith.constant 32 : index
        %get3A_343 = tpu.vector_load %arg8[%get3A_340, %get3A_341, %get3A_342] {strides = array<i32>} : memref<4x8x1024xf32, #tpu.memory_space<vmem>>, vector<1x1x16xf32>,
        %get3A_344 = vector.shape_cast %get3A_343 : vector<1x1x16xf32> to vector<16xf32>
        %swap3A_345 = arith.constant 1 : i32
        %swap3A_346 = arith.index_cast %swap3A_345 : i32 to index
        %swap3A_347 = arith.index_cast %scan3A_314 : i32 to index
        %swap3A_348 = arith.constant 32 : index
        %swap3A_349 = tpu.vector_load %arg7[%swap3A_346, %swap3A_347, %swap3A_348] {strides = array<i32>} : memref<4x8x1024xf32, #tpu.memory_space<vmem>>, vector<1x1x16xf32>,
        %swap3A_350 = vector.shape_cast %swap3A_349 : vector<1x1x16xf32> to vector<16xf32>
        %swap3A_351 = vector.shape_cast %get3A_344 : vector<16xf32> to vector<1x1x16xf32>
        tpu.vector_store %arg7[%swap3A_346, %swap3A_347, %swap3A_348], %swap3A_351 {add = true, strides = array<i32>} : memref<4x8x1024xf32, #tpu.memory_space<vmem>>, vector<1x1x16xf32>,
        %get3A_352 = arith.constant 1 : i32
        %get3A_353 = arith.index_cast %get3A_352 : i32 to index
        %get3A_354 = arith.index_cast %scan3A_314 : i32 to index
        %get3A_355 = arith.constant 48 : index
        %get3A_356 = tpu.vector_load %arg8[%get3A_353, %get3A_354, %get3A_355] {strides = array<i32>} : memref<4x8x1024xf32, #tpu.memory_space<vmem>>, vector<1x1x16xf32>,
        %get3A_357 = vector.shape_cast %get3A_356 : vector<1x1x16xf32> to vector<16xf32>
        %swap3A_358 = arith.constant 1 : i32
        %swap3A_359 = arith.index_cast %swap3A_358 : i32 to index
        %swap3A_360 = arith.index_cast %scan3A_314 : i32 to index
        %swap3A_361 = arith.constant 48 : index
        %swap3A_362 = tpu.vector_load %arg7[%swap3A_359, %swap3A_360, %swap3A_361] {strides = array<i32>} : memref<4x8x1024xf32, #tpu.memory_space<vmem>>, vector<1x1x16xf32>,
        %swap3A_363 = vector.shape_cast %swap3A_362 : vector<1x1x16xf32> to vector<16xf32>
        %swap3A_364 = vector.shape_cast %get3A_357 : vector<16xf32> to vector<1x1x16xf32>
        tpu.vector_store %arg7[%swap3A_359, %swap3A_360, %swap3A_361], %swap3A_364 {add = true, strides = array<i32>} : memref<4x8x1024xf32, #tpu.memory_space<vmem>>, vector<1x1x16xf32>,
        %get3A_365 = arith.constant 1 : i32
        %get3A_366 = arith.index_cast %get3A_365 : i32 to index
        %get3A_367 = arith.index_cast %scan3A_314 : i32 to index
        %get3A_368 = arith.constant 64 : index
        %get3A_369 = tpu.vector_load %arg8[%get3A_366, %get3A_367, %get3A_368] {strides = array<i32>} : memref<4x8x1024xf32, #tpu.memory_space<vmem>>, vector<1x1x16xf32>,
        %get3A_370 = vector.shape_cast %get3A_369 : vector<1x1x16xf32> to vector<16xf32>
        %swap3A_371 = arith.constant 1 : i32
        %swap3A_372 = arith.index_cast %swap3A_371 : i32 to index
        %swap3A_373 = arith.index_cast %scan3A_314 : i32 to index
        %swap3A_374 = arith.constant 64 : index
        %swap3A_375 = tpu.vector_load %arg7[%swap3A_372, %swap3A_373, %swap3A_374] {strides = array<i32>} : memref<4x8x1024xf32, #tpu.memory_space<vmem>>, vector<1x1x16xf32>,
        %swap3A_376 = vector.shape_cast %swap3A_375 : vector<1x1x16xf32> to vector<16xf32>
        %swap3A_377 = vector.shape_cast %get3A_370 : vector<16xf32> to vector<1x1x16xf32>
        tpu.vector_store %arg7[%swap3A_372, %swap3A_373, %swap3A_374], %swap3A_377 {add = true, strides = array<i32>} : memref<4x8x1024xf32, #tpu.memory_space<vmem>>, vector<1x1x16xf32>,
        %get3A_378 = arith.constant 1 : i32
        %get3A_379 = arith.index_cast %get3A_378 : i32 to index
        %get3A_380 = arith.index_cast %scan3A_314 : i32 to index
        %get3A_381 = arith.constant 80 : index
        %get3A_382 = tpu.vector_load %arg8[%get3A_379, %get3A_380, %get3A_381] {strides = array<i32>} : memref<4x8x1024xf32, #tpu.memory_space<vmem>>, vector<1x1x16xf32>,
        %get3A_383 = vector.shape_cast %get3A_382 : vector<1x1x16xf32> to vector<16xf32>
        %swap3A_384 = arith.constant 1 : i32
        %swap3A_385 = arith.index_cast %swap3A_384 : i32 to index
        %swap3A_386 = arith.index_cast %scan3A_314 : i32 to index
        %swap3A_387 = arith.constant 80 : index
        %swap3A_388 = tpu.vector_load %arg7[%swap3A_385, %swap3A_386, %swap3A_387] {strides = array<i32>} : memref<4x8x1024xf32, #tpu.memory_space<vmem>>, vector<1x1x16xf32>,
        %swap3A_389 = vector.shape_cast %swap3A_388 : vector<1x1x16xf32> to vector<16xf32>
        %swap3A_390 = vector.shape_cast %get3A_383 : vector<16xf32> to vector<1x1x16xf32>
        tpu.vector_store %arg7[%swap3A_385, %swap3A_386, %swap3A_387], %swap3A_390 {add = true, strides = array<i32>} : memref<4x8x1024xf32, #tpu.memory_space<vmem>>, vector<1x1x16xf32>,
        %get3A_391 = arith.constant 1 : i32
        %get3A_392 = arith.index_cast %get3A_391 : i32 to index
        %get3A_393 = arith.index_cast %scan3A_314 : i32 to index
        %get3A_394 = arith.constant 96 : index
        %get3A_395 = tpu.vector_load %arg8[%get3A_392, %get3A_393, %get3A_394] {strides = array<i32>} : memref<4x8x1024xf32, #tpu.memory_space<vmem>>, vector<1x1x16xf32>,
        %get3A_396 = vector.shape_cast %get3A_395 : vector<1x1x16xf32> to vector<16xf32>
        %swap3A_397 = arith.constant 1 : i32
        %swap3A_398 = arith.index_cast %swap3A_397 : i32 to index
        %swap3A_399 = arith.index_cast %scan3A_314 : i32 to index
        %swap3A_400 = arith.constant 96 : index
        %swap3A_401 = tpu.vector_load %arg7[%swap3A_398, %swap3A_399, %swap3A_400] {strides = array<i32>} : memref<4x8x1024xf32, #tpu.memory_space<vmem>>, vector<1x1x16xf32>,
        %swap3A_402 = vector.shape_cast %swap3A_401 : vector<1x1x16xf32> to vector<16xf32>
        %swap3A_403 = vector.shape_cast %get3A_396 : vector<16xf32> to vector<1x1x16xf32>
        tpu.vector_store %arg7[%swap3A_398, %swap3A_399, %swap3A_400], %swap3A_403 {add = true, strides = array<i32>} : memref<4x8x1024xf32, #tpu.memory_space<vmem>>, vector<1x1x16xf32>,
        %get3A_404 = arith.constant 1 : i32
        %get3A_405 = arith.index_cast %get3A_404 : i32 to index
        %get3A_406 = arith.index_cast %scan3A_314 : i32 to index
        %get3A_407 = arith.constant 112 : index
        %get3A_408 = tpu.vector_load %arg8[%get3A_405, %get3A_406, %get3A_407] {strides = array<i32>} : memref<4x8x1024xf32, #tpu.memory_space<vmem>>, vector<1x1x16xf32>,
        %get3A_409 = vector.shape_cast %get3A_408 : vector<1x1x16xf32> to vector<16xf32>
        %swap3A_410 = arith.constant 1 : i32
        %swap3A_411 = arith.index_cast %swap3A_410 : i32 to index
        %swap3A_412 = arith.index_cast %scan3A_314 : i32 to index
        %swap3A_413 = arith.constant 112 : index
        %swap3A_414 = tpu.vector_load %arg7[%swap3A_411, %swap3A_412, %swap3A_413] {strides = array<i32>} : memref<4x8x1024xf32, #tpu.memory_space<vmem>>, vector<1x1x16xf32>,
        %swap3A_415 = vector.shape_cast %swap3A_414 : vector<1x1x16xf32> to vector<16xf32>
        %swap3A_416 = vector.shape_cast %get3A_409 : vector<16xf32> to vector<1x1x16xf32>
        tpu.vector_store %arg7[%swap3A_411, %swap3A_412, %swap3A_413], %swap3A_416 {add = true, strides = array<i32>} : memref<4x8x1024xf32, #tpu.memory_space<vmem>>, vector<1x1x16xf32>,
        %get3A_417 = arith.constant 1 : i32
        %get3A_418 = arith.index_cast %get3A_417 : i32 to index
        %get3A_419 = arith.index_cast %scan3A_314 : i32 to index
        %get3A_420 = arith.constant 128 : index
        %get3A_421 = tpu.vector_load %arg8[%get3A_418, %get3A_419, %get3A_420] {strides = array<i32>} : memref<4x8x1024xf32, #tpu.memory_space<vmem>>, vector<1x1x16xf32>,
        %get3A_422 = vector.shape_cast %get3A_421 : vector<1x1x16xf32> to vector<16xf32>
        %swap3A_423 = arith.constant 1 : i32
        %swap3A_424 = arith.index_cast %swap3A_423 : i32 to index
        %swap3A_425 = arith.index_cast %scan3A_314 : i32 to index
        %swap3A_426 = arith.constant 128 : index
        %swap3A_427 = tpu.vector_load %arg7[%swap3A_424, %swap3A_425, %swap3A_426] {strides = array<i32>} : memref<4x8x1024xf32, #tpu.memory_space<vmem>>, vector<1x1x16xf32>,
        %swap3A_428 = vector.shape_cast %swap3A_427 : vector<1x1x16xf32> to vector<16xf32>
        %swap3A_429 = vector.shape_cast %get3A_422 : vector<16xf32> to vector<1x1x16xf32>
        tpu.vector_store %arg7[%swap3A_424, %swap3A_425, %swap3A_426], %swap3A_429 {add = true, strides = array<i32>} : memref<4x8x1024xf32, #tpu.memory_space<vmem>>, vector<1x1x16xf32>,
        %get3A_430 = arith.constant 1 : i32
        %get3A_431 = arith.index_cast %get3A_430 : i32 to index
        %get3A_432 = arith.index_cast %scan3A_314 : i32 to index
        %get3A_433 = arith.constant 144 : index
        %get3A_434 = tpu.vector_load %arg8[%get3A_431, %get3A_432, %get3A_433] {strides = array<i32>} : memref<4x8x1024xf32, #tpu.memory_space<vmem>>, vector<1x1x16xf32>,
        %get3A_435 = vector.shape_cast %get3A_434 : vector<1x1x16xf32> to vector<16xf32>
        %swap3A_436 = arith.constant 1 : i32
        %swap3A_437 = arith.index_cast %swap3A_436 : i32 to index
        %swap3A_438 = arith.index_cast %scan3A_314 : i32 to index
        %swap3A_439 = arith.constant 144 : index
        %swap3A_440 = tpu.vector_load %arg7[%swap3A_437, %swap3A_438, %swap3A_439] {strides = array<i32>} : memref<4x8x1024xf32, #tpu.memory_space<vmem>>, vector<1x1x16xf32>,
        %swap3A_441 = vector.shape_cast %swap3A_440 : vector<1x1x16xf32> to vector<16xf32>
        %swap3A_442 = vector.shape_cast %get3A_435 : vector<16xf32> to vector<1x1x16xf32>
        tpu.vector_store %arg7[%swap3A_437, %swap3A_438, %swap3A_439], %swap3A_442 {add = true, strides = array<i32>} : memref<4x8x1024xf32, #tpu.memory_space<vmem>>, vector<1x1x16xf32>,
        %get3A_443 = arith.constant 1 : i32
        %get3A_444 = arith.index_cast %get3A_443 : i32 to index
        %get3A_445 = arith.index_cast %scan3A_314 : i32 to index
        %get3A_446 = arith.constant 160 : index
        %get3A_447 = tpu.vector_load %arg8[%get3A_444, %get3A_445, %get3A_446] {strides = array<i32>} : memref<4x8x1024xf32, #tpu.memory_space<vmem>>, vector<1x1x16xf32>,
        %get3A_448 = vector.shape_cast %get3A_447 : vector<1x1x16xf32> to vector<16xf32>
        %swap3A_449 = arith.constant 1 : i32
        %swap3A_450 = arith.index_cast %swap3A_449 : i32 to index
        %swap3A_451 = arith.index_cast %scan3A_314 : i32 to index
        %swap3A_452 = arith.constant 160 : index
        %swap3A_453 = tpu.vector_load %arg7[%swap3A_450, %swap3A_451, %swap3A_452] {strides = array<i32>} : memref<4x8x1024xf32, #tpu.memory_space<vmem>>, vector<1x1x16xf32>,
        %swap3A_454 = vector.shape_cast %swap3A_453 : vector<1x1x16xf32> to vector<16xf32>
        %swap3A_455 = vector.shape_cast %get3A_448 : vector<16xf32> to vector<1x1x16xf32>
        tpu.vector_store %arg7[%swap3A_450, %swap3A_451, %swap3A_452], %swap3A_455 {add = true, strides = array<i32>} : memref<4x8x1024xf32, #tpu.memory_space<vmem>>, vector<1x1x16xf32>,
        %get3A_456 = arith.constant 1 : i32
        %get3A_457 = arith.index_cast %get3A_456 : i32 to index
        %get3A_458 = arith.index_cast %scan3A_314 : i32 to index
        %get3A_459 = arith.constant 176 : index
        %get3A_460 = tpu.vector_load %arg8[%get3A_457, %get3A_458, %get3A_459] {strides = array<i32>} : memref<4x8x1024xf32, #tpu.memory_space<vmem>>, vector<1x1x16xf32>,
        %get3A_461 = vector.shape_cast %get3A_460 : vector<1x1x16xf32> to vector<16xf32>
        %swap3A_462 = arith.constant 1 : i32
        %swap3A_463 = arith.index_cast %swap3A_462 : i32 to index
        %swap3A_464 = arith.index_cast %scan3A_314 : i32 to index
        %swap3A_465 = arith.constant 176 : index
        %swap3A_466 = tpu.vector_load %arg7[%swap3A_463, %swap3A_464, %swap3A_465] {strides = array<i32>} : memref<4x8x1024xf32, #tpu.memory_space<vmem>>, vector<1x1x16xf32>,
        %swap3A_467 = vector.shape_cast %swap3A_466 : vector<1x1x16xf32> to vector<16xf32>
        %swap3A_468 = vector.shape_cast %get3A_461 : vector<16xf32> to vector<1x1x16xf32>
        tpu.vector_store %arg7[%swap3A_463, %swap3A_464, %swap3A_465], %swap3A_468 {add = true, strides = array<i32>} : memref<4x8x1024xf32, #tpu.memory_space<vmem>>, vector<1x1x16xf32>,
        %get3A_469 = arith.constant 1 : i32
        %get3A_470 = arith.index_cast %get3A_469 : i32 to index
        %get3A_471 = arith.index_cast %scan3A_314 : i32 to index
        %get3A_472 = arith.constant 192 : index
        %get3A_473 = tpu.vector_load %arg8[%get3A_470, %get3A_471, %get3A_472] {strides = array<i32>} : memref<4x8x1024xf32, #tpu.memory_space<vmem>>, vector<1x1x16xf32>,
        %get3A_474 = vector.shape_cast %get3A_473 : vector<1x1x16xf32> to vector<16xf32>
        %swap3A_475 = arith.constant 1 : i32
        %swap3A_476 = arith.index_cast %swap3A_475 : i32 to index
        %swap3A_477 = arith.index_cast %scan3A_314 : i32 to index
        %swap3A_478 = arith.constant 192 : index
        %swap3A_479 = tpu.vector_load %arg7[%swap3A_476, %swap3A_477, %swap3A_478] {strides = array<i32>} : memref<4x8x1024xf32, #tpu.memory_space<vmem>>, vector<1x1x16xf32>,
        %swap3A_480 = vector.shape_cast %swap3A_479 : vector<1x1x16xf32> to vector<16xf32>
        %swap3A_481 = vector.shape_cast %get3A_474 : vector<16xf32> to vector<1x1x16xf32>
        tpu.vector_store %arg7[%swap3A_476, %swap3A_477, %swap3A_478], %swap3A_481 {add = true, strides = array<i32>} : memref<4x8x1024xf32, #tpu.memory_space<vmem>>, vector<1x1x16xf32>,
        %get3A_482 = arith.constant 1 : i32
        %get3A_483 = arith.index_cast %get3A_482 : i32 to index
        %get3A_484 = arith.index_cast %scan3A_314 : i32 to index
        %get3A_485 = arith.constant 208 : index
        %get3A_486 = tpu.vector_load %arg8[%get3A_483, %get3A_484, %get3A_485] {strides = array<i32>} : memref<4x8x1024xf32, #tpu.memory_space<vmem>>, vector<1x1x16xf32>,
        %get3A_487 = vector.shape_cast %get3A_486 : vector<1x1x16xf32> to vector<16xf32>
        %swap3A_488 = arith.constant 1 : i32
        %swap3A_489 = arith.index_cast %swap3A_488 : i32 to index
        %swap3A_490 = arith.index_cast %scan3A_314 : i32 to index
        %swap3A_491 = arith.constant 208 : index
        %swap3A_492 = tpu.vector_load %arg7[%swap3A_489, %swap3A_490, %swap3A_491] {strides = array<i32>} : memref<4x8x1024xf32, #tpu.memory_space<vmem>>, vector<1x1x16xf32>,
        %swap3A_493 = vector.shape_cast %swap3A_492 : vector<1x1x16xf32> to vector<16xf32>
        %swap3A_494 = vector.shape_cast %get3A_487 : vector<16xf32> to vector<1x1x16xf32>
        tpu.vector_store %arg7[%swap3A_489, %swap3A_490, %swap3A_491], %swap3A_494 {add = true, strides = array<i32>} : memref<4x8x1024xf32, #tpu.memory_space<vmem>>, vector<1x1x16xf32>,
        %get3A_495 = arith.constant 1 : i32
        %get3A_496 = arith.index_cast %get3A_495 : i32 to index
        %get3A_497 = arith.index_cast %scan3A_314 : i32 to index
        %get3A_498 = arith.constant 224 : index
        %get3A_499 = tpu.vector_load %arg8[%get3A_496, %get3A_497, %get3A_498] {strides = array<i32>} : memref<4x8x1024xf32, #tpu.memory_space<vmem>>, vector<1x1x16xf32>,
        %get3A_500 = vector.shape_cast %get3A_499 : vector<1x1x16xf32> to vector<16xf32>
        %swap3A_501 = arith.constant 1 : i32
        %swap3A_502 = arith.index_cast %swap3A_501 : i32 to index
        %swap3A_503 = arith.index_cast %scan3A_314 : i32 to index
        %swap3A_504 = arith.constant 224 : index
        %swap3A_505 = tpu.vector_load %arg7[%swap3A_502, %swap3A_503, %swap3A_504] {strides = array<i32>} : memref<4x8x1024xf32, #tpu.memory_space<vmem>>, vector<1x1x16xf32>,
        %swap3A_506 = vector.shape_cast %swap3A_505 : vector<1x1x16xf32> to vector<16xf32>
        %swap3A_507 = vector.shape_cast %get3A_500 : vector<16xf32> to vector<1x1x16xf32>
        tpu.vector_store %arg7[%swap3A_502, %swap3A_503, %swap3A_504], %swap3A_507 {add = true, strides = array<i32>} : memref<4x8x1024xf32, #tpu.memory_space<vmem>>, vector<1x1x16xf32>,
        %get3A_508 = arith.constant 1 : i32
        %get3A_509 = arith.index_cast %get3A_508 : i32 to index
        %get3A_510 = arith.index_cast %scan3A_314 : i32 to index
        %get3A_511 = arith.constant 240 : index
        %get3A_512 = tpu.vector_load %arg8[%get3A_509, %get3A_510, %get3A_511] {strides = array<i32>} : memref<4x8x1024xf32, #tpu.memory_space<vmem>>, vector<1x1x16xf32>,
        %get3A_513 = vector.shape_cast %get3A_512 : vector<1x1x16xf32> to vector<16xf32>
        %swap3A_514 = arith.constant 1 : i32
        %swap3A_515 = arith.index_cast %swap3A_514 : i32 to index
        %swap3A_516 = arith.index_cast %scan3A_314 : i32 to index
        %swap3A_517 = arith.constant 240 : index
        %swap3A_518 = tpu.vector_load %arg7[%swap3A_515, %swap3A_516, %swap3A_517] {strides = array<i32>} : memref<4x8x1024xf32, #tpu.memory_space<vmem>>, vector<1x1x16xf32>,
        %swap3A_519 = vector.shape_cast %swap3A_518 : vector<1x1x16xf32> to vector<16xf32>
        %swap3A_520 = vector.shape_cast %get3A_513 : vector<16xf32> to vector<1x1x16xf32>
        tpu.vector_store %arg7[%swap3A_515, %swap3A_516, %swap3A_517], %swap3A_520 {add = true, strides = array<i32>} : memref<4x8x1024xf32, #tpu.memory_space<vmem>>, vector<1x1x16xf32>,
        %get3A_521 = arith.constant 1 : i32
        %get3A_522 = arith.index_cast %get3A_521 : i32 to index
        %get3A_523 = arith.index_cast %scan3A_314 : i32 to index
        %get3A_524 = arith.constant 256 : index
        %get3A_525 = tpu.vector_load %arg8[%get3A_522, %get3A_523, %get3A_524] {strides = array<i32>} : memref<4x8x1024xf32, #tpu.memory_space<vmem>>, vector<1x1x16xf32>,
        %get3A_526 = vector.shape_cast %get3A_525 : vector<1x1x16xf32> to vector<16xf32>
        %swap3A_527 = arith.constant 1 : i32
        %swap3A_528 = arith.index_cast %swap3A_527 : i32 to index
        %swap3A_529 = arith.index_cast %scan3A_314 : i32 to index
        %swap3A_530 = arith.constant 256 : index
        %swap3A_531 = tpu.vector_load %arg7[%swap3A_528, %swap3A_529, %swap3A_530] {strides = array<i32>} : memref<4x8x1024xf32, #tpu.memory_space<vmem>>, vector<1x1x16xf32>,
        %swap3A_532 = vector.shape_cast %swap3A_531 : vector<1x1x16xf32> to vector<16xf32>
        %swap3A_533 = vector.shape_cast %get3A_526 : vector<16xf32> to vector<1x1x16xf32>
        tpu.vector_store %arg7[%swap3A_528, %swap3A_529, %swap3A_530], %swap3A_533 {add = true, strides = array<i32>} : memref<4x8x1024xf32, #tpu.memory_space<vmem>>, vector<1x1x16xf32>,
        %get3A_534 = arith.constant 1 : i32
        %get3A_535 = arith.index_cast %get3A_534 : i32 to index
        %get3A_536 = arith.index_cast %scan3A_314 : i32 to index
        %get3A_537 = arith.constant 272 : index
        %get3A_538 = tpu.vector_load %arg8[%get3A_535, %get3A_536, %get3A_537] {strides = array<i32>} : memref<4x8x1024xf32, #tpu.memory_space<vmem>>, vector<1x1x16xf32>,
        %get3A_539 = vector.shape_cast %get3A_538 : vector<1x1x16xf32> to vector<16xf32>
        %swap3A_540 = arith.constant 1 : i32
        %swap3A_541 = arith.index_cast %swap3A_540 : i32 to index
        %swap3A_542 = arith.index_cast %scan3A_314 : i32 to index
        %swap3A_543 = arith.constant 272 : index
        %swap3A_544 = tpu.vector_load %arg7[%swap3A_541, %swap3A_542, %swap3A_543] {strides = array<i32>} : memref<4x8x1024xf32, #tpu.memory_space<vmem>>, vector<1x1x16xf32>,
        %swap3A_545 = vector.shape_cast %swap3A_544 : vector<1x1x16xf32> to vector<16xf32>
        %swap3A_546 = vector.shape_cast %get3A_539 : vector<16xf32> to vector<1x1x16xf32>
        tpu.vector_store %arg7[%swap3A_541, %swap3A_542, %swap3A_543], %swap3A_546 {add = true, strides = array<i32>} : memref<4x8x1024xf32, #tpu.memory_space<vmem>>, vector<1x1x16xf32>,
        %get3A_547 = arith.constant 1 : i32
        %get3A_548 = arith.index_cast %get3A_547 : i32 to index
        %get3A_549 = arith.index_cast %scan3A_314 : i32 to index
        %get3A_550 = arith.constant 288 : index
        %get3A_551 = tpu.vector_load %arg8[%get3A_548, %get3A_549, %get3A_550] {strides = array<i32>} : memref<4x8x1024xf32, #tpu.memory_space<vmem>>, vector<1x1x16xf32>,
        %get3A_552 = vector.shape_cast %get3A_551 : vector<1x1x16xf32> to vector<16xf32>
        %swap3A_553 = arith.constant 1 : i32
        %swap3A_554 = arith.index_cast %swap3A_553 : i32 to index
        %swap3A_555 = arith.index_cast %scan3A_314 : i32 to index
        %swap3A_556 = arith.constant 288 : index
        %swap3A_557 = tpu.vector_load %arg7[%swap3A_554, %swap3A_555, %swap3A_556] {strides = array<i32>} : memref<4x8x1024xf32, #tpu.memory_space<vmem>>, vector<1x1x16xf32>,
        %swap3A_558 = vector.shape_cast %swap3A_557 : vector<1x1x16xf32> to vector<16xf32>
        %swap3A_559 = vector.shape_cast %get3A_552 : vector<16xf32> to vector<1x1x16xf32>
        tpu.vector_store %arg7[%swap3A_554, %swap3A_555, %swap3A_556], %swap3A_559 {add = true, strides = array<i32>} : memref<4x8x1024xf32, #tpu.memory_space<vmem>>, vector<1x1x16xf32>,
        %get3A_560 = arith.constant 1 : i32
        %get3A_561 = arith.index_cast %get3A_560 : i32 to index
        %get3A_562 = arith.index_cast %scan3A_314 : i32 to index
        %get3A_563 = arith.constant 304 : index
        %get3A_564 = tpu.vector_load %arg8[%get3A_561, %get3A_562, %get3A_563] {strides = array<i32>} : memref<4x8x1024xf32, #tpu.memory_space<vmem>>, vector<1x1x16xf32>,
        %get3A_565 = vector.shape_cast %get3A_564 : vector<1x1x16xf32> to vector<16xf32>
        %swap3A_566 = arith.constant 1 : i32
        %swap3A_567 = arith.index_cast %swap3A_566 : i32 to index
        %swap3A_568 = arith.index_cast %scan3A_314 : i32 to index
        %swap3A_569 = arith.constant 304 : index
        %swap3A_570 = tpu.vector_load %arg7[%swap3A_567, %swap3A_568, %swap3A_569] {strides = array<i32>} : memref<4x8x1024xf32, #tpu.memory_space<vmem>>, vector<1x1x16xf32>,
        %swap3A_571 = vector.shape_cast %swap3A_570 : vector<1x1x16xf32> to vector<16xf32>
        %swap3A_572 = vector.shape_cast %get3A_565 : vector<16xf32> to vector<1x1x16xf32>
        tpu.vector_store %arg7[%swap3A_567, %swap3A_568, %swap3A_569], %swap3A_572 {add = true, strides = array<i32>} : memref<4x8x1024xf32, #tpu.memory_space<vmem>>, vector<1x1x16xf32>,
        %get3A_573 = arith.constant 1 : i32
        %get3A_574 = arith.index_cast %get3A_573 : i32 to index
        %get3A_575 = arith.index_cast %scan3A_314 : i32 to index
        %get3A_576 = arith.constant 320 : index
        %get3A_577 = tpu.vector_load %arg8[%get3A_574, %get3A_575, %get3A_576] {strides = array<i32>} : memref<4x8x1024xf32, #tpu.memory_space<vmem>>, vector<1x1x16xf32>,
        %get3A_578 = vector.shape_cast %get3A_577 : vector<1x1x16xf32> to vector<16xf32>
        %swap3A_579 = arith.constant 1 : i32
        %swap3A_580 = arith.index_cast %swap3A_579 : i32 to index
        %swap3A_581 = arith.index_cast %scan3A_314 : i32 to index
        %swap3A_582 = arith.constant 320 : index
        %swap3A_583 = tpu.vector_load %arg7[%swap3A_580, %swap3A_581, %swap3A_582] {strides = array<i32>} : memref<4x8x1024xf32, #tpu.memory_space<vmem>>, vector<1x1x16xf32>,
        %swap3A_584 = vector.shape_cast %swap3A_583 : vector<1x1x16xf32> to vector<16xf32>
        %swap3A_585 = vector.shape_cast %get3A_578 : vector<16xf32> to vector<1x1x16xf32>
        tpu.vector_store %arg7[%swap3A_580, %swap3A_581, %swap3A_582], %swap3A_585 {add = true, strides = array<i32>} : memref<4x8x1024xf32, #tpu.memory_space<vmem>>, vector<1x1x16xf32>,
        %get3A_586 = arith.constant 1 : i32
        %get3A_587 = arith.index_cast %get3A_586 : i32 to index
        %get3A_588 = arith.index_cast %scan3A_314 : i32 to index
        %get3A_589 = arith.constant 336 : index
        %get3A_590 = tpu.vector_load %arg8[%get3A_587, %get3A_588, %get3A_589] {strides = array<i32>} : memref<4x8x1024xf32, #tpu.memory_space<vmem>>, vector<1x1x16xf32>,
        %get3A_591 = vector.shape_cast %get3A_590 : vector<1x1x16xf32> to vector<16xf32>
        %swap3A_592 = arith.constant 1 : i32
        %swap3A_593 = arith.index_cast %swap3A_592 : i32 to index
        %swap3A_594 = arith.index_cast %scan3A_314 : i32 to index
        %swap3A_595 = arith.constant 336 : index
        %swap3A_596 = tpu.vector_load %arg7[%swap3A_593, %swap3A_594, %swap3A_595] {strides = array<i32>} : memref<4x8x1024xf32, #tpu.memory_space<vmem>>, vector<1x1x16xf32>,
        %swap3A_597 = vector.shape_cast %swap3A_596 : vector<1x1x16xf32> to vector<16xf32>
        %swap3A_598 = vector.shape_cast %get3A_591 : vector<16xf32> to vector<1x1x16xf32>
        tpu.vector_store %arg7[%swap3A_593, %swap3A_594, %swap3A_595], %swap3A_598 {add = true, strides = array<i32>} : memref<4x8x1024xf32, #tpu.memory_space<vmem>>, vector<1x1x16xf32>,
        %get3A_599 = arith.constant 1 : i32
        %get3A_600 = arith.index_cast %get3A_599 : i32 to index
        %get3A_601 = arith.index_cast %scan3A_314 : i32 to index
        %get3A_602 = arith.constant 352 : index
        %get3A_603 = tpu.vector_load %arg8[%get3A_600, %get3A_601, %get3A_602] {strides = array<i32>} : memref<4x8x1024xf32, #tpu.memory_space<vmem>>, vector<1x1x16xf32>,
        %get3A_604 = vector.shape_cast %get3A_603 : vector<1x1x16xf32> to vector<16xf32>
        %swap3A_605 = arith.constant 1 : i32
        %swap3A_606 = arith.index_cast %swap3A_605 : i32 to index
        %swap3A_607 = arith.index_cast %scan3A_314 : i32 to index
        %swap3A_608 = arith.constant 352 : index
        %swap3A_609 = tpu.vector_load %arg7[%swap3A_606, %swap3A_607, %swap3A_608] {strides = array<i32>} : memref<4x8x1024xf32, #tpu.memory_space<vmem>>, vector<1x1x16xf32>,
        %swap3A_610 = vector.shape_cast %swap3A_609 : vector<1x1x16xf32> to vector<16xf32>
        %swap3A_611 = vector.shape_cast %get3A_604 : vector<16xf32> to vector<1x1x16xf32>
        tpu.vector_store %arg7[%swap3A_606, %swap3A_607, %swap3A_608], %swap3A_611 {add = true, strides = array<i32>} : memref<4x8x1024xf32, #tpu.memory_space<vmem>>, vector<1x1x16xf32>,
        %get3A_612 = arith.constant 1 : i32
        %get3A_613 = arith.index_cast %get3A_612 : i32 to index
        %get3A_614 = arith.index_cast %scan3A_314 : i32 to index
        %get3A_615 = arith.constant 368 : index
        %get3A_616 = tpu.vector_load %arg8[%get3A_613, %get3A_614, %get3A_615] {strides = array<i32>} : memref<4x8x1024xf32, #tpu.memory_space<vmem>>, vector<1x1x16xf32>,
        %get3A_617 = vector.shape_cast %get3A_616 : vector<1x1x16xf32> to vector<16xf32>
        %swap3A_618 = arith.constant 1 : i32
        %swap3A_619 = arith.index_cast %swap3A_618 : i32 to index
        %swap3A_620 = arith.index_cast %scan3A_314 : i32 to index
        %swap3A_621 = arith.constant 368 : index
        %swap3A_622 = tpu.vector_load %arg7[%swap3A_619, %swap3A_620, %swap3A_621] {strides = array<i32>} : memref<4x8x1024xf32, #tpu.memory_space<vmem>>, vector<1x1x16xf32>,
        %swap3A_623 = vector.shape_cast %swap3A_622 : vector<1x1x16xf32> to vector<16xf32>
        %swap3A_624 = vector.shape_cast %get3A_617 : vector<16xf32> to vector<1x1x16xf32>
        tpu.vector_store %arg7[%swap3A_619, %swap3A_620, %swap3A_621], %swap3A_624 {add = true, strides = array<i32>} : memref<4x8x1024xf32, #tpu.memory_space<vmem>>, vector<1x1x16xf32>,
        %get3A_625 = arith.constant 1 : i32
        %get3A_626 = arith.index_cast %get3A_625 : i32 to index
        %get3A_627 = arith.index_cast %scan3A_314 : i32 to index
        %get3A_628 = arith.constant 384 : index
        %get3A_629 = tpu.vector_load %arg8[%get3A_626, %get3A_627, %get3A_628] {strides = array<i32>} : memref<4x8x1024xf32, #tpu.memory_space<vmem>>, vector<1x1x16xf32>,
        %get3A_630 = vector.shape_cast %get3A_629 : vector<1x1x16xf32> to vector<16xf32>
        %swap3A_631 = arith.constant 1 : i32
        %swap3A_632 = arith.index_cast %swap3A_631 : i32 to index
        %swap3A_633 = arith.index_cast %scan3A_314 : i32 to index
        %swap3A_634 = arith.constant 384 : index
        %swap3A_635 = tpu.vector_load %arg7[%swap3A_632, %swap3A_633, %swap3A_634] {strides = array<i32>} : memref<4x8x1024xf32, #tpu.memory_space<vmem>>, vector<1x1x16xf32>,
        %swap3A_636 = vector.shape_cast %swap3A_635 : vector<1x1x16xf32> to vector<16xf32>
        %swap3A_637 = vector.shape_cast %get3A_630 : vector<16xf32> to vector<1x1x16xf32>
        tpu.vector_store %arg7[%swap3A_632, %swap3A_633, %swap3A_634], %swap3A_637 {add = true, strides = array<i32>} : memref<4x8x1024xf32, #tpu.memory_space<vmem>>, vector<1x1x16xf32>,
        %get3A_638 = arith.constant 1 : i32
        %get3A_639 = arith.index_cast %get3A_638 : i32 to index
        %get3A_640 = arith.index_cast %scan3A_314 : i32 to index
        %get3A_641 = arith.constant 400 : index
        %get3A_642 = tpu.vector_load %arg8[%get3A_639, %get3A_640, %get3A_641] {strides = array<i32>} : memref<4x8x1024xf32, #tpu.memory_space<vmem>>, vector<1x1x16xf32>,
        %get3A_643 = vector.shape_cast %get3A_642 : vector<1x1x16xf32> to vector<16xf32>
        %swap3A_644 = arith.constant 1 : i32
        %swap3A_645 = arith.index_cast %swap3A_644 : i32 to index
        %swap3A_646 = arith.index_cast %scan3A_314 : i32 to index
        %swap3A_647 = arith.constant 400 : index
        %swap3A_648 = tpu.vector_load %arg7[%swap3A_645, %swap3A_646, %swap3A_647] {strides = array<i32>} : memref<4x8x1024xf32, #tpu.memory_space<vmem>>, vector<1x1x16xf32>,
        %swap3A_649 = vector.shape_cast %swap3A_648 : vector<1x1x16xf32> to vector<16xf32>
        %swap3A_650 = vector.shape_cast %get3A_643 : vector<16xf32> to vector<1x1x16xf32>
        tpu.vector_store %arg7[%swap3A_645, %swap3A_646, %swap3A_647], %swap3A_650 {add = true, strides = array<i32>} : memref<4x8x1024xf32, #tpu.memory_space<vmem>>, vector<1x1x16xf32>,
        %get3A_651 = arith.constant 1 : i32
        %get3A_652 = arith.index_cast %get3A_651 : i32 to index
        %get3A_653 = arith.index_cast %scan3A_314 : i32 to index
        %get3A_654 = arith.constant 416 : index
        %get3A_655 = tpu.vector_load %arg8[%get3A_652, %get3A_653, %get3A_654] {strides = array<i32>} : memref<4x8x1024xf32, #tpu.memory_space<vmem>>, vector<1x1x16xf32>,
        %get3A_656 = vector.shape_cast %get3A_655 : vector<1x1x16xf32> to vector<16xf32>
        %swap3A_657 = arith.constant 1 : i32
        %swap3A_658 = arith.index_cast %swap3A_657 : i32 to index
        %swap3A_659 = arith.index_cast %scan3A_314 : i32 to index
        %swap3A_660 = arith.constant 416 : index
        %swap3A_661 = tpu.vector_load %arg7[%swap3A_658, %swap3A_659, %swap3A_660] {strides = array<i32>} : memref<4x8x1024xf32, #tpu.memory_space<vmem>>, vector<1x1x16xf32>,
        %swap3A_662 = vector.shape_cast %swap3A_661 : vector<1x1x16xf32> to vector<16xf32>
        %swap3A_663 = vector.shape_cast %get3A_656 : vector<16xf32> to vector<1x1x16xf32>
        tpu.vector_store %arg7[%swap3A_658, %swap3A_659, %swap3A_660], %swap3A_663 {add = true, strides = array<i32>} : memref<4x8x1024xf32, #tpu.memory_space<vmem>>, vector<1x1x16xf32>,
        %get3A_664 = arith.constant 1 : i32
        %get3A_665 = arith.index_cast %get3A_664 : i32 to index
        %get3A_666 = arith.index_cast %scan3A_314 : i32 to index
        %get3A_667 = arith.constant 432 : index
        %get3A_668 = tpu.vector_load %arg8[%get3A_665, %get3A_666, %get3A_667] {strides = array<i32>} : memref<4x8x1024xf32, #tpu.memory_space<vmem>>, vector<1x1x16xf32>,
        %get3A_669 = vector.shape_cast %get3A_668 : vector<1x1x16xf32> to vector<16xf32>
        %swap3A_670 = arith.constant 1 : i32
        %swap3A_671 = arith.index_cast %swap3A_670 : i32 to index
        %swap3A_672 = arith.index_cast %scan3A_314 : i32 to index
        %swap3A_673 = arith.constant 432 : index
        %swap3A_674 = tpu.vector_load %arg7[%swap3A_671, %swap3A_672, %swap3A_673] {strides = array<i32>} : memref<4x8x1024xf32, #tpu.memory_space<vmem>>, vector<1x1x16xf32>,
        %swap3A_675 = vector.shape_cast %swap3A_674 : vector<1x1x16xf32> to vector<16xf32>
        %swap3A_676 = vector.shape_cast %get3A_669 : vector<16xf32> to vector<1x1x16xf32>
        tpu.vector_store %arg7[%swap3A_671, %swap3A_672, %swap3A_673], %swap3A_676 {add = true, strides = array<i32>} : memref<4x8x1024xf32, #tpu.memory_space<vmem>>, vector<1x1x16xf32>,
        %get3A_677 = arith.constant 1 : i32
        %get3A_678 = arith.index_cast %get3A_677 : i32 to index
        %get3A_679 = arith.index_cast %scan3A_314 : i32 to index
        %get3A_680 = arith.constant 448 : index
        %get3A_681 = tpu.vector_load %arg8[%get3A_678, %get3A_679, %get3A_680] {strides = array<i32>} : memref<4x8x1024xf32, #tpu.memory_space<vmem>>, vector<1x1x16xf32>,
        %get3A_682 = vector.shape_cast %get3A_681 : vector<1x1x16xf32> to vector<16xf32>
        %swap3A_683 = arith.constant 1 : i32
        %swap3A_684 = arith.index_cast %swap3A_683 : i32 to index
        %swap3A_685 = arith.index_cast %scan3A_314 : i32 to index
        %swap3A_686 = arith.constant 448 : index
        %swap3A_687 = tpu.vector_load %arg7[%swap3A_684, %swap3A_685, %swap3A_686] {strides = array<i32>} : memref<4x8x1024xf32, #tpu.memory_space<vmem>>, vector<1x1x16xf32>,
        %swap3A_688 = vector.shape_cast %swap3A_687 : vector<1x1x16xf32> to vector<16xf32>
        %swap3A_689 = vector.shape_cast %get3A_682 : vector<16xf32> to vector<1x1x16xf32>
        tpu.vector_store %arg7[%swap3A_684, %swap3A_685, %swap3A_686], %swap3A_689 {add = true, strides = array<i32>} : memref<4x8x1024xf32, #tpu.memory_space<vmem>>, vector<1x1x16xf32>,
        %get3A_690 = arith.constant 1 : i32
        %get3A_691 = arith.index_cast %get3A_690 : i32 to index
        %get3A_692 = arith.index_cast %scan3A_314 : i32 to index
        %get3A_693 = arith.constant 464 : index
        %get3A_694 = tpu.vector_load %arg8[%get3A_691, %get3A_692, %get3A_693] {strides = array<i32>} : memref<4x8x1024xf32, #tpu.memory_space<vmem>>, vector<1x1x16xf32>,
        %get3A_695 = vector.shape_cast %get3A_694 : vector<1x1x16xf32> to vector<16xf32>
        %swap3A_696 = arith.constant 1 : i32
        %swap3A_697 = arith.index_cast %swap3A_696 : i32 to index
        %swap3A_698 = arith.index_cast %scan3A_314 : i32 to index
        %swap3A_699 = arith.constant 464 : index
        %swap3A_700 = tpu.vector_load %arg7[%swap3A_697, %swap3A_698, %swap3A_699] {strides = array<i32>} : memref<4x8x1024xf32, #tpu.memory_space<vmem>>, vector<1x1x16xf32>,
        %swap3A_701 = vector.shape_cast %swap3A_700 : vector<1x1x16xf32> to vector<16xf32>
        %swap3A_702 = vector.shape_cast %get3A_695 : vector<16xf32> to vector<1x1x16xf32>
        tpu.vector_store %arg7[%swap3A_697, %swap3A_698, %swap3A_699], %swap3A_702 {add = true, strides = array<i32>} : memref<4x8x1024xf32, #tpu.memory_space<vmem>>, vector<1x1x16xf32>,
        %get3A_703 = arith.constant 1 : i32
        %get3A_704 = arith.index_cast %get3A_703 : i32 to index
        %get3A_705 = arith.index_cast %scan3A_314 : i32 to index
        %get3A_706 = arith.constant 480 : index
        %get3A_707 = tpu.vector_load %arg8[%get3A_704, %get3A_705, %get3A_706] {strides = array<i32>} : memref<4x8x1024xf32, #tpu.memory_space<vmem>>, vector<1x1x16xf32>,
        %get3A_708 = vector.shape_cast %get3A_707 : vector<1x1x16xf32> to vector<16xf32>
        %swap3A_709 = arith.constant 1 : i32
        %swap3A_710 = arith.index_cast %swap3A_709 : i32 to index
        %swap3A_711 = arith.index_cast %scan3A_314 : i32 to index
        %swap3A_712 = arith.constant 480 : index
        %swap3A_713 = tpu.vector_load %arg7[%swap3A_710, %swap3A_711, %swap3A_712] {strides = array<i32>} : memref<4x8x1024xf32, #tpu.memory_space<vmem>>, vector<1x1x16xf32>,
        %swap3A_714 = vector.shape_cast %swap3A_713 : vector<1x1x16xf32> to vector<16xf32>
        %swap3A_715 = vector.shape_cast %get3A_708 : vector<16xf32> to vector<1x1x16xf32>
        tpu.vector_store %arg7[%swap3A_710, %swap3A_711, %swap3A_712], %swap3A_715 {add = true, strides = array<i32>} : memref<4x8x1024xf32, #tpu.memory_space<vmem>>, vector<1x1x16xf32>,
        %get3A_716 = arith.constant 1 : i32
        %get3A_717 = arith.index_cast %get3A_716 : i32 to index
        %get3A_718 = arith.index_cast %scan3A_314 : i32 to index
        %get3A_719 = arith.constant 496 : index
        %get3A_720 = tpu.vector_load %arg8[%get3A_717, %get3A_718, %get3A_719] {strides = array<i32>} : memref<4x8x1024xf32, #tpu.memory_space<vmem>>, vector<1x1x16xf32>,
        %get3A_721 = vector.shape_cast %get3A_720 : vector<1x1x16xf32> to vector<16xf32>
        %swap3A_722 = arith.constant 1 : i32
        %swap3A_723 = arith.index_cast %swap3A_722 : i32 to index
        %swap3A_724 = arith.index_cast %scan3A_314 : i32 to index
        %swap3A_725 = arith.constant 496 : index
        %swap3A_726 = tpu.vector_load %arg7[%swap3A_723, %swap3A_724, %swap3A_725] {strides = array<i32>} : memref<4x8x1024xf32, #tpu.memory_space<vmem>>, vector<1x1x16xf32>,
        %swap3A_727 = vector.shape_cast %swap3A_726 : vector<1x1x16xf32> to vector<16xf32>
        %swap3A_728 = vector.shape_cast %get3A_721 : vector<16xf32> to vector<1x1x16xf32>
        tpu.vector_store %arg7[%swap3A_723, %swap3A_724, %swap3A_725], %swap3A_728 {add = true, strides = array<i32>} : memref<4x8x1024xf32, #tpu.memory_space<vmem>>, vector<1x1x16xf32>,
        %get3A_729 = arith.constant 1 : i32
        %get3A_730 = arith.index_cast %get3A_729 : i32 to index
        %get3A_731 = arith.index_cast %scan3A_314 : i32 to index
        %get3A_732 = arith.constant 512 : index
        %get3A_733 = tpu.vector_load %arg8[%get3A_730, %get3A_731, %get3A_732] {strides = array<i32>} : memref<4x8x1024xf32, #tpu.memory_space<vmem>>, vector<1x1x16xf32>,
        %get3A_734 = vector.shape_cast %get3A_733 : vector<1x1x16xf32> to vector<16xf32>
        %swap3A_735 = arith.constant 1 : i32
        %swap3A_736 = arith.index_cast %swap3A_735 : i32 to index
        %swap3A_737 = arith.index_cast %scan3A_314 : i32 to index
        %swap3A_738 = arith.constant 512 : index
        %swap3A_739 = tpu.vector_load %arg7[%swap3A_736, %swap3A_737, %swap3A_738] {strides = array<i32>} : memref<4x8x1024xf32, #tpu.memory_space<vmem>>, vector<1x1x16xf32>,
        %swap3A_740 = vector.shape_cast %swap3A_739 : vector<1x1x16xf32> to vector<16xf32>
        %swap3A_741 = vector.shape_cast %get3A_734 : vector<16xf32> to vector<1x1x16xf32>
        tpu.vector_store %arg7[%swap3A_736, %swap3A_737, %swap3A_738], %swap3A_741 {add = true, strides = array<i32>} : memref<4x8x1024xf32, #tpu.memory_space<vmem>>, vector<1x1x16xf32>,
        %get3A_742 = arith.constant 1 : i32
        %get3A_743 = arith.index_cast %get3A_742 : i32 to index
        %get3A_744 = arith.index_cast %scan3A_314 : i32 to index
        %get3A_745 = arith.constant 528 : index
        %get3A_746 = tpu.vector_load %arg8[%get3A_743, %get3A_744, %get3A_745] {strides = array<i32>} : memref<4x8x1024xf32, #tpu.memory_space<vmem>>, vector<1x1x16xf32>,
        %get3A_747 = vector.shape_cast %get3A_746 : vector<1x1x16xf32> to vector<16xf32>
        %swap3A_748 = arith.constant 1 : i32
        %swap3A_749 = arith.index_cast %swap3A_748 : i32 to index
        %swap3A_750 = arith.index_cast %scan3A_314 : i32 to index
        %swap3A_751 = arith.constant 528 : index
        %swap3A_752 = tpu.vector_load %arg7[%swap3A_749, %swap3A_750, %swap3A_751] {strides = array<i32>} : memref<4x8x1024xf32, #tpu.memory_space<vmem>>, vector<1x1x16xf32>,
        %swap3A_753 = vector.shape_cast %swap3A_752 : vector<1x1x16xf32> to vector<16xf32>
        %swap3A_754 = vector.shape_cast %get3A_747 : vector<16xf32> to vector<1x1x16xf32>
        tpu.vector_store %arg7[%swap3A_749, %swap3A_750, %swap3A_751], %swap3A_754 {add = true, strides = array<i32>} : memref<4x8x1024xf32, #tpu.memory_space<vmem>>, vector<1x1x16xf32>,
        %get3A_755 = arith.constant 1 : i32
        %get3A_756 = arith.index_cast %get3A_755 : i32 to index
        %get3A_757 = arith.index_cast %scan3A_314 : i32 to index
        %get3A_758 = arith.constant 544 : index
        %get3A_759 = tpu.vector_load %arg8[%get3A_756, %get3A_757, %get3A_758] {strides = array<i32>} : memref<4x8x1024xf32, #tpu.memory_space<vmem>>, vector<1x1x16xf32>,
        %get3A_760 = vector.shape_cast %get3A_759 : vector<1x1x16xf32> to vector<16xf32>
        %swap3A_761 = arith.constant 1 : i32
        %swap3A_762 = arith.index_cast %swap3A_761 : i32 to index
        %swap3A_763 = arith.index_cast %scan3A_314 : i32 to index
        %swap3A_764 = arith.constant 544 : index
        %swap3A_765 = tpu.vector_load %arg7[%swap3A_762, %swap3A_763, %swap3A_764] {strides = array<i32>} : memref<4x8x1024xf32, #tpu.memory_space<vmem>>, vector<1x1x16xf32>,
        %swap3A_766 = vector.shape_cast %swap3A_765 : vector<1x1x16xf32> to vector<16xf32>
        %swap3A_767 = vector.shape_cast %get3A_760 : vector<16xf32> to vector<1x1x16xf32>
        tpu.vector_store %arg7[%swap3A_762, %swap3A_763, %swap3A_764], %swap3A_767 {add = true, strides = array<i32>} : memref<4x8x1024xf32, #tpu.memory_space<vmem>>, vector<1x1x16xf32>,
        %get3A_768 = arith.constant 1 : i32
        %get3A_769 = arith.index_cast %get3A_768 : i32 to index
        %get3A_770 = arith.index_cast %scan3A_314 : i32 to index
        %get3A_771 = arith.constant 560 : index
        %get3A_772 = tpu.vector_load %arg8[%get3A_769, %get3A_770, %get3A_771] {strides = array<i32>} : memref<4x8x1024xf32, #tpu.memory_space<vmem>>, vector<1x1x16xf32>,
        %get3A_773 = vector.shape_cast %get3A_772 : vector<1x1x16xf32> to vector<16xf32>
        %swap3A_774 = arith.constant 1 : i32
        %swap3A_775 = arith.index_cast %swap3A_774 : i32 to index
        %swap3A_776 = arith.index_cast %scan3A_314 : i32 to index
        %swap3A_777 = arith.constant 560 : index
        %swap3A_778 = tpu.vector_load %arg7[%swap3A_775, %swap3A_776, %swap3A_777] {strides = array<i32>} : memref<4x8x1024xf32, #tpu.memory_space<vmem>>, vector<1x1x16xf32>,
        %swap3A_779 = vector.shape_cast %swap3A_778 : vector<1x1x16xf32> to vector<16xf32>
        %swap3A_780 = vector.shape_cast %get3A_773 : vector<16xf32> to vector<1x1x16xf32>
        tpu.vector_store %arg7[%swap3A_775, %swap3A_776, %swap3A_777], %swap3A_780 {add = true, strides = array<i32>} : memref<4x8x1024xf32, #tpu.memory_space<vmem>>, vector<1x1x16xf32>,
        %get3A_781 = arith.constant 1 : i32
        %get3A_782 = arith.index_cast %get3A_781 : i32 to index
        %get3A_783 = arith.index_cast %scan3A_314 : i32 to index
        %get3A_784 = arith.constant 576 : index
        %get3A_785 = tpu.vector_load %arg8[%get3A_782, %get3A_783, %get3A_784] {strides = array<i32>} : memref<4x8x1024xf32, #tpu.memory_space<vmem>>, vector<1x1x16xf32>,
        %get3A_786 = vector.shape_cast %get3A_785 : vector<1x1x16xf32> to vector<16xf32>
        %swap3A_787 = arith.constant 1 : i32
        %swap3A_788 = arith.index_cast %swap3A_787 : i32 to index
        %swap3A_789 = arith.index_cast %scan3A_314 : i32 to index
        %swap3A_790 = arith.constant 576 : index
        %swap3A_791 = tpu.vector_load %arg7[%swap3A_788, %swap3A_789, %swap3A_790] {strides = array<i32>} : memref<4x8x1024xf32, #tpu.memory_space<vmem>>, vector<1x1x16xf32>,
        %swap3A_792 = vector.shape_cast %swap3A_791 : vector<1x1x16xf32> to vector<16xf32>
        %swap3A_793 = vector.shape_cast %get3A_786 : vector<16xf32> to vector<1x1x16xf32>
        tpu.vector_store %arg7[%swap3A_788, %swap3A_789, %swap3A_790], %swap3A_793 {add = true, strides = array<i32>} : memref<4x8x1024xf32, #tpu.memory_space<vmem>>, vector<1x1x16xf32>,
        %get3A_794 = arith.constant 1 : i32
        %get3A_795 = arith.index_cast %get3A_794 : i32 to index
        %get3A_796 = arith.index_cast %scan3A_314 : i32 to index
        %get3A_797 = arith.constant 592 : index
        %get3A_798 = tpu.vector_load %arg8[%get3A_795, %get3A_796, %get3A_797] {strides = array<i32>} : memref<4x8x1024xf32, #tpu.memory_space<vmem>>, vector<1x1x16xf32>,
        %get3A_799 = vector.shape_cast %get3A_798 : vector<1x1x16xf32> to vector<16xf32>
        %swap3A_800 = arith.constant 1 : i32
        %swap3A_801 = arith.index_cast %swap3A_800 : i32 to index
        %swap3A_802 = arith.index_cast %scan3A_314 : i32 to index
        %swap3A_803 = arith.constant 592 : index
        %swap3A_804 = tpu.vector_load %arg7[%swap3A_801, %swap3A_802, %swap3A_803] {strides = array<i32>} : memref<4x8x1024xf32, #tpu.memory_space<vmem>>, vector<1x1x16xf32>,
        %swap3A_805 = vector.shape_cast %swap3A_804 : vector<1x1x16xf32> to vector<16xf32>
        %swap3A_806 = vector.shape_cast %get3A_799 : vector<16xf32> to vector<1x1x16xf32>
        tpu.vector_store %arg7[%swap3A_801, %swap3A_802, %swap3A_803], %swap3A_806 {add = true, strides = array<i32>} : memref<4x8x1024xf32, #tpu.memory_space<vmem>>, vector<1x1x16xf32>,
        %get3A_807 = arith.constant 1 : i32
        %get3A_808 = arith.index_cast %get3A_807 : i32 to index
        %get3A_809 = arith.index_cast %scan3A_314 : i32 to index
        %get3A_810 = arith.constant 608 : index
        %get3A_811 = tpu.vector_load %arg8[%get3A_808, %get3A_809, %get3A_810] {strides = array<i32>} : memref<4x8x1024xf32, #tpu.memory_space<vmem>>, vector<1x1x16xf32>,
        %get3A_812 = vector.shape_cast %get3A_811 : vector<1x1x16xf32> to vector<16xf32>
        %swap3A_813 = arith.constant 1 : i32
        %swap3A_814 = arith.index_cast %swap3A_813 : i32 to index
        %swap3A_815 = arith.index_cast %scan3A_314 : i32 to index
        %swap3A_816 = arith.constant 608 : index
        %swap3A_817 = tpu.vector_load %arg7[%swap3A_814, %swap3A_815, %swap3A_816] {strides = array<i32>} : memref<4x8x1024xf32, #tpu.memory_space<vmem>>, vector<1x1x16xf32>,
        %swap3A_818 = vector.shape_cast %swap3A_817 : vector<1x1x16xf32> to vector<16xf32>
        %swap3A_819 = vector.shape_cast %get3A_812 : vector<16xf32> to vector<1x1x16xf32>
        tpu.vector_store %arg7[%swap3A_814, %swap3A_815, %swap3A_816], %swap3A_819 {add = true, strides = array<i32>} : memref<4x8x1024xf32, #tpu.memory_space<vmem>>, vector<1x1x16xf32>,
        %get3A_820 = arith.constant 1 : i32
        %get3A_821 = arith.index_cast %get3A_820 : i32 to index
        %get3A_822 = arith.index_cast %scan3A_314 : i32 to index
        %get3A_823 = arith.constant 624 : index
        %get3A_824 = tpu.vector_load %arg8[%get3A_821, %get3A_822, %get3A_823] {strides = array<i32>} : memref<4x8x1024xf32, #tpu.memory_space<vmem>>, vector<1x1x16xf32>,
        %get3A_825 = vector.shape_cast %get3A_824 : vector<1x1x16xf32> to vector<16xf32>
        %swap3A_826 = arith.constant 1 : i32
        %swap3A_827 = arith.index_cast %swap3A_826 : i32 to index
        %swap3A_828 = arith.index_cast %scan3A_314 : i32 to index
        %swap3A_829 = arith.constant 624 : index
        %swap3A_830 = tpu.vector_load %arg7[%swap3A_827, %swap3A_828, %swap3A_829] {strides = array<i32>} : memref<4x8x1024xf32, #tpu.memory_space<vmem>>, vector<1x1x16xf32>,
        %swap3A_831 = vector.shape_cast %swap3A_830 : vector<1x1x16xf32> to vector<16xf32>
        %swap3A_832 = vector.shape_cast %get3A_825 : vector<16xf32> to vector<1x1x16xf32>
        tpu.vector_store %arg7[%swap3A_827, %swap3A_828, %swap3A_829], %swap3A_832 {add = true, strides = array<i32>} : memref<4x8x1024xf32, #tpu.memory_space<vmem>>, vector<1x1x16xf32>,
        %get3A_833 = arith.constant 1 : i32
        %get3A_834 = arith.index_cast %get3A_833 : i32 to index
        %get3A_835 = arith.index_cast %scan3A_314 : i32 to index
        %get3A_836 = arith.constant 640 : index
        %get3A_837 = tpu.vector_load %arg8[%get3A_834, %get3A_835, %get3A_836] {strides = array<i32>} : memref<4x8x1024xf32, #tpu.memory_space<vmem>>, vector<1x1x16xf32>,
        %get3A_838 = vector.shape_cast %get3A_837 : vector<1x1x16xf32> to vector<16xf32>
        %swap3A_839 = arith.constant 1 : i32
        %swap3A_840 = arith.index_cast %swap3A_839 : i32 to index
        %swap3A_841 = arith.index_cast %scan3A_314 : i32 to index
        %swap3A_842 = arith.constant 640 : index
        %swap3A_843 = tpu.vector_load %arg7[%swap3A_840, %swap3A_841, %swap3A_842] {strides = array<i32>} : memref<4x8x1024xf32, #tpu.memory_space<vmem>>, vector<1x1x16xf32>,
        %swap3A_844 = vector.shape_cast %swap3A_843 : vector<1x1x16xf32> to vector<16xf32>
        %swap3A_845 = vector.shape_cast %get3A_838 : vector<16xf32> to vector<1x1x16xf32>
        tpu.vector_store %arg7[%swap3A_840, %swap3A_841, %swap3A_842], %swap3A_845 {add = true, strides = array<i32>} : memref<4x8x1024xf32, #tpu.memory_space<vmem>>, vector<1x1x16xf32>,
        %get3A_846 = arith.constant 1 : i32
        %get3A_847 = arith.index_cast %get3A_846 : i32 to index
        %get3A_848 = arith.index_cast %scan3A_314 : i32 to index
        %get3A_849 = arith.constant 656 : index
        %get3A_850 = tpu.vector_load %arg8[%get3A_847, %get3A_848, %get3A_849] {strides = array<i32>} : memref<4x8x1024xf32, #tpu.memory_space<vmem>>, vector<1x1x16xf32>,
        %get3A_851 = vector.shape_cast %get3A_850 : vector<1x1x16xf32> to vector<16xf32>
        %swap3A_852 = arith.constant 1 : i32
        %swap3A_853 = arith.index_cast %swap3A_852 : i32 to index
        %swap3A_854 = arith.index_cast %scan3A_314 : i32 to index
        %swap3A_855 = arith.constant 656 : index
        %swap3A_856 = tpu.vector_load %arg7[%swap3A_853, %swap3A_854, %swap3A_855] {strides = array<i32>} : memref<4x8x1024xf32, #tpu.memory_space<vmem>>, vector<1x1x16xf32>,
        %swap3A_857 = vector.shape_cast %swap3A_856 : vector<1x1x16xf32> to vector<16xf32>
        %swap3A_858 = vector.shape_cast %get3A_851 : vector<16xf32> to vector<1x1x16xf32>
        tpu.vector_store %arg7[%swap3A_853, %swap3A_854, %swap3A_855], %swap3A_858 {add = true, strides = array<i32>} : memref<4x8x1024xf32, #tpu.memory_space<vmem>>, vector<1x1x16xf32>,
        %get3A_859 = arith.constant 1 : i32
        %get3A_860 = arith.index_cast %get3A_859 : i32 to index
        %get3A_861 = arith.index_cast %scan3A_314 : i32 to index
        %get3A_862 = arith.constant 672 : index
        %get3A_863 = tpu.vector_load %arg8[%get3A_860, %get3A_861, %get3A_862] {strides = array<i32>} : memref<4x8x1024xf32, #tpu.memory_space<vmem>>, vector<1x1x16xf32>,
        %get3A_864 = vector.shape_cast %get3A_863 : vector<1x1x16xf32> to vector<16xf32>
        %swap3A_865 = arith.constant 1 : i32
        %swap3A_866 = arith.index_cast %swap3A_865 : i32 to index
        %swap3A_867 = arith.index_cast %scan3A_314 : i32 to index
        %swap3A_868 = arith.constant 672 : index
        %swap3A_869 = tpu.vector_load %arg7[%swap3A_866, %swap3A_867, %swap3A_868] {strides = array<i32>} : memref<4x8x1024xf32, #tpu.memory_space<vmem>>, vector<1x1x16xf32>,
        %swap3A_870 = vector.shape_cast %swap3A_869 : vector<1x1x16xf32> to vector<16xf32>
        %swap3A_871 = vector.shape_cast %get3A_864 : vector<16xf32> to vector<1x1x16xf32>
        tpu.vector_store %arg7[%swap3A_866, %swap3A_867, %swap3A_868], %swap3A_871 {add = true, strides = array<i32>} : memref<4x8x1024xf32, #tpu.memory_space<vmem>>, vector<1x1x16xf32>,
        %get3A_872 = arith.constant 1 : i32
        %get3A_873 = arith.index_cast %get3A_872 : i32 to index
        %get3A_874 = arith.index_cast %scan3A_314 : i32 to index
        %get3A_875 = arith.constant 688 : index
        %get3A_876 = tpu.vector_load %arg8[%get3A_873, %get3A_874, %get3A_875] {strides = array<i32>} : memref<4x8x1024xf32, #tpu.memory_space<vmem>>, vector<1x1x16xf32>,
        %get3A_877 = vector.shape_cast %get3A_876 : vector<1x1x16xf32> to vector<16xf32>
        %swap3A_878 = arith.constant 1 : i32
        %swap3A_879 = arith.index_cast %swap3A_878 : i32 to index
        %swap3A_880 = arith.index_cast %scan3A_314 : i32 to index
        %swap3A_881 = arith.constant 688 : index
        %swap3A_882 = tpu.vector_load %arg7[%swap3A_879, %swap3A_880, %swap3A_881] {strides = array<i32>} : memref<4x8x1024xf32, #tpu.memory_space<vmem>>, vector<1x1x16xf32>,
        %swap3A_883 = vector.shape_cast %swap3A_882 : vector<1x1x16xf32> to vector<16xf32>
        %swap3A_884 = vector.shape_cast %get3A_877 : vector<16xf32> to vector<1x1x16xf32>
        tpu.vector_store %arg7[%swap3A_879, %swap3A_880, %swap3A_881], %swap3A_884 {add = true, strides = array<i32>} : memref<4x8x1024xf32, #tpu.memory_space<vmem>>, vector<1x1x16xf32>,
        %get3A_885 = arith.constant 1 : i32
        %get3A_886 = arith.index_cast %get3A_885 : i32 to index
        %get3A_887 = arith.index_cast %scan3A_314 : i32 to index
        %get3A_888 = arith.constant 704 : index
        %get3A_889 = tpu.vector_load %arg8[%get3A_886, %get3A_887, %get3A_888] {strides = array<i32>} : memref<4x8x1024xf32, #tpu.memory_space<vmem>>, vector<1x1x16xf32>,
        %get3A_890 = vector.shape_cast %get3A_889 : vector<1x1x16xf32> to vector<16xf32>
        %swap3A_891 = arith.constant 1 : i32
        %swap3A_892 = arith.index_cast %swap3A_891 : i32 to index
        %swap3A_893 = arith.index_cast %scan3A_314 : i32 to index
        %swap3A_894 = arith.constant 704 : index
        %swap3A_895 = tpu.vector_load %arg7[%swap3A_892, %swap3A_893, %swap3A_894] {strides = array<i32>} : memref<4x8x1024xf32, #tpu.memory_space<vmem>>, vector<1x1x16xf32>,
        %swap3A_896 = vector.shape_cast %swap3A_895 : vector<1x1x16xf32> to vector<16xf32>
        %swap3A_897 = vector.shape_cast %get3A_890 : vector<16xf32> to vector<1x1x16xf32>
        tpu.vector_store %arg7[%swap3A_892, %swap3A_893, %swap3A_894], %swap3A_897 {add = true, strides = array<i32>} : memref<4x8x1024xf32, #tpu.memory_space<vmem>>, vector<1x1x16xf32>,
        %get3A_898 = arith.constant 1 : i32
        %get3A_899 = arith.index_cast %get3A_898 : i32 to index
        %get3A_900 = arith.index_cast %scan3A_314 : i32 to index
        %get3A_901 = arith.constant 720 : index
        %get3A_902 = tpu.vector_load %arg8[%get3A_899, %get3A_900, %get3A_901] {strides = array<i32>} : memref<4x8x1024xf32, #tpu.memory_space<vmem>>, vector<1x1x16xf32>,
        %get3A_903 = vector.shape_cast %get3A_902 : vector<1x1x16xf32> to vector<16xf32>
        %swap3A_904 = arith.constant 1 : i32
        %swap3A_905 = arith.index_cast %swap3A_904 : i32 to index
        %swap3A_906 = arith.index_cast %scan3A_314 : i32 to index
        %swap3A_907 = arith.constant 720 : index
        %swap3A_908 = tpu.vector_load %arg7[%swap3A_905, %swap3A_906, %swap3A_907] {strides = array<i32>} : memref<4x8x1024xf32, #tpu.memory_space<vmem>>, vector<1x1x16xf32>,
        %swap3A_909 = vector.shape_cast %swap3A_908 : vector<1x1x16xf32> to vector<16xf32>
        %swap3A_910 = vector.shape_cast %get3A_903 : vector<16xf32> to vector<1x1x16xf32>
        tpu.vector_store %arg7[%swap3A_905, %swap3A_906, %swap3A_907], %swap3A_910 {add = true, strides = array<i32>} : memref<4x8x1024xf32, #tpu.memory_space<vmem>>, vector<1x1x16xf32>,
        %get3A_911 = arith.constant 1 : i32
        %get3A_912 = arith.index_cast %get3A_911 : i32 to index
        %get3A_913 = arith.index_cast %scan3A_314 : i32 to index
        %get3A_914 = arith.constant 736 : index
        %get3A_915 = tpu.vector_load %arg8[%get3A_912, %get3A_913, %get3A_914] {strides = array<i32>} : memref<4x8x1024xf32, #tpu.memory_space<vmem>>, vector<1x1x16xf32>,
        %get3A_916 = vector.shape_cast %get3A_915 : vector<1x1x16xf32> to vector<16xf32>
        %swap3A_917 = arith.constant 1 : i32
        %swap3A_918 = arith.index_cast %swap3A_917 : i32 to index
        %swap3A_919 = arith.index_cast %scan3A_314 : i32 to index
        %swap3A_920 = arith.constant 736 : index
        %swap3A_921 = tpu.vector_load %arg7[%swap3A_918, %swap3A_919, %swap3A_920] {strides = array<i32>} : memref<4x8x1024xf32, #tpu.memory_space<vmem>>, vector<1x1x16xf32>,
        %swap3A_922 = vector.shape_cast %swap3A_921 : vector<1x1x16xf32> to vector<16xf32>
        %swap3A_923 = vector.shape_cast %get3A_916 : vector<16xf32> to vector<1x1x16xf32>
        tpu.vector_store %arg7[%swap3A_918, %swap3A_919, %swap3A_920], %swap3A_923 {add = true, strides = array<i32>} : memref<4x8x1024xf32, #tpu.memory_space<vmem>>, vector<1x1x16xf32>,
        %get3A_924 = arith.constant 1 : i32
        %get3A_925 = arith.index_cast %get3A_924 : i32 to index
        %get3A_926 = arith.index_cast %scan3A_314 : i32 to index
        %get3A_927 = arith.constant 752 : index
        %get3A_928 = tpu.vector_load %arg8[%get3A_925, %get3A_926, %get3A_927] {strides = array<i32>} : memref<4x8x1024xf32, #tpu.memory_space<vmem>>, vector<1x1x16xf32>,
        %get3A_929 = vector.shape_cast %get3A_928 : vector<1x1x16xf32> to vector<16xf32>
        %swap3A_930 = arith.constant 1 : i32
        %swap3A_931 = arith.index_cast %swap3A_930 : i32 to index
        %swap3A_932 = arith.index_cast %scan3A_314 : i32 to index
        %swap3A_933 = arith.constant 752 : index
        %swap3A_934 = tpu.vector_load %arg7[%swap3A_931, %swap3A_932, %swap3A_933] {strides = array<i32>} : memref<4x8x1024xf32, #tpu.memory_space<vmem>>, vector<1x1x16xf32>,
        %swap3A_935 = vector.shape_cast %swap3A_934 : vector<1x1x16xf32> to vector<16xf32>
        %swap3A_936 = vector.shape_cast %get3A_929 : vector<16xf32> to vector<1x1x16xf32>
        tpu.vector_store %arg7[%swap3A_931, %swap3A_932, %swap3A_933], %swap3A_936 {add = true, strides = array<i32>} : memref<4x8x1024xf32, #tpu.memory_space<vmem>>, vector<1x1x16xf32>,
        %get3A_937 = arith.constant 1 : i32
        %get3A_938 = arith.index_cast %get3A_937 : i32 to index
        %get3A_939 = arith.index_cast %scan3A_314 : i32 to index
        %get3A_940 = arith.constant 768 : index
        %get3A_941 = tpu.vector_load %arg8[%get3A_938, %get3A_939, %get3A_940] {strides = array<i32>} : memref<4x8x1024xf32, #tpu.memory_space<vmem>>, vector<1x1x16xf32>,
        %get3A_942 = vector.shape_cast %get3A_941 : vector<1x1x16xf32> to vector<16xf32>
        %swap3A_943 = arith.constant 1 : i32
        %swap3A_944 = arith.index_cast %swap3A_943 : i32 to index
        %swap3A_945 = arith.index_cast %scan3A_314 : i32 to index
        %swap3A_946 = arith.constant 768 : index
        %swap3A_947 = tpu.vector_load %arg7[%swap3A_944, %swap3A_945, %swap3A_946] {strides = array<i32>} : memref<4x8x1024xf32, #tpu.memory_space<vmem>>, vector<1x1x16xf32>,
        %swap3A_948 = vector.shape_cast %swap3A_947 : vector<1x1x16xf32> to vector<16xf32>
        %swap3A_949 = vector.shape_cast %get3A_942 : vector<16xf32> to vector<1x1x16xf32>
        tpu.vector_store %arg7[%swap3A_944, %swap3A_945, %swap3A_946], %swap3A_949 {add = true, strides = array<i32>} : memref<4x8x1024xf32, #tpu.memory_space<vmem>>, vector<1x1x16xf32>,
        %get3A_950 = arith.constant 1 : i32
        %get3A_951 = arith.index_cast %get3A_950 : i32 to index
        %get3A_952 = arith.index_cast %scan3A_314 : i32 to index
        %get3A_953 = arith.constant 784 : index
        %get3A_954 = tpu.vector_load %arg8[%get3A_951, %get3A_952, %get3A_953] {strides = array<i32>} : memref<4x8x1024xf32, #tpu.memory_space<vmem>>, vector<1x1x16xf32>,
        %get3A_955 = vector.shape_cast %get3A_954 : vector<1x1x16xf32> to vector<16xf32>
        %swap3A_956 = arith.constant 1 : i32
        %swap3A_957 = arith.index_cast %swap3A_956 : i32 to index
        %swap3A_958 = arith.index_cast %scan3A_314 : i32 to index
        %swap3A_959 = arith.constant 784 : index
        %swap3A_960 = tpu.vector_load %arg7[%swap3A_957, %swap3A_958, %swap3A_959] {strides = array<i32>} : memref<4x8x1024xf32, #tpu.memory_space<vmem>>, vector<1x1x16xf32>,
        %swap3A_961 = vector.shape_cast %swap3A_960 : vector<1x1x16xf32> to vector<16xf32>
        %swap3A_962 = vector.shape_cast %get3A_955 : vector<16xf32> to vector<1x1x16xf32>
        tpu.vector_store %arg7[%swap3A_957, %swap3A_958, %swap3A_959], %swap3A_962 {add = true, strides = array<i32>} : memref<4x8x1024xf32, #tpu.memory_space<vmem>>, vector<1x1x16xf32>,
        %get3A_963 = arith.constant 1 : i32
        %get3A_964 = arith.index_cast %get3A_963 : i32 to index
        %get3A_965 = arith.index_cast %scan3A_314 : i32 to index
        %get3A_966 = arith.constant 800 : index
        %get3A_967 = tpu.vector_load %arg8[%get3A_964, %get3A_965, %get3A_966] {strides = array<i32>} : memref<4x8x1024xf32, #tpu.memory_space<vmem>>, vector<1x1x16xf32>,
        %get3A_968 = vector.shape_cast %get3A_967 : vector<1x1x16xf32> to vector<16xf32>
        %swap3A_969 = arith.constant 1 : i32
        %swap3A_970 = arith.index_cast %swap3A_969 : i32 to index
        %swap3A_971 = arith.index_cast %scan3A_314 : i32 to index
        %swap3A_972 = arith.constant 800 : index
        %swap3A_973 = tpu.vector_load %arg7[%swap3A_970, %swap3A_971, %swap3A_972] {strides = array<i32>} : memref<4x8x1024xf32, #tpu.memory_space<vmem>>, vector<1x1x16xf32>,
        %swap3A_974 = vector.shape_cast %swap3A_973 : vector<1x1x16xf32> to vector<16xf32>
        %swap3A_975 = vector.shape_cast %get3A_968 : vector<16xf32> to vector<1x1x16xf32>
        tpu.vector_store %arg7[%swap3A_970, %swap3A_971, %swap3A_972], %swap3A_975 {add = true, strides = array<i32>} : memref<4x8x1024xf32, #tpu.memory_space<vmem>>, vector<1x1x16xf32>,
        %get3A_976 = arith.constant 1 : i32
        %get3A_977 = arith.index_cast %get3A_976 : i32 to index
        %get3A_978 = arith.index_cast %scan3A_314 : i32 to index
        %get3A_979 = arith.constant 816 : index
        %get3A_980 = tpu.vector_load %arg8[%get3A_977, %get3A_978, %get3A_979] {strides = array<i32>} : memref<4x8x1024xf32, #tpu.memory_space<vmem>>, vector<1x1x16xf32>,
        %get3A_981 = vector.shape_cast %get3A_980 : vector<1x1x16xf32> to vector<16xf32>
        %swap3A_982 = arith.constant 1 : i32
        %swap3A_983 = arith.index_cast %swap3A_982 : i32 to index
        %swap3A_984 = arith.index_cast %scan3A_314 : i32 to index
        %swap3A_985 = arith.constant 816 : index
        %swap3A_986 = tpu.vector_load %arg7[%swap3A_983, %swap3A_984, %swap3A_985] {strides = array<i32>} : memref<4x8x1024xf32, #tpu.memory_space<vmem>>, vector<1x1x16xf32>,
        %swap3A_987 = vector.shape_cast %swap3A_986 : vector<1x1x16xf32> to vector<16xf32>
        %swap3A_988 = vector.shape_cast %get3A_981 : vector<16xf32> to vector<1x1x16xf32>
        tpu.vector_store %arg7[%swap3A_983, %swap3A_984, %swap3A_985], %swap3A_988 {add = true, strides = array<i32>} : memref<4x8x1024xf32, #tpu.memory_space<vmem>>, vector<1x1x16xf32>,
        %get3A_989 = arith.constant 1 : i32
        %get3A_990 = arith.index_cast %get3A_989 : i32 to index
        %get3A_991 = arith.index_cast %scan3A_314 : i32 to index
        %get3A_992 = arith.constant 832 : index
        %get3A_993 = tpu.vector_load %arg8[%get3A_990, %get3A_991, %get3A_992] {strides = array<i32>} : memref<4x8x1024xf32, #tpu.memory_space<vmem>>, vector<1x1x16xf32>,
        %get3A_994 = vector.shape_cast %get3A_993 : vector<1x1x16xf32> to vector<16xf32>
        %swap3A_995 = arith.constant 1 : i32
        %swap3A_996 = arith.index_cast %swap3A_995 : i32 to index
        %swap3A_997 = arith.index_cast %scan3A_314 : i32 to index
        %swap3A_998 = arith.constant 832 : index
        %swap3A_999 = tpu.vector_load %arg7[%swap3A_996, %swap3A_997, %swap3A_998] {strides = array<i32>} : memref<4x8x1024xf32, #tpu.memory_space<vmem>>, vector<1x1x16xf32>,
        %swap3A_1000 = vector.shape_cast %swap3A_999 : vector<1x1x16xf32> to vector<16xf32>
        %swap3A_1001 = vector.shape_cast %get3A_994 : vector<16xf32> to vector<1x1x16xf32>
        tpu.vector_store %arg7[%swap3A_996, %swap3A_997, %swap3A_998], %swap3A_1001 {add = true, strides = array<i32>} : memref<4x8x1024xf32, #tpu.memory_space<vmem>>, vector<1x1x16xf32>,
        %get3A_1002 = arith.constant 1 : i32
        %get3A_1003 = arith.index_cast %get3A_1002 : i32 to index
        %get3A_1004 = arith.index_cast %scan3A_314 : i32 to index
        %get3A_1005 = arith.constant 848 : index
        %get3A_1006 = tpu.vector_load %arg8[%get3A_1003, %get3A_1004, %get3A_1005] {strides = array<i32>} : memref<4x8x1024xf32, #tpu.memory_space<vmem>>, vector<1x1x16xf32>,
        %get3A_1007 = vector.shape_cast %get3A_1006 : vector<1x1x16xf32> to vector<16xf32>
        %swap3A_1008 = arith.constant 1 : i32
        %swap3A_1009 = arith.index_cast %swap3A_1008 : i32 to index
        %swap3A_1010 = arith.index_cast %scan3A_314 : i32 to index
        %swap3A_1011 = arith.constant 848 : index
        %swap3A_1012 = tpu.vector_load %arg7[%swap3A_1009, %swap3A_1010, %swap3A_1011] {strides = array<i32>} : memref<4x8x1024xf32, #tpu.memory_space<vmem>>, vector<1x1x16xf32>,
        %swap3A_1013 = vector.shape_cast %swap3A_1012 : vector<1x1x16xf32> to vector<16xf32>
        %swap3A_1014 = vector.shape_cast %get3A_1007 : vector<16xf32> to vector<1x1x16xf32>
        tpu.vector_store %arg7[%swap3A_1009, %swap3A_1010, %swap3A_1011], %swap3A_1014 {add = true, strides = array<i32>} : memref<4x8x1024xf32, #tpu.memory_space<vmem>>, vector<1x1x16xf32>,
        %get3A_1015 = arith.constant 1 : i32
        %get3A_1016 = arith.index_cast %get3A_1015 : i32 to index
        %get3A_1017 = arith.index_cast %scan3A_314 : i32 to index
        %get3A_1018 = arith.constant 864 : index
        %get3A_1019 = tpu.vector_load %arg8[%get3A_1016, %get3A_1017, %get3A_1018] {strides = array<i32>} : memref<4x8x1024xf32, #tpu.memory_space<vmem>>, vector<1x1x16xf32>,
        %get3A_1020 = vector.shape_cast %get3A_1019 : vector<1x1x16xf32> to vector<16xf32>
        %swap3A_1021 = arith.constant 1 : i32
        %swap3A_1022 = arith.index_cast %swap3A_1021 : i32 to index
        %swap3A_1023 = arith.index_cast %scan3A_314 : i32 to index
        %swap3A_1024 = arith.constant 864 : index
        %swap3A_1025 = tpu.vector_load %arg7[%swap3A_1022, %swap3A_1023, %swap3A_1024] {strides = array<i32>} : memref<4x8x1024xf32, #tpu.memory_space<vmem>>, vector<1x1x16xf32>,
        %swap3A_1026 = vector.shape_cast %swap3A_1025 : vector<1x1x16xf32> to vector<16xf32>
        %swap3A_1027 = vector.shape_cast %get3A_1020 : vector<16xf32> to vector<1x1x16xf32>
        tpu.vector_store %arg7[%swap3A_1022, %swap3A_1023, %swap3A_1024], %swap3A_1027 {add = true, strides = array<i32>} : memref<4x8x1024xf32, #tpu.memory_space<vmem>>, vector<1x1x16xf32>,
        %get3A_1028 = arith.constant 1 : i32
        %get3A_1029 = arith.index_cast %get3A_1028 : i32 to index
        %get3A_1030 = arith.index_cast %scan3A_314 : i32 to index
        %get3A_1031 = arith.constant 880 : index
        %get3A_1032 = tpu.vector_load %arg8[%get3A_1029, %get3A_1030, %get3A_1031] {strides = array<i32>} : memref<4x8x1024xf32, #tpu.memory_space<vmem>>, vector<1x1x16xf32>,
        %get3A_1033 = vector.shape_cast %get3A_1032 : vector<1x1x16xf32> to vector<16xf32>
        %swap3A_1034 = arith.constant 1 : i32
        %swap3A_1035 = arith.index_cast %swap3A_1034 : i32 to index
        %swap3A_1036 = arith.index_cast %scan3A_314 : i32 to index
        %swap3A_1037 = arith.constant 880 : index
        %swap3A_1038 = tpu.vector_load %arg7[%swap3A_1035, %swap3A_1036, %swap3A_1037] {strides = array<i32>} : memref<4x8x1024xf32, #tpu.memory_space<vmem>>, vector<1x1x16xf32>,
        %swap3A_1039 = vector.shape_cast %swap3A_1038 : vector<1x1x16xf32> to vector<16xf32>
        %swap3A_1040 = vector.shape_cast %get3A_1033 : vector<16xf32> to vector<1x1x16xf32>
        tpu.vector_store %arg7[%swap3A_1035, %swap3A_1036, %swap3A_1037], %swap3A_1040 {add = true, strides = array<i32>} : memref<4x8x1024xf32, #tpu.memory_space<vmem>>, vector<1x1x16xf32>,
        %get3A_1041 = arith.constant 1 : i32
        %get3A_1042 = arith.index_cast %get3A_1041 : i32 to index
        %get3A_1043 = arith.index_cast %scan3A_314 : i32 to index
        %get3A_1044 = arith.constant 896 : index
        %get3A_1045 = tpu.vector_load %arg8[%get3A_1042, %get3A_1043, %get3A_1044] {strides = array<i32>} : memref<4x8x1024xf32, #tpu.memory_space<vmem>>, vector<1x1x16xf32>,
        %get3A_1046 = vector.shape_cast %get3A_1045 : vector<1x1x16xf32> to vector<16xf32>
        %swap3A_1047 = arith.constant 1 : i32
        %swap3A_1048 = arith.index_cast %swap3A_1047 : i32 to index
        %swap3A_1049 = arith.index_cast %scan3A_314 : i32 to index
        %swap3A_1050 = arith.constant 896 : index
        %swap3A_1051 = tpu.vector_load %arg7[%swap3A_1048, %swap3A_1049, %swap3A_1050] {strides = array<i32>} : memref<4x8x1024xf32, #tpu.memory_space<vmem>>, vector<1x1x16xf32>,
        %swap3A_1052 = vector.shape_cast %swap3A_1051 : vector<1x1x16xf32> to vector<16xf32>
        %swap3A_1053 = vector.shape_cast %get3A_1046 : vector<16xf32> to vector<1x1x16xf32>
        tpu.vector_store %arg7[%swap3A_1048, %swap3A_1049, %swap3A_1050], %swap3A_1053 {add = true, strides = array<i32>} : memref<4x8x1024xf32, #tpu.memory_space<vmem>>, vector<1x1x16xf32>,
        %get3A_1054 = arith.constant 1 : i32
        %get3A_1055 = arith.index_cast %get3A_1054 : i32 to index
        %get3A_1056 = arith.index_cast %scan3A_314 : i32 to index
        %get3A_1057 = arith.constant 912 : index
        %get3A_1058 = tpu.vector_load %arg8[%get3A_1055, %get3A_1056, %get3A_1057] {strides = array<i32>} : memref<4x8x1024xf32, #tpu.memory_space<vmem>>, vector<1x1x16xf32>,
        %get3A_1059 = vector.shape_cast %get3A_1058 : vector<1x1x16xf32> to vector<16xf32>
        %swap3A_1060 = arith.constant 1 : i32
        %swap3A_1061 = arith.index_cast %swap3A_1060 : i32 to index
        %swap3A_1062 = arith.index_cast %scan3A_314 : i32 to index
        %swap3A_1063 = arith.constant 912 : index
        %swap3A_1064 = tpu.vector_load %arg7[%swap3A_1061, %swap3A_1062, %swap3A_1063] {strides = array<i32>} : memref<4x8x1024xf32, #tpu.memory_space<vmem>>, vector<1x1x16xf32>,
        %swap3A_1065 = vector.shape_cast %swap3A_1064 : vector<1x1x16xf32> to vector<16xf32>
        %swap3A_1066 = vector.shape_cast %get3A_1059 : vector<16xf32> to vector<1x1x16xf32>
        tpu.vector_store %arg7[%swap3A_1061, %swap3A_1062, %swap3A_1063], %swap3A_1066 {add = true, strides = array<i32>} : memref<4x8x1024xf32, #tpu.memory_space<vmem>>, vector<1x1x16xf32>,
        %get3A_1067 = arith.constant 1 : i32
        %get3A_1068 = arith.index_cast %get3A_1067 : i32 to index
        %get3A_1069 = arith.index_cast %scan3A_314 : i32 to index
        %get3A_1070 = arith.constant 928 : index
        %get3A_1071 = tpu.vector_load %arg8[%get3A_1068, %get3A_1069, %get3A_1070] {strides = array<i32>} : memref<4x8x1024xf32, #tpu.memory_space<vmem>>, vector<1x1x16xf32>,
        %get3A_1072 = vector.shape_cast %get3A_1071 : vector<1x1x16xf32> to vector<16xf32>
        %swap3A_1073 = arith.constant 1 : i32
        %swap3A_1074 = arith.index_cast %swap3A_1073 : i32 to index
        %swap3A_1075 = arith.index_cast %scan3A_314 : i32 to index
        %swap3A_1076 = arith.constant 928 : index
        %swap3A_1077 = tpu.vector_load %arg7[%swap3A_1074, %swap3A_1075, %swap3A_1076] {strides = array<i32>} : memref<4x8x1024xf32, #tpu.memory_space<vmem>>, vector<1x1x16xf32>,
        %swap3A_1078 = vector.shape_cast %swap3A_1077 : vector<1x1x16xf32> to vector<16xf32>
        %swap3A_1079 = vector.shape_cast %get3A_1072 : vector<16xf32> to vector<1x1x16xf32>
        tpu.vector_store %arg7[%swap3A_1074, %swap3A_1075, %swap3A_1076], %swap3A_1079 {add = true, strides = array<i32>} : memref<4x8x1024xf32, #tpu.memory_space<vmem>>, vector<1x1x16xf32>,
        %get3A_1080 = arith.constant 1 : i32
        %get3A_1081 = arith.index_cast %get3A_1080 : i32 to index
        %get3A_1082 = arith.index_cast %scan3A_314 : i32 to index
        %get3A_1083 = arith.constant 944 : index
        %get3A_1084 = tpu.vector_load %arg8[%get3A_1081, %get3A_1082, %get3A_1083] {strides = array<i32>} : memref<4x8x1024xf32, #tpu.memory_space<vmem>>, vector<1x1x16xf32>,
        %get3A_1085 = vector.shape_cast %get3A_1084 : vector<1x1x16xf32> to vector<16xf32>
        %swap3A_1086 = arith.constant 1 : i32
        %swap3A_1087 = arith.index_cast %swap3A_1086 : i32 to index
        %swap3A_1088 = arith.index_cast %scan3A_314 : i32 to index
        %swap3A_1089 = arith.constant 944 : index
        %swap3A_1090 = tpu.vector_load %arg7[%swap3A_1087, %swap3A_1088, %swap3A_1089] {strides = array<i32>} : memref<4x8x1024xf32, #tpu.memory_space<vmem>>, vector<1x1x16xf32>,
        %swap3A_1091 = vector.shape_cast %swap3A_1090 : vector<1x1x16xf32> to vector<16xf32>
        %swap3A_1092 = vector.shape_cast %get3A_1085 : vector<16xf32> to vector<1x1x16xf32>
        tpu.vector_store %arg7[%swap3A_1087, %swap3A_1088, %swap3A_1089], %swap3A_1092 {add = true, strides = array<i32>} : memref<4x8x1024xf32, #tpu.memory_space<vmem>>, vector<1x1x16xf32>,
        %get3A_1093 = arith.constant 1 : i32
        %get3A_1094 = arith.index_cast %get3A_1093 : i32 to index
        %get3A_1095 = arith.index_cast %scan3A_314 : i32 to index
        %get3A_1096 = arith.constant 960 : index
        %get3A_1097 = tpu.vector_load %arg8[%get3A_1094, %get3A_1095, %get3A_1096] {strides = array<i32>} : memref<4x8x1024xf32, #tpu.memory_space<vmem>>, vector<1x1x16xf32>,
        %get3A_1098 = vector.shape_cast %get3A_1097 : vector<1x1x16xf32> to vector<16xf32>
        %swap3A_1099 = arith.constant 1 : i32
        %swap3A_1100 = arith.index_cast %swap3A_1099 : i32 to index
        %swap3A_1101 = arith.index_cast %scan3A_314 : i32 to index
        %swap3A_1102 = arith.constant 960 : index
        %swap3A_1103 = tpu.vector_load %arg7[%swap3A_1100, %swap3A_1101, %swap3A_1102] {strides = array<i32>} : memref<4x8x1024xf32, #tpu.memory_space<vmem>>, vector<1x1x16xf32>,
        %swap3A_1104 = vector.shape_cast %swap3A_1103 : vector<1x1x16xf32> to vector<16xf32>
        %swap3A_1105 = vector.shape_cast %get3A_1098 : vector<16xf32> to vector<1x1x16xf32>
        tpu.vector_store %arg7[%swap3A_1100, %swap3A_1101, %swap3A_1102], %swap3A_1105 {add = true, strides = array<i32>} : memref<4x8x1024xf32, #tpu.memory_space<vmem>>, vector<1x1x16xf32>,
        %get3A_1106 = arith.constant 1 : i32
        %get3A_1107 = arith.index_cast %get3A_1106 : i32 to index
        %get3A_1108 = arith.index_cast %scan3A_314 : i32 to index
        %get3A_1109 = arith.constant 976 : index
        %get3A_1110 = tpu.vector_load %arg8[%get3A_1107, %get3A_1108, %get3A_1109] {strides = array<i32>} : memref<4x8x1024xf32, #tpu.memory_space<vmem>>, vector<1x1x16xf32>,
        %get3A_1111 = vector.shape_cast %get3A_1110 : vector<1x1x16xf32> to vector<16xf32>
        %swap3A_1112 = arith.constant 1 : i32
        %swap3A_1113 = arith.index_cast %swap3A_1112 : i32 to index
        %swap3A_1114 = arith.index_cast %scan3A_314 : i32 to index
        %swap3A_1115 = arith.constant 976 : index
        %swap3A_1116 = tpu.vector_load %arg7[%swap3A_1113, %swap3A_1114, %swap3A_1115] {strides = array<i32>} : memref<4x8x1024xf32, #tpu.memory_space<vmem>>, vector<1x1x16xf32>,
        %swap3A_1117 = vector.shape_cast %swap3A_1116 : vector<1x1x16xf32> to vector<16xf32>
        %swap3A_1118 = vector.shape_cast %get3A_1111 : vector<16xf32> to vector<1x1x16xf32>
        tpu.vector_store %arg7[%swap3A_1113, %swap3A_1114, %swap3A_1115], %swap3A_1118 {add = true, strides = array<i32>} : memref<4x8x1024xf32, #tpu.memory_space<vmem>>, vector<1x1x16xf32>,
        %get3A_1119 = arith.constant 1 : i32
        %get3A_1120 = arith.index_cast %get3A_1119 : i32 to index
        %get3A_1121 = arith.index_cast %scan3A_314 : i32 to index
        %get3A_1122 = arith.constant 992 : index
        %get3A_1123 = tpu.vector_load %arg8[%get3A_1120, %get3A_1121, %get3A_1122] {strides = array<i32>} : memref<4x8x1024xf32, #tpu.memory_space<vmem>>, vector<1x1x16xf32>,
        %get3A_1124 = vector.shape_cast %get3A_1123 : vector<1x1x16xf32> to vector<16xf32>
        %swap3A_1125 = arith.constant 1 : i32
        %swap3A_1126 = arith.index_cast %swap3A_1125 : i32 to index
        %swap3A_1127 = arith.index_cast %scan3A_314 : i32 to index
        %swap3A_1128 = arith.constant 992 : index
        %swap3A_1129 = tpu.vector_load %arg7[%swap3A_1126, %swap3A_1127, %swap3A_1128] {strides = array<i32>} : memref<4x8x1024xf32, #tpu.memory_space<vmem>>, vector<1x1x16xf32>,
        %swap3A_1130 = vector.shape_cast %swap3A_1129 : vector<1x1x16xf32> to vector<16xf32>
        %swap3A_1131 = vector.shape_cast %get3A_1124 : vector<16xf32> to vector<1x1x16xf32>
        tpu.vector_store %arg7[%swap3A_1126, %swap3A_1127, %swap3A_1128], %swap3A_1131 {add = true, strides = array<i32>} : memref<4x8x1024xf32, #tpu.memory_space<vmem>>, vector<1x1x16xf32>,
        %get3A_1132 = arith.constant 1 : i32
        %get3A_1133 = arith.index_cast %get3A_1132 : i32 to index
        %get3A_1134 = arith.index_cast %scan3A_314 : i32 to index
        %get3A_1135 = arith.constant 1008 : index
        %get3A_1136 = tpu.vector_load %arg8[%get3A_1133, %get3A_1134, %get3A_1135] {strides = array<i32>} : memref<4x8x1024xf32, #tpu.memory_space<vmem>>, vector<1x1x16xf32>,
        %get3A_1137 = vector.shape_cast %get3A_1136 : vector<1x1x16xf32> to vector<16xf32>
        %swap3A_1138 = arith.constant 1 : i32
        %swap3A_1139 = arith.index_cast %swap3A_1138 : i32 to index
        %swap3A_1140 = arith.index_cast %scan3A_314 : i32 to index
        %swap3A_1141 = arith.constant 1008 : index
        %swap3A_1142 = tpu.vector_load %arg7[%swap3A_1139, %swap3A_1140, %swap3A_1141] {strides = array<i32>} : memref<4x8x1024xf32, #tpu.memory_space<vmem>>, vector<1x1x16xf32>,
        %swap3A_1143 = vector.shape_cast %swap3A_1142 : vector<1x1x16xf32> to vector<16xf32>
        %swap3A_1144 = vector.shape_cast %get3A_1137 : vector<16xf32> to vector<1x1x16xf32>
        tpu.vector_store %arg7[%swap3A_1139, %swap3A_1140, %swap3A_1141], %swap3A_1144 {add = true, strides = array<i32>} : memref<4x8x1024xf32, #tpu.memory_space<vmem>>, vector<1x1x16xf32>,
      }
      %scan3A_205 = arith.constant 8 : i32
      %mul3A_206 = arith.constant 4 : i32
      %mul3A_207 = arith.muli %scan3A_101, %mul3A_206 : i32
      %add3A_208 = arith.constant 2 : i32
      %add3A_209 = arith.addi %mul3A_207, %add3A_208 : i32
      %ge3A_210 = arith.constant 1 : i32
      %ge3A_211 = arith.cmpi sge, %add3A_209, %ge3A_210 : i32
      %convert_element_type3A_212 = arith.extui %ge3A_211 : i1 to i32
      %cond3A_213 = arith.constant 0 : i32
      %cond3A_214 = arith.cmpi ne, %convert_element_type3A_212, %cond3A_213 : i32
      scf.if %cond3A_214 {
        %sub3A = arith.constant 1 : i32
        %sub3A_314 = arith.subi %add3A_209, %sub3A : i32
        %mul3A_315 = arith.constant 8 : i32
        %mul3A_316 = arith.muli %sub3A_314, %mul3A_315 : i32
        %add3A_317 = arith.addi %mul3A_2, %mul3A_316 : i32
        %dma_start3A_318 = arith.constant 1 : i32
        %dma_start3A_319 = arith.constant 0 : i32
        %dma_start3A_320 = arith.constant 0 : i32
        %dma_start3A_321 = tpu.memref_slice %arg7[%dma_start3A_318, %dma_start3A_319, %dma_start3A_320] : memref<4x8x1024xf32, #tpu.memory_space<vmem>> -> memref<1x8x1024xf32, #tpu.memory_space<vmem>>
        %dma_start3A_322 = tpu.memref_squeeze %dma_start3A_321 : memref<1x8x1024xf32, #tpu.memory_space<vmem>> -> memref<8x1024xf32, #tpu.memory_space<vmem>>
        %dma_start3A_323 = arith.constant 0 : i32
        %dma_start3A_324 = tpu.memref_slice %arg5[%add3A_317, %dma_start3A_323] : memref<32768x1024xf32, #tpu.memory_space<hbm>> -> memref<8x1024xf32, #tpu.memory_space<hbm>>
        %dma_start3A_325 = arith.constant 0 : i32
        %dma_start3A_326 = tpu.memref_slice %arg5[%add3A_317, %dma_start3A_325] : memref<32768x1024xf32, #tpu.memory_space<hbm>> -> memref<8x1024xf32, #tpu.memory_space<hbm>>
        %dma_start3A_327 = arith.constant 0 : i32
        %dma_start3A_328 = arith.constant 0 : i32
        %dma_start3A_329 = tpu.memref_slice %arg7[%dma_start3A_318, %dma_start3A_327, %dma_start3A_328] : memref<4x8x1024xf32, #tpu.memory_space<vmem>> -> memref<1x8x1024xf32, #tpu.memory_space<vmem>>
        %dma_start3A_330 = tpu.memref_squeeze %dma_start3A_329 : memref<1x8x1024xf32, #tpu.memory_space<vmem>> -> memref<8x1024xf32, #tpu.memory_space<vmem>>
        tpu.enqueue_dma source(%dma_start3A_330 : memref<8x1024xf32, #tpu.memory_space<vmem>>) target(%dma_start3A_326 : memref<8x1024xf32, #tpu.memory_space<hbm>>) target_semaphore(%arg18 : memref<!tpu.dma_semaphore, #tpu.memory_space<semaphore_mem>>)
      } else {
      }
      %mul3A_215 = arith.constant 8 : i32
      %mul3A_216 = arith.muli %add3A_209, %mul3A_215 : i32
      %dma_wait3A_217 = arith.constant 2 : i32
      %dma_wait3A_218 = arith.constant 0 : i32
      %dma_wait3A_219 = arith.constant 0 : i32
      %dma_wait3A_220 = tpu.memref_slice %arg7[%dma_wait3A_217, %dma_wait3A_218, %dma_wait3A_219] : memref<4x8x1024xf32, #tpu.memory_space<vmem>> -> memref<1x8x1024xf32, #tpu.memory_space<vmem>>
      %dma_wait3A_221 = tpu.memref_squeeze %dma_wait3A_220 : memref<1x8x1024xf32, #tpu.memory_space<vmem>> -> memref<8x1024xf32, #tpu.memory_space<vmem>>
      %dma_wait3A_222 = tpu.memref_slice %arg6[%mul3A_216] : memref<1024xi32, #tpu.memory_space<vmem>> -> memref<8xi32, #tpu.memory_space<vmem>>
      %dma_wait3A_223 = arith.constant 0 : i32
      %dma_wait3A_224 = arith.constant 0 : i32
      %dma_wait3A_225 = tpu.memref_slice %arg4[%dma_wait3A_223, %dma_wait3A_224] : memref<8192x1024xf32, #tpu.memory_space<hbm>> -> memref<8192x1024xf32, #tpu.memory_space<hbm>>
      tpu.wait_indirect_dma semaphore(%arg11 : memref<!tpu.dma_semaphore, #tpu.memory_space<semaphore_mem>>) src(%dma_wait3A_225 : memref<8192x1024xf32, #tpu.memory_space<hbm>>) dst(%dma_wait3A_221 : memref<8x1024xf32, #tpu.memory_space<vmem>>)
      %mul3A_226 = arith.constant 8 : i32
      %mul3A_227 = arith.muli %add3A_209, %mul3A_226 : i32
      %add3A_228 = arith.addi %mul3A_2, %mul3A_227 : i32
      %dma_wait3A_229 = arith.constant 2 : i32
      %dma_wait3A_230 = arith.constant 0 : i32
      %dma_wait3A_231 = arith.constant 0 : i32
      %dma_wait3A_232 = tpu.memref_slice %arg8[%dma_wait3A_229, %dma_wait3A_230, %dma_wait3A_231] : memref<4x8x1024xf32, #tpu.memory_space<vmem>> -> memref<1x8x1024xf32, #tpu.memory_space<vmem>>
      %dma_wait3A_233 = tpu.memref_squeeze %dma_wait3A_232 : memref<1x8x1024xf32, #tpu.memory_space<vmem>> -> memref<8x1024xf32, #tpu.memory_space<vmem>>
      %dma_wait3A_234 = arith.constant 0 : i32
      %dma_wait3A_235 = tpu.memref_slice %arg2[%add3A_228, %dma_wait3A_234] : memref<32768x1024xf32, #tpu.memory_space<hbm>> -> memref<8x1024xf32, #tpu.memory_space<hbm>>
      %dma_wait3A_236 = arith.constant 0 : i32
      %dma_wait3A_237 = arith.constant 0 : i32
      %dma_wait3A_238 = tpu.memref_slice %arg8[%dma_wait3A_229, %dma_wait3A_236, %dma_wait3A_237] : memref<4x8x1024xf32, #tpu.memory_space<vmem>> -> memref<1x8x1024xf32, #tpu.memory_space<vmem>>
      %dma_wait3A_239 = tpu.memref_squeeze %dma_wait3A_238 : memref<1x8x1024xf32, #tpu.memory_space<vmem>> -> memref<8x1024xf32, #tpu.memory_space<vmem>>
      %dma_wait3A_240 = arith.constant 0 : i32
      %dma_wait3A_241 = tpu.memref_slice %arg2[%add3A_228, %dma_wait3A_240] : memref<32768x1024xf32, #tpu.memory_space<hbm>> -> memref<8x1024xf32, #tpu.memory_space<hbm>>
      tpu.wait_dma2 semaphore(%arg15 : memref<!tpu.dma_semaphore, #tpu.memory_space<semaphore_mem>>) src(%dma_wait3A_241 : memref<8x1024xf32, #tpu.memory_space<hbm>>) dst(%dma_wait3A_239 : memref<8x1024xf32, #tpu.memory_space<vmem>>)
      %ge3A_242 = arith.constant 2 : i32
      %ge3A_243 = arith.cmpi sge, %add3A_209, %ge3A_242 : i32
      %convert_element_type3A_244 = arith.extui %ge3A_243 : i1 to i32
      %cond3A_245 = arith.constant 0 : i32
      %cond3A_246 = arith.cmpi ne, %convert_element_type3A_244, %cond3A_245 : i32
      scf.if %cond3A_246 {
        %sub3A = arith.constant 2 : i32
        %sub3A_314 = arith.subi %add3A_209, %sub3A : i32
        %mul3A_315 = arith.constant 8 : i32
        %mul3A_316 = arith.muli %sub3A_314, %mul3A_315 : i32
        %add3A_317 = arith.addi %mul3A_2, %mul3A_316 : i32
        %dma_wait3A_318 = arith.constant 0 : i32
        %dma_wait3A_319 = arith.constant 0 : i32
        %dma_wait3A_320 = arith.constant 0 : i32
        %dma_wait3A_321 = tpu.memref_slice %arg7[%dma_wait3A_318, %dma_wait3A_319, %dma_wait3A_320] : memref<4x8x1024xf32, #tpu.memory_space<vmem>> -> memref<1x8x1024xf32, #tpu.memory_space<vmem>>
        %dma_wait3A_322 = tpu.memref_squeeze %dma_wait3A_321 : memref<1x8x1024xf32, #tpu.memory_space<vmem>> -> memref<8x1024xf32, #tpu.memory_space<vmem>>
        %dma_wait3A_323 = arith.constant 0 : i32
        %dma_wait3A_324 = tpu.memref_slice %arg5[%add3A_317, %dma_wait3A_323] : memref<32768x1024xf32, #tpu.memory_space<hbm>> -> memref<8x1024xf32, #tpu.memory_space<hbm>>
        %dma_wait3A_325 = arith.constant 0 : i32
        %dma_wait3A_326 = tpu.memref_slice %arg5[%add3A_317, %dma_wait3A_325] : memref<32768x1024xf32, #tpu.memory_space<hbm>> -> memref<8x1024xf32, #tpu.memory_space<hbm>>
        %dma_wait3A_327 = arith.constant 0 : i32
        %dma_wait3A_328 = arith.constant 0 : i32
        %dma_wait3A_329 = tpu.memref_slice %arg7[%dma_wait3A_318, %dma_wait3A_327, %dma_wait3A_328] : memref<4x8x1024xf32, #tpu.memory_space<vmem>> -> memref<1x8x1024xf32, #tpu.memory_space<vmem>>
        %dma_wait3A_330 = tpu.memref_squeeze %dma_wait3A_329 : memref<1x8x1024xf32, #tpu.memory_space<vmem>> -> memref<8x1024xf32, #tpu.memory_space<vmem>>
        tpu.wait_dma2 semaphore(%arg17 : memref<!tpu.dma_semaphore, #tpu.memory_space<semaphore_mem>>) src(%dma_wait3A_330 : memref<8x1024xf32, #tpu.memory_space<vmem>>) dst(%dma_wait3A_326 : memref<8x1024xf32, #tpu.memory_space<hbm>>)
      } else {
      }
      %add3A_247 = arith.constant 2 : i32
      %add3A_248 = arith.addi %add3A_209, %add3A_247 : i32
      %lt3A_249 = arith.constant 128 : i32
      %lt3A_250 = arith.cmpi slt, %add3A_248, %lt3A_249 : i32
      %convert_element_type3A_251 = arith.extui %lt3A_250 : i1 to i32
      %cond3A_252 = arith.constant 0 : i32
      %cond3A_253 = arith.cmpi ne, %convert_element_type3A_251, %cond3A_252 : i32
      scf.if %cond3A_253 {
        %add3A_314 = arith.constant 2 : i32
        %add3A_315 = arith.addi %add3A_209, %add3A_314 : i32
        %mul3A_316 = arith.constant 8 : i32
        %mul3A_317 = arith.muli %add3A_315, %mul3A_316 : i32
        %dma_start3A_318 = arith.constant 0 : i32
        %dma_start3A_319 = arith.constant 0 : i32
        %dma_start3A_320 = arith.constant 0 : i32
        %dma_start3A_321 = tpu.memref_slice %arg7[%dma_start3A_318, %dma_start3A_319, %dma_start3A_320] : memref<4x8x1024xf32, #tpu.memory_space<vmem>> -> memref<1x8x1024xf32, #tpu.memory_space<vmem>>
        %dma_start3A_322 = tpu.memref_squeeze %dma_start3A_321 : memref<1x8x1024xf32, #tpu.memory_space<vmem>> -> memref<8x1024xf32, #tpu.memory_space<vmem>>
        %dma_start3A_323 = tpu.memref_slice %arg6[%mul3A_317] : memref<1024xi32, #tpu.memory_space<vmem>> -> memref<8xi32, #tpu.memory_space<vmem>>
        %dma_start3A_324 = arith.constant 0 : i32
        %dma_start3A_325 = arith.constant 0 : i32
        %dma_start3A_326 = tpu.memref_slice %arg4[%dma_start3A_324, %dma_start3A_325] : memref<8192x1024xf32, #tpu.memory_space<hbm>> -> memref<8192x1024xf32, #tpu.memory_space<hbm>>
        tpu.enqueue_indirect_dma source(%dma_start3A_326 : memref<8192x1024xf32, #tpu.memory_space<hbm>>) target(%dma_start3A_322 : memref<8x1024xf32, #tpu.memory_space<vmem>>) offsets(%dma_start3A_323 : memref<8xi32, #tpu.memory_space<vmem>>) semaphore(%arg9 : memref<!tpu.dma_semaphore, #tpu.memory_space<semaphore_mem>>)
        %add3A_327 = arith.constant 2 : i32
        %add3A_328 = arith.addi %add3A_209, %add3A_327 : i32
        %mul3A_329 = arith.constant 8 : i32
        %mul3A_330 = arith.muli %add3A_328, %mul3A_329 : i32
        %add3A_331 = arith.addi %mul3A_2, %mul3A_330 : i32
        %dma_start3A_332 = arith.constant 0 : i32
        %dma_start3A_333 = arith.constant 0 : i32
        %dma_start3A_334 = arith.constant 0 : i32
        %dma_start3A_335 = tpu.memref_slice %arg8[%dma_start3A_332, %dma_start3A_333, %dma_start3A_334] : memref<4x8x1024xf32, #tpu.memory_space<vmem>> -> memref<1x8x1024xf32, #tpu.memory_space<vmem>>
        %dma_start3A_336 = tpu.memref_squeeze %dma_start3A_335 : memref<1x8x1024xf32, #tpu.memory_space<vmem>> -> memref<8x1024xf32, #tpu.memory_space<vmem>>
        %dma_start3A_337 = arith.constant 0 : i32
        %dma_start3A_338 = tpu.memref_slice %arg2[%add3A_331, %dma_start3A_337] : memref<32768x1024xf32, #tpu.memory_space<hbm>> -> memref<8x1024xf32, #tpu.memory_space<hbm>>
        %dma_start3A_339 = arith.constant 0 : i32
        %dma_start3A_340 = arith.constant 0 : i32
        %dma_start3A_341 = tpu.memref_slice %arg8[%dma_start3A_332, %dma_start3A_339, %dma_start3A_340] : memref<4x8x1024xf32, #tpu.memory_space<vmem>> -> memref<1x8x1024xf32, #tpu.memory_space<vmem>>
        %dma_start3A_342 = tpu.memref_squeeze %dma_start3A_341 : memref<1x8x1024xf32, #tpu.memory_space<vmem>> -> memref<8x1024xf32, #tpu.memory_space<vmem>>
        %dma_start3A_343 = arith.constant 0 : i32
        %dma_start3A_344 = tpu.memref_slice %arg2[%add3A_331, %dma_start3A_343] : memref<32768x1024xf32, #tpu.memory_space<hbm>> -> memref<8x1024xf32, #tpu.memory_space<hbm>>
        tpu.enqueue_dma source(%dma_start3A_344 : memref<8x1024xf32, #tpu.memory_space<hbm>>) target(%dma_start3A_342 : memref<8x1024xf32, #tpu.memory_space<vmem>>) target_semaphore(%arg13 : memref<!tpu.dma_semaphore, #tpu.memory_space<semaphore_mem>>)
      } else {
      }
      %scan3A_254 = arith.constant 0 : i32
      %scan3A_255 = arith.constant 0 : i32
      %scan3A_256 = arith.constant 8 : i32
      %scan3A_257 = arith.addi %scan3A_255, %scan3A_256 : i32
      %scan3A_258 = arith.constant 1 : i32
      scf.for %scan3A_314 = %scan3A_255 to %scan3A_257 step %scan3A_258  : i32 {
        %get3A = arith.constant 2 : i32
        %get3A_315 = arith.index_cast %get3A : i32 to index
        %get3A_316 = arith.index_cast %scan3A_314 : i32 to index
        %get3A_317 = arith.constant 0 : index
        %get3A_318 = tpu.vector_load %arg8[%get3A_315, %get3A_316, %get3A_317] {strides = array<i32>} : memref<4x8x1024xf32, #tpu.memory_space<vmem>>, vector<1x1x16xf32>,
        %get3A_319 = vector.shape_cast %get3A_318 : vector<1x1x16xf32> to vector<16xf32>
        %swap3A = arith.constant 2 : i32
        %swap3A_320 = arith.index_cast %swap3A : i32 to index
        %swap3A_321 = arith.index_cast %scan3A_314 : i32 to index
        %swap3A_322 = arith.constant 0 : index
        %swap3A_323 = tpu.vector_load %arg7[%swap3A_320, %swap3A_321, %swap3A_322] {strides = array<i32>} : memref<4x8x1024xf32, #tpu.memory_space<vmem>>, vector<1x1x16xf32>,
        %swap3A_324 = vector.shape_cast %swap3A_323 : vector<1x1x16xf32> to vector<16xf32>
        %swap3A_325 = vector.shape_cast %get3A_319 : vector<16xf32> to vector<1x1x16xf32>
        tpu.vector_store %arg7[%swap3A_320, %swap3A_321, %swap3A_322], %swap3A_325 {add = true, strides = array<i32>} : memref<4x8x1024xf32, #tpu.memory_space<vmem>>, vector<1x1x16xf32>,
        %get3A_326 = arith.constant 2 : i32
        %get3A_327 = arith.index_cast %get3A_326 : i32 to index
        %get3A_328 = arith.index_cast %scan3A_314 : i32 to index
        %get3A_329 = arith.constant 16 : index
        %get3A_330 = tpu.vector_load %arg8[%get3A_327, %get3A_328, %get3A_329] {strides = array<i32>} : memref<4x8x1024xf32, #tpu.memory_space<vmem>>, vector<1x1x16xf32>,
        %get3A_331 = vector.shape_cast %get3A_330 : vector<1x1x16xf32> to vector<16xf32>
        %swap3A_332 = arith.constant 2 : i32
        %swap3A_333 = arith.index_cast %swap3A_332 : i32 to index
        %swap3A_334 = arith.index_cast %scan3A_314 : i32 to index
        %swap3A_335 = arith.constant 16 : index
        %swap3A_336 = tpu.vector_load %arg7[%swap3A_333, %swap3A_334, %swap3A_335] {strides = array<i32>} : memref<4x8x1024xf32, #tpu.memory_space<vmem>>, vector<1x1x16xf32>,
        %swap3A_337 = vector.shape_cast %swap3A_336 : vector<1x1x16xf32> to vector<16xf32>
        %swap3A_338 = vector.shape_cast %get3A_331 : vector<16xf32> to vector<1x1x16xf32>
        tpu.vector_store %arg7[%swap3A_333, %swap3A_334, %swap3A_335], %swap3A_338 {add = true, strides = array<i32>} : memref<4x8x1024xf32, #tpu.memory_space<vmem>>, vector<1x1x16xf32>,
        %get3A_339 = arith.constant 2 : i32
        %get3A_340 = arith.index_cast %get3A_339 : i32 to index
        %get3A_341 = arith.index_cast %scan3A_314 : i32 to index
        %get3A_342 = arith.constant 32 : index
        %get3A_343 = tpu.vector_load %arg8[%get3A_340, %get3A_341, %get3A_342] {strides = array<i32>} : memref<4x8x1024xf32, #tpu.memory_space<vmem>>, vector<1x1x16xf32>,
        %get3A_344 = vector.shape_cast %get3A_343 : vector<1x1x16xf32> to vector<16xf32>
        %swap3A_345 = arith.constant 2 : i32
        %swap3A_346 = arith.index_cast %swap3A_345 : i32 to index
        %swap3A_347 = arith.index_cast %scan3A_314 : i32 to index
        %swap3A_348 = arith.constant 32 : index
        %swap3A_349 = tpu.vector_load %arg7[%swap3A_346, %swap3A_347, %swap3A_348] {strides = array<i32>} : memref<4x8x1024xf32, #tpu.memory_space<vmem>>, vector<1x1x16xf32>,
        %swap3A_350 = vector.shape_cast %swap3A_349 : vector<1x1x16xf32> to vector<16xf32>
        %swap3A_351 = vector.shape_cast %get3A_344 : vector<16xf32> to vector<1x1x16xf32>
        tpu.vector_store %arg7[%swap3A_346, %swap3A_347, %swap3A_348], %swap3A_351 {add = true, strides = array<i32>} : memref<4x8x1024xf32, #tpu.memory_space<vmem>>, vector<1x1x16xf32>,
        %get3A_352 = arith.constant 2 : i32
        %get3A_353 = arith.index_cast %get3A_352 : i32 to index
        %get3A_354 = arith.index_cast %scan3A_314 : i32 to index
        %get3A_355 = arith.constant 48 : index
        %get3A_356 = tpu.vector_load %arg8[%get3A_353, %get3A_354, %get3A_355] {strides = array<i32>} : memref<4x8x1024xf32, #tpu.memory_space<vmem>>, vector<1x1x16xf32>,
        %get3A_357 = vector.shape_cast %get3A_356 : vector<1x1x16xf32> to vector<16xf32>
        %swap3A_358 = arith.constant 2 : i32
        %swap3A_359 = arith.index_cast %swap3A_358 : i32 to index
        %swap3A_360 = arith.index_cast %scan3A_314 : i32 to index
        %swap3A_361 = arith.constant 48 : index
        %swap3A_362 = tpu.vector_load %arg7[%swap3A_359, %swap3A_360, %swap3A_361] {strides = array<i32>} : memref<4x8x1024xf32, #tpu.memory_space<vmem>>, vector<1x1x16xf32>,
        %swap3A_363 = vector.shape_cast %swap3A_362 : vector<1x1x16xf32> to vector<16xf32>
        %swap3A_364 = vector.shape_cast %get3A_357 : vector<16xf32> to vector<1x1x16xf32>
        tpu.vector_store %arg7[%swap3A_359, %swap3A_360, %swap3A_361], %swap3A_364 {add = true, strides = array<i32>} : memref<4x8x1024xf32, #tpu.memory_space<vmem>>, vector<1x1x16xf32>,
        %get3A_365 = arith.constant 2 : i32
        %get3A_366 = arith.index_cast %get3A_365 : i32 to index
        %get3A_367 = arith.index_cast %scan3A_314 : i32 to index
        %get3A_368 = arith.constant 64 : index
        %get3A_369 = tpu.vector_load %arg8[%get3A_366, %get3A_367, %get3A_368] {strides = array<i32>} : memref<4x8x1024xf32, #tpu.memory_space<vmem>>, vector<1x1x16xf32>,
        %get3A_370 = vector.shape_cast %get3A_369 : vector<1x1x16xf32> to vector<16xf32>
        %swap3A_371 = arith.constant 2 : i32
        %swap3A_372 = arith.index_cast %swap3A_371 : i32 to index
        %swap3A_373 = arith.index_cast %scan3A_314 : i32 to index
        %swap3A_374 = arith.constant 64 : index
        %swap3A_375 = tpu.vector_load %arg7[%swap3A_372, %swap3A_373, %swap3A_374] {strides = array<i32>} : memref<4x8x1024xf32, #tpu.memory_space<vmem>>, vector<1x1x16xf32>,
        %swap3A_376 = vector.shape_cast %swap3A_375 : vector<1x1x16xf32> to vector<16xf32>
        %swap3A_377 = vector.shape_cast %get3A_370 : vector<16xf32> to vector<1x1x16xf32>
        tpu.vector_store %arg7[%swap3A_372, %swap3A_373, %swap3A_374], %swap3A_377 {add = true, strides = array<i32>} : memref<4x8x1024xf32, #tpu.memory_space<vmem>>, vector<1x1x16xf32>,
        %get3A_378 = arith.constant 2 : i32
        %get3A_379 = arith.index_cast %get3A_378 : i32 to index
        %get3A_380 = arith.index_cast %scan3A_314 : i32 to index
        %get3A_381 = arith.constant 80 : index
        %get3A_382 = tpu.vector_load %arg8[%get3A_379, %get3A_380, %get3A_381] {strides = array<i32>} : memref<4x8x1024xf32, #tpu.memory_space<vmem>>, vector<1x1x16xf32>,
        %get3A_383 = vector.shape_cast %get3A_382 : vector<1x1x16xf32> to vector<16xf32>
        %swap3A_384 = arith.constant 2 : i32
        %swap3A_385 = arith.index_cast %swap3A_384 : i32 to index
        %swap3A_386 = arith.index_cast %scan3A_314 : i32 to index
        %swap3A_387 = arith.constant 80 : index
        %swap3A_388 = tpu.vector_load %arg7[%swap3A_385, %swap3A_386, %swap3A_387] {strides = array<i32>} : memref<4x8x1024xf32, #tpu.memory_space<vmem>>, vector<1x1x16xf32>,
        %swap3A_389 = vector.shape_cast %swap3A_388 : vector<1x1x16xf32> to vector<16xf32>
        %swap3A_390 = vector.shape_cast %get3A_383 : vector<16xf32> to vector<1x1x16xf32>
        tpu.vector_store %arg7[%swap3A_385, %swap3A_386, %swap3A_387], %swap3A_390 {add = true, strides = array<i32>} : memref<4x8x1024xf32, #tpu.memory_space<vmem>>, vector<1x1x16xf32>,
        %get3A_391 = arith.constant 2 : i32
        %get3A_392 = arith.index_cast %get3A_391 : i32 to index
        %get3A_393 = arith.index_cast %scan3A_314 : i32 to index
        %get3A_394 = arith.constant 96 : index
        %get3A_395 = tpu.vector_load %arg8[%get3A_392, %get3A_393, %get3A_394] {strides = array<i32>} : memref<4x8x1024xf32, #tpu.memory_space<vmem>>, vector<1x1x16xf32>,
        %get3A_396 = vector.shape_cast %get3A_395 : vector<1x1x16xf32> to vector<16xf32>
        %swap3A_397 = arith.constant 2 : i32
        %swap3A_398 = arith.index_cast %swap3A_397 : i32 to index
        %swap3A_399 = arith.index_cast %scan3A_314 : i32 to index
        %swap3A_400 = arith.constant 96 : index
        %swap3A_401 = tpu.vector_load %arg7[%swap3A_398, %swap3A_399, %swap3A_400] {strides = array<i32>} : memref<4x8x1024xf32, #tpu.memory_space<vmem>>, vector<1x1x16xf32>,
        %swap3A_402 = vector.shape_cast %swap3A_401 : vector<1x1x16xf32> to vector<16xf32>
        %swap3A_403 = vector.shape_cast %get3A_396 : vector<16xf32> to vector<1x1x16xf32>
        tpu.vector_store %arg7[%swap3A_398, %swap3A_399, %swap3A_400], %swap3A_403 {add = true, strides = array<i32>} : memref<4x8x1024xf32, #tpu.memory_space<vmem>>, vector<1x1x16xf32>,
        %get3A_404 = arith.constant 2 : i32
        %get3A_405 = arith.index_cast %get3A_404 : i32 to index
        %get3A_406 = arith.index_cast %scan3A_314 : i32 to index
        %get3A_407 = arith.constant 112 : index
        %get3A_408 = tpu.vector_load %arg8[%get3A_405, %get3A_406, %get3A_407] {strides = array<i32>} : memref<4x8x1024xf32, #tpu.memory_space<vmem>>, vector<1x1x16xf32>,
        %get3A_409 = vector.shape_cast %get3A_408 : vector<1x1x16xf32> to vector<16xf32>
        %swap3A_410 = arith.constant 2 : i32
        %swap3A_411 = arith.index_cast %swap3A_410 : i32 to index
        %swap3A_412 = arith.index_cast %scan3A_314 : i32 to index
        %swap3A_413 = arith.constant 112 : index
        %swap3A_414 = tpu.vector_load %arg7[%swap3A_411, %swap3A_412, %swap3A_413] {strides = array<i32>} : memref<4x8x1024xf32, #tpu.memory_space<vmem>>, vector<1x1x16xf32>,
        %swap3A_415 = vector.shape_cast %swap3A_414 : vector<1x1x16xf32> to vector<16xf32>
        %swap3A_416 = vector.shape_cast %get3A_409 : vector<16xf32> to vector<1x1x16xf32>
        tpu.vector_store %arg7[%swap3A_411, %swap3A_412, %swap3A_413], %swap3A_416 {add = true, strides = array<i32>} : memref<4x8x1024xf32, #tpu.memory_space<vmem>>, vector<1x1x16xf32>,
        %get3A_417 = arith.constant 2 : i32
        %get3A_418 = arith.index_cast %get3A_417 : i32 to index
        %get3A_419 = arith.index_cast %scan3A_314 : i32 to index
        %get3A_420 = arith.constant 128 : index
        %get3A_421 = tpu.vector_load %arg8[%get3A_418, %get3A_419, %get3A_420] {strides = array<i32>} : memref<4x8x1024xf32, #tpu.memory_space<vmem>>, vector<1x1x16xf32>,
        %get3A_422 = vector.shape_cast %get3A_421 : vector<1x1x16xf32> to vector<16xf32>
        %swap3A_423 = arith.constant 2 : i32
        %swap3A_424 = arith.index_cast %swap3A_423 : i32 to index
        %swap3A_425 = arith.index_cast %scan3A_314 : i32 to index
        %swap3A_426 = arith.constant 128 : index
        %swap3A_427 = tpu.vector_load %arg7[%swap3A_424, %swap3A_425, %swap3A_426] {strides = array<i32>} : memref<4x8x1024xf32, #tpu.memory_space<vmem>>, vector<1x1x16xf32>,
        %swap3A_428 = vector.shape_cast %swap3A_427 : vector<1x1x16xf32> to vector<16xf32>
        %swap3A_429 = vector.shape_cast %get3A_422 : vector<16xf32> to vector<1x1x16xf32>
        tpu.vector_store %arg7[%swap3A_424, %swap3A_425, %swap3A_426], %swap3A_429 {add = true, strides = array<i32>} : memref<4x8x1024xf32, #tpu.memory_space<vmem>>, vector<1x1x16xf32>,
        %get3A_430 = arith.constant 2 : i32
        %get3A_431 = arith.index_cast %get3A_430 : i32 to index
        %get3A_432 = arith.index_cast %scan3A_314 : i32 to index
        %get3A_433 = arith.constant 144 : index
        %get3A_434 = tpu.vector_load %arg8[%get3A_431, %get3A_432, %get3A_433] {strides = array<i32>} : memref<4x8x1024xf32, #tpu.memory_space<vmem>>, vector<1x1x16xf32>,
        %get3A_435 = vector.shape_cast %get3A_434 : vector<1x1x16xf32> to vector<16xf32>
        %swap3A_436 = arith.constant 2 : i32
        %swap3A_437 = arith.index_cast %swap3A_436 : i32 to index
        %swap3A_438 = arith.index_cast %scan3A_314 : i32 to index
        %swap3A_439 = arith.constant 144 : index
        %swap3A_440 = tpu.vector_load %arg7[%swap3A_437, %swap3A_438, %swap3A_439] {strides = array<i32>} : memref<4x8x1024xf32, #tpu.memory_space<vmem>>, vector<1x1x16xf32>,
        %swap3A_441 = vector.shape_cast %swap3A_440 : vector<1x1x16xf32> to vector<16xf32>
        %swap3A_442 = vector.shape_cast %get3A_435 : vector<16xf32> to vector<1x1x16xf32>
        tpu.vector_store %arg7[%swap3A_437, %swap3A_438, %swap3A_439], %swap3A_442 {add = true, strides = array<i32>} : memref<4x8x1024xf32, #tpu.memory_space<vmem>>, vector<1x1x16xf32>,
        %get3A_443 = arith.constant 2 : i32
        %get3A_444 = arith.index_cast %get3A_443 : i32 to index
        %get3A_445 = arith.index_cast %scan3A_314 : i32 to index
        %get3A_446 = arith.constant 160 : index
        %get3A_447 = tpu.vector_load %arg8[%get3A_444, %get3A_445, %get3A_446] {strides = array<i32>} : memref<4x8x1024xf32, #tpu.memory_space<vmem>>, vector<1x1x16xf32>,
        %get3A_448 = vector.shape_cast %get3A_447 : vector<1x1x16xf32> to vector<16xf32>
        %swap3A_449 = arith.constant 2 : i32
        %swap3A_450 = arith.index_cast %swap3A_449 : i32 to index
        %swap3A_451 = arith.index_cast %scan3A_314 : i32 to index
        %swap3A_452 = arith.constant 160 : index
        %swap3A_453 = tpu.vector_load %arg7[%swap3A_450, %swap3A_451, %swap3A_452] {strides = array<i32>} : memref<4x8x1024xf32, #tpu.memory_space<vmem>>, vector<1x1x16xf32>,
        %swap3A_454 = vector.shape_cast %swap3A_453 : vector<1x1x16xf32> to vector<16xf32>
        %swap3A_455 = vector.shape_cast %get3A_448 : vector<16xf32> to vector<1x1x16xf32>
        tpu.vector_store %arg7[%swap3A_450, %swap3A_451, %swap3A_452], %swap3A_455 {add = true, strides = array<i32>} : memref<4x8x1024xf32, #tpu.memory_space<vmem>>, vector<1x1x16xf32>,
        %get3A_456 = arith.constant 2 : i32
        %get3A_457 = arith.index_cast %get3A_456 : i32 to index
        %get3A_458 = arith.index_cast %scan3A_314 : i32 to index
        %get3A_459 = arith.constant 176 : index
        %get3A_460 = tpu.vector_load %arg8[%get3A_457, %get3A_458, %get3A_459] {strides = array<i32>} : memref<4x8x1024xf32, #tpu.memory_space<vmem>>, vector<1x1x16xf32>,
        %get3A_461 = vector.shape_cast %get3A_460 : vector<1x1x16xf32> to vector<16xf32>
        %swap3A_462 = arith.constant 2 : i32
        %swap3A_463 = arith.index_cast %swap3A_462 : i32 to index
        %swap3A_464 = arith.index_cast %scan3A_314 : i32 to index
        %swap3A_465 = arith.constant 176 : index
        %swap3A_466 = tpu.vector_load %arg7[%swap3A_463, %swap3A_464, %swap3A_465] {strides = array<i32>} : memref<4x8x1024xf32, #tpu.memory_space<vmem>>, vector<1x1x16xf32>,
        %swap3A_467 = vector.shape_cast %swap3A_466 : vector<1x1x16xf32> to vector<16xf32>
        %swap3A_468 = vector.shape_cast %get3A_461 : vector<16xf32> to vector<1x1x16xf32>
        tpu.vector_store %arg7[%swap3A_463, %swap3A_464, %swap3A_465], %swap3A_468 {add = true, strides = array<i32>} : memref<4x8x1024xf32, #tpu.memory_space<vmem>>, vector<1x1x16xf32>,
        %get3A_469 = arith.constant 2 : i32
        %get3A_470 = arith.index_cast %get3A_469 : i32 to index
        %get3A_471 = arith.index_cast %scan3A_314 : i32 to index
        %get3A_472 = arith.constant 192 : index
        %get3A_473 = tpu.vector_load %arg8[%get3A_470, %get3A_471, %get3A_472] {strides = array<i32>} : memref<4x8x1024xf32, #tpu.memory_space<vmem>>, vector<1x1x16xf32>,
        %get3A_474 = vector.shape_cast %get3A_473 : vector<1x1x16xf32> to vector<16xf32>
        %swap3A_475 = arith.constant 2 : i32
        %swap3A_476 = arith.index_cast %swap3A_475 : i32 to index
        %swap3A_477 = arith.index_cast %scan3A_314 : i32 to index
        %swap3A_478 = arith.constant 192 : index
        %swap3A_479 = tpu.vector_load %arg7[%swap3A_476, %swap3A_477, %swap3A_478] {strides = array<i32>} : memref<4x8x1024xf32, #tpu.memory_space<vmem>>, vector<1x1x16xf32>,
        %swap3A_480 = vector.shape_cast %swap3A_479 : vector<1x1x16xf32> to vector<16xf32>
        %swap3A_481 = vector.shape_cast %get3A_474 : vector<16xf32> to vector<1x1x16xf32>
        tpu.vector_store %arg7[%swap3A_476, %swap3A_477, %swap3A_478], %swap3A_481 {add = true, strides = array<i32>} : memref<4x8x1024xf32, #tpu.memory_space<vmem>>, vector<1x1x16xf32>,
        %get3A_482 = arith.constant 2 : i32
        %get3A_483 = arith.index_cast %get3A_482 : i32 to index
        %get3A_484 = arith.index_cast %scan3A_314 : i32 to index
        %get3A_485 = arith.constant 208 : index
        %get3A_486 = tpu.vector_load %arg8[%get3A_483, %get3A_484, %get3A_485] {strides = array<i32>} : memref<4x8x1024xf32, #tpu.memory_space<vmem>>, vector<1x1x16xf32>,
        %get3A_487 = vector.shape_cast %get3A_486 : vector<1x1x16xf32> to vector<16xf32>
        %swap3A_488 = arith.constant 2 : i32
        %swap3A_489 = arith.index_cast %swap3A_488 : i32 to index
        %swap3A_490 = arith.index_cast %scan3A_314 : i32 to index
        %swap3A_491 = arith.constant 208 : index
        %swap3A_492 = tpu.vector_load %arg7[%swap3A_489, %swap3A_490, %swap3A_491] {strides = array<i32>} : memref<4x8x1024xf32, #tpu.memory_space<vmem>>, vector<1x1x16xf32>,
        %swap3A_493 = vector.shape_cast %swap3A_492 : vector<1x1x16xf32> to vector<16xf32>
        %swap3A_494 = vector.shape_cast %get3A_487 : vector<16xf32> to vector<1x1x16xf32>
        tpu.vector_store %arg7[%swap3A_489, %swap3A_490, %swap3A_491], %swap3A_494 {add = true, strides = array<i32>} : memref<4x8x1024xf32, #tpu.memory_space<vmem>>, vector<1x1x16xf32>,
        %get3A_495 = arith.constant 2 : i32
        %get3A_496 = arith.index_cast %get3A_495 : i32 to index
        %get3A_497 = arith.index_cast %scan3A_314 : i32 to index
        %get3A_498 = arith.constant 224 : index
        %get3A_499 = tpu.vector_load %arg8[%get3A_496, %get3A_497, %get3A_498] {strides = array<i32>} : memref<4x8x1024xf32, #tpu.memory_space<vmem>>, vector<1x1x16xf32>,
        %get3A_500 = vector.shape_cast %get3A_499 : vector<1x1x16xf32> to vector<16xf32>
        %swap3A_501 = arith.constant 2 : i32
        %swap3A_502 = arith.index_cast %swap3A_501 : i32 to index
        %swap3A_503 = arith.index_cast %scan3A_314 : i32 to index
        %swap3A_504 = arith.constant 224 : index
        %swap3A_505 = tpu.vector_load %arg7[%swap3A_502, %swap3A_503, %swap3A_504] {strides = array<i32>} : memref<4x8x1024xf32, #tpu.memory_space<vmem>>, vector<1x1x16xf32>,
        %swap3A_506 = vector.shape_cast %swap3A_505 : vector<1x1x16xf32> to vector<16xf32>
        %swap3A_507 = vector.shape_cast %get3A_500 : vector<16xf32> to vector<1x1x16xf32>
        tpu.vector_store %arg7[%swap3A_502, %swap3A_503, %swap3A_504], %swap3A_507 {add = true, strides = array<i32>} : memref<4x8x1024xf32, #tpu.memory_space<vmem>>, vector<1x1x16xf32>,
        %get3A_508 = arith.constant 2 : i32
        %get3A_509 = arith.index_cast %get3A_508 : i32 to index
        %get3A_510 = arith.index_cast %scan3A_314 : i32 to index
        %get3A_511 = arith.constant 240 : index
        %get3A_512 = tpu.vector_load %arg8[%get3A_509, %get3A_510, %get3A_511] {strides = array<i32>} : memref<4x8x1024xf32, #tpu.memory_space<vmem>>, vector<1x1x16xf32>,
        %get3A_513 = vector.shape_cast %get3A_512 : vector<1x1x16xf32> to vector<16xf32>
        %swap3A_514 = arith.constant 2 : i32
        %swap3A_515 = arith.index_cast %swap3A_514 : i32 to index
        %swap3A_516 = arith.index_cast %scan3A_314 : i32 to index
        %swap3A_517 = arith.constant 240 : index
        %swap3A_518 = tpu.vector_load %arg7[%swap3A_515, %swap3A_516, %swap3A_517] {strides = array<i32>} : memref<4x8x1024xf32, #tpu.memory_space<vmem>>, vector<1x1x16xf32>,
        %swap3A_519 = vector.shape_cast %swap3A_518 : vector<1x1x16xf32> to vector<16xf32>
        %swap3A_520 = vector.shape_cast %get3A_513 : vector<16xf32> to vector<1x1x16xf32>
        tpu.vector_store %arg7[%swap3A_515, %swap3A_516, %swap3A_517], %swap3A_520 {add = true, strides = array<i32>} : memref<4x8x1024xf32, #tpu.memory_space<vmem>>, vector<1x1x16xf32>,
        %get3A_521 = arith.constant 2 : i32
        %get3A_522 = arith.index_cast %get3A_521 : i32 to index
        %get3A_523 = arith.index_cast %scan3A_314 : i32 to index
        %get3A_524 = arith.constant 256 : index
        %get3A_525 = tpu.vector_load %arg8[%get3A_522, %get3A_523, %get3A_524] {strides = array<i32>} : memref<4x8x1024xf32, #tpu.memory_space<vmem>>, vector<1x1x16xf32>,
        %get3A_526 = vector.shape_cast %get3A_525 : vector<1x1x16xf32> to vector<16xf32>
        %swap3A_527 = arith.constant 2 : i32
        %swap3A_528 = arith.index_cast %swap3A_527 : i32 to index
        %swap3A_529 = arith.index_cast %scan3A_314 : i32 to index
        %swap3A_530 = arith.constant 256 : index
        %swap3A_531 = tpu.vector_load %arg7[%swap3A_528, %swap3A_529, %swap3A_530] {strides = array<i32>} : memref<4x8x1024xf32, #tpu.memory_space<vmem>>, vector<1x1x16xf32>,
        %swap3A_532 = vector.shape_cast %swap3A_531 : vector<1x1x16xf32> to vector<16xf32>
        %swap3A_533 = vector.shape_cast %get3A_526 : vector<16xf32> to vector<1x1x16xf32>
        tpu.vector_store %arg7[%swap3A_528, %swap3A_529, %swap3A_530], %swap3A_533 {add = true, strides = array<i32>} : memref<4x8x1024xf32, #tpu.memory_space<vmem>>, vector<1x1x16xf32>,
        %get3A_534 = arith.constant 2 : i32
        %get3A_535 = arith.index_cast %get3A_534 : i32 to index
        %get3A_536 = arith.index_cast %scan3A_314 : i32 to index
        %get3A_537 = arith.constant 272 : index
        %get3A_538 = tpu.vector_load %arg8[%get3A_535, %get3A_536, %get3A_537] {strides = array<i32>} : memref<4x8x1024xf32, #tpu.memory_space<vmem>>, vector<1x1x16xf32>,
        %get3A_539 = vector.shape_cast %get3A_538 : vector<1x1x16xf32> to vector<16xf32>
        %swap3A_540 = arith.constant 2 : i32
        %swap3A_541 = arith.index_cast %swap3A_540 : i32 to index
        %swap3A_542 = arith.index_cast %scan3A_314 : i32 to index
        %swap3A_543 = arith.constant 272 : index
        %swap3A_544 = tpu.vector_load %arg7[%swap3A_541, %swap3A_542, %swap3A_543] {strides = array<i32>} : memref<4x8x1024xf32, #tpu.memory_space<vmem>>, vector<1x1x16xf32>,
        %swap3A_545 = vector.shape_cast %swap3A_544 : vector<1x1x16xf32> to vector<16xf32>
        %swap3A_546 = vector.shape_cast %get3A_539 : vector<16xf32> to vector<1x1x16xf32>
        tpu.vector_store %arg7[%swap3A_541, %swap3A_542, %swap3A_543], %swap3A_546 {add = true, strides = array<i32>} : memref<4x8x1024xf32, #tpu.memory_space<vmem>>, vector<1x1x16xf32>,
        %get3A_547 = arith.constant 2 : i32
        %get3A_548 = arith.index_cast %get3A_547 : i32 to index
        %get3A_549 = arith.index_cast %scan3A_314 : i32 to index
        %get3A_550 = arith.constant 288 : index
        %get3A_551 = tpu.vector_load %arg8[%get3A_548, %get3A_549, %get3A_550] {strides = array<i32>} : memref<4x8x1024xf32, #tpu.memory_space<vmem>>, vector<1x1x16xf32>,
        %get3A_552 = vector.shape_cast %get3A_551 : vector<1x1x16xf32> to vector<16xf32>
        %swap3A_553 = arith.constant 2 : i32
        %swap3A_554 = arith.index_cast %swap3A_553 : i32 to index
        %swap3A_555 = arith.index_cast %scan3A_314 : i32 to index
        %swap3A_556 = arith.constant 288 : index
        %swap3A_557 = tpu.vector_load %arg7[%swap3A_554, %swap3A_555, %swap3A_556] {strides = array<i32>} : memref<4x8x1024xf32, #tpu.memory_space<vmem>>, vector<1x1x16xf32>,
        %swap3A_558 = vector.shape_cast %swap3A_557 : vector<1x1x16xf32> to vector<16xf32>
        %swap3A_559 = vector.shape_cast %get3A_552 : vector<16xf32> to vector<1x1x16xf32>
        tpu.vector_store %arg7[%swap3A_554, %swap3A_555, %swap3A_556], %swap3A_559 {add = true, strides = array<i32>} : memref<4x8x1024xf32, #tpu.memory_space<vmem>>, vector<1x1x16xf32>,
        %get3A_560 = arith.constant 2 : i32
        %get3A_561 = arith.index_cast %get3A_560 : i32 to index
        %get3A_562 = arith.index_cast %scan3A_314 : i32 to index
        %get3A_563 = arith.constant 304 : index
        %get3A_564 = tpu.vector_load %arg8[%get3A_561, %get3A_562, %get3A_563] {strides = array<i32>} : memref<4x8x1024xf32, #tpu.memory_space<vmem>>, vector<1x1x16xf32>,
        %get3A_565 = vector.shape_cast %get3A_564 : vector<1x1x16xf32> to vector<16xf32>
        %swap3A_566 = arith.constant 2 : i32
        %swap3A_567 = arith.index_cast %swap3A_566 : i32 to index
        %swap3A_568 = arith.index_cast %scan3A_314 : i32 to index
        %swap3A_569 = arith.constant 304 : index
        %swap3A_570 = tpu.vector_load %arg7[%swap3A_567, %swap3A_568, %swap3A_569] {strides = array<i32>} : memref<4x8x1024xf32, #tpu.memory_space<vmem>>, vector<1x1x16xf32>,
        %swap3A_571 = vector.shape_cast %swap3A_570 : vector<1x1x16xf32> to vector<16xf32>
        %swap3A_572 = vector.shape_cast %get3A_565 : vector<16xf32> to vector<1x1x16xf32>
        tpu.vector_store %arg7[%swap3A_567, %swap3A_568, %swap3A_569], %swap3A_572 {add = true, strides = array<i32>} : memref<4x8x1024xf32, #tpu.memory_space<vmem>>, vector<1x1x16xf32>,
        %get3A_573 = arith.constant 2 : i32
        %get3A_574 = arith.index_cast %get3A_573 : i32 to index
        %get3A_575 = arith.index_cast %scan3A_314 : i32 to index
        %get3A_576 = arith.constant 320 : index
        %get3A_577 = tpu.vector_load %arg8[%get3A_574, %get3A_575, %get3A_576] {strides = array<i32>} : memref<4x8x1024xf32, #tpu.memory_space<vmem>>, vector<1x1x16xf32>,
        %get3A_578 = vector.shape_cast %get3A_577 : vector<1x1x16xf32> to vector<16xf32>
        %swap3A_579 = arith.constant 2 : i32
        %swap3A_580 = arith.index_cast %swap3A_579 : i32 to index
        %swap3A_581 = arith.index_cast %scan3A_314 : i32 to index
        %swap3A_582 = arith.constant 320 : index
        %swap3A_583 = tpu.vector_load %arg7[%swap3A_580, %swap3A_581, %swap3A_582] {strides = array<i32>} : memref<4x8x1024xf32, #tpu.memory_space<vmem>>, vector<1x1x16xf32>,
        %swap3A_584 = vector.shape_cast %swap3A_583 : vector<1x1x16xf32> to vector<16xf32>
        %swap3A_585 = vector.shape_cast %get3A_578 : vector<16xf32> to vector<1x1x16xf32>
        tpu.vector_store %arg7[%swap3A_580, %swap3A_581, %swap3A_582], %swap3A_585 {add = true, strides = array<i32>} : memref<4x8x1024xf32, #tpu.memory_space<vmem>>, vector<1x1x16xf32>,
        %get3A_586 = arith.constant 2 : i32
        %get3A_587 = arith.index_cast %get3A_586 : i32 to index
        %get3A_588 = arith.index_cast %scan3A_314 : i32 to index
        %get3A_589 = arith.constant 336 : index
        %get3A_590 = tpu.vector_load %arg8[%get3A_587, %get3A_588, %get3A_589] {strides = array<i32>} : memref<4x8x1024xf32, #tpu.memory_space<vmem>>, vector<1x1x16xf32>,
        %get3A_591 = vector.shape_cast %get3A_590 : vector<1x1x16xf32> to vector<16xf32>
        %swap3A_592 = arith.constant 2 : i32
        %swap3A_593 = arith.index_cast %swap3A_592 : i32 to index
        %swap3A_594 = arith.index_cast %scan3A_314 : i32 to index
        %swap3A_595 = arith.constant 336 : index
        %swap3A_596 = tpu.vector_load %arg7[%swap3A_593, %swap3A_594, %swap3A_595] {strides = array<i32>} : memref<4x8x1024xf32, #tpu.memory_space<vmem>>, vector<1x1x16xf32>,
        %swap3A_597 = vector.shape_cast %swap3A_596 : vector<1x1x16xf32> to vector<16xf32>
        %swap3A_598 = vector.shape_cast %get3A_591 : vector<16xf32> to vector<1x1x16xf32>
        tpu.vector_store %arg7[%swap3A_593, %swap3A_594, %swap3A_595], %swap3A_598 {add = true, strides = array<i32>} : memref<4x8x1024xf32, #tpu.memory_space<vmem>>, vector<1x1x16xf32>,
        %get3A_599 = arith.constant 2 : i32
        %get3A_600 = arith.index_cast %get3A_599 : i32 to index
        %get3A_601 = arith.index_cast %scan3A_314 : i32 to index
        %get3A_602 = arith.constant 352 : index
        %get3A_603 = tpu.vector_load %arg8[%get3A_600, %get3A_601, %get3A_602] {strides = array<i32>} : memref<4x8x1024xf32, #tpu.memory_space<vmem>>, vector<1x1x16xf32>,
        %get3A_604 = vector.shape_cast %get3A_603 : vector<1x1x16xf32> to vector<16xf32>
        %swap3A_605 = arith.constant 2 : i32
        %swap3A_606 = arith.index_cast %swap3A_605 : i32 to index
        %swap3A_607 = arith.index_cast %scan3A_314 : i32 to index
        %swap3A_608 = arith.constant 352 : index
        %swap3A_609 = tpu.vector_load %arg7[%swap3A_606, %swap3A_607, %swap3A_608] {strides = array<i32>} : memref<4x8x1024xf32, #tpu.memory_space<vmem>>, vector<1x1x16xf32>,
        %swap3A_610 = vector.shape_cast %swap3A_609 : vector<1x1x16xf32> to vector<16xf32>
        %swap3A_611 = vector.shape_cast %get3A_604 : vector<16xf32> to vector<1x1x16xf32>
        tpu.vector_store %arg7[%swap3A_606, %swap3A_607, %swap3A_608], %swap3A_611 {add = true, strides = array<i32>} : memref<4x8x1024xf32, #tpu.memory_space<vmem>>, vector<1x1x16xf32>,
        %get3A_612 = arith.constant 2 : i32
        %get3A_613 = arith.index_cast %get3A_612 : i32 to index
        %get3A_614 = arith.index_cast %scan3A_314 : i32 to index
        %get3A_615 = arith.constant 368 : index
        %get3A_616 = tpu.vector_load %arg8[%get3A_613, %get3A_614, %get3A_615] {strides = array<i32>} : memref<4x8x1024xf32, #tpu.memory_space<vmem>>, vector<1x1x16xf32>,
        %get3A_617 = vector.shape_cast %get3A_616 : vector<1x1x16xf32> to vector<16xf32>
        %swap3A_618 = arith.constant 2 : i32
        %swap3A_619 = arith.index_cast %swap3A_618 : i32 to index
        %swap3A_620 = arith.index_cast %scan3A_314 : i32 to index
        %swap3A_621 = arith.constant 368 : index
        %swap3A_622 = tpu.vector_load %arg7[%swap3A_619, %swap3A_620, %swap3A_621] {strides = array<i32>} : memref<4x8x1024xf32, #tpu.memory_space<vmem>>, vector<1x1x16xf32>,
        %swap3A_623 = vector.shape_cast %swap3A_622 : vector<1x1x16xf32> to vector<16xf32>
        %swap3A_624 = vector.shape_cast %get3A_617 : vector<16xf32> to vector<1x1x16xf32>
        tpu.vector_store %arg7[%swap3A_619, %swap3A_620, %swap3A_621], %swap3A_624 {add = true, strides = array<i32>} : memref<4x8x1024xf32, #tpu.memory_space<vmem>>, vector<1x1x16xf32>,
        %get3A_625 = arith.constant 2 : i32
        %get3A_626 = arith.index_cast %get3A_625 : i32 to index
        %get3A_627 = arith.index_cast %scan3A_314 : i32 to index
        %get3A_628 = arith.constant 384 : index
        %get3A_629 = tpu.vector_load %arg8[%get3A_626, %get3A_627, %get3A_628] {strides = array<i32>} : memref<4x8x1024xf32, #tpu.memory_space<vmem>>, vector<1x1x16xf32>,
        %get3A_630 = vector.shape_cast %get3A_629 : vector<1x1x16xf32> to vector<16xf32>
        %swap3A_631 = arith.constant 2 : i32
        %swap3A_632 = arith.index_cast %swap3A_631 : i32 to index
        %swap3A_633 = arith.index_cast %scan3A_314 : i32 to index
        %swap3A_634 = arith.constant 384 : index
        %swap3A_635 = tpu.vector_load %arg7[%swap3A_632, %swap3A_633, %swap3A_634] {strides = array<i32>} : memref<4x8x1024xf32, #tpu.memory_space<vmem>>, vector<1x1x16xf32>,
        %swap3A_636 = vector.shape_cast %swap3A_635 : vector<1x1x16xf32> to vector<16xf32>
        %swap3A_637 = vector.shape_cast %get3A_630 : vector<16xf32> to vector<1x1x16xf32>
        tpu.vector_store %arg7[%swap3A_632, %swap3A_633, %swap3A_634], %swap3A_637 {add = true, strides = array<i32>} : memref<4x8x1024xf32, #tpu.memory_space<vmem>>, vector<1x1x16xf32>,
        %get3A_638 = arith.constant 2 : i32
        %get3A_639 = arith.index_cast %get3A_638 : i32 to index
        %get3A_640 = arith.index_cast %scan3A_314 : i32 to index
        %get3A_641 = arith.constant 400 : index
        %get3A_642 = tpu.vector_load %arg8[%get3A_639, %get3A_640, %get3A_641] {strides = array<i32>} : memref<4x8x1024xf32, #tpu.memory_space<vmem>>, vector<1x1x16xf32>,
        %get3A_643 = vector.shape_cast %get3A_642 : vector<1x1x16xf32> to vector<16xf32>
        %swap3A_644 = arith.constant 2 : i32
        %swap3A_645 = arith.index_cast %swap3A_644 : i32 to index
        %swap3A_646 = arith.index_cast %scan3A_314 : i32 to index
        %swap3A_647 = arith.constant 400 : index
        %swap3A_648 = tpu.vector_load %arg7[%swap3A_645, %swap3A_646, %swap3A_647] {strides = array<i32>} : memref<4x8x1024xf32, #tpu.memory_space<vmem>>, vector<1x1x16xf32>,
        %swap3A_649 = vector.shape_cast %swap3A_648 : vector<1x1x16xf32> to vector<16xf32>
        %swap3A_650 = vector.shape_cast %get3A_643 : vector<16xf32> to vector<1x1x16xf32>
        tpu.vector_store %arg7[%swap3A_645, %swap3A_646, %swap3A_647], %swap3A_650 {add = true, strides = array<i32>} : memref<4x8x1024xf32, #tpu.memory_space<vmem>>, vector<1x1x16xf32>,
        %get3A_651 = arith.constant 2 : i32
        %get3A_652 = arith.index_cast %get3A_651 : i32 to index
        %get3A_653 = arith.index_cast %scan3A_314 : i32 to index
        %get3A_654 = arith.constant 416 : index
        %get3A_655 = tpu.vector_load %arg8[%get3A_652, %get3A_653, %get3A_654] {strides = array<i32>} : memref<4x8x1024xf32, #tpu.memory_space<vmem>>, vector<1x1x16xf32>,
        %get3A_656 = vector.shape_cast %get3A_655 : vector<1x1x16xf32> to vector<16xf32>
        %swap3A_657 = arith.constant 2 : i32
        %swap3A_658 = arith.index_cast %swap3A_657 : i32 to index
        %swap3A_659 = arith.index_cast %scan3A_314 : i32 to index
        %swap3A_660 = arith.constant 416 : index
        %swap3A_661 = tpu.vector_load %arg7[%swap3A_658, %swap3A_659, %swap3A_660] {strides = array<i32>} : memref<4x8x1024xf32, #tpu.memory_space<vmem>>, vector<1x1x16xf32>,
        %swap3A_662 = vector.shape_cast %swap3A_661 : vector<1x1x16xf32> to vector<16xf32>
        %swap3A_663 = vector.shape_cast %get3A_656 : vector<16xf32> to vector<1x1x16xf32>
        tpu.vector_store %arg7[%swap3A_658, %swap3A_659, %swap3A_660], %swap3A_663 {add = true, strides = array<i32>} : memref<4x8x1024xf32, #tpu.memory_space<vmem>>, vector<1x1x16xf32>,
        %get3A_664 = arith.constant 2 : i32
        %get3A_665 = arith.index_cast %get3A_664 : i32 to index
        %get3A_666 = arith.index_cast %scan3A_314 : i32 to index
        %get3A_667 = arith.constant 432 : index
        %get3A_668 = tpu.vector_load %arg8[%get3A_665, %get3A_666, %get3A_667] {strides = array<i32>} : memref<4x8x1024xf32, #tpu.memory_space<vmem>>, vector<1x1x16xf32>,
        %get3A_669 = vector.shape_cast %get3A_668 : vector<1x1x16xf32> to vector<16xf32>
        %swap3A_670 = arith.constant 2 : i32
        %swap3A_671 = arith.index_cast %swap3A_670 : i32 to index
        %swap3A_672 = arith.index_cast %scan3A_314 : i32 to index
        %swap3A_673 = arith.constant 432 : index
        %swap3A_674 = tpu.vector_load %arg7[%swap3A_671, %swap3A_672, %swap3A_673] {strides = array<i32>} : memref<4x8x1024xf32, #tpu.memory_space<vmem>>, vector<1x1x16xf32>,
        %swap3A_675 = vector.shape_cast %swap3A_674 : vector<1x1x16xf32> to vector<16xf32>
        %swap3A_676 = vector.shape_cast %get3A_669 : vector<16xf32> to vector<1x1x16xf32>
        tpu.vector_store %arg7[%swap3A_671, %swap3A_672, %swap3A_673], %swap3A_676 {add = true, strides = array<i32>} : memref<4x8x1024xf32, #tpu.memory_space<vmem>>, vector<1x1x16xf32>,
        %get3A_677 = arith.constant 2 : i32
        %get3A_678 = arith.index_cast %get3A_677 : i32 to index
        %get3A_679 = arith.index_cast %scan3A_314 : i32 to index
        %get3A_680 = arith.constant 448 : index
        %get3A_681 = tpu.vector_load %arg8[%get3A_678, %get3A_679, %get3A_680] {strides = array<i32>} : memref<4x8x1024xf32, #tpu.memory_space<vmem>>, vector<1x1x16xf32>,
        %get3A_682 = vector.shape_cast %get3A_681 : vector<1x1x16xf32> to vector<16xf32>
        %swap3A_683 = arith.constant 2 : i32
        %swap3A_684 = arith.index_cast %swap3A_683 : i32 to index
        %swap3A_685 = arith.index_cast %scan3A_314 : i32 to index
        %swap3A_686 = arith.constant 448 : index
        %swap3A_687 = tpu.vector_load %arg7[%swap3A_684, %swap3A_685, %swap3A_686] {strides = array<i32>} : memref<4x8x1024xf32, #tpu.memory_space<vmem>>, vector<1x1x16xf32>,
        %swap3A_688 = vector.shape_cast %swap3A_687 : vector<1x1x16xf32> to vector<16xf32>
        %swap3A_689 = vector.shape_cast %get3A_682 : vector<16xf32> to vector<1x1x16xf32>
        tpu.vector_store %arg7[%swap3A_684, %swap3A_685, %swap3A_686], %swap3A_689 {add = true, strides = array<i32>} : memref<4x8x1024xf32, #tpu.memory_space<vmem>>, vector<1x1x16xf32>,
        %get3A_690 = arith.constant 2 : i32
        %get3A_691 = arith.index_cast %get3A_690 : i32 to index
        %get3A_692 = arith.index_cast %scan3A_314 : i32 to index
        %get3A_693 = arith.constant 464 : index
        %get3A_694 = tpu.vector_load %arg8[%get3A_691, %get3A_692, %get3A_693] {strides = array<i32>} : memref<4x8x1024xf32, #tpu.memory_space<vmem>>, vector<1x1x16xf32>,
        %get3A_695 = vector.shape_cast %get3A_694 : vector<1x1x16xf32> to vector<16xf32>
        %swap3A_696 = arith.constant 2 : i32
        %swap3A_697 = arith.index_cast %swap3A_696 : i32 to index
        %swap3A_698 = arith.index_cast %scan3A_314 : i32 to index
        %swap3A_699 = arith.constant 464 : index
        %swap3A_700 = tpu.vector_load %arg7[%swap3A_697, %swap3A_698, %swap3A_699] {strides = array<i32>} : memref<4x8x1024xf32, #tpu.memory_space<vmem>>, vector<1x1x16xf32>,
        %swap3A_701 = vector.shape_cast %swap3A_700 : vector<1x1x16xf32> to vector<16xf32>
        %swap3A_702 = vector.shape_cast %get3A_695 : vector<16xf32> to vector<1x1x16xf32>
        tpu.vector_store %arg7[%swap3A_697, %swap3A_698, %swap3A_699], %swap3A_702 {add = true, strides = array<i32>} : memref<4x8x1024xf32, #tpu.memory_space<vmem>>, vector<1x1x16xf32>,
        %get3A_703 = arith.constant 2 : i32
        %get3A_704 = arith.index_cast %get3A_703 : i32 to index
        %get3A_705 = arith.index_cast %scan3A_314 : i32 to index
        %get3A_706 = arith.constant 480 : index
        %get3A_707 = tpu.vector_load %arg8[%get3A_704, %get3A_705, %get3A_706] {strides = array<i32>} : memref<4x8x1024xf32, #tpu.memory_space<vmem>>, vector<1x1x16xf32>,
        %get3A_708 = vector.shape_cast %get3A_707 : vector<1x1x16xf32> to vector<16xf32>
        %swap3A_709 = arith.constant 2 : i32
        %swap3A_710 = arith.index_cast %swap3A_709 : i32 to index
        %swap3A_711 = arith.index_cast %scan3A_314 : i32 to index
        %swap3A_712 = arith.constant 480 : index
        %swap3A_713 = tpu.vector_load %arg7[%swap3A_710, %swap3A_711, %swap3A_712] {strides = array<i32>} : memref<4x8x1024xf32, #tpu.memory_space<vmem>>, vector<1x1x16xf32>,
        %swap3A_714 = vector.shape_cast %swap3A_713 : vector<1x1x16xf32> to vector<16xf32>
        %swap3A_715 = vector.shape_cast %get3A_708 : vector<16xf32> to vector<1x1x16xf32>
        tpu.vector_store %arg7[%swap3A_710, %swap3A_711, %swap3A_712], %swap3A_715 {add = true, strides = array<i32>} : memref<4x8x1024xf32, #tpu.memory_space<vmem>>, vector<1x1x16xf32>,
        %get3A_716 = arith.constant 2 : i32
        %get3A_717 = arith.index_cast %get3A_716 : i32 to index
        %get3A_718 = arith.index_cast %scan3A_314 : i32 to index
        %get3A_719 = arith.constant 496 : index
        %get3A_720 = tpu.vector_load %arg8[%get3A_717, %get3A_718, %get3A_719] {strides = array<i32>} : memref<4x8x1024xf32, #tpu.memory_space<vmem>>, vector<1x1x16xf32>,
        %get3A_721 = vector.shape_cast %get3A_720 : vector<1x1x16xf32> to vector<16xf32>
        %swap3A_722 = arith.constant 2 : i32
        %swap3A_723 = arith.index_cast %swap3A_722 : i32 to index
        %swap3A_724 = arith.index_cast %scan3A_314 : i32 to index
        %swap3A_725 = arith.constant 496 : index
        %swap3A_726 = tpu.vector_load %arg7[%swap3A_723, %swap3A_724, %swap3A_725] {strides = array<i32>} : memref<4x8x1024xf32, #tpu.memory_space<vmem>>, vector<1x1x16xf32>,
        %swap3A_727 = vector.shape_cast %swap3A_726 : vector<1x1x16xf32> to vector<16xf32>
        %swap3A_728 = vector.shape_cast %get3A_721 : vector<16xf32> to vector<1x1x16xf32>
        tpu.vector_store %arg7[%swap3A_723, %swap3A_724, %swap3A_725], %swap3A_728 {add = true, strides = array<i32>} : memref<4x8x1024xf32, #tpu.memory_space<vmem>>, vector<1x1x16xf32>,
        %get3A_729 = arith.constant 2 : i32
        %get3A_730 = arith.index_cast %get3A_729 : i32 to index
        %get3A_731 = arith.index_cast %scan3A_314 : i32 to index
        %get3A_732 = arith.constant 512 : index
        %get3A_733 = tpu.vector_load %arg8[%get3A_730, %get3A_731, %get3A_732] {strides = array<i32>} : memref<4x8x1024xf32, #tpu.memory_space<vmem>>, vector<1x1x16xf32>,
        %get3A_734 = vector.shape_cast %get3A_733 : vector<1x1x16xf32> to vector<16xf32>
        %swap3A_735 = arith.constant 2 : i32
        %swap3A_736 = arith.index_cast %swap3A_735 : i32 to index
        %swap3A_737 = arith.index_cast %scan3A_314 : i32 to index
        %swap3A_738 = arith.constant 512 : index
        %swap3A_739 = tpu.vector_load %arg7[%swap3A_736, %swap3A_737, %swap3A_738] {strides = array<i32>} : memref<4x8x1024xf32, #tpu.memory_space<vmem>>, vector<1x1x16xf32>,
        %swap3A_740 = vector.shape_cast %swap3A_739 : vector<1x1x16xf32> to vector<16xf32>
        %swap3A_741 = vector.shape_cast %get3A_734 : vector<16xf32> to vector<1x1x16xf32>
        tpu.vector_store %arg7[%swap3A_736, %swap3A_737, %swap3A_738], %swap3A_741 {add = true, strides = array<i32>} : memref<4x8x1024xf32, #tpu.memory_space<vmem>>, vector<1x1x16xf32>,
        %get3A_742 = arith.constant 2 : i32
        %get3A_743 = arith.index_cast %get3A_742 : i32 to index
        %get3A_744 = arith.index_cast %scan3A_314 : i32 to index
        %get3A_745 = arith.constant 528 : index
        %get3A_746 = tpu.vector_load %arg8[%get3A_743, %get3A_744, %get3A_745] {strides = array<i32>} : memref<4x8x1024xf32, #tpu.memory_space<vmem>>, vector<1x1x16xf32>,
        %get3A_747 = vector.shape_cast %get3A_746 : vector<1x1x16xf32> to vector<16xf32>
        %swap3A_748 = arith.constant 2 : i32
        %swap3A_749 = arith.index_cast %swap3A_748 : i32 to index
        %swap3A_750 = arith.index_cast %scan3A_314 : i32 to index
        %swap3A_751 = arith.constant 528 : index
        %swap3A_752 = tpu.vector_load %arg7[%swap3A_749, %swap3A_750, %swap3A_751] {strides = array<i32>} : memref<4x8x1024xf32, #tpu.memory_space<vmem>>, vector<1x1x16xf32>,
        %swap3A_753 = vector.shape_cast %swap3A_752 : vector<1x1x16xf32> to vector<16xf32>
        %swap3A_754 = vector.shape_cast %get3A_747 : vector<16xf32> to vector<1x1x16xf32>
        tpu.vector_store %arg7[%swap3A_749, %swap3A_750, %swap3A_751], %swap3A_754 {add = true, strides = array<i32>} : memref<4x8x1024xf32, #tpu.memory_space<vmem>>, vector<1x1x16xf32>,
        %get3A_755 = arith.constant 2 : i32
        %get3A_756 = arith.index_cast %get3A_755 : i32 to index
        %get3A_757 = arith.index_cast %scan3A_314 : i32 to index
        %get3A_758 = arith.constant 544 : index
        %get3A_759 = tpu.vector_load %arg8[%get3A_756, %get3A_757, %get3A_758] {strides = array<i32>} : memref<4x8x1024xf32, #tpu.memory_space<vmem>>, vector<1x1x16xf32>,
        %get3A_760 = vector.shape_cast %get3A_759 : vector<1x1x16xf32> to vector<16xf32>
        %swap3A_761 = arith.constant 2 : i32
        %swap3A_762 = arith.index_cast %swap3A_761 : i32 to index
        %swap3A_763 = arith.index_cast %scan3A_314 : i32 to index
        %swap3A_764 = arith.constant 544 : index
        %swap3A_765 = tpu.vector_load %arg7[%swap3A_762, %swap3A_763, %swap3A_764] {strides = array<i32>} : memref<4x8x1024xf32, #tpu.memory_space<vmem>>, vector<1x1x16xf32>,
        %swap3A_766 = vector.shape_cast %swap3A_765 : vector<1x1x16xf32> to vector<16xf32>
        %swap3A_767 = vector.shape_cast %get3A_760 : vector<16xf32> to vector<1x1x16xf32>
        tpu.vector_store %arg7[%swap3A_762, %swap3A_763, %swap3A_764], %swap3A_767 {add = true, strides = array<i32>} : memref<4x8x1024xf32, #tpu.memory_space<vmem>>, vector<1x1x16xf32>,
        %get3A_768 = arith.constant 2 : i32
        %get3A_769 = arith.index_cast %get3A_768 : i32 to index
        %get3A_770 = arith.index_cast %scan3A_314 : i32 to index
        %get3A_771 = arith.constant 560 : index
        %get3A_772 = tpu.vector_load %arg8[%get3A_769, %get3A_770, %get3A_771] {strides = array<i32>} : memref<4x8x1024xf32, #tpu.memory_space<vmem>>, vector<1x1x16xf32>,
        %get3A_773 = vector.shape_cast %get3A_772 : vector<1x1x16xf32> to vector<16xf32>
        %swap3A_774 = arith.constant 2 : i32
        %swap3A_775 = arith.index_cast %swap3A_774 : i32 to index
        %swap3A_776 = arith.index_cast %scan3A_314 : i32 to index
        %swap3A_777 = arith.constant 560 : index
        %swap3A_778 = tpu.vector_load %arg7[%swap3A_775, %swap3A_776, %swap3A_777] {strides = array<i32>} : memref<4x8x1024xf32, #tpu.memory_space<vmem>>, vector<1x1x16xf32>,
        %swap3A_779 = vector.shape_cast %swap3A_778 : vector<1x1x16xf32> to vector<16xf32>
        %swap3A_780 = vector.shape_cast %get3A_773 : vector<16xf32> to vector<1x1x16xf32>
        tpu.vector_store %arg7[%swap3A_775, %swap3A_776, %swap3A_777], %swap3A_780 {add = true, strides = array<i32>} : memref<4x8x1024xf32, #tpu.memory_space<vmem>>, vector<1x1x16xf32>,
        %get3A_781 = arith.constant 2 : i32
        %get3A_782 = arith.index_cast %get3A_781 : i32 to index
        %get3A_783 = arith.index_cast %scan3A_314 : i32 to index
        %get3A_784 = arith.constant 576 : index
        %get3A_785 = tpu.vector_load %arg8[%get3A_782, %get3A_783, %get3A_784] {strides = array<i32>} : memref<4x8x1024xf32, #tpu.memory_space<vmem>>, vector<1x1x16xf32>,
        %get3A_786 = vector.shape_cast %get3A_785 : vector<1x1x16xf32> to vector<16xf32>
        %swap3A_787 = arith.constant 2 : i32
        %swap3A_788 = arith.index_cast %swap3A_787 : i32 to index
        %swap3A_789 = arith.index_cast %scan3A_314 : i32 to index
        %swap3A_790 = arith.constant 576 : index
        %swap3A_791 = tpu.vector_load %arg7[%swap3A_788, %swap3A_789, %swap3A_790] {strides = array<i32>} : memref<4x8x1024xf32, #tpu.memory_space<vmem>>, vector<1x1x16xf32>,
        %swap3A_792 = vector.shape_cast %swap3A_791 : vector<1x1x16xf32> to vector<16xf32>
        %swap3A_793 = vector.shape_cast %get3A_786 : vector<16xf32> to vector<1x1x16xf32>
        tpu.vector_store %arg7[%swap3A_788, %swap3A_789, %swap3A_790], %swap3A_793 {add = true, strides = array<i32>} : memref<4x8x1024xf32, #tpu.memory_space<vmem>>, vector<1x1x16xf32>,
        %get3A_794 = arith.constant 2 : i32
        %get3A_795 = arith.index_cast %get3A_794 : i32 to index
        %get3A_796 = arith.index_cast %scan3A_314 : i32 to index
        %get3A_797 = arith.constant 592 : index
        %get3A_798 = tpu.vector_load %arg8[%get3A_795, %get3A_796, %get3A_797] {strides = array<i32>} : memref<4x8x1024xf32, #tpu.memory_space<vmem>>, vector<1x1x16xf32>,
        %get3A_799 = vector.shape_cast %get3A_798 : vector<1x1x16xf32> to vector<16xf32>
        %swap3A_800 = arith.constant 2 : i32
        %swap3A_801 = arith.index_cast %swap3A_800 : i32 to index
        %swap3A_802 = arith.index_cast %scan3A_314 : i32 to index
        %swap3A_803 = arith.constant 592 : index
        %swap3A_804 = tpu.vector_load %arg7[%swap3A_801, %swap3A_802, %swap3A_803] {strides = array<i32>} : memref<4x8x1024xf32, #tpu.memory_space<vmem>>, vector<1x1x16xf32>,
        %swap3A_805 = vector.shape_cast %swap3A_804 : vector<1x1x16xf32> to vector<16xf32>
        %swap3A_806 = vector.shape_cast %get3A_799 : vector<16xf32> to vector<1x1x16xf32>
        tpu.vector_store %arg7[%swap3A_801, %swap3A_802, %swap3A_803], %swap3A_806 {add = true, strides = array<i32>} : memref<4x8x1024xf32, #tpu.memory_space<vmem>>, vector<1x1x16xf32>,
        %get3A_807 = arith.constant 2 : i32
        %get3A_808 = arith.index_cast %get3A_807 : i32 to index
        %get3A_809 = arith.index_cast %scan3A_314 : i32 to index
        %get3A_810 = arith.constant 608 : index
        %get3A_811 = tpu.vector_load %arg8[%get3A_808, %get3A_809, %get3A_810] {strides = array<i32>} : memref<4x8x1024xf32, #tpu.memory_space<vmem>>, vector<1x1x16xf32>,
        %get3A_812 = vector.shape_cast %get3A_811 : vector<1x1x16xf32> to vector<16xf32>
        %swap3A_813 = arith.constant 2 : i32
        %swap3A_814 = arith.index_cast %swap3A_813 : i32 to index
        %swap3A_815 = arith.index_cast %scan3A_314 : i32 to index
        %swap3A_816 = arith.constant 608 : index
        %swap3A_817 = tpu.vector_load %arg7[%swap3A_814, %swap3A_815, %swap3A_816] {strides = array<i32>} : memref<4x8x1024xf32, #tpu.memory_space<vmem>>, vector<1x1x16xf32>,
        %swap3A_818 = vector.shape_cast %swap3A_817 : vector<1x1x16xf32> to vector<16xf32>
        %swap3A_819 = vector.shape_cast %get3A_812 : vector<16xf32> to vector<1x1x16xf32>
        tpu.vector_store %arg7[%swap3A_814, %swap3A_815, %swap3A_816], %swap3A_819 {add = true, strides = array<i32>} : memref<4x8x1024xf32, #tpu.memory_space<vmem>>, vector<1x1x16xf32>,
        %get3A_820 = arith.constant 2 : i32
        %get3A_821 = arith.index_cast %get3A_820 : i32 to index
        %get3A_822 = arith.index_cast %scan3A_314 : i32 to index
        %get3A_823 = arith.constant 624 : index
        %get3A_824 = tpu.vector_load %arg8[%get3A_821, %get3A_822, %get3A_823] {strides = array<i32>} : memref<4x8x1024xf32, #tpu.memory_space<vmem>>, vector<1x1x16xf32>,
        %get3A_825 = vector.shape_cast %get3A_824 : vector<1x1x16xf32> to vector<16xf32>
        %swap3A_826 = arith.constant 2 : i32
        %swap3A_827 = arith.index_cast %swap3A_826 : i32 to index
        %swap3A_828 = arith.index_cast %scan3A_314 : i32 to index
        %swap3A_829 = arith.constant 624 : index
        %swap3A_830 = tpu.vector_load %arg7[%swap3A_827, %swap3A_828, %swap3A_829] {strides = array<i32>} : memref<4x8x1024xf32, #tpu.memory_space<vmem>>, vector<1x1x16xf32>,
        %swap3A_831 = vector.shape_cast %swap3A_830 : vector<1x1x16xf32> to vector<16xf32>
        %swap3A_832 = vector.shape_cast %get3A_825 : vector<16xf32> to vector<1x1x16xf32>
        tpu.vector_store %arg7[%swap3A_827, %swap3A_828, %swap3A_829], %swap3A_832 {add = true, strides = array<i32>} : memref<4x8x1024xf32, #tpu.memory_space<vmem>>, vector<1x1x16xf32>,
        %get3A_833 = arith.constant 2 : i32
        %get3A_834 = arith.index_cast %get3A_833 : i32 to index
        %get3A_835 = arith.index_cast %scan3A_314 : i32 to index
        %get3A_836 = arith.constant 640 : index
        %get3A_837 = tpu.vector_load %arg8[%get3A_834, %get3A_835, %get3A_836] {strides = array<i32>} : memref<4x8x1024xf32, #tpu.memory_space<vmem>>, vector<1x1x16xf32>,
        %get3A_838 = vector.shape_cast %get3A_837 : vector<1x1x16xf32> to vector<16xf32>
        %swap3A_839 = arith.constant 2 : i32
        %swap3A_840 = arith.index_cast %swap3A_839 : i32 to index
        %swap3A_841 = arith.index_cast %scan3A_314 : i32 to index
        %swap3A_842 = arith.constant 640 : index
        %swap3A_843 = tpu.vector_load %arg7[%swap3A_840, %swap3A_841, %swap3A_842] {strides = array<i32>} : memref<4x8x1024xf32, #tpu.memory_space<vmem>>, vector<1x1x16xf32>,
        %swap3A_844 = vector.shape_cast %swap3A_843 : vector<1x1x16xf32> to vector<16xf32>
        %swap3A_845 = vector.shape_cast %get3A_838 : vector<16xf32> to vector<1x1x16xf32>
        tpu.vector_store %arg7[%swap3A_840, %swap3A_841, %swap3A_842], %swap3A_845 {add = true, strides = array<i32>} : memref<4x8x1024xf32, #tpu.memory_space<vmem>>, vector<1x1x16xf32>,
        %get3A_846 = arith.constant 2 : i32
        %get3A_847 = arith.index_cast %get3A_846 : i32 to index
        %get3A_848 = arith.index_cast %scan3A_314 : i32 to index
        %get3A_849 = arith.constant 656 : index
        %get3A_850 = tpu.vector_load %arg8[%get3A_847, %get3A_848, %get3A_849] {strides = array<i32>} : memref<4x8x1024xf32, #tpu.memory_space<vmem>>, vector<1x1x16xf32>,
        %get3A_851 = vector.shape_cast %get3A_850 : vector<1x1x16xf32> to vector<16xf32>
        %swap3A_852 = arith.constant 2 : i32
        %swap3A_853 = arith.index_cast %swap3A_852 : i32 to index
        %swap3A_854 = arith.index_cast %scan3A_314 : i32 to index
        %swap3A_855 = arith.constant 656 : index
        %swap3A_856 = tpu.vector_load %arg7[%swap3A_853, %swap3A_854, %swap3A_855] {strides = array<i32>} : memref<4x8x1024xf32, #tpu.memory_space<vmem>>, vector<1x1x16xf32>,
        %swap3A_857 = vector.shape_cast %swap3A_856 : vector<1x1x16xf32> to vector<16xf32>
        %swap3A_858 = vector.shape_cast %get3A_851 : vector<16xf32> to vector<1x1x16xf32>
        tpu.vector_store %arg7[%swap3A_853, %swap3A_854, %swap3A_855], %swap3A_858 {add = true, strides = array<i32>} : memref<4x8x1024xf32, #tpu.memory_space<vmem>>, vector<1x1x16xf32>,
        %get3A_859 = arith.constant 2 : i32
        %get3A_860 = arith.index_cast %get3A_859 : i32 to index
        %get3A_861 = arith.index_cast %scan3A_314 : i32 to index
        %get3A_862 = arith.constant 672 : index
        %get3A_863 = tpu.vector_load %arg8[%get3A_860, %get3A_861, %get3A_862] {strides = array<i32>} : memref<4x8x1024xf32, #tpu.memory_space<vmem>>, vector<1x1x16xf32>,
        %get3A_864 = vector.shape_cast %get3A_863 : vector<1x1x16xf32> to vector<16xf32>
        %swap3A_865 = arith.constant 2 : i32
        %swap3A_866 = arith.index_cast %swap3A_865 : i32 to index
        %swap3A_867 = arith.index_cast %scan3A_314 : i32 to index
        %swap3A_868 = arith.constant 672 : index
        %swap3A_869 = tpu.vector_load %arg7[%swap3A_866, %swap3A_867, %swap3A_868] {strides = array<i32>} : memref<4x8x1024xf32, #tpu.memory_space<vmem>>, vector<1x1x16xf32>,
        %swap3A_870 = vector.shape_cast %swap3A_869 : vector<1x1x16xf32> to vector<16xf32>
        %swap3A_871 = vector.shape_cast %get3A_864 : vector<16xf32> to vector<1x1x16xf32>
        tpu.vector_store %arg7[%swap3A_866, %swap3A_867, %swap3A_868], %swap3A_871 {add = true, strides = array<i32>} : memref<4x8x1024xf32, #tpu.memory_space<vmem>>, vector<1x1x16xf32>,
        %get3A_872 = arith.constant 2 : i32
        %get3A_873 = arith.index_cast %get3A_872 : i32 to index
        %get3A_874 = arith.index_cast %scan3A_314 : i32 to index
        %get3A_875 = arith.constant 688 : index
        %get3A_876 = tpu.vector_load %arg8[%get3A_873, %get3A_874, %get3A_875] {strides = array<i32>} : memref<4x8x1024xf32, #tpu.memory_space<vmem>>, vector<1x1x16xf32>,
        %get3A_877 = vector.shape_cast %get3A_876 : vector<1x1x16xf32> to vector<16xf32>
        %swap3A_878 = arith.constant 2 : i32
        %swap3A_879 = arith.index_cast %swap3A_878 : i32 to index
        %swap3A_880 = arith.index_cast %scan3A_314 : i32 to index
        %swap3A_881 = arith.constant 688 : index
        %swap3A_882 = tpu.vector_load %arg7[%swap3A_879, %swap3A_880, %swap3A_881] {strides = array<i32>} : memref<4x8x1024xf32, #tpu.memory_space<vmem>>, vector<1x1x16xf32>,
        %swap3A_883 = vector.shape_cast %swap3A_882 : vector<1x1x16xf32> to vector<16xf32>
        %swap3A_884 = vector.shape_cast %get3A_877 : vector<16xf32> to vector<1x1x16xf32>
        tpu.vector_store %arg7[%swap3A_879, %swap3A_880, %swap3A_881], %swap3A_884 {add = true, strides = array<i32>} : memref<4x8x1024xf32, #tpu.memory_space<vmem>>, vector<1x1x16xf32>,
        %get3A_885 = arith.constant 2 : i32
        %get3A_886 = arith.index_cast %get3A_885 : i32 to index
        %get3A_887 = arith.index_cast %scan3A_314 : i32 to index
        %get3A_888 = arith.constant 704 : index
        %get3A_889 = tpu.vector_load %arg8[%get3A_886, %get3A_887, %get3A_888] {strides = array<i32>} : memref<4x8x1024xf32, #tpu.memory_space<vmem>>, vector<1x1x16xf32>,
        %get3A_890 = vector.shape_cast %get3A_889 : vector<1x1x16xf32> to vector<16xf32>
        %swap3A_891 = arith.constant 2 : i32
        %swap3A_892 = arith.index_cast %swap3A_891 : i32 to index
        %swap3A_893 = arith.index_cast %scan3A_314 : i32 to index
        %swap3A_894 = arith.constant 704 : index
        %swap3A_895 = tpu.vector_load %arg7[%swap3A_892, %swap3A_893, %swap3A_894] {strides = array<i32>} : memref<4x8x1024xf32, #tpu.memory_space<vmem>>, vector<1x1x16xf32>,
        %swap3A_896 = vector.shape_cast %swap3A_895 : vector<1x1x16xf32> to vector<16xf32>
        %swap3A_897 = vector.shape_cast %get3A_890 : vector<16xf32> to vector<1x1x16xf32>
        tpu.vector_store %arg7[%swap3A_892, %swap3A_893, %swap3A_894], %swap3A_897 {add = true, strides = array<i32>} : memref<4x8x1024xf32, #tpu.memory_space<vmem>>, vector<1x1x16xf32>,
        %get3A_898 = arith.constant 2 : i32
        %get3A_899 = arith.index_cast %get3A_898 : i32 to index
        %get3A_900 = arith.index_cast %scan3A_314 : i32 to index
        %get3A_901 = arith.constant 720 : index
        %get3A_902 = tpu.vector_load %arg8[%get3A_899, %get3A_900, %get3A_901] {strides = array<i32>} : memref<4x8x1024xf32, #tpu.memory_space<vmem>>, vector<1x1x16xf32>,
        %get3A_903 = vector.shape_cast %get3A_902 : vector<1x1x16xf32> to vector<16xf32>
        %swap3A_904 = arith.constant 2 : i32
        %swap3A_905 = arith.index_cast %swap3A_904 : i32 to index
        %swap3A_906 = arith.index_cast %scan3A_314 : i32 to index
        %swap3A_907 = arith.constant 720 : index
        %swap3A_908 = tpu.vector_load %arg7[%swap3A_905, %swap3A_906, %swap3A_907] {strides = array<i32>} : memref<4x8x1024xf32, #tpu.memory_space<vmem>>, vector<1x1x16xf32>,
        %swap3A_909 = vector.shape_cast %swap3A_908 : vector<1x1x16xf32> to vector<16xf32>
        %swap3A_910 = vector.shape_cast %get3A_903 : vector<16xf32> to vector<1x1x16xf32>
        tpu.vector_store %arg7[%swap3A_905, %swap3A_906, %swap3A_907], %swap3A_910 {add = true, strides = array<i32>} : memref<4x8x1024xf32, #tpu.memory_space<vmem>>, vector<1x1x16xf32>,
        %get3A_911 = arith.constant 2 : i32
        %get3A_912 = arith.index_cast %get3A_911 : i32 to index
        %get3A_913 = arith.index_cast %scan3A_314 : i32 to index
        %get3A_914 = arith.constant 736 : index
        %get3A_915 = tpu.vector_load %arg8[%get3A_912, %get3A_913, %get3A_914] {strides = array<i32>} : memref<4x8x1024xf32, #tpu.memory_space<vmem>>, vector<1x1x16xf32>,
        %get3A_916 = vector.shape_cast %get3A_915 : vector<1x1x16xf32> to vector<16xf32>
        %swap3A_917 = arith.constant 2 : i32
        %swap3A_918 = arith.index_cast %swap3A_917 : i32 to index
        %swap3A_919 = arith.index_cast %scan3A_314 : i32 to index
        %swap3A_920 = arith.constant 736 : index
        %swap3A_921 = tpu.vector_load %arg7[%swap3A_918, %swap3A_919, %swap3A_920] {strides = array<i32>} : memref<4x8x1024xf32, #tpu.memory_space<vmem>>, vector<1x1x16xf32>,
        %swap3A_922 = vector.shape_cast %swap3A_921 : vector<1x1x16xf32> to vector<16xf32>
        %swap3A_923 = vector.shape_cast %get3A_916 : vector<16xf32> to vector<1x1x16xf32>
        tpu.vector_store %arg7[%swap3A_918, %swap3A_919, %swap3A_920], %swap3A_923 {add = true, strides = array<i32>} : memref<4x8x1024xf32, #tpu.memory_space<vmem>>, vector<1x1x16xf32>,
        %get3A_924 = arith.constant 2 : i32
        %get3A_925 = arith.index_cast %get3A_924 : i32 to index
        %get3A_926 = arith.index_cast %scan3A_314 : i32 to index
        %get3A_927 = arith.constant 752 : index
        %get3A_928 = tpu.vector_load %arg8[%get3A_925, %get3A_926, %get3A_927] {strides = array<i32>} : memref<4x8x1024xf32, #tpu.memory_space<vmem>>, vector<1x1x16xf32>,
        %get3A_929 = vector.shape_cast %get3A_928 : vector<1x1x16xf32> to vector<16xf32>
        %swap3A_930 = arith.constant 2 : i32
        %swap3A_931 = arith.index_cast %swap3A_930 : i32 to index
        %swap3A_932 = arith.index_cast %scan3A_314 : i32 to index
        %swap3A_933 = arith.constant 752 : index
        %swap3A_934 = tpu.vector_load %arg7[%swap3A_931, %swap3A_932, %swap3A_933] {strides = array<i32>} : memref<4x8x1024xf32, #tpu.memory_space<vmem>>, vector<1x1x16xf32>,
        %swap3A_935 = vector.shape_cast %swap3A_934 : vector<1x1x16xf32> to vector<16xf32>
        %swap3A_936 = vector.shape_cast %get3A_929 : vector<16xf32> to vector<1x1x16xf32>
        tpu.vector_store %arg7[%swap3A_931, %swap3A_932, %swap3A_933], %swap3A_936 {add = true, strides = array<i32>} : memref<4x8x1024xf32, #tpu.memory_space<vmem>>, vector<1x1x16xf32>,
        %get3A_937 = arith.constant 2 : i32
        %get3A_938 = arith.index_cast %get3A_937 : i32 to index
        %get3A_939 = arith.index_cast %scan3A_314 : i32 to index
        %get3A_940 = arith.constant 768 : index
        %get3A_941 = tpu.vector_load %arg8[%get3A_938, %get3A_939, %get3A_940] {strides = array<i32>} : memref<4x8x1024xf32, #tpu.memory_space<vmem>>, vector<1x1x16xf32>,
        %get3A_942 = vector.shape_cast %get3A_941 : vector<1x1x16xf32> to vector<16xf32>
        %swap3A_943 = arith.constant 2 : i32
        %swap3A_944 = arith.index_cast %swap3A_943 : i32 to index
        %swap3A_945 = arith.index_cast %scan3A_314 : i32 to index
        %swap3A_946 = arith.constant 768 : index
        %swap3A_947 = tpu.vector_load %arg7[%swap3A_944, %swap3A_945, %swap3A_946] {strides = array<i32>} : memref<4x8x1024xf32, #tpu.memory_space<vmem>>, vector<1x1x16xf32>,
        %swap3A_948 = vector.shape_cast %swap3A_947 : vector<1x1x16xf32> to vector<16xf32>
        %swap3A_949 = vector.shape_cast %get3A_942 : vector<16xf32> to vector<1x1x16xf32>
        tpu.vector_store %arg7[%swap3A_944, %swap3A_945, %swap3A_946], %swap3A_949 {add = true, strides = array<i32>} : memref<4x8x1024xf32, #tpu.memory_space<vmem>>, vector<1x1x16xf32>,
        %get3A_950 = arith.constant 2 : i32
        %get3A_951 = arith.index_cast %get3A_950 : i32 to index
        %get3A_952 = arith.index_cast %scan3A_314 : i32 to index
        %get3A_953 = arith.constant 784 : index
        %get3A_954 = tpu.vector_load %arg8[%get3A_951, %get3A_952, %get3A_953] {strides = array<i32>} : memref<4x8x1024xf32, #tpu.memory_space<vmem>>, vector<1x1x16xf32>,
        %get3A_955 = vector.shape_cast %get3A_954 : vector<1x1x16xf32> to vector<16xf32>
        %swap3A_956 = arith.constant 2 : i32
        %swap3A_957 = arith.index_cast %swap3A_956 : i32 to index
        %swap3A_958 = arith.index_cast %scan3A_314 : i32 to index
        %swap3A_959 = arith.constant 784 : index
        %swap3A_960 = tpu.vector_load %arg7[%swap3A_957, %swap3A_958, %swap3A_959] {strides = array<i32>} : memref<4x8x1024xf32, #tpu.memory_space<vmem>>, vector<1x1x16xf32>,
        %swap3A_961 = vector.shape_cast %swap3A_960 : vector<1x1x16xf32> to vector<16xf32>
        %swap3A_962 = vector.shape_cast %get3A_955 : vector<16xf32> to vector<1x1x16xf32>
        tpu.vector_store %arg7[%swap3A_957, %swap3A_958, %swap3A_959], %swap3A_962 {add = true, strides = array<i32>} : memref<4x8x1024xf32, #tpu.memory_space<vmem>>, vector<1x1x16xf32>,
        %get3A_963 = arith.constant 2 : i32
        %get3A_964 = arith.index_cast %get3A_963 : i32 to index
        %get3A_965 = arith.index_cast %scan3A_314 : i32 to index
        %get3A_966 = arith.constant 800 : index
        %get3A_967 = tpu.vector_load %arg8[%get3A_964, %get3A_965, %get3A_966] {strides = array<i32>} : memref<4x8x1024xf32, #tpu.memory_space<vmem>>, vector<1x1x16xf32>,
        %get3A_968 = vector.shape_cast %get3A_967 : vector<1x1x16xf32> to vector<16xf32>
        %swap3A_969 = arith.constant 2 : i32
        %swap3A_970 = arith.index_cast %swap3A_969 : i32 to index
        %swap3A_971 = arith.index_cast %scan3A_314 : i32 to index
        %swap3A_972 = arith.constant 800 : index
        %swap3A_973 = tpu.vector_load %arg7[%swap3A_970, %swap3A_971, %swap3A_972] {strides = array<i32>} : memref<4x8x1024xf32, #tpu.memory_space<vmem>>, vector<1x1x16xf32>,
        %swap3A_974 = vector.shape_cast %swap3A_973 : vector<1x1x16xf32> to vector<16xf32>
        %swap3A_975 = vector.shape_cast %get3A_968 : vector<16xf32> to vector<1x1x16xf32>
        tpu.vector_store %arg7[%swap3A_970, %swap3A_971, %swap3A_972], %swap3A_975 {add = true, strides = array<i32>} : memref<4x8x1024xf32, #tpu.memory_space<vmem>>, vector<1x1x16xf32>,
        %get3A_976 = arith.constant 2 : i32
        %get3A_977 = arith.index_cast %get3A_976 : i32 to index
        %get3A_978 = arith.index_cast %scan3A_314 : i32 to index
        %get3A_979 = arith.constant 816 : index
        %get3A_980 = tpu.vector_load %arg8[%get3A_977, %get3A_978, %get3A_979] {strides = array<i32>} : memref<4x8x1024xf32, #tpu.memory_space<vmem>>, vector<1x1x16xf32>,
        %get3A_981 = vector.shape_cast %get3A_980 : vector<1x1x16xf32> to vector<16xf32>
        %swap3A_982 = arith.constant 2 : i32
        %swap3A_983 = arith.index_cast %swap3A_982 : i32 to index
        %swap3A_984 = arith.index_cast %scan3A_314 : i32 to index
        %swap3A_985 = arith.constant 816 : index
        %swap3A_986 = tpu.vector_load %arg7[%swap3A_983, %swap3A_984, %swap3A_985] {strides = array<i32>} : memref<4x8x1024xf32, #tpu.memory_space<vmem>>, vector<1x1x16xf32>,
        %swap3A_987 = vector.shape_cast %swap3A_986 : vector<1x1x16xf32> to vector<16xf32>
        %swap3A_988 = vector.shape_cast %get3A_981 : vector<16xf32> to vector<1x1x16xf32>
        tpu.vector_store %arg7[%swap3A_983, %swap3A_984, %swap3A_985], %swap3A_988 {add = true, strides = array<i32>} : memref<4x8x1024xf32, #tpu.memory_space<vmem>>, vector<1x1x16xf32>,
        %get3A_989 = arith.constant 2 : i32
        %get3A_990 = arith.index_cast %get3A_989 : i32 to index
        %get3A_991 = arith.index_cast %scan3A_314 : i32 to index
        %get3A_992 = arith.constant 832 : index
        %get3A_993 = tpu.vector_load %arg8[%get3A_990, %get3A_991, %get3A_992] {strides = array<i32>} : memref<4x8x1024xf32, #tpu.memory_space<vmem>>, vector<1x1x16xf32>,
        %get3A_994 = vector.shape_cast %get3A_993 : vector<1x1x16xf32> to vector<16xf32>
        %swap3A_995 = arith.constant 2 : i32
        %swap3A_996 = arith.index_cast %swap3A_995 : i32 to index
        %swap3A_997 = arith.index_cast %scan3A_314 : i32 to index
        %swap3A_998 = arith.constant 832 : index
        %swap3A_999 = tpu.vector_load %arg7[%swap3A_996, %swap3A_997, %swap3A_998] {strides = array<i32>} : memref<4x8x1024xf32, #tpu.memory_space<vmem>>, vector<1x1x16xf32>,
        %swap3A_1000 = vector.shape_cast %swap3A_999 : vector<1x1x16xf32> to vector<16xf32>
        %swap3A_1001 = vector.shape_cast %get3A_994 : vector<16xf32> to vector<1x1x16xf32>
        tpu.vector_store %arg7[%swap3A_996, %swap3A_997, %swap3A_998], %swap3A_1001 {add = true, strides = array<i32>} : memref<4x8x1024xf32, #tpu.memory_space<vmem>>, vector<1x1x16xf32>,
        %get3A_1002 = arith.constant 2 : i32
        %get3A_1003 = arith.index_cast %get3A_1002 : i32 to index
        %get3A_1004 = arith.index_cast %scan3A_314 : i32 to index
        %get3A_1005 = arith.constant 848 : index
        %get3A_1006 = tpu.vector_load %arg8[%get3A_1003, %get3A_1004, %get3A_1005] {strides = array<i32>} : memref<4x8x1024xf32, #tpu.memory_space<vmem>>, vector<1x1x16xf32>,
        %get3A_1007 = vector.shape_cast %get3A_1006 : vector<1x1x16xf32> to vector<16xf32>
        %swap3A_1008 = arith.constant 2 : i32
        %swap3A_1009 = arith.index_cast %swap3A_1008 : i32 to index
        %swap3A_1010 = arith.index_cast %scan3A_314 : i32 to index
        %swap3A_1011 = arith.constant 848 : index
        %swap3A_1012 = tpu.vector_load %arg7[%swap3A_1009, %swap3A_1010, %swap3A_1011] {strides = array<i32>} : memref<4x8x1024xf32, #tpu.memory_space<vmem>>, vector<1x1x16xf32>,
        %swap3A_1013 = vector.shape_cast %swap3A_1012 : vector<1x1x16xf32> to vector<16xf32>
        %swap3A_1014 = vector.shape_cast %get3A_1007 : vector<16xf32> to vector<1x1x16xf32>
        tpu.vector_store %arg7[%swap3A_1009, %swap3A_1010, %swap3A_1011], %swap3A_1014 {add = true, strides = array<i32>} : memref<4x8x1024xf32, #tpu.memory_space<vmem>>, vector<1x1x16xf32>,
        %get3A_1015 = arith.constant 2 : i32
        %get3A_1016 = arith.index_cast %get3A_1015 : i32 to index
        %get3A_1017 = arith.index_cast %scan3A_314 : i32 to index
        %get3A_1018 = arith.constant 864 : index
        %get3A_1019 = tpu.vector_load %arg8[%get3A_1016, %get3A_1017, %get3A_1018] {strides = array<i32>} : memref<4x8x1024xf32, #tpu.memory_space<vmem>>, vector<1x1x16xf32>,
        %get3A_1020 = vector.shape_cast %get3A_1019 : vector<1x1x16xf32> to vector<16xf32>
        %swap3A_1021 = arith.constant 2 : i32
        %swap3A_1022 = arith.index_cast %swap3A_1021 : i32 to index
        %swap3A_1023 = arith.index_cast %scan3A_314 : i32 to index
        %swap3A_1024 = arith.constant 864 : index
        %swap3A_1025 = tpu.vector_load %arg7[%swap3A_1022, %swap3A_1023, %swap3A_1024] {strides = array<i32>} : memref<4x8x1024xf32, #tpu.memory_space<vmem>>, vector<1x1x16xf32>,
        %swap3A_1026 = vector.shape_cast %swap3A_1025 : vector<1x1x16xf32> to vector<16xf32>
        %swap3A_1027 = vector.shape_cast %get3A_1020 : vector<16xf32> to vector<1x1x16xf32>
        tpu.vector_store %arg7[%swap3A_1022, %swap3A_1023, %swap3A_1024], %swap3A_1027 {add = true, strides = array<i32>} : memref<4x8x1024xf32, #tpu.memory_space<vmem>>, vector<1x1x16xf32>,
        %get3A_1028 = arith.constant 2 : i32
        %get3A_1029 = arith.index_cast %get3A_1028 : i32 to index
        %get3A_1030 = arith.index_cast %scan3A_314 : i32 to index
        %get3A_1031 = arith.constant 880 : index
        %get3A_1032 = tpu.vector_load %arg8[%get3A_1029, %get3A_1030, %get3A_1031] {strides = array<i32>} : memref<4x8x1024xf32, #tpu.memory_space<vmem>>, vector<1x1x16xf32>,
        %get3A_1033 = vector.shape_cast %get3A_1032 : vector<1x1x16xf32> to vector<16xf32>
        %swap3A_1034 = arith.constant 2 : i32
        %swap3A_1035 = arith.index_cast %swap3A_1034 : i32 to index
        %swap3A_1036 = arith.index_cast %scan3A_314 : i32 to index
        %swap3A_1037 = arith.constant 880 : index
        %swap3A_1038 = tpu.vector_load %arg7[%swap3A_1035, %swap3A_1036, %swap3A_1037] {strides = array<i32>} : memref<4x8x1024xf32, #tpu.memory_space<vmem>>, vector<1x1x16xf32>,
        %swap3A_1039 = vector.shape_cast %swap3A_1038 : vector<1x1x16xf32> to vector<16xf32>
        %swap3A_1040 = vector.shape_cast %get3A_1033 : vector<16xf32> to vector<1x1x16xf32>
        tpu.vector_store %arg7[%swap3A_1035, %swap3A_1036, %swap3A_1037], %swap3A_1040 {add = true, strides = array<i32>} : memref<4x8x1024xf32, #tpu.memory_space<vmem>>, vector<1x1x16xf32>,
        %get3A_1041 = arith.constant 2 : i32
        %get3A_1042 = arith.index_cast %get3A_1041 : i32 to index
        %get3A_1043 = arith.index_cast %scan3A_314 : i32 to index
        %get3A_1044 = arith.constant 896 : index
        %get3A_1045 = tpu.vector_load %arg8[%get3A_1042, %get3A_1043, %get3A_1044] {strides = array<i32>} : memref<4x8x1024xf32, #tpu.memory_space<vmem>>, vector<1x1x16xf32>,
        %get3A_1046 = vector.shape_cast %get3A_1045 : vector<1x1x16xf32> to vector<16xf32>
        %swap3A_1047 = arith.constant 2 : i32
        %swap3A_1048 = arith.index_cast %swap3A_1047 : i32 to index
        %swap3A_1049 = arith.index_cast %scan3A_314 : i32 to index
        %swap3A_1050 = arith.constant 896 : index
        %swap3A_1051 = tpu.vector_load %arg7[%swap3A_1048, %swap3A_1049, %swap3A_1050] {strides = array<i32>} : memref<4x8x1024xf32, #tpu.memory_space<vmem>>, vector<1x1x16xf32>,
        %swap3A_1052 = vector.shape_cast %swap3A_1051 : vector<1x1x16xf32> to vector<16xf32>
        %swap3A_1053 = vector.shape_cast %get3A_1046 : vector<16xf32> to vector<1x1x16xf32>
        tpu.vector_store %arg7[%swap3A_1048, %swap3A_1049, %swap3A_1050], %swap3A_1053 {add = true, strides = array<i32>} : memref<4x8x1024xf32, #tpu.memory_space<vmem>>, vector<1x1x16xf32>,
        %get3A_1054 = arith.constant 2 : i32
        %get3A_1055 = arith.index_cast %get3A_1054 : i32 to index
        %get3A_1056 = arith.index_cast %scan3A_314 : i32 to index
        %get3A_1057 = arith.constant 912 : index
        %get3A_1058 = tpu.vector_load %arg8[%get3A_1055, %get3A_1056, %get3A_1057] {strides = array<i32>} : memref<4x8x1024xf32, #tpu.memory_space<vmem>>, vector<1x1x16xf32>,
        %get3A_1059 = vector.shape_cast %get3A_1058 : vector<1x1x16xf32> to vector<16xf32>
        %swap3A_1060 = arith.constant 2 : i32
        %swap3A_1061 = arith.index_cast %swap3A_1060 : i32 to index
        %swap3A_1062 = arith.index_cast %scan3A_314 : i32 to index
        %swap3A_1063 = arith.constant 912 : index
        %swap3A_1064 = tpu.vector_load %arg7[%swap3A_1061, %swap3A_1062, %swap3A_1063] {strides = array<i32>} : memref<4x8x1024xf32, #tpu.memory_space<vmem>>, vector<1x1x16xf32>,
        %swap3A_1065 = vector.shape_cast %swap3A_1064 : vector<1x1x16xf32> to vector<16xf32>
        %swap3A_1066 = vector.shape_cast %get3A_1059 : vector<16xf32> to vector<1x1x16xf32>
        tpu.vector_store %arg7[%swap3A_1061, %swap3A_1062, %swap3A_1063], %swap3A_1066 {add = true, strides = array<i32>} : memref<4x8x1024xf32, #tpu.memory_space<vmem>>, vector<1x1x16xf32>,
        %get3A_1067 = arith.constant 2 : i32
        %get3A_1068 = arith.index_cast %get3A_1067 : i32 to index
        %get3A_1069 = arith.index_cast %scan3A_314 : i32 to index
        %get3A_1070 = arith.constant 928 : index
        %get3A_1071 = tpu.vector_load %arg8[%get3A_1068, %get3A_1069, %get3A_1070] {strides = array<i32>} : memref<4x8x1024xf32, #tpu.memory_space<vmem>>, vector<1x1x16xf32>,
        %get3A_1072 = vector.shape_cast %get3A_1071 : vector<1x1x16xf32> to vector<16xf32>
        %swap3A_1073 = arith.constant 2 : i32
        %swap3A_1074 = arith.index_cast %swap3A_1073 : i32 to index
        %swap3A_1075 = arith.index_cast %scan3A_314 : i32 to index
        %swap3A_1076 = arith.constant 928 : index
        %swap3A_1077 = tpu.vector_load %arg7[%swap3A_1074, %swap3A_1075, %swap3A_1076] {strides = array<i32>} : memref<4x8x1024xf32, #tpu.memory_space<vmem>>, vector<1x1x16xf32>,
        %swap3A_1078 = vector.shape_cast %swap3A_1077 : vector<1x1x16xf32> to vector<16xf32>
        %swap3A_1079 = vector.shape_cast %get3A_1072 : vector<16xf32> to vector<1x1x16xf32>
        tpu.vector_store %arg7[%swap3A_1074, %swap3A_1075, %swap3A_1076], %swap3A_1079 {add = true, strides = array<i32>} : memref<4x8x1024xf32, #tpu.memory_space<vmem>>, vector<1x1x16xf32>,
        %get3A_1080 = arith.constant 2 : i32
        %get3A_1081 = arith.index_cast %get3A_1080 : i32 to index
        %get3A_1082 = arith.index_cast %scan3A_314 : i32 to index
        %get3A_1083 = arith.constant 944 : index
        %get3A_1084 = tpu.vector_load %arg8[%get3A_1081, %get3A_1082, %get3A_1083] {strides = array<i32>} : memref<4x8x1024xf32, #tpu.memory_space<vmem>>, vector<1x1x16xf32>,
        %get3A_1085 = vector.shape_cast %get3A_1084 : vector<1x1x16xf32> to vector<16xf32>
        %swap3A_1086 = arith.constant 2 : i32
        %swap3A_1087 = arith.index_cast %swap3A_1086 : i32 to index
        %swap3A_1088 = arith.index_cast %scan3A_314 : i32 to index
        %swap3A_1089 = arith.constant 944 : index
        %swap3A_1090 = tpu.vector_load %arg7[%swap3A_1087, %swap3A_1088, %swap3A_1089] {strides = array<i32>} : memref<4x8x1024xf32, #tpu.memory_space<vmem>>, vector<1x1x16xf32>,
        %swap3A_1091 = vector.shape_cast %swap3A_1090 : vector<1x1x16xf32> to vector<16xf32>
        %swap3A_1092 = vector.shape_cast %get3A_1085 : vector<16xf32> to vector<1x1x16xf32>
        tpu.vector_store %arg7[%swap3A_1087, %swap3A_1088, %swap3A_1089], %swap3A_1092 {add = true, strides = array<i32>} : memref<4x8x1024xf32, #tpu.memory_space<vmem>>, vector<1x1x16xf32>,
        %get3A_1093 = arith.constant 2 : i32
        %get3A_1094 = arith.index_cast %get3A_1093 : i32 to index
        %get3A_1095 = arith.index_cast %scan3A_314 : i32 to index
        %get3A_1096 = arith.constant 960 : index
        %get3A_1097 = tpu.vector_load %arg8[%get3A_1094, %get3A_1095, %get3A_1096] {strides = array<i32>} : memref<4x8x1024xf32, #tpu.memory_space<vmem>>, vector<1x1x16xf32>,
        %get3A_1098 = vector.shape_cast %get3A_1097 : vector<1x1x16xf32> to vector<16xf32>
        %swap3A_1099 = arith.constant 2 : i32
        %swap3A_1100 = arith.index_cast %swap3A_1099 : i32 to index
        %swap3A_1101 = arith.index_cast %scan3A_314 : i32 to index
        %swap3A_1102 = arith.constant 960 : index
        %swap3A_1103 = tpu.vector_load %arg7[%swap3A_1100, %swap3A_1101, %swap3A_1102] {strides = array<i32>} : memref<4x8x1024xf32, #tpu.memory_space<vmem>>, vector<1x1x16xf32>,
        %swap3A_1104 = vector.shape_cast %swap3A_1103 : vector<1x1x16xf32> to vector<16xf32>
        %swap3A_1105 = vector.shape_cast %get3A_1098 : vector<16xf32> to vector<1x1x16xf32>
        tpu.vector_store %arg7[%swap3A_1100, %swap3A_1101, %swap3A_1102], %swap3A_1105 {add = true, strides = array<i32>} : memref<4x8x1024xf32, #tpu.memory_space<vmem>>, vector<1x1x16xf32>,
        %get3A_1106 = arith.constant 2 : i32
        %get3A_1107 = arith.index_cast %get3A_1106 : i32 to index
        %get3A_1108 = arith.index_cast %scan3A_314 : i32 to index
        %get3A_1109 = arith.constant 976 : index
        %get3A_1110 = tpu.vector_load %arg8[%get3A_1107, %get3A_1108, %get3A_1109] {strides = array<i32>} : memref<4x8x1024xf32, #tpu.memory_space<vmem>>, vector<1x1x16xf32>,
        %get3A_1111 = vector.shape_cast %get3A_1110 : vector<1x1x16xf32> to vector<16xf32>
        %swap3A_1112 = arith.constant 2 : i32
        %swap3A_1113 = arith.index_cast %swap3A_1112 : i32 to index
        %swap3A_1114 = arith.index_cast %scan3A_314 : i32 to index
        %swap3A_1115 = arith.constant 976 : index
        %swap3A_1116 = tpu.vector_load %arg7[%swap3A_1113, %swap3A_1114, %swap3A_1115] {strides = array<i32>} : memref<4x8x1024xf32, #tpu.memory_space<vmem>>, vector<1x1x16xf32>,
        %swap3A_1117 = vector.shape_cast %swap3A_1116 : vector<1x1x16xf32> to vector<16xf32>
        %swap3A_1118 = vector.shape_cast %get3A_1111 : vector<16xf32> to vector<1x1x16xf32>
        tpu.vector_store %arg7[%swap3A_1113, %swap3A_1114, %swap3A_1115], %swap3A_1118 {add = true, strides = array<i32>} : memref<4x8x1024xf32, #tpu.memory_space<vmem>>, vector<1x1x16xf32>,
        %get3A_1119 = arith.constant 2 : i32
        %get3A_1120 = arith.index_cast %get3A_1119 : i32 to index
        %get3A_1121 = arith.index_cast %scan3A_314 : i32 to index
        %get3A_1122 = arith.constant 992 : index
        %get3A_1123 = tpu.vector_load %arg8[%get3A_1120, %get3A_1121, %get3A_1122] {strides = array<i32>} : memref<4x8x1024xf32, #tpu.memory_space<vmem>>, vector<1x1x16xf32>,
        %get3A_1124 = vector.shape_cast %get3A_1123 : vector<1x1x16xf32> to vector<16xf32>
        %swap3A_1125 = arith.constant 2 : i32
        %swap3A_1126 = arith.index_cast %swap3A_1125 : i32 to index
        %swap3A_1127 = arith.index_cast %scan3A_314 : i32 to index
        %swap3A_1128 = arith.constant 992 : index
        %swap3A_1129 = tpu.vector_load %arg7[%swap3A_1126, %swap3A_1127, %swap3A_1128] {strides = array<i32>} : memref<4x8x1024xf32, #tpu.memory_space<vmem>>, vector<1x1x16xf32>,
        %swap3A_1130 = vector.shape_cast %swap3A_1129 : vector<1x1x16xf32> to vector<16xf32>
        %swap3A_1131 = vector.shape_cast %get3A_1124 : vector<16xf32> to vector<1x1x16xf32>
        tpu.vector_store %arg7[%swap3A_1126, %swap3A_1127, %swap3A_1128], %swap3A_1131 {add = true, strides = array<i32>} : memref<4x8x1024xf32, #tpu.memory_space<vmem>>, vector<1x1x16xf32>,
        %get3A_1132 = arith.constant 2 : i32
        %get3A_1133 = arith.index_cast %get3A_1132 : i32 to index
        %get3A_1134 = arith.index_cast %scan3A_314 : i32 to index
        %get3A_1135 = arith.constant 1008 : index
        %get3A_1136 = tpu.vector_load %arg8[%get3A_1133, %get3A_1134, %get3A_1135] {strides = array<i32>} : memref<4x8x1024xf32, #tpu.memory_space<vmem>>, vector<1x1x16xf32>,
        %get3A_1137 = vector.shape_cast %get3A_1136 : vector<1x1x16xf32> to vector<16xf32>
        %swap3A_1138 = arith.constant 2 : i32
        %swap3A_1139 = arith.index_cast %swap3A_1138 : i32 to index
        %swap3A_1140 = arith.index_cast %scan3A_314 : i32 to index
        %swap3A_1141 = arith.constant 1008 : index
        %swap3A_1142 = tpu.vector_load %arg7[%swap3A_1139, %swap3A_1140, %swap3A_1141] {strides = array<i32>} : memref<4x8x1024xf32, #tpu.memory_space<vmem>>, vector<1x1x16xf32>,
        %swap3A_1143 = vector.shape_cast %swap3A_1142 : vector<1x1x16xf32> to vector<16xf32>
        %swap3A_1144 = vector.shape_cast %get3A_1137 : vector<16xf32> to vector<1x1x16xf32>
        tpu.vector_store %arg7[%swap3A_1139, %swap3A_1140, %swap3A_1141], %swap3A_1144 {add = true, strides = array<i32>} : memref<4x8x1024xf32, #tpu.memory_space<vmem>>, vector<1x1x16xf32>,
      }
      %scan3A_259 = arith.constant 8 : i32
      %mul3A_260 = arith.constant 4 : i32
      %mul3A_261 = arith.muli %scan3A_101, %mul3A_260 : i32
      %add3A_262 = arith.constant 3 : i32
      %add3A_263 = arith.addi %mul3A_261, %add3A_262 : i32
      %ge3A_264 = arith.constant 1 : i32
      %ge3A_265 = arith.cmpi sge, %add3A_263, %ge3A_264 : i32
      %convert_element_type3A_266 = arith.extui %ge3A_265 : i1 to i32
      %cond3A_267 = arith.constant 0 : i32
      %cond3A_268 = arith.cmpi ne, %convert_element_type3A_266, %cond3A_267 : i32
      scf.if %cond3A_268 {
        %sub3A = arith.constant 1 : i32
        %sub3A_314 = arith.subi %add3A_263, %sub3A : i32
        %mul3A_315 = arith.constant 8 : i32
        %mul3A_316 = arith.muli %sub3A_314, %mul3A_315 : i32
        %add3A_317 = arith.addi %mul3A_2, %mul3A_316 : i32
        %dma_start3A_318 = arith.constant 2 : i32
        %dma_start3A_319 = arith.constant 0 : i32
        %dma_start3A_320 = arith.constant 0 : i32
        %dma_start3A_321 = tpu.memref_slice %arg7[%dma_start3A_318, %dma_start3A_319, %dma_start3A_320] : memref<4x8x1024xf32, #tpu.memory_space<vmem>> -> memref<1x8x1024xf32, #tpu.memory_space<vmem>>
        %dma_start3A_322 = tpu.memref_squeeze %dma_start3A_321 : memref<1x8x1024xf32, #tpu.memory_space<vmem>> -> memref<8x1024xf32, #tpu.memory_space<vmem>>
        %dma_start3A_323 = arith.constant 0 : i32
        %dma_start3A_324 = tpu.memref_slice %arg5[%add3A_317, %dma_start3A_323] : memref<32768x1024xf32, #tpu.memory_space<hbm>> -> memref<8x1024xf32, #tpu.memory_space<hbm>>
        %dma_start3A_325 = arith.constant 0 : i32
        %dma_start3A_326 = tpu.memref_slice %arg5[%add3A_317, %dma_start3A_325] : memref<32768x1024xf32, #tpu.memory_space<hbm>> -> memref<8x1024xf32, #tpu.memory_space<hbm>>
        %dma_start3A_327 = arith.constant 0 : i32
        %dma_start3A_328 = arith.constant 0 : i32
        %dma_start3A_329 = tpu.memref_slice %arg7[%dma_start3A_318, %dma_start3A_327, %dma_start3A_328] : memref<4x8x1024xf32, #tpu.memory_space<vmem>> -> memref<1x8x1024xf32, #tpu.memory_space<vmem>>
        %dma_start3A_330 = tpu.memref_squeeze %dma_start3A_329 : memref<1x8x1024xf32, #tpu.memory_space<vmem>> -> memref<8x1024xf32, #tpu.memory_space<vmem>>
        tpu.enqueue_dma source(%dma_start3A_330 : memref<8x1024xf32, #tpu.memory_space<vmem>>) target(%dma_start3A_326 : memref<8x1024xf32, #tpu.memory_space<hbm>>) target_semaphore(%arg19 : memref<!tpu.dma_semaphore, #tpu.memory_space<semaphore_mem>>)
      } else {
      }
      %mul3A_269 = arith.constant 8 : i32
      %mul3A_270 = arith.muli %add3A_263, %mul3A_269 : i32
      %dma_wait3A_271 = arith.constant 3 : i32
      %dma_wait3A_272 = arith.constant 0 : i32
      %dma_wait3A_273 = arith.constant 0 : i32
      %dma_wait3A_274 = tpu.memref_slice %arg7[%dma_wait3A_271, %dma_wait3A_272, %dma_wait3A_273] : memref<4x8x1024xf32, #tpu.memory_space<vmem>> -> memref<1x8x1024xf32, #tpu.memory_space<vmem>>
      %dma_wait3A_275 = tpu.memref_squeeze %dma_wait3A_274 : memref<1x8x1024xf32, #tpu.memory_space<vmem>> -> memref<8x1024xf32, #tpu.memory_space<vmem>>
      %dma_wait3A_276 = tpu.memref_slice %arg6[%mul3A_270] : memref<1024xi32, #tpu.memory_space<vmem>> -> memref<8xi32, #tpu.memory_space<vmem>>
      %dma_wait3A_277 = arith.constant 0 : i32
      %dma_wait3A_278 = arith.constant 0 : i32
      %dma_wait3A_279 = tpu.memref_slice %arg4[%dma_wait3A_277, %dma_wait3A_278] : memref<8192x1024xf32, #tpu.memory_space<hbm>> -> memref<8192x1024xf32, #tpu.memory_space<hbm>>
      tpu.wait_indirect_dma semaphore(%arg12 : memref<!tpu.dma_semaphore, #tpu.memory_space<semaphore_mem>>) src(%dma_wait3A_279 : memref<8192x1024xf32, #tpu.memory_space<hbm>>) dst(%dma_wait3A_275 : memref<8x1024xf32, #tpu.memory_space<vmem>>)
      %mul3A_280 = arith.constant 8 : i32
      %mul3A_281 = arith.muli %add3A_263, %mul3A_280 : i32
      %add3A_282 = arith.addi %mul3A_2, %mul3A_281 : i32
      %dma_wait3A_283 = arith.constant 3 : i32
      %dma_wait3A_284 = arith.constant 0 : i32
      %dma_wait3A_285 = arith.constant 0 : i32
      %dma_wait3A_286 = tpu.memref_slice %arg8[%dma_wait3A_283, %dma_wait3A_284, %dma_wait3A_285] : memref<4x8x1024xf32, #tpu.memory_space<vmem>> -> memref<1x8x1024xf32, #tpu.memory_space<vmem>>
      %dma_wait3A_287 = tpu.memref_squeeze %dma_wait3A_286 : memref<1x8x1024xf32, #tpu.memory_space<vmem>> -> memref<8x1024xf32, #tpu.memory_space<vmem>>
      %dma_wait3A_288 = arith.constant 0 : i32
      %dma_wait3A_289 = tpu.memref_slice %arg2[%add3A_282, %dma_wait3A_288] : memref<32768x1024xf32, #tpu.memory_space<hbm>> -> memref<8x1024xf32, #tpu.memory_space<hbm>>
      %dma_wait3A_290 = arith.constant 0 : i32
      %dma_wait3A_291 = arith.constant 0 : i32
      %dma_wait3A_292 = tpu.memref_slice %arg8[%dma_wait3A_283, %dma_wait3A_290, %dma_wait3A_291] : memref<4x8x1024xf32, #tpu.memory_space<vmem>> -> memref<1x8x1024xf32, #tpu.memory_space<vmem>>
      %dma_wait3A_293 = tpu.memref_squeeze %dma_wait3A_292 : memref<1x8x1024xf32, #tpu.memory_space<vmem>> -> memref<8x1024xf32, #tpu.memory_space<vmem>>
      %dma_wait3A_294 = arith.constant 0 : i32
      %dma_wait3A_295 = tpu.memref_slice %arg2[%add3A_282, %dma_wait3A_294] : memref<32768x1024xf32, #tpu.memory_space<hbm>> -> memref<8x1024xf32, #tpu.memory_space<hbm>>
      tpu.wait_dma2 semaphore(%arg16 : memref<!tpu.dma_semaphore, #tpu.memory_space<semaphore_mem>>) src(%dma_wait3A_295 : memref<8x1024xf32, #tpu.memory_space<hbm>>) dst(%dma_wait3A_293 : memref<8x1024xf32, #tpu.memory_space<vmem>>)
      %ge3A_296 = arith.constant 2 : i32
      %ge3A_297 = arith.cmpi sge, %add3A_263, %ge3A_296 : i32
      %convert_element_type3A_298 = arith.extui %ge3A_297 : i1 to i32
      %cond3A_299 = arith.constant 0 : i32
      %cond3A_300 = arith.cmpi ne, %convert_element_type3A_298, %cond3A_299 : i32
      scf.if %cond3A_300 {
        %sub3A = arith.constant 2 : i32
        %sub3A_314 = arith.subi %add3A_263, %sub3A : i32
        %mul3A_315 = arith.constant 8 : i32
        %mul3A_316 = arith.muli %sub3A_314, %mul3A_315 : i32
        %add3A_317 = arith.addi %mul3A_2, %mul3A_316 : i32
        %dma_wait3A_318 = arith.constant 1 : i32
        %dma_wait3A_319 = arith.constant 0 : i32
        %dma_wait3A_320 = arith.constant 0 : i32
        %dma_wait3A_321 = tpu.memref_slice %arg7[%dma_wait3A_318, %dma_wait3A_319, %dma_wait3A_320] : memref<4x8x1024xf32, #tpu.memory_space<vmem>> -> memref<1x8x1024xf32, #tpu.memory_space<vmem>>
        %dma_wait3A_322 = tpu.memref_squeeze %dma_wait3A_321 : memref<1x8x1024xf32, #tpu.memory_space<vmem>> -> memref<8x1024xf32, #tpu.memory_space<vmem>>
        %dma_wait3A_323 = arith.constant 0 : i32
        %dma_wait3A_324 = tpu.memref_slice %arg5[%add3A_317, %dma_wait3A_323] : memref<32768x1024xf32, #tpu.memory_space<hbm>> -> memref<8x1024xf32, #tpu.memory_space<hbm>>
        %dma_wait3A_325 = arith.constant 0 : i32
        %dma_wait3A_326 = tpu.memref_slice %arg5[%add3A_317, %dma_wait3A_325] : memref<32768x1024xf32, #tpu.memory_space<hbm>> -> memref<8x1024xf32, #tpu.memory_space<hbm>>
        %dma_wait3A_327 = arith.constant 0 : i32
        %dma_wait3A_328 = arith.constant 0 : i32
        %dma_wait3A_329 = tpu.memref_slice %arg7[%dma_wait3A_318, %dma_wait3A_327, %dma_wait3A_328] : memref<4x8x1024xf32, #tpu.memory_space<vmem>> -> memref<1x8x1024xf32, #tpu.memory_space<vmem>>
        %dma_wait3A_330 = tpu.memref_squeeze %dma_wait3A_329 : memref<1x8x1024xf32, #tpu.memory_space<vmem>> -> memref<8x1024xf32, #tpu.memory_space<vmem>>
        tpu.wait_dma2 semaphore(%arg18 : memref<!tpu.dma_semaphore, #tpu.memory_space<semaphore_mem>>) src(%dma_wait3A_330 : memref<8x1024xf32, #tpu.memory_space<vmem>>) dst(%dma_wait3A_326 : memref<8x1024xf32, #tpu.memory_space<hbm>>)
      } else {
      }
      %add3A_301 = arith.constant 2 : i32
      %add3A_302 = arith.addi %add3A_263, %add3A_301 : i32
      %lt3A_303 = arith.constant 128 : i32
      %lt3A_304 = arith.cmpi slt, %add3A_302, %lt3A_303 : i32
      %convert_element_type3A_305 = arith.extui %lt3A_304 : i1 to i32
      %cond3A_306 = arith.constant 0 : i32
      %cond3A_307 = arith.cmpi ne, %convert_element_type3A_305, %cond3A_306 : i32
      scf.if %cond3A_307 {
        %add3A_314 = arith.constant 2 : i32
        %add3A_315 = arith.addi %add3A_263, %add3A_314 : i32
        %mul3A_316 = arith.constant 8 : i32
        %mul3A_317 = arith.muli %add3A_315, %mul3A_316 : i32
        %dma_start3A_318 = arith.constant 1 : i32
        %dma_start3A_319 = arith.constant 0 : i32
        %dma_start3A_320 = arith.constant 0 : i32
        %dma_start3A_321 = tpu.memref_slice %arg7[%dma_start3A_318, %dma_start3A_319, %dma_start3A_320] : memref<4x8x1024xf32, #tpu.memory_space<vmem>> -> memref<1x8x1024xf32, #tpu.memory_space<vmem>>
        %dma_start3A_322 = tpu.memref_squeeze %dma_start3A_321 : memref<1x8x1024xf32, #tpu.memory_space<vmem>> -> memref<8x1024xf32, #tpu.memory_space<vmem>>
        %dma_start3A_323 = tpu.memref_slice %arg6[%mul3A_317] : memref<1024xi32, #tpu.memory_space<vmem>> -> memref<8xi32, #tpu.memory_space<vmem>>
        %dma_start3A_324 = arith.constant 0 : i32
        %dma_start3A_325 = arith.constant 0 : i32
        %dma_start3A_326 = tpu.memref_slice %arg4[%dma_start3A_324, %dma_start3A_325] : memref<8192x1024xf32, #tpu.memory_space<hbm>> -> memref<8192x1024xf32, #tpu.memory_space<hbm>>
        tpu.enqueue_indirect_dma source(%dma_start3A_326 : memref<8192x1024xf32, #tpu.memory_space<hbm>>) target(%dma_start3A_322 : memref<8x1024xf32, #tpu.memory_space<vmem>>) offsets(%dma_start3A_323 : memref<8xi32, #tpu.memory_space<vmem>>) semaphore(%arg10 : memref<!tpu.dma_semaphore, #tpu.memory_space<semaphore_mem>>)
        %add3A_327 = arith.constant 2 : i32
        %add3A_328 = arith.addi %add3A_263, %add3A_327 : i32
        %mul3A_329 = arith.constant 8 : i32
        %mul3A_330 = arith.muli %add3A_328, %mul3A_329 : i32
        %add3A_331 = arith.addi %mul3A_2, %mul3A_330 : i32
        %dma_start3A_332 = arith.constant 1 : i32
        %dma_start3A_333 = arith.constant 0 : i32
        %dma_start3A_334 = arith.constant 0 : i32
        %dma_start3A_335 = tpu.memref_slice %arg8[%dma_start3A_332, %dma_start3A_333, %dma_start3A_334] : memref<4x8x1024xf32, #tpu.memory_space<vmem>> -> memref<1x8x1024xf32, #tpu.memory_space<vmem>>
        %dma_start3A_336 = tpu.memref_squeeze %dma_start3A_335 : memref<1x8x1024xf32, #tpu.memory_space<vmem>> -> memref<8x1024xf32, #tpu.memory_space<vmem>>
        %dma_start3A_337 = arith.constant 0 : i32
        %dma_start3A_338 = tpu.memref_slice %arg2[%add3A_331, %dma_start3A_337] : memref<32768x1024xf32, #tpu.memory_space<hbm>> -> memref<8x1024xf32, #tpu.memory_space<hbm>>
        %dma_start3A_339 = arith.constant 0 : i32
        %dma_start3A_340 = arith.constant 0 : i32
        %dma_start3A_341 = tpu.memref_slice %arg8[%dma_start3A_332, %dma_start3A_339, %dma_start3A_340] : memref<4x8x1024xf32, #tpu.memory_space<vmem>> -> memref<1x8x1024xf32, #tpu.memory_space<vmem>>
        %dma_start3A_342 = tpu.memref_squeeze %dma_start3A_341 : memref<1x8x1024xf32, #tpu.memory_space<vmem>> -> memref<8x1024xf32, #tpu.memory_space<vmem>>
        %dma_start3A_343 = arith.constant 0 : i32
        %dma_start3A_344 = tpu.memref_slice %arg2[%add3A_331, %dma_start3A_343] : memref<32768x1024xf32, #tpu.memory_space<hbm>> -> memref<8x1024xf32, #tpu.memory_space<hbm>>
        tpu.enqueue_dma source(%dma_start3A_344 : memref<8x1024xf32, #tpu.memory_space<hbm>>) target(%dma_start3A_342 : memref<8x1024xf32, #tpu.memory_space<vmem>>) target_semaphore(%arg14 : memref<!tpu.dma_semaphore, #tpu.memory_space<semaphore_mem>>)
      } else {
      }
      %scan3A_308 = arith.constant 0 : i32
      %scan3A_309 = arith.constant 0 : i32
      %scan3A_310 = arith.constant 8 : i32
      %scan3A_311 = arith.addi %scan3A_309, %scan3A_310 : i32
      %scan3A_312 = arith.constant 1 : i32
      scf.for %scan3A_314 = %scan3A_309 to %scan3A_311 step %scan3A_312  : i32 {
        %get3A = arith.constant 3 : i32
        %get3A_315 = arith.index_cast %get3A : i32 to index
        %get3A_316 = arith.index_cast %scan3A_314 : i32 to index
        %get3A_317 = arith.constant 0 : index
        %get3A_318 = tpu.vector_load %arg8[%get3A_315, %get3A_316, %get3A_317] {strides = array<i32>} : memref<4x8x1024xf32, #tpu.memory_space<vmem>>, vector<1x1x16xf32>,
        %get3A_319 = vector.shape_cast %get3A_318 : vector<1x1x16xf32> to vector<16xf32>
        %swap3A = arith.constant 3 : i32
        %swap3A_320 = arith.index_cast %swap3A : i32 to index
        %swap3A_321 = arith.index_cast %scan3A_314 : i32 to index
        %swap3A_322 = arith.constant 0 : index
        %swap3A_323 = tpu.vector_load %arg7[%swap3A_320, %swap3A_321, %swap3A_322] {strides = array<i32>} : memref<4x8x1024xf32, #tpu.memory_space<vmem>>, vector<1x1x16xf32>,
        %swap3A_324 = vector.shape_cast %swap3A_323 : vector<1x1x16xf32> to vector<16xf32>
        %swap3A_325 = vector.shape_cast %get3A_319 : vector<16xf32> to vector<1x1x16xf32>
        tpu.vector_store %arg7[%swap3A_320, %swap3A_321, %swap3A_322], %swap3A_325 {add = true, strides = array<i32>} : memref<4x8x1024xf32, #tpu.memory_space<vmem>>, vector<1x1x16xf32>,
        %get3A_326 = arith.constant 3 : i32
        %get3A_327 = arith.index_cast %get3A_326 : i32 to index
        %get3A_328 = arith.index_cast %scan3A_314 : i32 to index
        %get3A_329 = arith.constant 16 : index
        %get3A_330 = tpu.vector_load %arg8[%get3A_327, %get3A_328, %get3A_329] {strides = array<i32>} : memref<4x8x1024xf32, #tpu.memory_space<vmem>>, vector<1x1x16xf32>,
        %get3A_331 = vector.shape_cast %get3A_330 : vector<1x1x16xf32> to vector<16xf32>
        %swap3A_332 = arith.constant 3 : i32
        %swap3A_333 = arith.index_cast %swap3A_332 : i32 to index
        %swap3A_334 = arith.index_cast %scan3A_314 : i32 to index
        %swap3A_335 = arith.constant 16 : index
        %swap3A_336 = tpu.vector_load %arg7[%swap3A_333, %swap3A_334, %swap3A_335] {strides = array<i32>} : memref<4x8x1024xf32, #tpu.memory_space<vmem>>, vector<1x1x16xf32>,
        %swap3A_337 = vector.shape_cast %swap3A_336 : vector<1x1x16xf32> to vector<16xf32>
        %swap3A_338 = vector.shape_cast %get3A_331 : vector<16xf32> to vector<1x1x16xf32>
        tpu.vector_store %arg7[%swap3A_333, %swap3A_334, %swap3A_335], %swap3A_338 {add = true, strides = array<i32>} : memref<4x8x1024xf32, #tpu.memory_space<vmem>>, vector<1x1x16xf32>,
        %get3A_339 = arith.constant 3 : i32
        %get3A_340 = arith.index_cast %get3A_339 : i32 to index
        %get3A_341 = arith.index_cast %scan3A_314 : i32 to index
        %get3A_342 = arith.constant 32 : index
        %get3A_343 = tpu.vector_load %arg8[%get3A_340, %get3A_341, %get3A_342] {strides = array<i32>} : memref<4x8x1024xf32, #tpu.memory_space<vmem>>, vector<1x1x16xf32>,
        %get3A_344 = vector.shape_cast %get3A_343 : vector<1x1x16xf32> to vector<16xf32>
        %swap3A_345 = arith.constant 3 : i32
        %swap3A_346 = arith.index_cast %swap3A_345 : i32 to index
        %swap3A_347 = arith.index_cast %scan3A_314 : i32 to index
        %swap3A_348 = arith.constant 32 : index
        %swap3A_349 = tpu.vector_load %arg7[%swap3A_346, %swap3A_347, %swap3A_348] {strides = array<i32>} : memref<4x8x1024xf32, #tpu.memory_space<vmem>>, vector<1x1x16xf32>,
        %swap3A_350 = vector.shape_cast %swap3A_349 : vector<1x1x16xf32> to vector<16xf32>
        %swap3A_351 = vector.shape_cast %get3A_344 : vector<16xf32> to vector<1x1x16xf32>
        tpu.vector_store %arg7[%swap3A_346, %swap3A_347, %swap3A_348], %swap3A_351 {add = true, strides = array<i32>} : memref<4x8x1024xf32, #tpu.memory_space<vmem>>, vector<1x1x16xf32>,
        %get3A_352 = arith.constant 3 : i32
        %get3A_353 = arith.index_cast %get3A_352 : i32 to index
        %get3A_354 = arith.index_cast %scan3A_314 : i32 to index
        %get3A_355 = arith.constant 48 : index
        %get3A_356 = tpu.vector_load %arg8[%get3A_353, %get3A_354, %get3A_355] {strides = array<i32>} : memref<4x8x1024xf32, #tpu.memory_space<vmem>>, vector<1x1x16xf32>,
        %get3A_357 = vector.shape_cast %get3A_356 : vector<1x1x16xf32> to vector<16xf32>
        %swap3A_358 = arith.constant 3 : i32
        %swap3A_359 = arith.index_cast %swap3A_358 : i32 to index
        %swap3A_360 = arith.index_cast %scan3A_314 : i32 to index
        %swap3A_361 = arith.constant 48 : index
        %swap3A_362 = tpu.vector_load %arg7[%swap3A_359, %swap3A_360, %swap3A_361] {strides = array<i32>} : memref<4x8x1024xf32, #tpu.memory_space<vmem>>, vector<1x1x16xf32>,
        %swap3A_363 = vector.shape_cast %swap3A_362 : vector<1x1x16xf32> to vector<16xf32>
        %swap3A_364 = vector.shape_cast %get3A_357 : vector<16xf32> to vector<1x1x16xf32>
        tpu.vector_store %arg7[%swap3A_359, %swap3A_360, %swap3A_361], %swap3A_364 {add = true, strides = array<i32>} : memref<4x8x1024xf32, #tpu.memory_space<vmem>>, vector<1x1x16xf32>,
        %get3A_365 = arith.constant 3 : i32
        %get3A_366 = arith.index_cast %get3A_365 : i32 to index
        %get3A_367 = arith.index_cast %scan3A_314 : i32 to index
        %get3A_368 = arith.constant 64 : index
        %get3A_369 = tpu.vector_load %arg8[%get3A_366, %get3A_367, %get3A_368] {strides = array<i32>} : memref<4x8x1024xf32, #tpu.memory_space<vmem>>, vector<1x1x16xf32>,
        %get3A_370 = vector.shape_cast %get3A_369 : vector<1x1x16xf32> to vector<16xf32>
        %swap3A_371 = arith.constant 3 : i32
        %swap3A_372 = arith.index_cast %swap3A_371 : i32 to index
        %swap3A_373 = arith.index_cast %scan3A_314 : i32 to index
        %swap3A_374 = arith.constant 64 : index
        %swap3A_375 = tpu.vector_load %arg7[%swap3A_372, %swap3A_373, %swap3A_374] {strides = array<i32>} : memref<4x8x1024xf32, #tpu.memory_space<vmem>>, vector<1x1x16xf32>,
        %swap3A_376 = vector.shape_cast %swap3A_375 : vector<1x1x16xf32> to vector<16xf32>
        %swap3A_377 = vector.shape_cast %get3A_370 : vector<16xf32> to vector<1x1x16xf32>
        tpu.vector_store %arg7[%swap3A_372, %swap3A_373, %swap3A_374], %swap3A_377 {add = true, strides = array<i32>} : memref<4x8x1024xf32, #tpu.memory_space<vmem>>, vector<1x1x16xf32>,
        %get3A_378 = arith.constant 3 : i32
        %get3A_379 = arith.index_cast %get3A_378 : i32 to index
        %get3A_380 = arith.index_cast %scan3A_314 : i32 to index
        %get3A_381 = arith.constant 80 : index
        %get3A_382 = tpu.vector_load %arg8[%get3A_379, %get3A_380, %get3A_381] {strides = array<i32>} : memref<4x8x1024xf32, #tpu.memory_space<vmem>>, vector<1x1x16xf32>,
        %get3A_383 = vector.shape_cast %get3A_382 : vector<1x1x16xf32> to vector<16xf32>
        %swap3A_384 = arith.constant 3 : i32
        %swap3A_385 = arith.index_cast %swap3A_384 : i32 to index
        %swap3A_386 = arith.index_cast %scan3A_314 : i32 to index
        %swap3A_387 = arith.constant 80 : index
        %swap3A_388 = tpu.vector_load %arg7[%swap3A_385, %swap3A_386, %swap3A_387] {strides = array<i32>} : memref<4x8x1024xf32, #tpu.memory_space<vmem>>, vector<1x1x16xf32>,
        %swap3A_389 = vector.shape_cast %swap3A_388 : vector<1x1x16xf32> to vector<16xf32>
        %swap3A_390 = vector.shape_cast %get3A_383 : vector<16xf32> to vector<1x1x16xf32>
        tpu.vector_store %arg7[%swap3A_385, %swap3A_386, %swap3A_387], %swap3A_390 {add = true, strides = array<i32>} : memref<4x8x1024xf32, #tpu.memory_space<vmem>>, vector<1x1x16xf32>,
        %get3A_391 = arith.constant 3 : i32
        %get3A_392 = arith.index_cast %get3A_391 : i32 to index
        %get3A_393 = arith.index_cast %scan3A_314 : i32 to index
        %get3A_394 = arith.constant 96 : index
        %get3A_395 = tpu.vector_load %arg8[%get3A_392, %get3A_393, %get3A_394] {strides = array<i32>} : memref<4x8x1024xf32, #tpu.memory_space<vmem>>, vector<1x1x16xf32>,
        %get3A_396 = vector.shape_cast %get3A_395 : vector<1x1x16xf32> to vector<16xf32>
        %swap3A_397 = arith.constant 3 : i32
        %swap3A_398 = arith.index_cast %swap3A_397 : i32 to index
        %swap3A_399 = arith.index_cast %scan3A_314 : i32 to index
        %swap3A_400 = arith.constant 96 : index
        %swap3A_401 = tpu.vector_load %arg7[%swap3A_398, %swap3A_399, %swap3A_400] {strides = array<i32>} : memref<4x8x1024xf32, #tpu.memory_space<vmem>>, vector<1x1x16xf32>,
        %swap3A_402 = vector.shape_cast %swap3A_401 : vector<1x1x16xf32> to vector<16xf32>
        %swap3A_403 = vector.shape_cast %get3A_396 : vector<16xf32> to vector<1x1x16xf32>
        tpu.vector_store %arg7[%swap3A_398, %swap3A_399, %swap3A_400], %swap3A_403 {add = true, strides = array<i32>} : memref<4x8x1024xf32, #tpu.memory_space<vmem>>, vector<1x1x16xf32>,
        %get3A_404 = arith.constant 3 : i32
        %get3A_405 = arith.index_cast %get3A_404 : i32 to index
        %get3A_406 = arith.index_cast %scan3A_314 : i32 to index
        %get3A_407 = arith.constant 112 : index
        %get3A_408 = tpu.vector_load %arg8[%get3A_405, %get3A_406, %get3A_407] {strides = array<i32>} : memref<4x8x1024xf32, #tpu.memory_space<vmem>>, vector<1x1x16xf32>,
        %get3A_409 = vector.shape_cast %get3A_408 : vector<1x1x16xf32> to vector<16xf32>
        %swap3A_410 = arith.constant 3 : i32
        %swap3A_411 = arith.index_cast %swap3A_410 : i32 to index
        %swap3A_412 = arith.index_cast %scan3A_314 : i32 to index
        %swap3A_413 = arith.constant 112 : index
        %swap3A_414 = tpu.vector_load %arg7[%swap3A_411, %swap3A_412, %swap3A_413] {strides = array<i32>} : memref<4x8x1024xf32, #tpu.memory_space<vmem>>, vector<1x1x16xf32>,
        %swap3A_415 = vector.shape_cast %swap3A_414 : vector<1x1x16xf32> to vector<16xf32>
        %swap3A_416 = vector.shape_cast %get3A_409 : vector<16xf32> to vector<1x1x16xf32>
        tpu.vector_store %arg7[%swap3A_411, %swap3A_412, %swap3A_413], %swap3A_416 {add = true, strides = array<i32>} : memref<4x8x1024xf32, #tpu.memory_space<vmem>>, vector<1x1x16xf32>,
        %get3A_417 = arith.constant 3 : i32
        %get3A_418 = arith.index_cast %get3A_417 : i32 to index
        %get3A_419 = arith.index_cast %scan3A_314 : i32 to index
        %get3A_420 = arith.constant 128 : index
        %get3A_421 = tpu.vector_load %arg8[%get3A_418, %get3A_419, %get3A_420] {strides = array<i32>} : memref<4x8x1024xf32, #tpu.memory_space<vmem>>, vector<1x1x16xf32>,
        %get3A_422 = vector.shape_cast %get3A_421 : vector<1x1x16xf32> to vector<16xf32>
        %swap3A_423 = arith.constant 3 : i32
        %swap3A_424 = arith.index_cast %swap3A_423 : i32 to index
        %swap3A_425 = arith.index_cast %scan3A_314 : i32 to index
        %swap3A_426 = arith.constant 128 : index
        %swap3A_427 = tpu.vector_load %arg7[%swap3A_424, %swap3A_425, %swap3A_426] {strides = array<i32>} : memref<4x8x1024xf32, #tpu.memory_space<vmem>>, vector<1x1x16xf32>,
        %swap3A_428 = vector.shape_cast %swap3A_427 : vector<1x1x16xf32> to vector<16xf32>
        %swap3A_429 = vector.shape_cast %get3A_422 : vector<16xf32> to vector<1x1x16xf32>
        tpu.vector_store %arg7[%swap3A_424, %swap3A_425, %swap3A_426], %swap3A_429 {add = true, strides = array<i32>} : memref<4x8x1024xf32, #tpu.memory_space<vmem>>, vector<1x1x16xf32>,
        %get3A_430 = arith.constant 3 : i32
        %get3A_431 = arith.index_cast %get3A_430 : i32 to index
        %get3A_432 = arith.index_cast %scan3A_314 : i32 to index
        %get3A_433 = arith.constant 144 : index
        %get3A_434 = tpu.vector_load %arg8[%get3A_431, %get3A_432, %get3A_433] {strides = array<i32>} : memref<4x8x1024xf32, #tpu.memory_space<vmem>>, vector<1x1x16xf32>,
        %get3A_435 = vector.shape_cast %get3A_434 : vector<1x1x16xf32> to vector<16xf32>
        %swap3A_436 = arith.constant 3 : i32
        %swap3A_437 = arith.index_cast %swap3A_436 : i32 to index
        %swap3A_438 = arith.index_cast %scan3A_314 : i32 to index
        %swap3A_439 = arith.constant 144 : index
        %swap3A_440 = tpu.vector_load %arg7[%swap3A_437, %swap3A_438, %swap3A_439] {strides = array<i32>} : memref<4x8x1024xf32, #tpu.memory_space<vmem>>, vector<1x1x16xf32>,
        %swap3A_441 = vector.shape_cast %swap3A_440 : vector<1x1x16xf32> to vector<16xf32>
        %swap3A_442 = vector.shape_cast %get3A_435 : vector<16xf32> to vector<1x1x16xf32>
        tpu.vector_store %arg7[%swap3A_437, %swap3A_438, %swap3A_439], %swap3A_442 {add = true, strides = array<i32>} : memref<4x8x1024xf32, #tpu.memory_space<vmem>>, vector<1x1x16xf32>,
        %get3A_443 = arith.constant 3 : i32
        %get3A_444 = arith.index_cast %get3A_443 : i32 to index
        %get3A_445 = arith.index_cast %scan3A_314 : i32 to index
        %get3A_446 = arith.constant 160 : index
        %get3A_447 = tpu.vector_load %arg8[%get3A_444, %get3A_445, %get3A_446] {strides = array<i32>} : memref<4x8x1024xf32, #tpu.memory_space<vmem>>, vector<1x1x16xf32>,
        %get3A_448 = vector.shape_cast %get3A_447 : vector<1x1x16xf32> to vector<16xf32>
        %swap3A_449 = arith.constant 3 : i32
        %swap3A_450 = arith.index_cast %swap3A_449 : i32 to index
        %swap3A_451 = arith.index_cast %scan3A_314 : i32 to index
        %swap3A_452 = arith.constant 160 : index
        %swap3A_453 = tpu.vector_load %arg7[%swap3A_450, %swap3A_451, %swap3A_452] {strides = array<i32>} : memref<4x8x1024xf32, #tpu.memory_space<vmem>>, vector<1x1x16xf32>,
        %swap3A_454 = vector.shape_cast %swap3A_453 : vector<1x1x16xf32> to vector<16xf32>
        %swap3A_455 = vector.shape_cast %get3A_448 : vector<16xf32> to vector<1x1x16xf32>
        tpu.vector_store %arg7[%swap3A_450, %swap3A_451, %swap3A_452], %swap3A_455 {add = true, strides = array<i32>} : memref<4x8x1024xf32, #tpu.memory_space<vmem>>, vector<1x1x16xf32>,
        %get3A_456 = arith.constant 3 : i32
        %get3A_457 = arith.index_cast %get3A_456 : i32 to index
        %get3A_458 = arith.index_cast %scan3A_314 : i32 to index
        %get3A_459 = arith.constant 176 : index
        %get3A_460 = tpu.vector_load %arg8[%get3A_457, %get3A_458, %get3A_459] {strides = array<i32>} : memref<4x8x1024xf32, #tpu.memory_space<vmem>>, vector<1x1x16xf32>,
        %get3A_461 = vector.shape_cast %get3A_460 : vector<1x1x16xf32> to vector<16xf32>
        %swap3A_462 = arith.constant 3 : i32
        %swap3A_463 = arith.index_cast %swap3A_462 : i32 to index
        %swap3A_464 = arith.index_cast %scan3A_314 : i32 to index
        %swap3A_465 = arith.constant 176 : index
        %swap3A_466 = tpu.vector_load %arg7[%swap3A_463, %swap3A_464, %swap3A_465] {strides = array<i32>} : memref<4x8x1024xf32, #tpu.memory_space<vmem>>, vector<1x1x16xf32>,
        %swap3A_467 = vector.shape_cast %swap3A_466 : vector<1x1x16xf32> to vector<16xf32>
        %swap3A_468 = vector.shape_cast %get3A_461 : vector<16xf32> to vector<1x1x16xf32>
        tpu.vector_store %arg7[%swap3A_463, %swap3A_464, %swap3A_465], %swap3A_468 {add = true, strides = array<i32>} : memref<4x8x1024xf32, #tpu.memory_space<vmem>>, vector<1x1x16xf32>,
        %get3A_469 = arith.constant 3 : i32
        %get3A_470 = arith.index_cast %get3A_469 : i32 to index
        %get3A_471 = arith.index_cast %scan3A_314 : i32 to index
        %get3A_472 = arith.constant 192 : index
        %get3A_473 = tpu.vector_load %arg8[%get3A_470, %get3A_471, %get3A_472] {strides = array<i32>} : memref<4x8x1024xf32, #tpu.memory_space<vmem>>, vector<1x1x16xf32>,
        %get3A_474 = vector.shape_cast %get3A_473 : vector<1x1x16xf32> to vector<16xf32>
        %swap3A_475 = arith.constant 3 : i32
        %swap3A_476 = arith.index_cast %swap3A_475 : i32 to index
        %swap3A_477 = arith.index_cast %scan3A_314 : i32 to index
        %swap3A_478 = arith.constant 192 : index
        %swap3A_479 = tpu.vector_load %arg7[%swap3A_476, %swap3A_477, %swap3A_478] {strides = array<i32>} : memref<4x8x1024xf32, #tpu.memory_space<vmem>>, vector<1x1x16xf32>,
        %swap3A_480 = vector.shape_cast %swap3A_479 : vector<1x1x16xf32> to vector<16xf32>
        %swap3A_481 = vector.shape_cast %get3A_474 : vector<16xf32> to vector<1x1x16xf32>
        tpu.vector_store %arg7[%swap3A_476, %swap3A_477, %swap3A_478], %swap3A_481 {add = true, strides = array<i32>} : memref<4x8x1024xf32, #tpu.memory_space<vmem>>, vector<1x1x16xf32>,
        %get3A_482 = arith.constant 3 : i32
        %get3A_483 = arith.index_cast %get3A_482 : i32 to index
        %get3A_484 = arith.index_cast %scan3A_314 : i32 to index
        %get3A_485 = arith.constant 208 : index
        %get3A_486 = tpu.vector_load %arg8[%get3A_483, %get3A_484, %get3A_485] {strides = array<i32>} : memref<4x8x1024xf32, #tpu.memory_space<vmem>>, vector<1x1x16xf32>,
        %get3A_487 = vector.shape_cast %get3A_486 : vector<1x1x16xf32> to vector<16xf32>
        %swap3A_488 = arith.constant 3 : i32
        %swap3A_489 = arith.index_cast %swap3A_488 : i32 to index
        %swap3A_490 = arith.index_cast %scan3A_314 : i32 to index
        %swap3A_491 = arith.constant 208 : index
        %swap3A_492 = tpu.vector_load %arg7[%swap3A_489, %swap3A_490, %swap3A_491] {strides = array<i32>} : memref<4x8x1024xf32, #tpu.memory_space<vmem>>, vector<1x1x16xf32>,
        %swap3A_493 = vector.shape_cast %swap3A_492 : vector<1x1x16xf32> to vector<16xf32>
        %swap3A_494 = vector.shape_cast %get3A_487 : vector<16xf32> to vector<1x1x16xf32>
        tpu.vector_store %arg7[%swap3A_489, %swap3A_490, %swap3A_491], %swap3A_494 {add = true, strides = array<i32>} : memref<4x8x1024xf32, #tpu.memory_space<vmem>>, vector<1x1x16xf32>,
        %get3A_495 = arith.constant 3 : i32
        %get3A_496 = arith.index_cast %get3A_495 : i32 to index
        %get3A_497 = arith.index_cast %scan3A_314 : i32 to index
        %get3A_498 = arith.constant 224 : index
        %get3A_499 = tpu.vector_load %arg8[%get3A_496, %get3A_497, %get3A_498] {strides = array<i32>} : memref<4x8x1024xf32, #tpu.memory_space<vmem>>, vector<1x1x16xf32>,
        %get3A_500 = vector.shape_cast %get3A_499 : vector<1x1x16xf32> to vector<16xf32>
        %swap3A_501 = arith.constant 3 : i32
        %swap3A_502 = arith.index_cast %swap3A_501 : i32 to index
        %swap3A_503 = arith.index_cast %scan3A_314 : i32 to index
        %swap3A_504 = arith.constant 224 : index
        %swap3A_505 = tpu.vector_load %arg7[%swap3A_502, %swap3A_503, %swap3A_504] {strides = array<i32>} : memref<4x8x1024xf32, #tpu.memory_space<vmem>>, vector<1x1x16xf32>,
        %swap3A_506 = vector.shape_cast %swap3A_505 : vector<1x1x16xf32> to vector<16xf32>
        %swap3A_507 = vector.shape_cast %get3A_500 : vector<16xf32> to vector<1x1x16xf32>
        tpu.vector_store %arg7[%swap3A_502, %swap3A_503, %swap3A_504], %swap3A_507 {add = true, strides = array<i32>} : memref<4x8x1024xf32, #tpu.memory_space<vmem>>, vector<1x1x16xf32>,
        %get3A_508 = arith.constant 3 : i32
        %get3A_509 = arith.index_cast %get3A_508 : i32 to index
        %get3A_510 = arith.index_cast %scan3A_314 : i32 to index
        %get3A_511 = arith.constant 240 : index
        %get3A_512 = tpu.vector_load %arg8[%get3A_509, %get3A_510, %get3A_511] {strides = array<i32>} : memref<4x8x1024xf32, #tpu.memory_space<vmem>>, vector<1x1x16xf32>,
        %get3A_513 = vector.shape_cast %get3A_512 : vector<1x1x16xf32> to vector<16xf32>
        %swap3A_514 = arith.constant 3 : i32
        %swap3A_515 = arith.index_cast %swap3A_514 : i32 to index
        %swap3A_516 = arith.index_cast %scan3A_314 : i32 to index
        %swap3A_517 = arith.constant 240 : index
        %swap3A_518 = tpu.vector_load %arg7[%swap3A_515, %swap3A_516, %swap3A_517] {strides = array<i32>} : memref<4x8x1024xf32, #tpu.memory_space<vmem>>, vector<1x1x16xf32>,
        %swap3A_519 = vector.shape_cast %swap3A_518 : vector<1x1x16xf32> to vector<16xf32>
        %swap3A_520 = vector.shape_cast %get3A_513 : vector<16xf32> to vector<1x1x16xf32>
        tpu.vector_store %arg7[%swap3A_515, %swap3A_516, %swap3A_517], %swap3A_520 {add = true, strides = array<i32>} : memref<4x8x1024xf32, #tpu.memory_space<vmem>>, vector<1x1x16xf32>,
        %get3A_521 = arith.constant 3 : i32
        %get3A_522 = arith.index_cast %get3A_521 : i32 to index
        %get3A_523 = arith.index_cast %scan3A_314 : i32 to index
        %get3A_524 = arith.constant 256 : index
        %get3A_525 = tpu.vector_load %arg8[%get3A_522, %get3A_523, %get3A_524] {strides = array<i32>} : memref<4x8x1024xf32, #tpu.memory_space<vmem>>, vector<1x1x16xf32>,
        %get3A_526 = vector.shape_cast %get3A_525 : vector<1x1x16xf32> to vector<16xf32>
        %swap3A_527 = arith.constant 3 : i32
        %swap3A_528 = arith.index_cast %swap3A_527 : i32 to index
        %swap3A_529 = arith.index_cast %scan3A_314 : i32 to index
        %swap3A_530 = arith.constant 256 : index
        %swap3A_531 = tpu.vector_load %arg7[%swap3A_528, %swap3A_529, %swap3A_530] {strides = array<i32>} : memref<4x8x1024xf32, #tpu.memory_space<vmem>>, vector<1x1x16xf32>,
        %swap3A_532 = vector.shape_cast %swap3A_531 : vector<1x1x16xf32> to vector<16xf32>
        %swap3A_533 = vector.shape_cast %get3A_526 : vector<16xf32> to vector<1x1x16xf32>
        tpu.vector_store %arg7[%swap3A_528, %swap3A_529, %swap3A_530], %swap3A_533 {add = true, strides = array<i32>} : memref<4x8x1024xf32, #tpu.memory_space<vmem>>, vector<1x1x16xf32>,
        %get3A_534 = arith.constant 3 : i32
        %get3A_535 = arith.index_cast %get3A_534 : i32 to index
        %get3A_536 = arith.index_cast %scan3A_314 : i32 to index
        %get3A_537 = arith.constant 272 : index
        %get3A_538 = tpu.vector_load %arg8[%get3A_535, %get3A_536, %get3A_537] {strides = array<i32>} : memref<4x8x1024xf32, #tpu.memory_space<vmem>>, vector<1x1x16xf32>,
        %get3A_539 = vector.shape_cast %get3A_538 : vector<1x1x16xf32> to vector<16xf32>
        %swap3A_540 = arith.constant 3 : i32
        %swap3A_541 = arith.index_cast %swap3A_540 : i32 to index
        %swap3A_542 = arith.index_cast %scan3A_314 : i32 to index
        %swap3A_543 = arith.constant 272 : index
        %swap3A_544 = tpu.vector_load %arg7[%swap3A_541, %swap3A_542, %swap3A_543] {strides = array<i32>} : memref<4x8x1024xf32, #tpu.memory_space<vmem>>, vector<1x1x16xf32>,
        %swap3A_545 = vector.shape_cast %swap3A_544 : vector<1x1x16xf32> to vector<16xf32>
        %swap3A_546 = vector.shape_cast %get3A_539 : vector<16xf32> to vector<1x1x16xf32>
        tpu.vector_store %arg7[%swap3A_541, %swap3A_542, %swap3A_543], %swap3A_546 {add = true, strides = array<i32>} : memref<4x8x1024xf32, #tpu.memory_space<vmem>>, vector<1x1x16xf32>,
        %get3A_547 = arith.constant 3 : i32
        %get3A_548 = arith.index_cast %get3A_547 : i32 to index
        %get3A_549 = arith.index_cast %scan3A_314 : i32 to index
        %get3A_550 = arith.constant 288 : index
        %get3A_551 = tpu.vector_load %arg8[%get3A_548, %get3A_549, %get3A_550] {strides = array<i32>} : memref<4x8x1024xf32, #tpu.memory_space<vmem>>, vector<1x1x16xf32>,
        %get3A_552 = vector.shape_cast %get3A_551 : vector<1x1x16xf32> to vector<16xf32>
        %swap3A_553 = arith.constant 3 : i32
        %swap3A_554 = arith.index_cast %swap3A_553 : i32 to index
        %swap3A_555 = arith.index_cast %scan3A_314 : i32 to index
        %swap3A_556 = arith.constant 288 : index
        %swap3A_557 = tpu.vector_load %arg7[%swap3A_554, %swap3A_555, %swap3A_556] {strides = array<i32>} : memref<4x8x1024xf32, #tpu.memory_space<vmem>>, vector<1x1x16xf32>,
        %swap3A_558 = vector.shape_cast %swap3A_557 : vector<1x1x16xf32> to vector<16xf32>
        %swap3A_559 = vector.shape_cast %get3A_552 : vector<16xf32> to vector<1x1x16xf32>
        tpu.vector_store %arg7[%swap3A_554, %swap3A_555, %swap3A_556], %swap3A_559 {add = true, strides = array<i32>} : memref<4x8x1024xf32, #tpu.memory_space<vmem>>, vector<1x1x16xf32>,
        %get3A_560 = arith.constant 3 : i32
        %get3A_561 = arith.index_cast %get3A_560 : i32 to index
        %get3A_562 = arith.index_cast %scan3A_314 : i32 to index
        %get3A_563 = arith.constant 304 : index
        %get3A_564 = tpu.vector_load %arg8[%get3A_561, %get3A_562, %get3A_563] {strides = array<i32>} : memref<4x8x1024xf32, #tpu.memory_space<vmem>>, vector<1x1x16xf32>,
        %get3A_565 = vector.shape_cast %get3A_564 : vector<1x1x16xf32> to vector<16xf32>
        %swap3A_566 = arith.constant 3 : i32
        %swap3A_567 = arith.index_cast %swap3A_566 : i32 to index
        %swap3A_568 = arith.index_cast %scan3A_314 : i32 to index
        %swap3A_569 = arith.constant 304 : index
        %swap3A_570 = tpu.vector_load %arg7[%swap3A_567, %swap3A_568, %swap3A_569] {strides = array<i32>} : memref<4x8x1024xf32, #tpu.memory_space<vmem>>, vector<1x1x16xf32>,
        %swap3A_571 = vector.shape_cast %swap3A_570 : vector<1x1x16xf32> to vector<16xf32>
        %swap3A_572 = vector.shape_cast %get3A_565 : vector<16xf32> to vector<1x1x16xf32>
        tpu.vector_store %arg7[%swap3A_567, %swap3A_568, %swap3A_569], %swap3A_572 {add = true, strides = array<i32>} : memref<4x8x1024xf32, #tpu.memory_space<vmem>>, vector<1x1x16xf32>,
        %get3A_573 = arith.constant 3 : i32
        %get3A_574 = arith.index_cast %get3A_573 : i32 to index
        %get3A_575 = arith.index_cast %scan3A_314 : i32 to index
        %get3A_576 = arith.constant 320 : index
        %get3A_577 = tpu.vector_load %arg8[%get3A_574, %get3A_575, %get3A_576] {strides = array<i32>} : memref<4x8x1024xf32, #tpu.memory_space<vmem>>, vector<1x1x16xf32>,
        %get3A_578 = vector.shape_cast %get3A_577 : vector<1x1x16xf32> to vector<16xf32>
        %swap3A_579 = arith.constant 3 : i32
        %swap3A_580 = arith.index_cast %swap3A_579 : i32 to index
        %swap3A_581 = arith.index_cast %scan3A_314 : i32 to index
        %swap3A_582 = arith.constant 320 : index
        %swap3A_583 = tpu.vector_load %arg7[%swap3A_580, %swap3A_581, %swap3A_582] {strides = array<i32>} : memref<4x8x1024xf32, #tpu.memory_space<vmem>>, vector<1x1x16xf32>,
        %swap3A_584 = vector.shape_cast %swap3A_583 : vector<1x1x16xf32> to vector<16xf32>
        %swap3A_585 = vector.shape_cast %get3A_578 : vector<16xf32> to vector<1x1x16xf32>
        tpu.vector_store %arg7[%swap3A_580, %swap3A_581, %swap3A_582], %swap3A_585 {add = true, strides = array<i32>} : memref<4x8x1024xf32, #tpu.memory_space<vmem>>, vector<1x1x16xf32>,
        %get3A_586 = arith.constant 3 : i32
        %get3A_587 = arith.index_cast %get3A_586 : i32 to index
        %get3A_588 = arith.index_cast %scan3A_314 : i32 to index
        %get3A_589 = arith.constant 336 : index
        %get3A_590 = tpu.vector_load %arg8[%get3A_587, %get3A_588, %get3A_589] {strides = array<i32>} : memref<4x8x1024xf32, #tpu.memory_space<vmem>>, vector<1x1x16xf32>,
        %get3A_591 = vector.shape_cast %get3A_590 : vector<1x1x16xf32> to vector<16xf32>
        %swap3A_592 = arith.constant 3 : i32
        %swap3A_593 = arith.index_cast %swap3A_592 : i32 to index
        %swap3A_594 = arith.index_cast %scan3A_314 : i32 to index
        %swap3A_595 = arith.constant 336 : index
        %swap3A_596 = tpu.vector_load %arg7[%swap3A_593, %swap3A_594, %swap3A_595] {strides = array<i32>} : memref<4x8x1024xf32, #tpu.memory_space<vmem>>, vector<1x1x16xf32>,
        %swap3A_597 = vector.shape_cast %swap3A_596 : vector<1x1x16xf32> to vector<16xf32>
        %swap3A_598 = vector.shape_cast %get3A_591 : vector<16xf32> to vector<1x1x16xf32>
        tpu.vector_store %arg7[%swap3A_593, %swap3A_594, %swap3A_595], %swap3A_598 {add = true, strides = array<i32>} : memref<4x8x1024xf32, #tpu.memory_space<vmem>>, vector<1x1x16xf32>,
        %get3A_599 = arith.constant 3 : i32
        %get3A_600 = arith.index_cast %get3A_599 : i32 to index
        %get3A_601 = arith.index_cast %scan3A_314 : i32 to index
        %get3A_602 = arith.constant 352 : index
        %get3A_603 = tpu.vector_load %arg8[%get3A_600, %get3A_601, %get3A_602] {strides = array<i32>} : memref<4x8x1024xf32, #tpu.memory_space<vmem>>, vector<1x1x16xf32>,
        %get3A_604 = vector.shape_cast %get3A_603 : vector<1x1x16xf32> to vector<16xf32>
        %swap3A_605 = arith.constant 3 : i32
        %swap3A_606 = arith.index_cast %swap3A_605 : i32 to index
        %swap3A_607 = arith.index_cast %scan3A_314 : i32 to index
        %swap3A_608 = arith.constant 352 : index
        %swap3A_609 = tpu.vector_load %arg7[%swap3A_606, %swap3A_607, %swap3A_608] {strides = array<i32>} : memref<4x8x1024xf32, #tpu.memory_space<vmem>>, vector<1x1x16xf32>,
        %swap3A_610 = vector.shape_cast %swap3A_609 : vector<1x1x16xf32> to vector<16xf32>
        %swap3A_611 = vector.shape_cast %get3A_604 : vector<16xf32> to vector<1x1x16xf32>
        tpu.vector_store %arg7[%swap3A_606, %swap3A_607, %swap3A_608], %swap3A_611 {add = true, strides = array<i32>} : memref<4x8x1024xf32, #tpu.memory_space<vmem>>, vector<1x1x16xf32>,
        %get3A_612 = arith.constant 3 : i32
        %get3A_613 = arith.index_cast %get3A_612 : i32 to index
        %get3A_614 = arith.index_cast %scan3A_314 : i32 to index
        %get3A_615 = arith.constant 368 : index
        %get3A_616 = tpu.vector_load %arg8[%get3A_613, %get3A_614, %get3A_615] {strides = array<i32>} : memref<4x8x1024xf32, #tpu.memory_space<vmem>>, vector<1x1x16xf32>,
        %get3A_617 = vector.shape_cast %get3A_616 : vector<1x1x16xf32> to vector<16xf32>
        %swap3A_618 = arith.constant 3 : i32
        %swap3A_619 = arith.index_cast %swap3A_618 : i32 to index
        %swap3A_620 = arith.index_cast %scan3A_314 : i32 to index
        %swap3A_621 = arith.constant 368 : index
        %swap3A_622 = tpu.vector_load %arg7[%swap3A_619, %swap3A_620, %swap3A_621] {strides = array<i32>} : memref<4x8x1024xf32, #tpu.memory_space<vmem>>, vector<1x1x16xf32>,
        %swap3A_623 = vector.shape_cast %swap3A_622 : vector<1x1x16xf32> to vector<16xf32>
        %swap3A_624 = vector.shape_cast %get3A_617 : vector<16xf32> to vector<1x1x16xf32>
        tpu.vector_store %arg7[%swap3A_619, %swap3A_620, %swap3A_621], %swap3A_624 {add = true, strides = array<i32>} : memref<4x8x1024xf32, #tpu.memory_space<vmem>>, vector<1x1x16xf32>,
        %get3A_625 = arith.constant 3 : i32
        %get3A_626 = arith.index_cast %get3A_625 : i32 to index
        %get3A_627 = arith.index_cast %scan3A_314 : i32 to index
        %get3A_628 = arith.constant 384 : index
        %get3A_629 = tpu.vector_load %arg8[%get3A_626, %get3A_627, %get3A_628] {strides = array<i32>} : memref<4x8x1024xf32, #tpu.memory_space<vmem>>, vector<1x1x16xf32>,
        %get3A_630 = vector.shape_cast %get3A_629 : vector<1x1x16xf32> to vector<16xf32>
        %swap3A_631 = arith.constant 3 : i32
        %swap3A_632 = arith.index_cast %swap3A_631 : i32 to index
        %swap3A_633 = arith.index_cast %scan3A_314 : i32 to index
        %swap3A_634 = arith.constant 384 : index
        %swap3A_635 = tpu.vector_load %arg7[%swap3A_632, %swap3A_633, %swap3A_634] {strides = array<i32>} : memref<4x8x1024xf32, #tpu.memory_space<vmem>>, vector<1x1x16xf32>,
        %swap3A_636 = vector.shape_cast %swap3A_635 : vector<1x1x16xf32> to vector<16xf32>
        %swap3A_637 = vector.shape_cast %get3A_630 : vector<16xf32> to vector<1x1x16xf32>
        tpu.vector_store %arg7[%swap3A_632, %swap3A_633, %swap3A_634], %swap3A_637 {add = true, strides = array<i32>} : memref<4x8x1024xf32, #tpu.memory_space<vmem>>, vector<1x1x16xf32>,
        %get3A_638 = arith.constant 3 : i32
        %get3A_639 = arith.index_cast %get3A_638 : i32 to index
        %get3A_640 = arith.index_cast %scan3A_314 : i32 to index
        %get3A_641 = arith.constant 400 : index
        %get3A_642 = tpu.vector_load %arg8[%get3A_639, %get3A_640, %get3A_641] {strides = array<i32>} : memref<4x8x1024xf32, #tpu.memory_space<vmem>>, vector<1x1x16xf32>,
        %get3A_643 = vector.shape_cast %get3A_642 : vector<1x1x16xf32> to vector<16xf32>
        %swap3A_644 = arith.constant 3 : i32
        %swap3A_645 = arith.index_cast %swap3A_644 : i32 to index
        %swap3A_646 = arith.index_cast %scan3A_314 : i32 to index
        %swap3A_647 = arith.constant 400 : index
        %swap3A_648 = tpu.vector_load %arg7[%swap3A_645, %swap3A_646, %swap3A_647] {strides = array<i32>} : memref<4x8x1024xf32, #tpu.memory_space<vmem>>, vector<1x1x16xf32>,
        %swap3A_649 = vector.shape_cast %swap3A_648 : vector<1x1x16xf32> to vector<16xf32>
        %swap3A_650 = vector.shape_cast %get3A_643 : vector<16xf32> to vector<1x1x16xf32>
        tpu.vector_store %arg7[%swap3A_645, %swap3A_646, %swap3A_647], %swap3A_650 {add = true, strides = array<i32>} : memref<4x8x1024xf32, #tpu.memory_space<vmem>>, vector<1x1x16xf32>,
        %get3A_651 = arith.constant 3 : i32
        %get3A_652 = arith.index_cast %get3A_651 : i32 to index
        %get3A_653 = arith.index_cast %scan3A_314 : i32 to index
        %get3A_654 = arith.constant 416 : index
        %get3A_655 = tpu.vector_load %arg8[%get3A_652, %get3A_653, %get3A_654] {strides = array<i32>} : memref<4x8x1024xf32, #tpu.memory_space<vmem>>, vector<1x1x16xf32>,
        %get3A_656 = vector.shape_cast %get3A_655 : vector<1x1x16xf32> to vector<16xf32>
        %swap3A_657 = arith.constant 3 : i32
        %swap3A_658 = arith.index_cast %swap3A_657 : i32 to index
        %swap3A_659 = arith.index_cast %scan3A_314 : i32 to index
        %swap3A_660 = arith.constant 416 : index
        %swap3A_661 = tpu.vector_load %arg7[%swap3A_658, %swap3A_659, %swap3A_660] {strides = array<i32>} : memref<4x8x1024xf32, #tpu.memory_space<vmem>>, vector<1x1x16xf32>,
        %swap3A_662 = vector.shape_cast %swap3A_661 : vector<1x1x16xf32> to vector<16xf32>
        %swap3A_663 = vector.shape_cast %get3A_656 : vector<16xf32> to vector<1x1x16xf32>
        tpu.vector_store %arg7[%swap3A_658, %swap3A_659, %swap3A_660], %swap3A_663 {add = true, strides = array<i32>} : memref<4x8x1024xf32, #tpu.memory_space<vmem>>, vector<1x1x16xf32>,
        %get3A_664 = arith.constant 3 : i32
        %get3A_665 = arith.index_cast %get3A_664 : i32 to index
        %get3A_666 = arith.index_cast %scan3A_314 : i32 to index
        %get3A_667 = arith.constant 432 : index
        %get3A_668 = tpu.vector_load %arg8[%get3A_665, %get3A_666, %get3A_667] {strides = array<i32>} : memref<4x8x1024xf32, #tpu.memory_space<vmem>>, vector<1x1x16xf32>,
        %get3A_669 = vector.shape_cast %get3A_668 : vector<1x1x16xf32> to vector<16xf32>
        %swap3A_670 = arith.constant 3 : i32
        %swap3A_671 = arith.index_cast %swap3A_670 : i32 to index
        %swap3A_672 = arith.index_cast %scan3A_314 : i32 to index
        %swap3A_673 = arith.constant 432 : index
        %swap3A_674 = tpu.vector_load %arg7[%swap3A_671, %swap3A_672, %swap3A_673] {strides = array<i32>} : memref<4x8x1024xf32, #tpu.memory_space<vmem>>, vector<1x1x16xf32>,
        %swap3A_675 = vector.shape_cast %swap3A_674 : vector<1x1x16xf32> to vector<16xf32>
        %swap3A_676 = vector.shape_cast %get3A_669 : vector<16xf32> to vector<1x1x16xf32>
        tpu.vector_store %arg7[%swap3A_671, %swap3A_672, %swap3A_673], %swap3A_676 {add = true, strides = array<i32>} : memref<4x8x1024xf32, #tpu.memory_space<vmem>>, vector<1x1x16xf32>,
        %get3A_677 = arith.constant 3 : i32
        %get3A_678 = arith.index_cast %get3A_677 : i32 to index
        %get3A_679 = arith.index_cast %scan3A_314 : i32 to index
        %get3A_680 = arith.constant 448 : index
        %get3A_681 = tpu.vector_load %arg8[%get3A_678, %get3A_679, %get3A_680] {strides = array<i32>} : memref<4x8x1024xf32, #tpu.memory_space<vmem>>, vector<1x1x16xf32>,
        %get3A_682 = vector.shape_cast %get3A_681 : vector<1x1x16xf32> to vector<16xf32>
        %swap3A_683 = arith.constant 3 : i32
        %swap3A_684 = arith.index_cast %swap3A_683 : i32 to index
        %swap3A_685 = arith.index_cast %scan3A_314 : i32 to index
        %swap3A_686 = arith.constant 448 : index
        %swap3A_687 = tpu.vector_load %arg7[%swap3A_684, %swap3A_685, %swap3A_686] {strides = array<i32>} : memref<4x8x1024xf32, #tpu.memory_space<vmem>>, vector<1x1x16xf32>,
        %swap3A_688 = vector.shape_cast %swap3A_687 : vector<1x1x16xf32> to vector<16xf32>
        %swap3A_689 = vector.shape_cast %get3A_682 : vector<16xf32> to vector<1x1x16xf32>
        tpu.vector_store %arg7[%swap3A_684, %swap3A_685, %swap3A_686], %swap3A_689 {add = true, strides = array<i32>} : memref<4x8x1024xf32, #tpu.memory_space<vmem>>, vector<1x1x16xf32>,
        %get3A_690 = arith.constant 3 : i32
        %get3A_691 = arith.index_cast %get3A_690 : i32 to index
        %get3A_692 = arith.index_cast %scan3A_314 : i32 to index
        %get3A_693 = arith.constant 464 : index
        %get3A_694 = tpu.vector_load %arg8[%get3A_691, %get3A_692, %get3A_693] {strides = array<i32>} : memref<4x8x1024xf32, #tpu.memory_space<vmem>>, vector<1x1x16xf32>,
        %get3A_695 = vector.shape_cast %get3A_694 : vector<1x1x16xf32> to vector<16xf32>
        %swap3A_696 = arith.constant 3 : i32
        %swap3A_697 = arith.index_cast %swap3A_696 : i32 to index
        %swap3A_698 = arith.index_cast %scan3A_314 : i32 to index
        %swap3A_699 = arith.constant 464 : index
        %swap3A_700 = tpu.vector_load %arg7[%swap3A_697, %swap3A_698, %swap3A_699] {strides = array<i32>} : memref<4x8x1024xf32, #tpu.memory_space<vmem>>, vector<1x1x16xf32>,
        %swap3A_701 = vector.shape_cast %swap3A_700 : vector<1x1x16xf32> to vector<16xf32>
        %swap3A_702 = vector.shape_cast %get3A_695 : vector<16xf32> to vector<1x1x16xf32>
        tpu.vector_store %arg7[%swap3A_697, %swap3A_698, %swap3A_699], %swap3A_702 {add = true, strides = array<i32>} : memref<4x8x1024xf32, #tpu.memory_space<vmem>>, vector<1x1x16xf32>,
        %get3A_703 = arith.constant 3 : i32
        %get3A_704 = arith.index_cast %get3A_703 : i32 to index
        %get3A_705 = arith.index_cast %scan3A_314 : i32 to index
        %get3A_706 = arith.constant 480 : index
        %get3A_707 = tpu.vector_load %arg8[%get3A_704, %get3A_705, %get3A_706] {strides = array<i32>} : memref<4x8x1024xf32, #tpu.memory_space<vmem>>, vector<1x1x16xf32>,
        %get3A_708 = vector.shape_cast %get3A_707 : vector<1x1x16xf32> to vector<16xf32>
        %swap3A_709 = arith.constant 3 : i32
        %swap3A_710 = arith.index_cast %swap3A_709 : i32 to index
        %swap3A_711 = arith.index_cast %scan3A_314 : i32 to index
        %swap3A_712 = arith.constant 480 : index
        %swap3A_713 = tpu.vector_load %arg7[%swap3A_710, %swap3A_711, %swap3A_712] {strides = array<i32>} : memref<4x8x1024xf32, #tpu.memory_space<vmem>>, vector<1x1x16xf32>,
        %swap3A_714 = vector.shape_cast %swap3A_713 : vector<1x1x16xf32> to vector<16xf32>
        %swap3A_715 = vector.shape_cast %get3A_708 : vector<16xf32> to vector<1x1x16xf32>
        tpu.vector_store %arg7[%swap3A_710, %swap3A_711, %swap3A_712], %swap3A_715 {add = true, strides = array<i32>} : memref<4x8x1024xf32, #tpu.memory_space<vmem>>, vector<1x1x16xf32>,
        %get3A_716 = arith.constant 3 : i32
        %get3A_717 = arith.index_cast %get3A_716 : i32 to index
        %get3A_718 = arith.index_cast %scan3A_314 : i32 to index
        %get3A_719 = arith.constant 496 : index
        %get3A_720 = tpu.vector_load %arg8[%get3A_717, %get3A_718, %get3A_719] {strides = array<i32>} : memref<4x8x1024xf32, #tpu.memory_space<vmem>>, vector<1x1x16xf32>,
        %get3A_721 = vector.shape_cast %get3A_720 : vector<1x1x16xf32> to vector<16xf32>
        %swap3A_722 = arith.constant 3 : i32
        %swap3A_723 = arith.index_cast %swap3A_722 : i32 to index
        %swap3A_724 = arith.index_cast %scan3A_314 : i32 to index
        %swap3A_725 = arith.constant 496 : index
        %swap3A_726 = tpu.vector_load %arg7[%swap3A_723, %swap3A_724, %swap3A_725] {strides = array<i32>} : memref<4x8x1024xf32, #tpu.memory_space<vmem>>, vector<1x1x16xf32>,
        %swap3A_727 = vector.shape_cast %swap3A_726 : vector<1x1x16xf32> to vector<16xf32>
        %swap3A_728 = vector.shape_cast %get3A_721 : vector<16xf32> to vector<1x1x16xf32>
        tpu.vector_store %arg7[%swap3A_723, %swap3A_724, %swap3A_725], %swap3A_728 {add = true, strides = array<i32>} : memref<4x8x1024xf32, #tpu.memory_space<vmem>>, vector<1x1x16xf32>,
        %get3A_729 = arith.constant 3 : i32
        %get3A_730 = arith.index_cast %get3A_729 : i32 to index
        %get3A_731 = arith.index_cast %scan3A_314 : i32 to index
        %get3A_732 = arith.constant 512 : index
        %get3A_733 = tpu.vector_load %arg8[%get3A_730, %get3A_731, %get3A_732] {strides = array<i32>} : memref<4x8x1024xf32, #tpu.memory_space<vmem>>, vector<1x1x16xf32>,
        %get3A_734 = vector.shape_cast %get3A_733 : vector<1x1x16xf32> to vector<16xf32>
        %swap3A_735 = arith.constant 3 : i32
        %swap3A_736 = arith.index_cast %swap3A_735 : i32 to index
        %swap3A_737 = arith.index_cast %scan3A_314 : i32 to index
        %swap3A_738 = arith.constant 512 : index
        %swap3A_739 = tpu.vector_load %arg7[%swap3A_736, %swap3A_737, %swap3A_738] {strides = array<i32>} : memref<4x8x1024xf32, #tpu.memory_space<vmem>>, vector<1x1x16xf32>,
        %swap3A_740 = vector.shape_cast %swap3A_739 : vector<1x1x16xf32> to vector<16xf32>
        %swap3A_741 = vector.shape_cast %get3A_734 : vector<16xf32> to vector<1x1x16xf32>
        tpu.vector_store %arg7[%swap3A_736, %swap3A_737, %swap3A_738], %swap3A_741 {add = true, strides = array<i32>} : memref<4x8x1024xf32, #tpu.memory_space<vmem>>, vector<1x1x16xf32>,
        %get3A_742 = arith.constant 3 : i32
        %get3A_743 = arith.index_cast %get3A_742 : i32 to index
        %get3A_744 = arith.index_cast %scan3A_314 : i32 to index
        %get3A_745 = arith.constant 528 : index
        %get3A_746 = tpu.vector_load %arg8[%get3A_743, %get3A_744, %get3A_745] {strides = array<i32>} : memref<4x8x1024xf32, #tpu.memory_space<vmem>>, vector<1x1x16xf32>,
        %get3A_747 = vector.shape_cast %get3A_746 : vector<1x1x16xf32> to vector<16xf32>
        %swap3A_748 = arith.constant 3 : i32
        %swap3A_749 = arith.index_cast %swap3A_748 : i32 to index
        %swap3A_750 = arith.index_cast %scan3A_314 : i32 to index
        %swap3A_751 = arith.constant 528 : index
        %swap3A_752 = tpu.vector_load %arg7[%swap3A_749, %swap3A_750, %swap3A_751] {strides = array<i32>} : memref<4x8x1024xf32, #tpu.memory_space<vmem>>, vector<1x1x16xf32>,
        %swap3A_753 = vector.shape_cast %swap3A_752 : vector<1x1x16xf32> to vector<16xf32>
        %swap3A_754 = vector.shape_cast %get3A_747 : vector<16xf32> to vector<1x1x16xf32>
        tpu.vector_store %arg7[%swap3A_749, %swap3A_750, %swap3A_751], %swap3A_754 {add = true, strides = array<i32>} : memref<4x8x1024xf32, #tpu.memory_space<vmem>>, vector<1x1x16xf32>,
        %get3A_755 = arith.constant 3 : i32
        %get3A_756 = arith.index_cast %get3A_755 : i32 to index
        %get3A_757 = arith.index_cast %scan3A_314 : i32 to index
        %get3A_758 = arith.constant 544 : index
        %get3A_759 = tpu.vector_load %arg8[%get3A_756, %get3A_757, %get3A_758] {strides = array<i32>} : memref<4x8x1024xf32, #tpu.memory_space<vmem>>, vector<1x1x16xf32>,
        %get3A_760 = vector.shape_cast %get3A_759 : vector<1x1x16xf32> to vector<16xf32>
        %swap3A_761 = arith.constant 3 : i32
        %swap3A_762 = arith.index_cast %swap3A_761 : i32 to index
        %swap3A_763 = arith.index_cast %scan3A_314 : i32 to index
        %swap3A_764 = arith.constant 544 : index
        %swap3A_765 = tpu.vector_load %arg7[%swap3A_762, %swap3A_763, %swap3A_764] {strides = array<i32>} : memref<4x8x1024xf32, #tpu.memory_space<vmem>>, vector<1x1x16xf32>,
        %swap3A_766 = vector.shape_cast %swap3A_765 : vector<1x1x16xf32> to vector<16xf32>
        %swap3A_767 = vector.shape_cast %get3A_760 : vector<16xf32> to vector<1x1x16xf32>
        tpu.vector_store %arg7[%swap3A_762, %swap3A_763, %swap3A_764], %swap3A_767 {add = true, strides = array<i32>} : memref<4x8x1024xf32, #tpu.memory_space<vmem>>, vector<1x1x16xf32>,
        %get3A_768 = arith.constant 3 : i32
        %get3A_769 = arith.index_cast %get3A_768 : i32 to index
        %get3A_770 = arith.index_cast %scan3A_314 : i32 to index
        %get3A_771 = arith.constant 560 : index
        %get3A_772 = tpu.vector_load %arg8[%get3A_769, %get3A_770, %get3A_771] {strides = array<i32>} : memref<4x8x1024xf32, #tpu.memory_space<vmem>>, vector<1x1x16xf32>,
        %get3A_773 = vector.shape_cast %get3A_772 : vector<1x1x16xf32> to vector<16xf32>
        %swap3A_774 = arith.constant 3 : i32
        %swap3A_775 = arith.index_cast %swap3A_774 : i32 to index
        %swap3A_776 = arith.index_cast %scan3A_314 : i32 to index
        %swap3A_777 = arith.constant 560 : index
        %swap3A_778 = tpu.vector_load %arg7[%swap3A_775, %swap3A_776, %swap3A_777] {strides = array<i32>} : memref<4x8x1024xf32, #tpu.memory_space<vmem>>, vector<1x1x16xf32>,
        %swap3A_779 = vector.shape_cast %swap3A_778 : vector<1x1x16xf32> to vector<16xf32>
        %swap3A_780 = vector.shape_cast %get3A_773 : vector<16xf32> to vector<1x1x16xf32>
        tpu.vector_store %arg7[%swap3A_775, %swap3A_776, %swap3A_777], %swap3A_780 {add = true, strides = array<i32>} : memref<4x8x1024xf32, #tpu.memory_space<vmem>>, vector<1x1x16xf32>,
        %get3A_781 = arith.constant 3 : i32
        %get3A_782 = arith.index_cast %get3A_781 : i32 to index
        %get3A_783 = arith.index_cast %scan3A_314 : i32 to index
        %get3A_784 = arith.constant 576 : index
        %get3A_785 = tpu.vector_load %arg8[%get3A_782, %get3A_783, %get3A_784] {strides = array<i32>} : memref<4x8x1024xf32, #tpu.memory_space<vmem>>, vector<1x1x16xf32>,
        %get3A_786 = vector.shape_cast %get3A_785 : vector<1x1x16xf32> to vector<16xf32>
        %swap3A_787 = arith.constant 3 : i32
        %swap3A_788 = arith.index_cast %swap3A_787 : i32 to index
        %swap3A_789 = arith.index_cast %scan3A_314 : i32 to index
        %swap3A_790 = arith.constant 576 : index
        %swap3A_791 = tpu.vector_load %arg7[%swap3A_788, %swap3A_789, %swap3A_790] {strides = array<i32>} : memref<4x8x1024xf32, #tpu.memory_space<vmem>>, vector<1x1x16xf32>,
        %swap3A_792 = vector.shape_cast %swap3A_791 : vector<1x1x16xf32> to vector<16xf32>
        %swap3A_793 = vector.shape_cast %get3A_786 : vector<16xf32> to vector<1x1x16xf32>
        tpu.vector_store %arg7[%swap3A_788, %swap3A_789, %swap3A_790], %swap3A_793 {add = true, strides = array<i32>} : memref<4x8x1024xf32, #tpu.memory_space<vmem>>, vector<1x1x16xf32>,
        %get3A_794 = arith.constant 3 : i32
        %get3A_795 = arith.index_cast %get3A_794 : i32 to index
        %get3A_796 = arith.index_cast %scan3A_314 : i32 to index
        %get3A_797 = arith.constant 592 : index
        %get3A_798 = tpu.vector_load %arg8[%get3A_795, %get3A_796, %get3A_797] {strides = array<i32>} : memref<4x8x1024xf32, #tpu.memory_space<vmem>>, vector<1x1x16xf32>,
        %get3A_799 = vector.shape_cast %get3A_798 : vector<1x1x16xf32> to vector<16xf32>
        %swap3A_800 = arith.constant 3 : i32
        %swap3A_801 = arith.index_cast %swap3A_800 : i32 to index
        %swap3A_802 = arith.index_cast %scan3A_314 : i32 to index
        %swap3A_803 = arith.constant 592 : index
        %swap3A_804 = tpu.vector_load %arg7[%swap3A_801, %swap3A_802, %swap3A_803] {strides = array<i32>} : memref<4x8x1024xf32, #tpu.memory_space<vmem>>, vector<1x1x16xf32>,
        %swap3A_805 = vector.shape_cast %swap3A_804 : vector<1x1x16xf32> to vector<16xf32>
        %swap3A_806 = vector.shape_cast %get3A_799 : vector<16xf32> to vector<1x1x16xf32>
        tpu.vector_store %arg7[%swap3A_801, %swap3A_802, %swap3A_803], %swap3A_806 {add = true, strides = array<i32>} : memref<4x8x1024xf32, #tpu.memory_space<vmem>>, vector<1x1x16xf32>,
        %get3A_807 = arith.constant 3 : i32
        %get3A_808 = arith.index_cast %get3A_807 : i32 to index
        %get3A_809 = arith.index_cast %scan3A_314 : i32 to index
        %get3A_810 = arith.constant 608 : index
        %get3A_811 = tpu.vector_load %arg8[%get3A_808, %get3A_809, %get3A_810] {strides = array<i32>} : memref<4x8x1024xf32, #tpu.memory_space<vmem>>, vector<1x1x16xf32>,
        %get3A_812 = vector.shape_cast %get3A_811 : vector<1x1x16xf32> to vector<16xf32>
        %swap3A_813 = arith.constant 3 : i32
        %swap3A_814 = arith.index_cast %swap3A_813 : i32 to index
        %swap3A_815 = arith.index_cast %scan3A_314 : i32 to index
        %swap3A_816 = arith.constant 608 : index
        %swap3A_817 = tpu.vector_load %arg7[%swap3A_814, %swap3A_815, %swap3A_816] {strides = array<i32>} : memref<4x8x1024xf32, #tpu.memory_space<vmem>>, vector<1x1x16xf32>,
        %swap3A_818 = vector.shape_cast %swap3A_817 : vector<1x1x16xf32> to vector<16xf32>
        %swap3A_819 = vector.shape_cast %get3A_812 : vector<16xf32> to vector<1x1x16xf32>
        tpu.vector_store %arg7[%swap3A_814, %swap3A_815, %swap3A_816], %swap3A_819 {add = true, strides = array<i32>} : memref<4x8x1024xf32, #tpu.memory_space<vmem>>, vector<1x1x16xf32>,
        %get3A_820 = arith.constant 3 : i32
        %get3A_821 = arith.index_cast %get3A_820 : i32 to index
        %get3A_822 = arith.index_cast %scan3A_314 : i32 to index
        %get3A_823 = arith.constant 624 : index
        %get3A_824 = tpu.vector_load %arg8[%get3A_821, %get3A_822, %get3A_823] {strides = array<i32>} : memref<4x8x1024xf32, #tpu.memory_space<vmem>>, vector<1x1x16xf32>,
        %get3A_825 = vector.shape_cast %get3A_824 : vector<1x1x16xf32> to vector<16xf32>
        %swap3A_826 = arith.constant 3 : i32
        %swap3A_827 = arith.index_cast %swap3A_826 : i32 to index
        %swap3A_828 = arith.index_cast %scan3A_314 : i32 to index
        %swap3A_829 = arith.constant 624 : index
        %swap3A_830 = tpu.vector_load %arg7[%swap3A_827, %swap3A_828, %swap3A_829] {strides = array<i32>} : memref<4x8x1024xf32, #tpu.memory_space<vmem>>, vector<1x1x16xf32>,
        %swap3A_831 = vector.shape_cast %swap3A_830 : vector<1x1x16xf32> to vector<16xf32>
        %swap3A_832 = vector.shape_cast %get3A_825 : vector<16xf32> to vector<1x1x16xf32>
        tpu.vector_store %arg7[%swap3A_827, %swap3A_828, %swap3A_829], %swap3A_832 {add = true, strides = array<i32>} : memref<4x8x1024xf32, #tpu.memory_space<vmem>>, vector<1x1x16xf32>,
        %get3A_833 = arith.constant 3 : i32
        %get3A_834 = arith.index_cast %get3A_833 : i32 to index
        %get3A_835 = arith.index_cast %scan3A_314 : i32 to index
        %get3A_836 = arith.constant 640 : index
        %get3A_837 = tpu.vector_load %arg8[%get3A_834, %get3A_835, %get3A_836] {strides = array<i32>} : memref<4x8x1024xf32, #tpu.memory_space<vmem>>, vector<1x1x16xf32>,
        %get3A_838 = vector.shape_cast %get3A_837 : vector<1x1x16xf32> to vector<16xf32>
        %swap3A_839 = arith.constant 3 : i32
        %swap3A_840 = arith.index_cast %swap3A_839 : i32 to index
        %swap3A_841 = arith.index_cast %scan3A_314 : i32 to index
        %swap3A_842 = arith.constant 640 : index
        %swap3A_843 = tpu.vector_load %arg7[%swap3A_840, %swap3A_841, %swap3A_842] {strides = array<i32>} : memref<4x8x1024xf32, #tpu.memory_space<vmem>>, vector<1x1x16xf32>,
        %swap3A_844 = vector.shape_cast %swap3A_843 : vector<1x1x16xf32> to vector<16xf32>
        %swap3A_845 = vector.shape_cast %get3A_838 : vector<16xf32> to vector<1x1x16xf32>
        tpu.vector_store %arg7[%swap3A_840, %swap3A_841, %swap3A_842], %swap3A_845 {add = true, strides = array<i32>} : memref<4x8x1024xf32, #tpu.memory_space<vmem>>, vector<1x1x16xf32>,
        %get3A_846 = arith.constant 3 : i32
        %get3A_847 = arith.index_cast %get3A_846 : i32 to index
        %get3A_848 = arith.index_cast %scan3A_314 : i32 to index
        %get3A_849 = arith.constant 656 : index
        %get3A_850 = tpu.vector_load %arg8[%get3A_847, %get3A_848, %get3A_849] {strides = array<i32>} : memref<4x8x1024xf32, #tpu.memory_space<vmem>>, vector<1x1x16xf32>,
        %get3A_851 = vector.shape_cast %get3A_850 : vector<1x1x16xf32> to vector<16xf32>
        %swap3A_852 = arith.constant 3 : i32
        %swap3A_853 = arith.index_cast %swap3A_852 : i32 to index
        %swap3A_854 = arith.index_cast %scan3A_314 : i32 to index
        %swap3A_855 = arith.constant 656 : index
        %swap3A_856 = tpu.vector_load %arg7[%swap3A_853, %swap3A_854, %swap3A_855] {strides = array<i32>} : memref<4x8x1024xf32, #tpu.memory_space<vmem>>, vector<1x1x16xf32>,
        %swap3A_857 = vector.shape_cast %swap3A_856 : vector<1x1x16xf32> to vector<16xf32>
        %swap3A_858 = vector.shape_cast %get3A_851 : vector<16xf32> to vector<1x1x16xf32>
        tpu.vector_store %arg7[%swap3A_853, %swap3A_854, %swap3A_855], %swap3A_858 {add = true, strides = array<i32>} : memref<4x8x1024xf32, #tpu.memory_space<vmem>>, vector<1x1x16xf32>,
        %get3A_859 = arith.constant 3 : i32
        %get3A_860 = arith.index_cast %get3A_859 : i32 to index
        %get3A_861 = arith.index_cast %scan3A_314 : i32 to index
        %get3A_862 = arith.constant 672 : index
        %get3A_863 = tpu.vector_load %arg8[%get3A_860, %get3A_861, %get3A_862] {strides = array<i32>} : memref<4x8x1024xf32, #tpu.memory_space<vmem>>, vector<1x1x16xf32>,
        %get3A_864 = vector.shape_cast %get3A_863 : vector<1x1x16xf32> to vector<16xf32>
        %swap3A_865 = arith.constant 3 : i32
        %swap3A_866 = arith.index_cast %swap3A_865 : i32 to index
        %swap3A_867 = arith.index_cast %scan3A_314 : i32 to index
        %swap3A_868 = arith.constant 672 : index
        %swap3A_869 = tpu.vector_load %arg7[%swap3A_866, %swap3A_867, %swap3A_868] {strides = array<i32>} : memref<4x8x1024xf32, #tpu.memory_space<vmem>>, vector<1x1x16xf32>,
        %swap3A_870 = vector.shape_cast %swap3A_869 : vector<1x1x16xf32> to vector<16xf32>
        %swap3A_871 = vector.shape_cast %get3A_864 : vector<16xf32> to vector<1x1x16xf32>
        tpu.vector_store %arg7[%swap3A_866, %swap3A_867, %swap3A_868], %swap3A_871 {add = true, strides = array<i32>} : memref<4x8x1024xf32, #tpu.memory_space<vmem>>, vector<1x1x16xf32>,
        %get3A_872 = arith.constant 3 : i32
        %get3A_873 = arith.index_cast %get3A_872 : i32 to index
        %get3A_874 = arith.index_cast %scan3A_314 : i32 to index
        %get3A_875 = arith.constant 688 : index
        %get3A_876 = tpu.vector_load %arg8[%get3A_873, %get3A_874, %get3A_875] {strides = array<i32>} : memref<4x8x1024xf32, #tpu.memory_space<vmem>>, vector<1x1x16xf32>,
        %get3A_877 = vector.shape_cast %get3A_876 : vector<1x1x16xf32> to vector<16xf32>
        %swap3A_878 = arith.constant 3 : i32
        %swap3A_879 = arith.index_cast %swap3A_878 : i32 to index
        %swap3A_880 = arith.index_cast %scan3A_314 : i32 to index
        %swap3A_881 = arith.constant 688 : index
        %swap3A_882 = tpu.vector_load %arg7[%swap3A_879, %swap3A_880, %swap3A_881] {strides = array<i32>} : memref<4x8x1024xf32, #tpu.memory_space<vmem>>, vector<1x1x16xf32>,
        %swap3A_883 = vector.shape_cast %swap3A_882 : vector<1x1x16xf32> to vector<16xf32>
        %swap3A_884 = vector.shape_cast %get3A_877 : vector<16xf32> to vector<1x1x16xf32>
        tpu.vector_store %arg7[%swap3A_879, %swap3A_880, %swap3A_881], %swap3A_884 {add = true, strides = array<i32>} : memref<4x8x1024xf32, #tpu.memory_space<vmem>>, vector<1x1x16xf32>,
        %get3A_885 = arith.constant 3 : i32
        %get3A_886 = arith.index_cast %get3A_885 : i32 to index
        %get3A_887 = arith.index_cast %scan3A_314 : i32 to index
        %get3A_888 = arith.constant 704 : index
        %get3A_889 = tpu.vector_load %arg8[%get3A_886, %get3A_887, %get3A_888] {strides = array<i32>} : memref<4x8x1024xf32, #tpu.memory_space<vmem>>, vector<1x1x16xf32>,
        %get3A_890 = vector.shape_cast %get3A_889 : vector<1x1x16xf32> to vector<16xf32>
        %swap3A_891 = arith.constant 3 : i32
        %swap3A_892 = arith.index_cast %swap3A_891 : i32 to index
        %swap3A_893 = arith.index_cast %scan3A_314 : i32 to index
        %swap3A_894 = arith.constant 704 : index
        %swap3A_895 = tpu.vector_load %arg7[%swap3A_892, %swap3A_893, %swap3A_894] {strides = array<i32>} : memref<4x8x1024xf32, #tpu.memory_space<vmem>>, vector<1x1x16xf32>,
        %swap3A_896 = vector.shape_cast %swap3A_895 : vector<1x1x16xf32> to vector<16xf32>
        %swap3A_897 = vector.shape_cast %get3A_890 : vector<16xf32> to vector<1x1x16xf32>
        tpu.vector_store %arg7[%swap3A_892, %swap3A_893, %swap3A_894], %swap3A_897 {add = true, strides = array<i32>} : memref<4x8x1024xf32, #tpu.memory_space<vmem>>, vector<1x1x16xf32>,
        %get3A_898 = arith.constant 3 : i32
        %get3A_899 = arith.index_cast %get3A_898 : i32 to index
        %get3A_900 = arith.index_cast %scan3A_314 : i32 to index
        %get3A_901 = arith.constant 720 : index
        %get3A_902 = tpu.vector_load %arg8[%get3A_899, %get3A_900, %get3A_901] {strides = array<i32>} : memref<4x8x1024xf32, #tpu.memory_space<vmem>>, vector<1x1x16xf32>,
        %get3A_903 = vector.shape_cast %get3A_902 : vector<1x1x16xf32> to vector<16xf32>
        %swap3A_904 = arith.constant 3 : i32
        %swap3A_905 = arith.index_cast %swap3A_904 : i32 to index
        %swap3A_906 = arith.index_cast %scan3A_314 : i32 to index
        %swap3A_907 = arith.constant 720 : index
        %swap3A_908 = tpu.vector_load %arg7[%swap3A_905, %swap3A_906, %swap3A_907] {strides = array<i32>} : memref<4x8x1024xf32, #tpu.memory_space<vmem>>, vector<1x1x16xf32>,
        %swap3A_909 = vector.shape_cast %swap3A_908 : vector<1x1x16xf32> to vector<16xf32>
        %swap3A_910 = vector.shape_cast %get3A_903 : vector<16xf32> to vector<1x1x16xf32>
        tpu.vector_store %arg7[%swap3A_905, %swap3A_906, %swap3A_907], %swap3A_910 {add = true, strides = array<i32>} : memref<4x8x1024xf32, #tpu.memory_space<vmem>>, vector<1x1x16xf32>,
        %get3A_911 = arith.constant 3 : i32
        %get3A_912 = arith.index_cast %get3A_911 : i32 to index
        %get3A_913 = arith.index_cast %scan3A_314 : i32 to index
        %get3A_914 = arith.constant 736 : index
        %get3A_915 = tpu.vector_load %arg8[%get3A_912, %get3A_913, %get3A_914] {strides = array<i32>} : memref<4x8x1024xf32, #tpu.memory_space<vmem>>, vector<1x1x16xf32>,
        %get3A_916 = vector.shape_cast %get3A_915 : vector<1x1x16xf32> to vector<16xf32>
        %swap3A_917 = arith.constant 3 : i32
        %swap3A_918 = arith.index_cast %swap3A_917 : i32 to index
        %swap3A_919 = arith.index_cast %scan3A_314 : i32 to index
        %swap3A_920 = arith.constant 736 : index
        %swap3A_921 = tpu.vector_load %arg7[%swap3A_918, %swap3A_919, %swap3A_920] {strides = array<i32>} : memref<4x8x1024xf32, #tpu.memory_space<vmem>>, vector<1x1x16xf32>,
        %swap3A_922 = vector.shape_cast %swap3A_921 : vector<1x1x16xf32> to vector<16xf32>
        %swap3A_923 = vector.shape_cast %get3A_916 : vector<16xf32> to vector<1x1x16xf32>
        tpu.vector_store %arg7[%swap3A_918, %swap3A_919, %swap3A_920], %swap3A_923 {add = true, strides = array<i32>} : memref<4x8x1024xf32, #tpu.memory_space<vmem>>, vector<1x1x16xf32>,
        %get3A_924 = arith.constant 3 : i32
        %get3A_925 = arith.index_cast %get3A_924 : i32 to index
        %get3A_926 = arith.index_cast %scan3A_314 : i32 to index
        %get3A_927 = arith.constant 752 : index
        %get3A_928 = tpu.vector_load %arg8[%get3A_925, %get3A_926, %get3A_927] {strides = array<i32>} : memref<4x8x1024xf32, #tpu.memory_space<vmem>>, vector<1x1x16xf32>,
        %get3A_929 = vector.shape_cast %get3A_928 : vector<1x1x16xf32> to vector<16xf32>
        %swap3A_930 = arith.constant 3 : i32
        %swap3A_931 = arith.index_cast %swap3A_930 : i32 to index
        %swap3A_932 = arith.index_cast %scan3A_314 : i32 to index
        %swap3A_933 = arith.constant 752 : index
        %swap3A_934 = tpu.vector_load %arg7[%swap3A_931, %swap3A_932, %swap3A_933] {strides = array<i32>} : memref<4x8x1024xf32, #tpu.memory_space<vmem>>, vector<1x1x16xf32>,
        %swap3A_935 = vector.shape_cast %swap3A_934 : vector<1x1x16xf32> to vector<16xf32>
        %swap3A_936 = vector.shape_cast %get3A_929 : vector<16xf32> to vector<1x1x16xf32>
        tpu.vector_store %arg7[%swap3A_931, %swap3A_932, %swap3A_933], %swap3A_936 {add = true, strides = array<i32>} : memref<4x8x1024xf32, #tpu.memory_space<vmem>>, vector<1x1x16xf32>,
        %get3A_937 = arith.constant 3 : i32
        %get3A_938 = arith.index_cast %get3A_937 : i32 to index
        %get3A_939 = arith.index_cast %scan3A_314 : i32 to index
        %get3A_940 = arith.constant 768 : index
        %get3A_941 = tpu.vector_load %arg8[%get3A_938, %get3A_939, %get3A_940] {strides = array<i32>} : memref<4x8x1024xf32, #tpu.memory_space<vmem>>, vector<1x1x16xf32>,
        %get3A_942 = vector.shape_cast %get3A_941 : vector<1x1x16xf32> to vector<16xf32>
        %swap3A_943 = arith.constant 3 : i32
        %swap3A_944 = arith.index_cast %swap3A_943 : i32 to index
        %swap3A_945 = arith.index_cast %scan3A_314 : i32 to index
        %swap3A_946 = arith.constant 768 : index
        %swap3A_947 = tpu.vector_load %arg7[%swap3A_944, %swap3A_945, %swap3A_946] {strides = array<i32>} : memref<4x8x1024xf32, #tpu.memory_space<vmem>>, vector<1x1x16xf32>,
        %swap3A_948 = vector.shape_cast %swap3A_947 : vector<1x1x16xf32> to vector<16xf32>
        %swap3A_949 = vector.shape_cast %get3A_942 : vector<16xf32> to vector<1x1x16xf32>
        tpu.vector_store %arg7[%swap3A_944, %swap3A_945, %swap3A_946], %swap3A_949 {add = true, strides = array<i32>} : memref<4x8x1024xf32, #tpu.memory_space<vmem>>, vector<1x1x16xf32>,
        %get3A_950 = arith.constant 3 : i32
        %get3A_951 = arith.index_cast %get3A_950 : i32 to index
        %get3A_952 = arith.index_cast %scan3A_314 : i32 to index
        %get3A_953 = arith.constant 784 : index
        %get3A_954 = tpu.vector_load %arg8[%get3A_951, %get3A_952, %get3A_953] {strides = array<i32>} : memref<4x8x1024xf32, #tpu.memory_space<vmem>>, vector<1x1x16xf32>,
        %get3A_955 = vector.shape_cast %get3A_954 : vector<1x1x16xf32> to vector<16xf32>
        %swap3A_956 = arith.constant 3 : i32
        %swap3A_957 = arith.index_cast %swap3A_956 : i32 to index
        %swap3A_958 = arith.index_cast %scan3A_314 : i32 to index
        %swap3A_959 = arith.constant 784 : index
        %swap3A_960 = tpu.vector_load %arg7[%swap3A_957, %swap3A_958, %swap3A_959] {strides = array<i32>} : memref<4x8x1024xf32, #tpu.memory_space<vmem>>, vector<1x1x16xf32>,
        %swap3A_961 = vector.shape_cast %swap3A_960 : vector<1x1x16xf32> to vector<16xf32>
        %swap3A_962 = vector.shape_cast %get3A_955 : vector<16xf32> to vector<1x1x16xf32>
        tpu.vector_store %arg7[%swap3A_957, %swap3A_958, %swap3A_959], %swap3A_962 {add = true, strides = array<i32>} : memref<4x8x1024xf32, #tpu.memory_space<vmem>>, vector<1x1x16xf32>,
        %get3A_963 = arith.constant 3 : i32
        %get3A_964 = arith.index_cast %get3A_963 : i32 to index
        %get3A_965 = arith.index_cast %scan3A_314 : i32 to index
        %get3A_966 = arith.constant 800 : index
        %get3A_967 = tpu.vector_load %arg8[%get3A_964, %get3A_965, %get3A_966] {strides = array<i32>} : memref<4x8x1024xf32, #tpu.memory_space<vmem>>, vector<1x1x16xf32>,
        %get3A_968 = vector.shape_cast %get3A_967 : vector<1x1x16xf32> to vector<16xf32>
        %swap3A_969 = arith.constant 3 : i32
        %swap3A_970 = arith.index_cast %swap3A_969 : i32 to index
        %swap3A_971 = arith.index_cast %scan3A_314 : i32 to index
        %swap3A_972 = arith.constant 800 : index
        %swap3A_973 = tpu.vector_load %arg7[%swap3A_970, %swap3A_971, %swap3A_972] {strides = array<i32>} : memref<4x8x1024xf32, #tpu.memory_space<vmem>>, vector<1x1x16xf32>,
        %swap3A_974 = vector.shape_cast %swap3A_973 : vector<1x1x16xf32> to vector<16xf32>
        %swap3A_975 = vector.shape_cast %get3A_968 : vector<16xf32> to vector<1x1x16xf32>
        tpu.vector_store %arg7[%swap3A_970, %swap3A_971, %swap3A_972], %swap3A_975 {add = true, strides = array<i32>} : memref<4x8x1024xf32, #tpu.memory_space<vmem>>, vector<1x1x16xf32>,
        %get3A_976 = arith.constant 3 : i32
        %get3A_977 = arith.index_cast %get3A_976 : i32 to index
        %get3A_978 = arith.index_cast %scan3A_314 : i32 to index
        %get3A_979 = arith.constant 816 : index
        %get3A_980 = tpu.vector_load %arg8[%get3A_977, %get3A_978, %get3A_979] {strides = array<i32>} : memref<4x8x1024xf32, #tpu.memory_space<vmem>>, vector<1x1x16xf32>,
        %get3A_981 = vector.shape_cast %get3A_980 : vector<1x1x16xf32> to vector<16xf32>
        %swap3A_982 = arith.constant 3 : i32
        %swap3A_983 = arith.index_cast %swap3A_982 : i32 to index
        %swap3A_984 = arith.index_cast %scan3A_314 : i32 to index
        %swap3A_985 = arith.constant 816 : index
        %swap3A_986 = tpu.vector_load %arg7[%swap3A_983, %swap3A_984, %swap3A_985] {strides = array<i32>} : memref<4x8x1024xf32, #tpu.memory_space<vmem>>, vector<1x1x16xf32>,
        %swap3A_987 = vector.shape_cast %swap3A_986 : vector<1x1x16xf32> to vector<16xf32>
        %swap3A_988 = vector.shape_cast %get3A_981 : vector<16xf32> to vector<1x1x16xf32>
        tpu.vector_store %arg7[%swap3A_983, %swap3A_984, %swap3A_985], %swap3A_988 {add = true, strides = array<i32>} : memref<4x8x1024xf32, #tpu.memory_space<vmem>>, vector<1x1x16xf32>,
        %get3A_989 = arith.constant 3 : i32
        %get3A_990 = arith.index_cast %get3A_989 : i32 to index
        %get3A_991 = arith.index_cast %scan3A_314 : i32 to index
        %get3A_992 = arith.constant 832 : index
        %get3A_993 = tpu.vector_load %arg8[%get3A_990, %get3A_991, %get3A_992] {strides = array<i32>} : memref<4x8x1024xf32, #tpu.memory_space<vmem>>, vector<1x1x16xf32>,
        %get3A_994 = vector.shape_cast %get3A_993 : vector<1x1x16xf32> to vector<16xf32>
        %swap3A_995 = arith.constant 3 : i32
        %swap3A_996 = arith.index_cast %swap3A_995 : i32 to index
        %swap3A_997 = arith.index_cast %scan3A_314 : i32 to index
        %swap3A_998 = arith.constant 832 : index
        %swap3A_999 = tpu.vector_load %arg7[%swap3A_996, %swap3A_997, %swap3A_998] {strides = array<i32>} : memref<4x8x1024xf32, #tpu.memory_space<vmem>>, vector<1x1x16xf32>,
        %swap3A_1000 = vector.shape_cast %swap3A_999 : vector<1x1x16xf32> to vector<16xf32>
        %swap3A_1001 = vector.shape_cast %get3A_994 : vector<16xf32> to vector<1x1x16xf32>
        tpu.vector_store %arg7[%swap3A_996, %swap3A_997, %swap3A_998], %swap3A_1001 {add = true, strides = array<i32>} : memref<4x8x1024xf32, #tpu.memory_space<vmem>>, vector<1x1x16xf32>,
        %get3A_1002 = arith.constant 3 : i32
        %get3A_1003 = arith.index_cast %get3A_1002 : i32 to index
        %get3A_1004 = arith.index_cast %scan3A_314 : i32 to index
        %get3A_1005 = arith.constant 848 : index
        %get3A_1006 = tpu.vector_load %arg8[%get3A_1003, %get3A_1004, %get3A_1005] {strides = array<i32>} : memref<4x8x1024xf32, #tpu.memory_space<vmem>>, vector<1x1x16xf32>,
        %get3A_1007 = vector.shape_cast %get3A_1006 : vector<1x1x16xf32> to vector<16xf32>
        %swap3A_1008 = arith.constant 3 : i32
        %swap3A_1009 = arith.index_cast %swap3A_1008 : i32 to index
        %swap3A_1010 = arith.index_cast %scan3A_314 : i32 to index
        %swap3A_1011 = arith.constant 848 : index
        %swap3A_1012 = tpu.vector_load %arg7[%swap3A_1009, %swap3A_1010, %swap3A_1011] {strides = array<i32>} : memref<4x8x1024xf32, #tpu.memory_space<vmem>>, vector<1x1x16xf32>,
        %swap3A_1013 = vector.shape_cast %swap3A_1012 : vector<1x1x16xf32> to vector<16xf32>
        %swap3A_1014 = vector.shape_cast %get3A_1007 : vector<16xf32> to vector<1x1x16xf32>
        tpu.vector_store %arg7[%swap3A_1009, %swap3A_1010, %swap3A_1011], %swap3A_1014 {add = true, strides = array<i32>} : memref<4x8x1024xf32, #tpu.memory_space<vmem>>, vector<1x1x16xf32>,
        %get3A_1015 = arith.constant 3 : i32
        %get3A_1016 = arith.index_cast %get3A_1015 : i32 to index
        %get3A_1017 = arith.index_cast %scan3A_314 : i32 to index
        %get3A_1018 = arith.constant 864 : index
        %get3A_1019 = tpu.vector_load %arg8[%get3A_1016, %get3A_1017, %get3A_1018] {strides = array<i32>} : memref<4x8x1024xf32, #tpu.memory_space<vmem>>, vector<1x1x16xf32>,
        %get3A_1020 = vector.shape_cast %get3A_1019 : vector<1x1x16xf32> to vector<16xf32>
        %swap3A_1021 = arith.constant 3 : i32
        %swap3A_1022 = arith.index_cast %swap3A_1021 : i32 to index
        %swap3A_1023 = arith.index_cast %scan3A_314 : i32 to index
        %swap3A_1024 = arith.constant 864 : index
        %swap3A_1025 = tpu.vector_load %arg7[%swap3A_1022, %swap3A_1023, %swap3A_1024] {strides = array<i32>} : memref<4x8x1024xf32, #tpu.memory_space<vmem>>, vector<1x1x16xf32>,
        %swap3A_1026 = vector.shape_cast %swap3A_1025 : vector<1x1x16xf32> to vector<16xf32>
        %swap3A_1027 = vector.shape_cast %get3A_1020 : vector<16xf32> to vector<1x1x16xf32>
        tpu.vector_store %arg7[%swap3A_1022, %swap3A_1023, %swap3A_1024], %swap3A_1027 {add = true, strides = array<i32>} : memref<4x8x1024xf32, #tpu.memory_space<vmem>>, vector<1x1x16xf32>,
        %get3A_1028 = arith.constant 3 : i32
        %get3A_1029 = arith.index_cast %get3A_1028 : i32 to index
        %get3A_1030 = arith.index_cast %scan3A_314 : i32 to index
        %get3A_1031 = arith.constant 880 : index
        %get3A_1032 = tpu.vector_load %arg8[%get3A_1029, %get3A_1030, %get3A_1031] {strides = array<i32>} : memref<4x8x1024xf32, #tpu.memory_space<vmem>>, vector<1x1x16xf32>,
        %get3A_1033 = vector.shape_cast %get3A_1032 : vector<1x1x16xf32> to vector<16xf32>
        %swap3A_1034 = arith.constant 3 : i32
        %swap3A_1035 = arith.index_cast %swap3A_1034 : i32 to index
        %swap3A_1036 = arith.index_cast %scan3A_314 : i32 to index
        %swap3A_1037 = arith.constant 880 : index
        %swap3A_1038 = tpu.vector_load %arg7[%swap3A_1035, %swap3A_1036, %swap3A_1037] {strides = array<i32>} : memref<4x8x1024xf32, #tpu.memory_space<vmem>>, vector<1x1x16xf32>,
        %swap3A_1039 = vector.shape_cast %swap3A_1038 : vector<1x1x16xf32> to vector<16xf32>
        %swap3A_1040 = vector.shape_cast %get3A_1033 : vector<16xf32> to vector<1x1x16xf32>
        tpu.vector_store %arg7[%swap3A_1035, %swap3A_1036, %swap3A_1037], %swap3A_1040 {add = true, strides = array<i32>} : memref<4x8x1024xf32, #tpu.memory_space<vmem>>, vector<1x1x16xf32>,
        %get3A_1041 = arith.constant 3 : i32
        %get3A_1042 = arith.index_cast %get3A_1041 : i32 to index
        %get3A_1043 = arith.index_cast %scan3A_314 : i32 to index
        %get3A_1044 = arith.constant 896 : index
        %get3A_1045 = tpu.vector_load %arg8[%get3A_1042, %get3A_1043, %get3A_1044] {strides = array<i32>} : memref<4x8x1024xf32, #tpu.memory_space<vmem>>, vector<1x1x16xf32>,
        %get3A_1046 = vector.shape_cast %get3A_1045 : vector<1x1x16xf32> to vector<16xf32>
        %swap3A_1047 = arith.constant 3 : i32
        %swap3A_1048 = arith.index_cast %swap3A_1047 : i32 to index
        %swap3A_1049 = arith.index_cast %scan3A_314 : i32 to index
        %swap3A_1050 = arith.constant 896 : index
        %swap3A_1051 = tpu.vector_load %arg7[%swap3A_1048, %swap3A_1049, %swap3A_1050] {strides = array<i32>} : memref<4x8x1024xf32, #tpu.memory_space<vmem>>, vector<1x1x16xf32>,
        %swap3A_1052 = vector.shape_cast %swap3A_1051 : vector<1x1x16xf32> to vector<16xf32>
        %swap3A_1053 = vector.shape_cast %get3A_1046 : vector<16xf32> to vector<1x1x16xf32>
        tpu.vector_store %arg7[%swap3A_1048, %swap3A_1049, %swap3A_1050], %swap3A_1053 {add = true, strides = array<i32>} : memref<4x8x1024xf32, #tpu.memory_space<vmem>>, vector<1x1x16xf32>,
        %get3A_1054 = arith.constant 3 : i32
        %get3A_1055 = arith.index_cast %get3A_1054 : i32 to index
        %get3A_1056 = arith.index_cast %scan3A_314 : i32 to index
        %get3A_1057 = arith.constant 912 : index
        %get3A_1058 = tpu.vector_load %arg8[%get3A_1055, %get3A_1056, %get3A_1057] {strides = array<i32>} : memref<4x8x1024xf32, #tpu.memory_space<vmem>>, vector<1x1x16xf32>,
        %get3A_1059 = vector.shape_cast %get3A_1058 : vector<1x1x16xf32> to vector<16xf32>
        %swap3A_1060 = arith.constant 3 : i32
        %swap3A_1061 = arith.index_cast %swap3A_1060 : i32 to index
        %swap3A_1062 = arith.index_cast %scan3A_314 : i32 to index
        %swap3A_1063 = arith.constant 912 : index
        %swap3A_1064 = tpu.vector_load %arg7[%swap3A_1061, %swap3A_1062, %swap3A_1063] {strides = array<i32>} : memref<4x8x1024xf32, #tpu.memory_space<vmem>>, vector<1x1x16xf32>,
        %swap3A_1065 = vector.shape_cast %swap3A_1064 : vector<1x1x16xf32> to vector<16xf32>
        %swap3A_1066 = vector.shape_cast %get3A_1059 : vector<16xf32> to vector<1x1x16xf32>
        tpu.vector_store %arg7[%swap3A_1061, %swap3A_1062, %swap3A_1063], %swap3A_1066 {add = true, strides = array<i32>} : memref<4x8x1024xf32, #tpu.memory_space<vmem>>, vector<1x1x16xf32>,
        %get3A_1067 = arith.constant 3 : i32
        %get3A_1068 = arith.index_cast %get3A_1067 : i32 to index
        %get3A_1069 = arith.index_cast %scan3A_314 : i32 to index
        %get3A_1070 = arith.constant 928 : index
        %get3A_1071 = tpu.vector_load %arg8[%get3A_1068, %get3A_1069, %get3A_1070] {strides = array<i32>} : memref<4x8x1024xf32, #tpu.memory_space<vmem>>, vector<1x1x16xf32>,
        %get3A_1072 = vector.shape_cast %get3A_1071 : vector<1x1x16xf32> to vector<16xf32>
        %swap3A_1073 = arith.constant 3 : i32
        %swap3A_1074 = arith.index_cast %swap3A_1073 : i32 to index
        %swap3A_1075 = arith.index_cast %scan3A_314 : i32 to index
        %swap3A_1076 = arith.constant 928 : index
        %swap3A_1077 = tpu.vector_load %arg7[%swap3A_1074, %swap3A_1075, %swap3A_1076] {strides = array<i32>} : memref<4x8x1024xf32, #tpu.memory_space<vmem>>, vector<1x1x16xf32>,
        %swap3A_1078 = vector.shape_cast %swap3A_1077 : vector<1x1x16xf32> to vector<16xf32>
        %swap3A_1079 = vector.shape_cast %get3A_1072 : vector<16xf32> to vector<1x1x16xf32>
        tpu.vector_store %arg7[%swap3A_1074, %swap3A_1075, %swap3A_1076], %swap3A_1079 {add = true, strides = array<i32>} : memref<4x8x1024xf32, #tpu.memory_space<vmem>>, vector<1x1x16xf32>,
        %get3A_1080 = arith.constant 3 : i32
        %get3A_1081 = arith.index_cast %get3A_1080 : i32 to index
        %get3A_1082 = arith.index_cast %scan3A_314 : i32 to index
        %get3A_1083 = arith.constant 944 : index
        %get3A_1084 = tpu.vector_load %arg8[%get3A_1081, %get3A_1082, %get3A_1083] {strides = array<i32>} : memref<4x8x1024xf32, #tpu.memory_space<vmem>>, vector<1x1x16xf32>,
        %get3A_1085 = vector.shape_cast %get3A_1084 : vector<1x1x16xf32> to vector<16xf32>
        %swap3A_1086 = arith.constant 3 : i32
        %swap3A_1087 = arith.index_cast %swap3A_1086 : i32 to index
        %swap3A_1088 = arith.index_cast %scan3A_314 : i32 to index
        %swap3A_1089 = arith.constant 944 : index
        %swap3A_1090 = tpu.vector_load %arg7[%swap3A_1087, %swap3A_1088, %swap3A_1089] {strides = array<i32>} : memref<4x8x1024xf32, #tpu.memory_space<vmem>>, vector<1x1x16xf32>,
        %swap3A_1091 = vector.shape_cast %swap3A_1090 : vector<1x1x16xf32> to vector<16xf32>
        %swap3A_1092 = vector.shape_cast %get3A_1085 : vector<16xf32> to vector<1x1x16xf32>
        tpu.vector_store %arg7[%swap3A_1087, %swap3A_1088, %swap3A_1089], %swap3A_1092 {add = true, strides = array<i32>} : memref<4x8x1024xf32, #tpu.memory_space<vmem>>, vector<1x1x16xf32>,
        %get3A_1093 = arith.constant 3 : i32
        %get3A_1094 = arith.index_cast %get3A_1093 : i32 to index
        %get3A_1095 = arith.index_cast %scan3A_314 : i32 to index
        %get3A_1096 = arith.constant 960 : index
        %get3A_1097 = tpu.vector_load %arg8[%get3A_1094, %get3A_1095, %get3A_1096] {strides = array<i32>} : memref<4x8x1024xf32, #tpu.memory_space<vmem>>, vector<1x1x16xf32>,
        %get3A_1098 = vector.shape_cast %get3A_1097 : vector<1x1x16xf32> to vector<16xf32>
        %swap3A_1099 = arith.constant 3 : i32
        %swap3A_1100 = arith.index_cast %swap3A_1099 : i32 to index
        %swap3A_1101 = arith.index_cast %scan3A_314 : i32 to index
        %swap3A_1102 = arith.constant 960 : index
        %swap3A_1103 = tpu.vector_load %arg7[%swap3A_1100, %swap3A_1101, %swap3A_1102] {strides = array<i32>} : memref<4x8x1024xf32, #tpu.memory_space<vmem>>, vector<1x1x16xf32>,
        %swap3A_1104 = vector.shape_cast %swap3A_1103 : vector<1x1x16xf32> to vector<16xf32>
        %swap3A_1105 = vector.shape_cast %get3A_1098 : vector<16xf32> to vector<1x1x16xf32>
        tpu.vector_store %arg7[%swap3A_1100, %swap3A_1101, %swap3A_1102], %swap3A_1105 {add = true, strides = array<i32>} : memref<4x8x1024xf32, #tpu.memory_space<vmem>>, vector<1x1x16xf32>,
        %get3A_1106 = arith.constant 3 : i32
        %get3A_1107 = arith.index_cast %get3A_1106 : i32 to index
        %get3A_1108 = arith.index_cast %scan3A_314 : i32 to index
        %get3A_1109 = arith.constant 976 : index
        %get3A_1110 = tpu.vector_load %arg8[%get3A_1107, %get3A_1108, %get3A_1109] {strides = array<i32>} : memref<4x8x1024xf32, #tpu.memory_space<vmem>>, vector<1x1x16xf32>,
        %get3A_1111 = vector.shape_cast %get3A_1110 : vector<1x1x16xf32> to vector<16xf32>
        %swap3A_1112 = arith.constant 3 : i32
        %swap3A_1113 = arith.index_cast %swap3A_1112 : i32 to index
        %swap3A_1114 = arith.index_cast %scan3A_314 : i32 to index
        %swap3A_1115 = arith.constant 976 : index
        %swap3A_1116 = tpu.vector_load %arg7[%swap3A_1113, %swap3A_1114, %swap3A_1115] {strides = array<i32>} : memref<4x8x1024xf32, #tpu.memory_space<vmem>>, vector<1x1x16xf32>,
        %swap3A_1117 = vector.shape_cast %swap3A_1116 : vector<1x1x16xf32> to vector<16xf32>
        %swap3A_1118 = vector.shape_cast %get3A_1111 : vector<16xf32> to vector<1x1x16xf32>
        tpu.vector_store %arg7[%swap3A_1113, %swap3A_1114, %swap3A_1115], %swap3A_1118 {add = true, strides = array<i32>} : memref<4x8x1024xf32, #tpu.memory_space<vmem>>, vector<1x1x16xf32>,
        %get3A_1119 = arith.constant 3 : i32
        %get3A_1120 = arith.index_cast %get3A_1119 : i32 to index
        %get3A_1121 = arith.index_cast %scan3A_314 : i32 to index
        %get3A_1122 = arith.constant 992 : index
        %get3A_1123 = tpu.vector_load %arg8[%get3A_1120, %get3A_1121, %get3A_1122] {strides = array<i32>} : memref<4x8x1024xf32, #tpu.memory_space<vmem>>, vector<1x1x16xf32>,
        %get3A_1124 = vector.shape_cast %get3A_1123 : vector<1x1x16xf32> to vector<16xf32>
        %swap3A_1125 = arith.constant 3 : i32
        %swap3A_1126 = arith.index_cast %swap3A_1125 : i32 to index
        %swap3A_1127 = arith.index_cast %scan3A_314 : i32 to index
        %swap3A_1128 = arith.constant 992 : index
        %swap3A_1129 = tpu.vector_load %arg7[%swap3A_1126, %swap3A_1127, %swap3A_1128] {strides = array<i32>} : memref<4x8x1024xf32, #tpu.memory_space<vmem>>, vector<1x1x16xf32>,
        %swap3A_1130 = vector.shape_cast %swap3A_1129 : vector<1x1x16xf32> to vector<16xf32>
        %swap3A_1131 = vector.shape_cast %get3A_1124 : vector<16xf32> to vector<1x1x16xf32>
        tpu.vector_store %arg7[%swap3A_1126, %swap3A_1127, %swap3A_1128], %swap3A_1131 {add = true, strides = array<i32>} : memref<4x8x1024xf32, #tpu.memory_space<vmem>>, vector<1x1x16xf32>,
        %get3A_1132 = arith.constant 3 : i32
        %get3A_1133 = arith.index_cast %get3A_1132 : i32 to index
        %get3A_1134 = arith.index_cast %scan3A_314 : i32 to index
        %get3A_1135 = arith.constant 1008 : index
        %get3A_1136 = tpu.vector_load %arg8[%get3A_1133, %get3A_1134, %get3A_1135] {strides = array<i32>} : memref<4x8x1024xf32, #tpu.memory_space<vmem>>, vector<1x1x16xf32>,
        %get3A_1137 = vector.shape_cast %get3A_1136 : vector<1x1x16xf32> to vector<16xf32>
        %swap3A_1138 = arith.constant 3 : i32
        %swap3A_1139 = arith.index_cast %swap3A_1138 : i32 to index
        %swap3A_1140 = arith.index_cast %scan3A_314 : i32 to index
        %swap3A_1141 = arith.constant 1008 : index
        %swap3A_1142 = tpu.vector_load %arg7[%swap3A_1139, %swap3A_1140, %swap3A_1141] {strides = array<i32>} : memref<4x8x1024xf32, #tpu.memory_space<vmem>>, vector<1x1x16xf32>,
        %swap3A_1143 = vector.shape_cast %swap3A_1142 : vector<1x1x16xf32> to vector<16xf32>
        %swap3A_1144 = vector.shape_cast %get3A_1137 : vector<16xf32> to vector<1x1x16xf32>
        tpu.vector_store %arg7[%swap3A_1139, %swap3A_1140, %swap3A_1141], %swap3A_1144 {add = true, strides = array<i32>} : memref<4x8x1024xf32, #tpu.memory_space<vmem>>, vector<1x1x16xf32>,
      }
      %scan3A_313 = arith.constant 8 : i32
    }
    %scan3A_56 = arith.constant 32 : i32
    %add3A_57 = arith.constant 1016 : i32
    %add3A_58 = arith.addi %mul3A_2, %add3A_57 : i32
    %dma_start3A_59 = arith.constant 3 : i32
    %dma_start3A_60 = arith.constant 0 : i32
    %dma_start3A_61 = arith.constant 0 : i32
    %dma_start3A_62 = tpu.memref_slice %arg7[%dma_start3A_59, %dma_start3A_60, %dma_start3A_61] : memref<4x8x1024xf32, #tpu.memory_space<vmem>> -> memref<1x8x1024xf32, #tpu.memory_space<vmem>>
    %dma_start3A_63 = tpu.memref_squeeze %dma_start3A_62 : memref<1x8x1024xf32, #tpu.memory_space<vmem>> -> memref<8x1024xf32, #tpu.memory_space<vmem>>
    %dma_start3A_64 = arith.constant 0 : i32
    %dma_start3A_65 = tpu.memref_slice %arg5[%add3A_58, %dma_start3A_64] : memref<32768x1024xf32, #tpu.memory_space<hbm>> -> memref<8x1024xf32, #tpu.memory_space<hbm>>
    %dma_start3A_66 = arith.constant 0 : i32
    %dma_start3A_67 = tpu.memref_slice %arg5[%add3A_58, %dma_start3A_66] : memref<32768x1024xf32, #tpu.memory_space<hbm>> -> memref<8x1024xf32, #tpu.memory_space<hbm>>
    %dma_start3A_68 = arith.constant 0 : i32
    %dma_start3A_69 = arith.constant 0 : i32
    %dma_start3A_70 = tpu.memref_slice %arg7[%dma_start3A_59, %dma_start3A_68, %dma_start3A_69] : memref<4x8x1024xf32, #tpu.memory_space<vmem>> -> memref<1x8x1024xf32, #tpu.memory_space<vmem>>
    %dma_start3A_71 = tpu.memref_squeeze %dma_start3A_70 : memref<1x8x1024xf32, #tpu.memory_space<vmem>> -> memref<8x1024xf32, #tpu.memory_space<vmem>>
    tpu.enqueue_dma source(%dma_start3A_71 : memref<8x1024xf32, #tpu.memory_space<vmem>>) target(%dma_start3A_67 : memref<8x1024xf32, #tpu.memory_space<hbm>>) target_semaphore(%arg20 : memref<!tpu.dma_semaphore, #tpu.memory_space<semaphore_mem>>)
    %add3A_72 = arith.constant 1008 : i32
    %add3A_73 = arith.addi %mul3A_2, %add3A_72 : i32
    %dma_wait3A = arith.constant 2 : i32
    %dma_wait3A_74 = arith.constant 0 : i32
    %dma_wait3A_75 = arith.constant 0 : i32
    %dma_wait3A_76 = tpu.memref_slice %arg7[%dma_wait3A, %dma_wait3A_74, %dma_wait3A_75] : memref<4x8x1024xf32, #tpu.memory_space<vmem>> -> memref<1x8x1024xf32, #tpu.memory_space<vmem>>
    %dma_wait3A_77 = tpu.memref_squeeze %dma_wait3A_76 : memref<1x8x1024xf32, #tpu.memory_space<vmem>> -> memref<8x1024xf32, #tpu.memory_space<vmem>>
    %dma_wait3A_78 = arith.constant 0 : i32
    %dma_wait3A_79 = tpu.memref_slice %arg5[%add3A_73, %dma_wait3A_78] : memref<32768x1024xf32, #tpu.memory_space<hbm>> -> memref<8x1024xf32, #tpu.memory_space<hbm>>
    %dma_wait3A_80 = arith.constant 0 : i32
    %dma_wait3A_81 = tpu.memref_slice %arg5[%add3A_73, %dma_wait3A_80] : memref<32768x1024xf32, #tpu.memory_space<hbm>> -> memref<8x1024xf32, #tpu.memory_space<hbm>>
    %dma_wait3A_82 = arith.constant 0 : i32
    %dma_wait3A_83 = arith.constant 0 : i32
    %dma_wait3A_84 = tpu.memref_slice %arg7[%dma_wait3A, %dma_wait3A_82, %dma_wait3A_83] : memref<4x8x1024xf32, #tpu.memory_space<vmem>> -> memref<1x8x1024xf32, #tpu.memory_space<vmem>>
    %dma_wait3A_85 = tpu.memref_squeeze %dma_wait3A_84 : memref<1x8x1024xf32, #tpu.memory_space<vmem>> -> memref<8x1024xf32, #tpu.memory_space<vmem>>
    tpu.wait_dma2 semaphore(%arg19 : memref<!tpu.dma_semaphore, #tpu.memory_space<semaphore_mem>>) src(%dma_wait3A_85 : memref<8x1024xf32, #tpu.memory_space<vmem>>) dst(%dma_wait3A_81 : memref<8x1024xf32, #tpu.memory_space<hbm>>)
    %add3A_86 = arith.constant 1016 : i32
    %add3A_87 = arith.addi %mul3A_2, %add3A_86 : i32
    %dma_wait3A_88 = arith.constant 3 : i32
    %dma_wait3A_89 = arith.constant 0 : i32
    %dma_wait3A_90 = arith.constant 0 : i32
    %dma_wait3A_91 = tpu.memref_slice %arg7[%dma_wait3A_88, %dma_wait3A_89, %dma_wait3A_90] : memref<4x8x1024xf32, #tpu.memory_space<vmem>> -> memref<1x8x1024xf32, #tpu.memory_space<vmem>>
    %dma_wait3A_92 = tpu.memref_squeeze %dma_wait3A_91 : memref<1x8x1024xf32, #tpu.memory_space<vmem>> -> memref<8x1024xf32, #tpu.memory_space<vmem>>
    %dma_wait3A_93 = arith.constant 0 : i32
    %dma_wait3A_94 = tpu.memref_slice %arg5[%add3A_87, %dma_wait3A_93] : memref<32768x1024xf32, #tpu.memory_space<hbm>> -> memref<8x1024xf32, #tpu.memory_space<hbm>>
    %dma_wait3A_95 = arith.constant 0 : i32
    %dma_wait3A_96 = tpu.memref_slice %arg5[%add3A_87, %dma_wait3A_95] : memref<32768x1024xf32, #tpu.memory_space<hbm>> -> memref<8x1024xf32, #tpu.memory_space<hbm>>
    %dma_wait3A_97 = arith.constant 0 : i32
    %dma_wait3A_98 = arith.constant 0 : i32
    %dma_wait3A_99 = tpu.memref_slice %arg7[%dma_wait3A_88, %dma_wait3A_97, %dma_wait3A_98] : memref<4x8x1024xf32, #tpu.memory_space<vmem>> -> memref<1x8x1024xf32, #tpu.memory_space<vmem>>
    %dma_wait3A_100 = tpu.memref_squeeze %dma_wait3A_99 : memref<1x8x1024xf32, #tpu.memory_space<vmem>> -> memref<8x1024xf32, #tpu.memory_space<vmem>>
    tpu.wait_dma2 semaphore(%arg20 : memref<!tpu.dma_semaphore, #tpu.memory_space<semaphore_mem>>) src(%dma_wait3A_100 : memref<8x1024xf32, #tpu.memory_space<vmem>>) dst(%dma_wait3A_96 : memref<8x1024xf32, #tpu.memory_space<hbm>>)
    return
  }
}

</mosaic_0001>

<sc_bundles>
// kernel: kernel.3.cloned.1.call-start
scs
__scs_entry_jumppad:
0x0: {  	(pc) =	sbr.rel $0x88, $3  }
0x1: {  	(tag) =	ssettag $0x0;
	lr =	simm.s32 $0x1  }
0x2: {  	[smem:$0x3F9E] =	sst lr;
	_ =	strace $0xD0000000  }
0x3: {  	_ = 	snop  }
0x4: {  	_ = 	snop  }
0x5: {  	_ = 	snop  }
0x6: {  	_ = 	snop  }
0x7: {  	_ = 	snop  }
__scs_overlays_trampoline_lowered:
0x8: {  	[smem:$0x3FAD] =	sst s0  }
0x9: {  	[smem:$0x3FAE] =	sst s1  }
0xa: {  	[smem:$0x3FAF] =	sst s2  }
0xb: {  	[smem:$0x3FB0] =	sst s3  }
0xc: {  	[smem:$0x3FB1] =	sst s4  }
0xd: {  	[smem:$0x3FB2] =	sst s5  }
0xe: {  	[smem:$0x3FB3] =	sst s6  }
0xf: {  	[smem:$0x3FB4] =	sst s7  }
0x10: {  	[smem:$0x3FB5] =	sst s8  }
0x11: {  	[smem:$0x3FB6] =	sst s9;
	s0 =	simm.s32 @!p0 $0x0  }
0x12: {  	s1 =	sld [smem:$0x3F9C];
	s0 =	simm.s32 @p0 $0x1  }
0x13: {  	[smem:$0x3FB7] =	sst s0;
	s0 =	simm.s32 @!p1 $0x0  }
0x14: {  	s2 =	sld [smem:$0x3F9B];
	s0 =	simm.s32 @p1 $0x1  }
0x15: {  	[smem:$0x3FB8] =	sst s0;
	s0 =	simm.s32 @!p2 $0x0  }
0x16: {  	s3 =	sld [smem:$0x3FDB];
	s0 =	simm.s32 @p2 $0x1  }
0x17: {  	s4 =	simm.s32 $0x1BF5;
	[smem:$0x3FBA] =	sst s0  }
0x18: {  	s0 =	sld [smem:$0x3F9D];
	_ =	swait.ge [sflag:s4], $0x0  }
0x19: {  	s7 =	sld [smem:$0x3F9E]  }
0x1a: {  	s8 =	sadd.s32 $0xFFFFE003, lr  }
0x1b: {  	s9 =	sadd.s32 $0xFFFFFEF7, lr;
	s5 =	simm.s32 $0xFFFFFFFF;
	p2 =	slt.u32 s8, $0xFFFFF086  }
0x1c: {  	p1 =	slt.u32 s9, $0xF7A;
	s5 =	simm.s32 @!p2 $0x0  }
0x1d: {  	s5 =	simm.s32 @p1 $0x1;
	p0 =	seq.s32 s7, s2  }
0x1e: {  	s7 =	smul.u32 @!p0 $0xF7A, s2;
	p2 =	seq.s32 @!p0 s5, $0x0  }
0x1f: {  	s9 =	smul.u32 $0xF7A, s1;
	s8 =	simm.s32 @!p0 $0x1BF5;
	p2 =	por !p2, p0  }
0x20: {  	[sflag:s8] =	ssyncset.s32 @!p0 $0xFFFFF086;
	s6 =	sadd.s32 @!p0 s3, s7;
	s7 =	simm.s32 @!p0 $0x108  }
0x21: {  	s3 =	sadd.s32 s3, s9;
	s6 =	sadd.s32 @!p0 $0x88, s6;
	s7 =	simm.s32 @p2 $0x1082  }
0x22: {  	[simem:s7], [sflag:s8] =	dma.local @!p0 [hbm:s6], $0xF7A  }
0x23: {  	s9 =	sor.u32 $0xD0000000, s2;
	s6 =	simm.s32 $0x108;
	_ =	swait.ge @!p0 [sflag:s8], $0x0  }
0x24: {  	s3 =	sadd.s32 $0x88, s3;
	s6 =	simm.s32 @!p1 $0x1082;
	[sflag:s4] =	ssyncset.s32 $0xFFFFF086  }
0x25: {  	[simem:s6], [sflag:s4] =	dma.local [hbm:s3], $0xF7A  }
0x26: {  	[smem:$0x3F9E] =	sst s1;
	(tag) =	ssettag s2;
	_ =	strace s9  }
0x27: {  	s1 =	sld [smem:$0x3FAE]  }
0x28: {  	s2 =	sld [smem:$0x3FAF]  }
0x29: {  	s4 =	sld [smem:$0x3FB1]  }
0x2a: {  	p0 =	seq.s32 s5, $0x0;
	s5 =	sld [smem:$0x3FB2]  }
0x2b: {  	s6 =	sld [smem:$0x3FB3]  }
0x2c: {  	s7 =	sld [smem:$0x3FB4]  }
0x2d: {  	s3 =	simm.s32 $0x108;
	s8 =	sld [smem:$0x3FB5]  }
0x2e: {  	s3 =	simm.s32 @!p0 $0x1082;
	s9 =	sld [smem:$0x3FB6]  }
0x2f: {  	lr =	sadd.s32 s0, s3;
	s0 =	sld [smem:$0x3FAD]  }
0x30: {  	s3 =	sld [smem:$0x3FB0]  }
0x31: {  	[smem:$0x3FB9] =	sst s10  }
0x32: {  	s10 =	sld [smem:$0x3FB7];
	_ =	sdelay $0x3  }
0x33: {  	p0 =	seq.s32 s10, $0x1;
	s10 =	sld [smem:$0x3FB9];
	_ =	sdelay $0x3  }
0x34: {  	[smem:$0x3FB9] =	sst s10  }
0x35: {  	s10 =	sld [smem:$0x3FB8];
	_ =	sdelay $0x3  }
0x36: {  	p1 =	seq.s32 s10, $0x1;
	s10 =	sld [smem:$0x3FB9];
	_ =	sdelay $0x3  }
0x37: {  	[smem:$0x3FB9] =	sst s10  }
0x38: {  	s10 =	sld [smem:$0x3FBA]  }
0x39: {  	_ = 	snop;
	(pc) =	sbr.ind lr, $3  }
0x3a: {  	_ = 	snop  }
0x3b: {  	_ = 	snop  }
0x3c: {  	p2 =	seq.s32 s10, $0x1;
	s10 =	sld [smem:$0x3FB9]  }
0x3d: {  	_ =	shalt  }
0x3e: {  	_ =	shalt  }
0x3f: {  	_ =	shalt  }
0x40: {  	_ =	shalt  }
0x41: {  	_ =	shalt  }
0x42: {  	_ =	shalt  }
0x43: {  	_ =	shalt  }
0x44: {  	_ =	shalt  }
0x45: {  	_ =	shalt  }
0x46: {  	_ =	shalt  }
0x47: {  	_ =	shalt  }
0x48: {  	_ =	shalt  }
0x49: {  	_ =	shalt  }
0x4a: {  	_ =	shalt  }
0x4b: {  	_ =	shalt  }
0x4c: {  	_ =	shalt  }
0x4d: {  	_ =	shalt  }
0x4e: {  	_ =	shalt  }
0x4f: {  	_ =	shalt  }
0x50: {  	_ =	shalt  }
0x51: {  	_ =	shalt  }
0x52: {  	_ =	shalt  }
0x53: {  	_ =	shalt  }
0x54: {  	_ =	shalt  }
0x55: {  	_ =	shalt  }
0x56: {  	_ =	shalt  }
0x57: {  	_ =	shalt  }
0x58: {  	_ =	shalt  }
0x59: {  	_ =	shalt  }
0x5a: {  	_ =	shalt  }
0x5b: {  	_ =	shalt  }
0x5c: {  	_ =	shalt  }
0x5d: {  	_ =	shalt  }
0x5e: {  	_ =	shalt  }
0x5f: {  	_ =	shalt  }
0x60: {  	_ =	shalt  }
0x61: {  	_ =	shalt  }
0x62: {  	_ =	shalt  }
0x63: {  	_ =	shalt  }
0x64: {  	_ =	shalt  }
0x65: {  	_ =	shalt  }
0x66: {  	_ =	shalt  }
0x67: {  	_ =	shalt  }
0x68: {  	_ =	shalt  }
0x69: {  	_ =	shalt  }
0x6a: {  	_ =	shalt  }
0x6b: {  	_ =	shalt  }
0x6c: {  	_ =	shalt  }
0x6d: {  	_ =	shalt  }
0x6e: {  	_ =	shalt  }
0x6f: {  	_ =	shalt  }
0x70: {  	_ =	shalt  }
0x71: {  	_ =	shalt  }
0x72: {  	_ =	shalt  }
0x73: {  	_ =	shalt  }
0x74: {  	_ =	shalt  }
0x75: {  	_ =	shalt  }
0x76: {  	_ =	shalt  }
0x77: {  	_ =	shalt  }
0x78: {  	_ =	shalt  }
0x79: {  	_ =	shalt  }
0x7a: {  	_ =	shalt  }
0x7b: {  	_ =	shalt  }
0x7c: {  	_ =	shalt  }
0x7d: {  	_ =	shalt  }
0x7e: {  	_ =	shalt  }
0x7f: {  	_ =	shalt  }
0x80: {  	_ =	shalt  }
0x81: {  	_ =	shalt  }
0x82: {  	_ =	shalt  }
0x83: {  	_ =	shalt  }
0x84: {  	_ =	shalt  }
0x85: {  	_ =	shalt  }
0x86: {  	_ =	shalt  }
0x87: {  	_ =	shalt  }
.Lfunc_end0:
.L_simem_size_0:
called_computation_lowered:
.L_overlay_start_0:
0x88: {  	s2 =	sld [smem:$0x3FD9]  }
0x89: {  	s3 =	sld [smem:$0x3FFE];
	_ =	sdelay $0x1  }
0x8a: {  	s1 =	srdreg.scid  }
0x8b: {  	s0 =	sand.u32 $0x1, s1  }
0x8c: {  	s17 =	sshll.u32 s0, $0xA;
	s2 =	sadd.s32 s3, s2  }
0x8d: {  	s2 =	sadd.s32 s2, s17  }
0x8e: {  	[smem:$0x3FC5] =	sst s2  }
0x8f: {  	_ = 	snop  }
0x90: {  	s2 =	sld [smem:$0x3FC9]  }
0x91: {  	s18 =	sld [smem:$0x3FC7]  }
0x92: {  	s4 =	sld [smem:$0x3FD0];
	(tm) =	ssettm $0x1  }
0x93: {  	s5 =	sld [smem:$0x3FFB];
	_ =	sdelay $0x3  }
0x94: {  	_ =	strace s5  }
0x95: {  	s5 =	sld [smem:$0x3FFC];
	_ =	sdelay $0x3  }
0x96: {  	_ =	strace s5  }
0x97: {  	s5 =	sld [smem:$0x3FFD];
	_ =	sdelay $0x3  }
0x98: {  	_ =	strace s5  }
0x99: {  	_ =	strace $0x8FFFFFFF  }
0x9a: {  	s19 =	sld [smem:$0x3FDB];
	_ =	sdelay $0x1  }
0x9b: {  	s6 =	simm.s32 $_scs_section_size  }
0x9c: {  	s7 =	simm.s32 $_size__tile_overlayer_lowered;
	s8 =	simm.s32 $_tile_overlayer_lowered  }
0x9d: {  	s22 =	simm.s32 $0x1BFF;
	s21 =	sshll.u32 s8, $0x1;
	s5 =	sadd.s32 s6, s19  }
0x9e: {  	s9 =	simm.s32 $0x0;
	s20 =	sshll.u32 s7, $0x1;
	s7 =	sadd.s32 s21, s5  }
0x9f: {  	[timem:s9], [sflag:s22] =	dma.local [hbm:s7], s20  }
0xa0: {  	_ =	swait.ge [sflag:s22], s20  }
0xa1: {  	s6 =	ssub.s32 $0x0, s20;
	[sflag:s22] =	ssyncset.done $0x0  }
0xa2: {  	[sflag:s22] =	ssyncadd.s32 s6;
	_ =	sdelay $0x1  }
0xa3: {  	s23 =	simm.s32 $0x1B8B  }
0xa4: {  	_ =	swait.ge [sflag:s23], $0x1  }
0xa5: {  	[sflag:s23] =	ssyncset.done $0x0  }
0xa6: {  	s25 =	simm.s32 $0x1B8E;
	s24 =	sld [smem:$0x3FFE];
	[sflag:s23] =	ssyncadd.s32 $0xFFFFFFFF  }
0xa7: {  	s26 =	simm.s32 $execute0_lowered;
	[smem:$0x3FD2] =	sst s25  }
0xa8: {  	s7 =	sshll.u32 s26, $0x1;
	_ =	strace $0x80000046;
	[dreg:$0x1] =	wrdreg $0xFFFFFFFF  }
0xa9: {  	s28 =	simm.s32 $_size_execute0_lowered;
	s5 =	sadd.s32 s5, s7;
	[dreg:$0x0] =	wrdreg $0x0  }
0xaa: {  	s7 =	sshll.u32 s28, $0x1;
	[dreg:$0x2] =	wrdreg s5  }
0xab: {  	[dreg:$0x3] =	wrdreg s7  }
0xac: {  	[dreg:$0x4] =	wrdreg $0xC0  }
0xad: {  	_ =	task [dreg:s9], $0x5FFFF  }
0xae: {  	[dreg:$0x1] =	wrdreg $0xFFFFFFFF  }
0xaf: {  	[dreg:$0x0] =	wrdreg $0x60  }
0xb0: {  	[dreg:$0x2] =	wrdreg s2  }
0xb1: {  	[dreg:$0x3] =	wrdreg s24  }
0xb2: {  	[dreg:$0x4] =	wrdreg s18  }
0xb3: {  	[dreg:$0x5] =	wrdreg s4  }
0xb4: {  	[dreg:$0x6] =	wrdreg $0x9  }
0xb5: {  	_ =	task.clear_ibuf [dreg:s9], $0x7FFFF;
	_ =	strace $0x90000046  }
0xb6: {  	s29 =	simm.s32 $0x9;
	_ =	strace $0x80000048  }
0xb7: {  	_ =	swait.ge [sflag:s29], $0x1  }
0xb8: {  	[sflag:s29] =	ssyncadd.s32 $0xFFFFFFFF  }
0xb9: {  	_ =	strace $0x90000048  }
0xba: {  	_ =	sfence  }
0xbb: {  	s30 =	sld [smem:$0x0];
	_ =	sdelay $0x2  }
0xbc: {  	s31 =	sshll.u32 s1, $0xD;
	s1 =	sshrl.u32 s1, $0x2  }
0xbd: {  	s3 =	sand.u32 $0x4000, s31;
	s1 =	sadd.s32 s1, s30  }
0xbe: {  	s0 =	sor.u32 s3, s0;
	s1 =	sshll.u32 s1, $0x11  }
0xbf: {  	s0 =	sor.u32 s1, s0  }
0xc0: {  	s0 =	sadd.s32 $0x8F2B, s0  }
0xc1: {  	[sflag:s0] =	ssyncadd.remote.s32 $0x1  }
0xc2: {  	_ =	sfence.sel $0xFFFF  }
0xc3: {  	[dreg:$0x0] =	wrdreg $0xFFFFFFFF;
	(pc) =	sbr.abs _section_cstart, $3  }
0xc4: {  	[dreg:$0x1] =	wrdreg $0xFFFFFFFF  }
0xc5: {  	_ =	task.clear_ibuf [dreg:s9], $0x2FFFF;
	_ =	strace $0x9FFFFFFF  }
0xc6: {  	(tm) =	ssettm $0x7FFFFFFF  }
0xc7: {  	_ =	shalt  }
tec
execute0_lowered:
.L_overlay_start_1:
0x0: {  	(tag) =	ssettag $0x1  }
0x1: {  	s1 =	rddreg [dreg:$0x0]  }
0x2: {  	s0 =	rddreg [dreg:$0x1]  }
0x3: {  	s2 =	srdreg.scid;
	s3 =	rddreg [dreg:$0x2]  }
0x4: {  	s5 =	stileid.u32;
	s4 =	rddreg [dreg:$0x3];
	s19 =	simm.s32 $0x400  }
0x5: {  	s30 =	simm.s32 $0x4400;
	s21 =	simm.s32 $0x2;
	s22 =	simm.s32 $0x6  }
0x6: {  	s28 =	simm.s32 $0x7C00;
	s29 =	simm.s32 $0xE400;
	s14 =	simm.s32 $0x7  }
0x7: {  	s15 =	simm.s32 $0x9;
	s16 =	simm.s32 $0x4;
	s12 =	simm.s32 $0x8  }
0x8: {  	s18 =	simm.s32 $0xA;
	s20 =	simm.s32 $0x0;
	s2 =	sand.u32 $0x1, s2  }
0x9: {  	s5 =	sshll.u32 s5, $0xB;
	s9 =	sadd.s32 $0x100, s3;
	s10 =	sadd.s32 $0x200, s3  }
0xa: {  	s11 =	sadd.s32 $0x300, s3;
	s6 =	sshll.u32 s2, $0xA;
	s2 =	ssub.s32 $0x2, s2  }
0xb: {  	s5 =	sor.u32 s6, s5;
	s6 =	simm.s32 $0x0;
	s8 =	sshrl.u32 s2, $0x1  }
0xc: {  	s7 =	sshrl.u32 s5, $0x3;
	[smem:$0x7FF] =	sst s6;
	s23 =	sshll.u32 s5, $0x7  }
0xd: {  	s2 =	ssub.s32 s2, s8;
	s0 =	sadd.s32 s7, s0;
	s24 =	sadd.s32 s1, s23  }
0xe: {  	_ =	strace $0x80000047;
	s31 =	smax.u32 s2, $0x1;
	[dreg:$0x6] =	wrdreg s24  }
0xf: {  	s8 =	simm.s32 $0x3;
	s0 =	sadd.s32 $0x400, s0;
	[dreg:$0x9] =	wrdreg s31  }
0x10: {  	v0 =	vlaneseq.u32;
	s13 =	sadd.s32 s4, s23;
	s25 =	sadd.s32 $0x400, s24;
	[dreg:$0x5] =	wrdreg s0  }
0x11: {  	v1 =	vshrl.u32 v0, $0x3;
	v0 =	vand.u32 $0x7, v0;
	s23 =	simm.s32 $0x6400;
	s26 =	sadd.s32 $0x1FC00, s13;
	[dreg:$0x7] =	wrdreg s25  }
0x12: {  	vm0 =	vmmov $0xffff;
	v1 =	vmul.u32 $0x8, v1;
	[tilespmem:$0x1FFF0] =	vst v0;
	s17 =	sadd.s32 $0xFFFFFC00, s13;
	s24 =	simm.s32 $0x2400;
	[dreg:$0x8] =	wrdreg s26  }
.LBB2_1:
0x13: {  	[dreg:$0xa] =	wrdreg s20  }
0x14: {  	s0 =	rddreg [dreg:$0x5];
	s25 =	simm.s32 $0xD  }
0x15: {  	[tilespmem:s6], [sflag:$0xD] =	stream.linear.gather [hbm4b:s0+s6], $0x400, $0x38;
	[tilespmem:$0x10400] =	vst v63  }
0x16: {  	_ =	swait.ge [sflag:s25], $0x400  }
0x17: {  	[sflag:s25] =	ssyncset.done $0x0  }
0x18: {  	[sflag:s25] =	ssyncadd.s32 $0xFFFFFC00  }
0x19: {  	v2 =	vld.msk [tilespmem:$0x0], $0xff;
	_ =	sdelay $0x2  }
0x1a: {  	v0 =	vld [tilespmem:$0x1FFF0];
	_ =	sdelay $0x1  }
0x1b: {  	v3 =	vshll.u32 v2, $0x3  }
0x1c: {  	v2 =	vand.u32 $0x7, v2;
	v3 =	vand.u32 $0xFFFFFFC0, v3  }
0x1d: {  	v2 =	vor.u32 v2, v3  }
0x1e: {  	v2 =	vperm.xlane v2, v0;
	_ =	sdelay $0x1  }
0x1f: {  	v2 =	vadd.s32 v1, v2;
	_ =	sdelay $0x4  }
0x20: {  	[tilespmem:s19], [sflag:$0x1] =	stream.indirect_vreg.gather [hbm4b:s3+s6], $0x80, v2, vm0, $0xb8;
	[tilespmem:$0x10400] =	vst v63  }
0x21: {  	s26 =	simm.s32 $0xC00  }
0x22: {  	[tilespmem:s26], [sflag:$0x1] =	stream.indirect_vreg.gather [hbm4b:s9+s6], $0x80, v2, vm0, $0xb8;
	[tilespmem:$0x10400] =	vst v63  }
0x23: {  	s2 =	simm.s32 $0x1400  }
0x24: {  	[tilespmem:s2], [sflag:$0x1] =	stream.indirect_vreg.gather [hbm4b:s10+s6], $0x80, v2, vm0, $0xb8;
	[tilespmem:$0x10400] =	vst v63  }
0x25: {  	s20 =	simm.s32 $0x1C00  }
0x26: {  	[tilespmem:s20], [sflag:$0x1] =	stream.indirect_vreg.gather [hbm4b:s11+s6], $0x80, v2, vm0, $0xb8;
	[tilespmem:$0x10400] =	vst v63  }
0x27: {  	s25 =	rddreg [dreg:$0x6];
	s2 =	simm.s32 $0x8400  }
0x28: {  	[tilespmem:s2], [sflag:$0x5] =	stream.linear.gather [hbm4b:s25+s6], $0x2000, $0x38;
	[tilespmem:$0x10400] =	vst v63  }
0x29: {  	v2 =	vld.msk [tilespmem:$0x8], $0xff;
	_ =	sdelay $0x4  }
0x2a: {  	v3 =	vshll.u32 v2, $0x3  }
0x2b: {  	v2 =	vand.u32 $0x7, v2;
	v3 =	vand.u32 $0xFFFFFFC0, v3  }
0x2c: {  	v2 =	vor.u32 v2, v3  }
0x2d: {  	v2 =	vperm.xlane v2, v0;
	_ =	sdelay $0x1  }
0x2e: {  	v2 =	vadd.s32 v1, v2;
	_ =	sdelay $0x4  }
0x2f: {  	[tilespmem:s24], [sflag:$0x2] =	stream.indirect_vreg.gather [hbm4b:s3+s6], $0x80, v2, vm0, $0xb8;
	[tilespmem:$0x10400] =	vst v63  }
0x30: {  	s26 =	simm.s32 $0x2C00  }
0x31: {  	[tilespmem:s26], [sflag:$0x2] =	stream.indirect_vreg.gather [hbm4b:s9+s6], $0x80, v2, vm0, $0xb8;
	[tilespmem:$0x10400] =	vst v63  }
0x32: {  	s2 =	simm.s32 $0x3400  }
0x33: {  	[tilespmem:s2], [sflag:$0x2] =	stream.indirect_vreg.gather [hbm4b:s10+s6], $0x80, v2, vm0, $0xb8;
	[tilespmem:$0x10400] =	vst v63  }
0x34: {  	s20 =	simm.s32 $0x3C00  }
0x35: {  	[tilespmem:s20], [sflag:$0x2] =	stream.indirect_vreg.gather [hbm4b:s11+s6], $0x80, v2, vm0, $0xb8;
	[tilespmem:$0x10400] =	vst v63  }
0x36: {  	s31 =	simm.s32 $0x0;
	s25 =	rddreg [dreg:$0x7];
	s26 =	simm.s32 $0xA400  }
0x37: {  	[tilespmem:s26], [sflag:$0x6] =	stream.linear.gather [hbm4b:s25+s6], $0x2000, $0x38;
	[tilespmem:$0x10400] =	vst v63  }
.LBB2_2:
0x38: {  	p0 =	seq.s32 s31, $0x0  }
0x39: {  	s0 =	sshll.u32 @!p0 s31, $0xC  }
0x3a: {  	s2 =	simm.s32 @!p0 $0x0;
	s20 =	simm.s32 @!p0 $0x6400;
	s0 =	sadd.s32 @!p0 s17, s0  }
0x3b: {  	[hbm4b:s0+s2] =	stream.linear.scatter @!p0 [tilespmem:s20], [sflag:$0xC], $0x2000, $0x38;
	[tilespmem:$0x10400] =	vst v63  }
0x3c: {  	s0 =	simm.s32 @!p0 $0x1  }
0x3d: {  	_ =	swait.ge @!p0 [sflag:s0], $0x2000  }
0x3e: {  	s2 =	simm.s32 @!p0 $0x5;
	[sflag:s0] =	ssyncset.done @!p0 $0x0  }
0x3f: {  	s2 =	simm.s32 @p0 $0x1;
	[sflag:s0] =	ssyncadd.s32 @!p0 $0xFFFFE000  }
0x40: {  	_ =	swait.ge [sflag:s2], $0x2000  }
0x41: {  	s0 =	simm.s32 @!p0 $0xB;
	[sflag:s2] =	ssyncset.done $0x0  }
0x42: {  	s0 =	simm.s32 @p0 $0x5;
	[sflag:s2] =	ssyncadd.s32 $0xFFFFE000  }
0x43: {  	s25 =	sshll.u32 s31, $0x2;
	_ =	swait.ge [sflag:s0], $0x2000  }
0x44: {  	s2 =	sor.u32 $0x2, s25;
	[sflag:s0] =	ssyncset.done $0x0  }
0x45: {  	[sflag:s0] =	ssyncadd.s32 $0xFFFFE000;
	s0 =	sshll.u32 s2, $0x3  }
0x46: {  	v2 =	vld.msk [tilespmem:s0+$0x0], $0xff;
	_ =	sdelay $0x2  }
0x47: {  	v0 =	vld [tilespmem:$0x1FFF0];
	_ =	sdelay $0x1  }
0x48: {  	v3 =	vshll.u32 v2, $0x3  }
0x49: {  	v2 =	vand.u32 $0x7, v2;
	v3 =	vand.u32 $0xFFFFFFC0, v3  }
0x4a: {  	v2 =	vor.u32 v2, v3  }
0x4b: {  	v2 =	vperm.xlane v2, v0;
	_ =	sdelay $0x1  }
0x4c: {  	v2 =	vadd.s32 v1, v2;
	_ =	sdelay $0x3  }
0x4d: {  	s20 =	simm.s32 $0x0  }
0x4e: {  	[tilespmem:s30], [sflag:$0x3] =	stream.indirect_vreg.gather [hbm4b:s3+s20], $0x80, v2, vm0, $0xb8;
	[tilespmem:$0x10400] =	vst v63  }
0x4f: {  	s25 =	simm.s32 $0x4C00  }
0x50: {  	[tilespmem:s25], [sflag:$0x3] =	stream.indirect_vreg.gather [hbm4b:s9+s20], $0x80, v2, vm0, $0xb8;
	[tilespmem:$0x10400] =	vst v63  }
0x51: {  	s26 =	simm.s32 $0x5400;
	s0 =	sadd.s32 s5, s0  }
0x52: {  	[tilespmem:s26], [sflag:$0x3] =	stream.indirect_vreg.gather [hbm4b:s10+s20], $0x80, v2, vm0, $0xb8;
	[tilespmem:$0x10400] =	vst v63  }
0x53: {  	s0 =	sshll.u32 s0, $0x7;
	s26 =	simm.s32 $0x5C00  }
0x54: {  	[tilespmem:s26], [sflag:$0x3] =	stream.indirect_vreg.gather [hbm4b:s11+s20], $0x80, v2, vm0, $0xb8;
	[tilespmem:$0x10400] =	vst v63  }
0x55: {  	s0 =	sadd.s32 s1, s0;
	s26 =	simm.s32 $0xC400  }
0x56: {  	[tilespmem:s26], [sflag:$0x7] =	stream.linear.gather [hbm4b:s0+s20], $0x2000, $0x38;
	[tilespmem:$0x10400] =	vst v63  }
0x57: {  	s0 =	simm.s32 $0x0;
	s20 =	simm.s32 $0x200  }
.LBB2_3:
0x58: {  	p1 =	sne.s32 s20, $0xE00;
	v2 =	vld [tilespmem:s0+$0xA070]  }
0x59: {  	v3 =	vld [tilespmem:s0+$0x8400]  }
0x5a: {  	v4 =	vld [tilespmem:s0+$0x8410]  }
0x5b: {  	v5 =	vld [tilespmem:s0+$0x8420]  }
0x5c: {  	v6 =	vld [tilespmem:s0+$0x8430]  }
0x5d: {  	[tilespmem:s0+$0x2070] =	vst.add.f32.msk $0xffff, v2  }
0x5e: {  	v2 =	vld [tilespmem:s0+$0x8440]  }
0x5f: {  	v7 =	vld [tilespmem:s0+$0x8450]  }
0x60: {  	v8 =	vld [tilespmem:s0+$0x8460]  }
0x61: {  	v9 =	vld [tilespmem:s0+$0x8470]  }
0x62: {  	v10 =	vld [tilespmem:s0+$0x8800]  }
0x63: {  	v11 =	vld [tilespmem:s0+$0x8810]  }
0x64: {  	v12 =	vld [tilespmem:s0+$0x8820]  }
0x65: {  	v13 =	vld [tilespmem:s0+$0x8830]  }
0x66: {  	v14 =	vld [tilespmem:s0+$0x8840]  }
0x67: {  	v15 =	vld [tilespmem:s0+$0x8850]  }
0x68: {  	v16 =	vld [tilespmem:s0+$0x8860]  }
0x69: {  	v17 =	vld [tilespmem:s0+$0x8870]  }
0x6a: {  	v18 =	vld [tilespmem:s0+$0x8C00]  }
0x6b: {  	v19 =	vld [tilespmem:s0+$0x8C10]  }
0x6c: {  	v20 =	vld [tilespmem:s0+$0x8C20]  }
0x6d: {  	v21 =	vld [tilespmem:s0+$0x8C30]  }
0x6e: {  	v22 =	vld [tilespmem:s0+$0x8C40]  }
0x6f: {  	v23 =	vld [tilespmem:s0+$0x8C50]  }
0x70: {  	v24 =	vld [tilespmem:s0+$0x8C60]  }
0x71: {  	v25 =	vld [tilespmem:s0+$0x8C70]  }
0x72: {  	v26 =	vld [tilespmem:s0+$0x9000]  }
0x73: {  	v27 =	vld [tilespmem:s0+$0x9010]  }
0x74: {  	v28 =	vld [tilespmem:s0+$0x9020]  }
0x75: {  	v29 =	vld [tilespmem:s0+$0x9030]  }
0x76: {  	v30 =	vld [tilespmem:s0+$0x9040]  }
0x77: {  	v31 =	vld [tilespmem:s0+$0x9050]  }
0x78: {  	v32 =	vld [tilespmem:s0+$0x9060]  }
0x79: {  	v33 =	vld [tilespmem:s0+$0x9070]  }
0x7a: {  	v34 =	vld [tilespmem:s0+$0x9400]  }
0x7b: {  	v35 =	vld [tilespmem:s0+$0x9410]  }
0x7c: {  	v36 =	vld [tilespmem:s0+$0x9420]  }
0x7d: {  	v37 =	vld [tilespmem:s0+$0x9430]  }
0x7e: {  	v38 =	vld [tilespmem:s0+$0x9440]  }
0x7f: {  	v39 =	vld [tilespmem:s0+$0x9450]  }
0x80: {  	v40 =	vld [tilespmem:s0+$0x9460]  }
0x81: {  	v41 =	vld [tilespmem:s0+$0x9470]  }
0x82: {  	v42 =	vld [tilespmem:s0+$0x9800]  }
0x83: {  	v43 =	vld [tilespmem:s0+$0x9810]  }
0x84: {  	v44 =	vld [tilespmem:s0+$0x9820]  }
0x85: {  	v45 =	vld [tilespmem:s0+$0x9830]  }
0x86: {  	v46 =	vld [tilespmem:s0+$0x9840]  }
0x87: {  	v47 =	vld [tilespmem:s0+$0x9850]  }
0x88: {  	v48 =	vld [tilespmem:s0+$0x9860]  }
0x89: {  	v49 =	vld [tilespmem:s0+$0x9870]  }
0x8a: {  	v50 =	vld [tilespmem:s0+$0x9C00]  }
0x8b: {  	v51 =	vld [tilespmem:s0+$0x9C10]  }
0x8c: {  	v52 =	vld [tilespmem:s0+$0x9C20]  }
0x8d: {  	v53 =	vld [tilespmem:s0+$0x9C30]  }
0x8e: {  	v54 =	vld [tilespmem:s0+$0x9C40]  }
0x8f: {  	v55 =	vld [tilespmem:s0+$0x9C50]  }
0x90: {  	v56 =	vld [tilespmem:s0+$0x9C60]  }
0x91: {  	v57 =	vld [tilespmem:s0+$0x9C70]  }
0x92: {  	v58 =	vld [tilespmem:s0+$0xA000]  }
0x93: {  	v59 =	vld [tilespmem:s0+$0xA010]  }
0x94: {  	v60 =	vld [tilespmem:s0+$0xA020]  }
0x95: {  	v61 =	vld [tilespmem:s0+$0xA030]  }
0x96: {  	v62 =	vld [tilespmem:s0+$0xA040]  }
0x97: {  	v63 =	vld [tilespmem:s0+$0xA050]  }
0x98: {  	v0 =	vld [tilespmem:s0+$0xA060]  }
0x99: {  	[tilespmem:s0+$0x400] =	vst.add.f32.msk $0xffff, v3  }
0x9a: {  	[tilespmem:s0+$0x410] =	vst.add.f32.msk $0xffff, v4  }
0x9b: {  	[tilespmem:s0+$0x420] =	vst.add.f32.msk $0xffff, v5  }
0x9c: {  	[tilespmem:s0+$0x430] =	vst.add.f32.msk $0xffff, v6  }
0x9d: {  	[tilespmem:s0+$0x440] =	vst.add.f32.msk $0xffff, v2  }
0x9e: {  	[tilespmem:s0+$0x450] =	vst.add.f32.msk $0xffff, v7  }
0x9f: {  	[tilespmem:s0+$0x460] =	vst.add.f32.msk $0xffff, v8  }
0xa0: {  	[tilespmem:s0+$0x470] =	vst.add.f32.msk $0xffff, v9  }
0xa1: {  	[tilespmem:s0+$0x800] =	vst.add.f32.msk $0xffff, v10  }
0xa2: {  	[tilespmem:s0+$0x810] =	vst.add.f32.msk $0xffff, v11  }
0xa3: {  	[tilespmem:s0+$0x820] =	vst.add.f32.msk $0xffff, v12  }
0xa4: {  	[tilespmem:s0+$0x830] =	vst.add.f32.msk $0xffff, v13  }
0xa5: {  	[tilespmem:s0+$0x840] =	vst.add.f32.msk $0xffff, v14  }
0xa6: {  	[tilespmem:s0+$0x850] =	vst.add.f32.msk $0xffff, v15  }
0xa7: {  	[tilespmem:s0+$0x860] =	vst.add.f32.msk $0xffff, v16  }
0xa8: {  	[tilespmem:s0+$0x870] =	vst.add.f32.msk $0xffff, v17  }
0xa9: {  	[tilespmem:s0+$0xC00] =	vst.add.f32.msk $0xffff, v18  }
0xaa: {  	[tilespmem:s0+$0xC10] =	vst.add.f32.msk $0xffff, v19  }
0xab: {  	[tilespmem:s0+$0xC20] =	vst.add.f32.msk $0xffff, v20  }
0xac: {  	[tilespmem:s0+$0xC30] =	vst.add.f32.msk $0xffff, v21  }
0xad: {  	[tilespmem:s0+$0xC40] =	vst.add.f32.msk $0xffff, v22  }
0xae: {  	[tilespmem:s0+$0xC50] =	vst.add.f32.msk $0xffff, v23  }
0xaf: {  	[tilespmem:s0+$0xC60] =	vst.add.f32.msk $0xffff, v24  }
0xb0: {  	[tilespmem:s0+$0xC70] =	vst.add.f32.msk $0xffff, v25  }
0xb1: {  	[tilespmem:s0+$0x1000] =	vst.add.f32.msk $0xffff, v26  }
0xb2: {  	[tilespmem:s0+$0x1010] =	vst.add.f32.msk $0xffff, v27  }
0xb3: {  	[tilespmem:s0+$0x1020] =	vst.add.f32.msk $0xffff, v28  }
0xb4: {  	[tilespmem:s0+$0x1030] =	vst.add.f32.msk $0xffff, v29  }
0xb5: {  	[tilespmem:s0+$0x1040] =	vst.add.f32.msk $0xffff, v30  }
0xb6: {  	[tilespmem:s0+$0x1050] =	vst.add.f32.msk $0xffff, v31  }
0xb7: {  	[tilespmem:s0+$0x1060] =	vst.add.f32.msk $0xffff, v32  }
0xb8: {  	[tilespmem:s0+$0x1070] =	vst.add.f32.msk $0xffff, v33  }
0xb9: {  	[tilespmem:s0+$0x1400] =	vst.add.f32.msk $0xffff, v34  }
0xba: {  	[tilespmem:s0+$0x1410] =	vst.add.f32.msk $0xffff, v35  }
0xbb: {  	[tilespmem:s0+$0x1420] =	vst.add.f32.msk $0xffff, v36  }
0xbc: {  	[tilespmem:s0+$0x1430] =	vst.add.f32.msk $0xffff, v37  }
0xbd: {  	[tilespmem:s0+$0x1440] =	vst.add.f32.msk $0xffff, v38  }
0xbe: {  	[tilespmem:s0+$0x1450] =	vst.add.f32.msk $0xffff, v39  }
0xbf: {  	[tilespmem:s0+$0x1460] =	vst.add.f32.msk $0xffff, v40  }
0xc0: {  	[tilespmem:s0+$0x1470] =	vst.add.f32.msk $0xffff, v41  }
0xc1: {  	[tilespmem:s0+$0x1800] =	vst.add.f32.msk $0xffff, v42  }
0xc2: {  	[tilespmem:s0+$0x1810] =	vst.add.f32.msk $0xffff, v43  }
0xc3: {  	[tilespmem:s0+$0x1820] =	vst.add.f32.msk $0xffff, v44  }
0xc4: {  	[tilespmem:s0+$0x1830] =	vst.add.f32.msk $0xffff, v45  }
0xc5: {  	[tilespmem:s0+$0x1840] =	vst.add.f32.msk $0xffff, v46  }
0xc6: {  	[tilespmem:s0+$0x1850] =	vst.add.f32.msk $0xffff, v47  }
0xc7: {  	[tilespmem:s0+$0x1860] =	vst.add.f32.msk $0xffff, v48  }
0xc8: {  	[tilespmem:s0+$0x1870] =	vst.add.f32.msk $0xffff, v49  }
0xc9: {  	[tilespmem:s0+$0x1C00] =	vst.add.f32.msk $0xffff, v50  }
0xca: {  	[tilespmem:s0+$0x1C10] =	vst.add.f32.msk $0xffff, v51  }
0xcb: {  	[tilespmem:s0+$0x1C20] =	vst.add.f32.msk $0xffff, v52  }
0xcc: {  	[tilespmem:s0+$0x1C30] =	vst.add.f32.msk $0xffff, v53  }
0xcd: {  	[tilespmem:s0+$0x1C40] =	vst.add.f32.msk $0xffff, v54  }
0xce: {  	[tilespmem:s0+$0x1C50] =	vst.add.f32.msk $0xffff, v55  }
0xcf: {  	[tilespmem:s0+$0x1C60] =	vst.add.f32.msk $0xffff, v56  }
0xd0: {  	[tilespmem:s0+$0x1C70] =	vst.add.f32.msk $0xffff, v57  }
0xd1: {  	[tilespmem:s0+$0x2000] =	vst.add.f32.msk $0xffff, v58  }
0xd2: {  	[tilespmem:s0+$0x2010] =	vst.add.f32.msk $0xffff, v59  }
.Ltmp0:
0xd3: {  	[tilespmem:s0+$0x2020] =	vst.add.f32.msk $0xffff, v60;
	(pc) =	sbr.rel @p1 .LBB2_3-.Ltmp0, $4  }
0xd4: {  	[tilespmem:s0+$0x2030] =	vst.add.f32.msk $0xffff, v61  }
0xd5: {  	[tilespmem:s0+$0x2040] =	vst.add.f32.msk $0xffff, v62  }
0xd6: {  	[tilespmem:s0+$0x2050] =	vst.add.f32.msk $0xffff, v63  }
0xd7: {  	[tilespmem:s0+$0x2060] =	vst.add.f32.msk $0xffff, v0;
	s0 =	sshra.s32 s20, $0x2;
	s20 =	sadd.s32 $0x200, s20  }
0xd8: {  	v0 =	vld [tilespmem:s0+$0xA070]  }
0xd9: {  	v2 =	vld [tilespmem:s0+$0x8400]  }
0xda: {  	v3 =	vld [tilespmem:s0+$0x8410]  }
0xdb: {  	v4 =	vld [tilespmem:s0+$0x8420]  }
0xdc: {  	v5 =	vld [tilespmem:s0+$0x8430]  }
0xdd: {  	v6 =	vld [tilespmem:s0+$0x8450]  }
0xde: {  	v7 =	vld [tilespmem:s0+$0x8460]  }
0xdf: {  	v8 =	vld [tilespmem:s0+$0x8470]  }
0xe0: {  	v9 =	vld [tilespmem:s0+$0x8800]  }
0xe1: {  	v10 =	vld [tilespmem:s0+$0x8810]  }
0xe2: {  	v11 =	vld [tilespmem:s0+$0x8820]  }
0xe3: {  	v12 =	vld [tilespmem:s0+$0x8830]  }
0xe4: {  	v13 =	vld [tilespmem:s0+$0x8840]  }
0xe5: {  	v14 =	vld [tilespmem:s0+$0x8850]  }
0xe6: {  	v15 =	vld [tilespmem:s0+$0x8860]  }
0xe7: {  	v16 =	vld [tilespmem:s0+$0x8870]  }
0xe8: {  	v17 =	vld [tilespmem:s0+$0x8C00]  }
0xe9: {  	v18 =	vld [tilespmem:s0+$0x8C10]  }
0xea: {  	v19 =	vld [tilespmem:s0+$0x8C20]  }
0xeb: {  	v20 =	vld [tilespmem:s0+$0x8C30]  }
0xec: {  	v21 =	vld [tilespmem:s0+$0x8C40]  }
0xed: {  	v22 =	vld [tilespmem:s0+$0x8C50]  }
0xee: {  	v23 =	vld [tilespmem:s0+$0x8C60]  }
0xef: {  	v24 =	vld [tilespmem:s0+$0x8C70]  }
0xf0: {  	v25 =	vld [tilespmem:s0+$0x9000]  }
0xf1: {  	v26 =	vld [tilespmem:s0+$0x9010]  }
0xf2: {  	v27 =	vld [tilespmem:s0+$0x9020]  }
0xf3: {  	v28 =	vld [tilespmem:s0+$0x9030]  }
0xf4: {  	v29 =	vld [tilespmem:s0+$0x9040]  }
0xf5: {  	v30 =	vld [tilespmem:s0+$0x9050]  }
0xf6: {  	v31 =	vld [tilespmem:s0+$0x9060]  }
0xf7: {  	v32 =	vld [tilespmem:s0+$0x9070]  }
0xf8: {  	v33 =	vld [tilespmem:s0+$0x9400]  }
0xf9: {  	v34 =	vld [tilespmem:s0+$0x9410]  }
0xfa: {  	v35 =	vld [tilespmem:s0+$0x9420]  }
0xfb: {  	v36 =	vld [tilespmem:s0+$0x9430]  }
0xfc: {  	v37 =	vld [tilespmem:s0+$0x9440]  }
0xfd: {  	v38 =	vld [tilespmem:s0+$0x9450]  }
0xfe: {  	v39 =	vld [tilespmem:s0+$0x9460]  }
0xff: {  	v40 =	vld [tilespmem:s0+$0x9470]  }
0x100: {  	v41 =	vld [tilespmem:s0+$0x9800]  }
0x101: {  	v42 =	vld [tilespmem:s0+$0x9810]  }
0x102: {  	v43 =	vld [tilespmem:s0+$0x9820]  }
0x103: {  	v44 =	vld [tilespmem:s0+$0x9830]  }
0x104: {  	v45 =	vld [tilespmem:s0+$0x9840]  }
0x105: {  	v46 =	vld [tilespmem:s0+$0x9850]  }
0x106: {  	v47 =	vld [tilespmem:s0+$0x9860]  }
0x107: {  	v48 =	vld [tilespmem:s0+$0x9870]  }
0x108: {  	v49 =	vld [tilespmem:s0+$0x9C00]  }
0x109: {  	v50 =	vld [tilespmem:s0+$0x9C10]  }
0x10a: {  	v51 =	vld [tilespmem:s0+$0x9C20]  }
0x10b: {  	v52 =	vld [tilespmem:s0+$0x9C30]  }
0x10c: {  	v53 =	vld [tilespmem:s0+$0x9C40]  }
0x10d: {  	v54 =	vld [tilespmem:s0+$0x9C50]  }
0x10e: {  	v55 =	vld [tilespmem:s0+$0x9C60]  }
0x10f: {  	v56 =	vld [tilespmem:s0+$0x9C70]  }
0x110: {  	v57 =	vld [tilespmem:s0+$0xA000]  }
0x111: {  	v58 =	vld [tilespmem:s0+$0xA010]  }
0x112: {  	v59 =	vld [tilespmem:s0+$0xA020]  }
0x113: {  	v60 =	vld [tilespmem:s0+$0xA030]  }
0x114: {  	v61 =	vld [tilespmem:s0+$0xA040]  }
0x115: {  	v62 =	vld [tilespmem:s0+$0xA050]  }
0x116: {  	v63 =	vld [tilespmem:s0+$0xA060]  }
0x117: {  	[tilespmem:s0+$0x2070] =	vst.add.f32.msk $0xffff, v0  }
0x118: {  	v0 =	vld [tilespmem:s0+$0x8440]  }
0x119: {  	[tilespmem:s0+$0x400] =	vst.add.f32.msk $0xffff, v2  }
0x11a: {  	[tilespmem:s0+$0x410] =	vst.add.f32.msk $0xffff, v3  }
0x11b: {  	[tilespmem:s0+$0x420] =	vst.add.f32.msk $0xffff, v4  }
0x11c: {  	[tilespmem:s0+$0x430] =	vst.add.f32.msk $0xffff, v5  }
0x11d: {  	[tilespmem:s0+$0x450] =	vst.add.f32.msk $0xffff, v6  }
0x11e: {  	[tilespmem:s0+$0x460] =	vst.add.f32.msk $0xffff, v7  }
0x11f: {  	[tilespmem:s0+$0x470] =	vst.add.f32.msk $0xffff, v8  }
0x120: {  	[tilespmem:s0+$0x800] =	vst.add.f32.msk $0xffff, v9  }
0x121: {  	[tilespmem:s0+$0x810] =	vst.add.f32.msk $0xffff, v10  }
0x122: {  	[tilespmem:s0+$0x820] =	vst.add.f32.msk $0xffff, v11  }
0x123: {  	[tilespmem:s0+$0x830] =	vst.add.f32.msk $0xffff, v12  }
0x124: {  	[tilespmem:s0+$0x840] =	vst.add.f32.msk $0xffff, v13  }
0x125: {  	[tilespmem:s0+$0x850] =	vst.add.f32.msk $0xffff, v14  }
0x126: {  	[tilespmem:s0+$0x860] =	vst.add.f32.msk $0xffff, v15  }
0x127: {  	[tilespmem:s0+$0x870] =	vst.add.f32.msk $0xffff, v16  }
0x128: {  	[tilespmem:s0+$0xC00] =	vst.add.f32.msk $0xffff, v17  }
0x129: {  	[tilespmem:s0+$0xC10] =	vst.add.f32.msk $0xffff, v18  }
0x12a: {  	[tilespmem:s0+$0xC20] =	vst.add.f32.msk $0xffff, v19  }
0x12b: {  	[tilespmem:s0+$0xC30] =	vst.add.f32.msk $0xffff, v20  }
0x12c: {  	[tilespmem:s0+$0xC40] =	vst.add.f32.msk $0xffff, v21  }
0x12d: {  	[tilespmem:s0+$0xC50] =	vst.add.f32.msk $0xffff, v22  }
0x12e: {  	[tilespmem:s0+$0xC60] =	vst.add.f32.msk $0xffff, v23  }
0x12f: {  	[tilespmem:s0+$0xC70] =	vst.add.f32.msk $0xffff, v24  }
0x130: {  	[tilespmem:s0+$0x1000] =	vst.add.f32.msk $0xffff, v25  }
0x131: {  	[tilespmem:s0+$0x1010] =	vst.add.f32.msk $0xffff, v26  }
0x132: {  	[tilespmem:s0+$0x1020] =	vst.add.f32.msk $0xffff, v27  }
0x133: {  	[tilespmem:s0+$0x1030] =	vst.add.f32.msk $0xffff, v28  }
0x134: {  	[tilespmem:s0+$0x1040] =	vst.add.f32.msk $0xffff, v29  }
0x135: {  	[tilespmem:s0+$0x1050] =	vst.add.f32.msk $0xffff, v30  }
0x136: {  	[tilespmem:s0+$0x1060] =	vst.add.f32.msk $0xffff, v31  }
0x137: {  	[tilespmem:s0+$0x1070] =	vst.add.f32.msk $0xffff, v32  }
0x138: {  	[tilespmem:s0+$0x1400] =	vst.add.f32.msk $0xffff, v33  }
0x139: {  	[tilespmem:s0+$0x1410] =	vst.add.f32.msk $0xffff, v34  }
0x13a: {  	[tilespmem:s0+$0x1420] =	vst.add.f32.msk $0xffff, v35  }
0x13b: {  	[tilespmem:s0+$0x1430] =	vst.add.f32.msk $0xffff, v36  }
0x13c: {  	[tilespmem:s0+$0x1440] =	vst.add.f32.msk $0xffff, v37  }
0x13d: {  	[tilespmem:s0+$0x1450] =	vst.add.f32.msk $0xffff, v38  }
0x13e: {  	[tilespmem:s0+$0x1460] =	vst.add.f32.msk $0xffff, v39  }
0x13f: {  	[tilespmem:s0+$0x1470] =	vst.add.f32.msk $0xffff, v40  }
0x140: {  	[tilespmem:s0+$0x1800] =	vst.add.f32.msk $0xffff, v41  }
0x141: {  	[tilespmem:s0+$0x1810] =	vst.add.f32.msk $0xffff, v42  }
0x142: {  	[tilespmem:s0+$0x1820] =	vst.add.f32.msk $0xffff, v43  }
0x143: {  	[tilespmem:s0+$0x1830] =	vst.add.f32.msk $0xffff, v44  }
0x144: {  	[tilespmem:s0+$0x1840] =	vst.add.f32.msk $0xffff, v45  }
0x145: {  	[tilespmem:s0+$0x1850] =	vst.add.f32.msk $0xffff, v46  }
0x146: {  	[tilespmem:s0+$0x1860] =	vst.add.f32.msk $0xffff, v47  }
0x147: {  	[tilespmem:s0+$0x1870] =	vst.add.f32.msk $0xffff, v48  }
0x148: {  	[tilespmem:s0+$0x1C00] =	vst.add.f32.msk $0xffff, v49  }
0x149: {  	[tilespmem:s0+$0x1C10] =	vst.add.f32.msk $0xffff, v50  }
0x14a: {  	[tilespmem:s0+$0x1C20] =	vst.add.f32.msk $0xffff, v51  }
0x14b: {  	[tilespmem:s0+$0x1C30] =	vst.add.f32.msk $0xffff, v52  }
0x14c: {  	[tilespmem:s0+$0x1C40] =	vst.add.f32.msk $0xffff, v53  }
0x14d: {  	[tilespmem:s0+$0x1C50] =	vst.add.f32.msk $0xffff, v54  }
0x14e: {  	[tilespmem:s0+$0x1C60] =	vst.add.f32.msk $0xffff, v55  }
0x14f: {  	[tilespmem:s0+$0x1C70] =	vst.add.f32.msk $0xffff, v56  }
0x150: {  	[tilespmem:s0+$0x2000] =	vst.add.f32.msk $0xffff, v57  }
0x151: {  	[tilespmem:s0+$0x2010] =	vst.add.f32.msk $0xffff, v58  }
0x152: {  	[tilespmem:s0+$0x2020] =	vst.add.f32.msk $0xffff, v59  }
0x153: {  	[tilespmem:s0+$0x2030] =	vst.add.f32.msk $0xffff, v60  }
0x154: {  	[tilespmem:s0+$0x2040] =	vst.add.f32.msk $0xffff, v61  }
0x155: {  	[tilespmem:s0+$0x2050] =	vst.add.f32.msk $0xffff, v62  }
0x156: {  	s20 =	sshll.u32 s31, $0xC;
	[tilespmem:s0+$0x2060] =	vst.add.f32.msk $0xffff, v63  }
0x157: {  	s25 =	sadd.s32 s20, s13;
	[tilespmem:s0+$0x440] =	vst.add.f32.msk $0xffff, v0  }
0x158: {  	[hbm4b:s25+s6] =	stream.linear.scatter [tilespmem:s19], [sflag:$0x9], $0x2000, $0x38;
	[tilespmem:$0x10400] =	vst v63  }
0x159: {  	_ =	swait.ge [sflag:s21], $0x2000  }
0x15a: {  	[sflag:s21] =	ssyncset.done $0x0  }
0x15b: {  	[sflag:s21] =	ssyncadd.s32 $0xFFFFE000  }
0x15c: {  	_ =	swait.ge [sflag:s22], $0x2000  }
0x15d: {  	[sflag:s22] =	ssyncset.done $0x0  }
0x15e: {  	s20 =	simm.s32 @!p0 $0xC;
	[sflag:s22] =	ssyncadd.s32 $0xFFFFE000  }
0x15f: {  	_ =	swait.ge @!p0 [sflag:s20], $0x2000  }
0x160: {  	s0 =	sshll.u32 s31, $0x5;
	[sflag:s20] =	ssyncset.done @!p0 $0x0  }
0x161: {  	[sflag:s20] =	ssyncadd.s32 @!p0 $0xFFFFE000;
	s20 =	sor.u32 $0x18, s0  }
0x162: {  	v0 =	vld.msk [tilespmem:s20+$0x0], $0xff;
	_ =	sdelay $0x4  }
0x163: {  	v2 =	vshll.u32 v0, $0x3  }
0x164: {  	v0 =	vand.u32 $0x7, v0;
	v2 =	vand.u32 $0xFFFFFFC0, v2  }
0x165: {  	v0 =	vor.u32 v0, v2;
	v2 =	vld [tilespmem:$0x1FFF0];
	_ =	sdelay $0x4  }
0x166: {  	v0 =	vperm.xlane v0, v2;
	_ =	sdelay $0x1  }
0x167: {  	v0 =	vadd.s32 v1, v0;
	_ =	sdelay $0x3  }
0x168: {  	s25 =	simm.s32 $0x0  }
0x169: {  	[tilespmem:s23], [sflag:$0x4] =	stream.indirect_vreg.gather [hbm4b:s3+s25], $0x80, v0, vm0, $0xb8;
	[tilespmem:$0x10400] =	vst v63  }
0x16a: {  	s26 =	simm.s32 $0x6C00  }
0x16b: {  	[tilespmem:s26], [sflag:$0x4] =	stream.indirect_vreg.gather [hbm4b:s9+s25], $0x80, v0, vm0, $0xb8;
	[tilespmem:$0x10400] =	vst v63  }
0x16c: {  	s20 =	sadd.s32 s5, s20;
	s26 =	simm.s32 $0x7400  }
0x16d: {  	[tilespmem:s26], [sflag:$0x4] =	stream.indirect_vreg.gather [hbm4b:s10+s25], $0x80, v0, vm0, $0xb8;
	[tilespmem:$0x10400] =	vst v63  }
0x16e: {  	s20 =	sshll.u32 s20, $0x7  }
0x16f: {  	[tilespmem:s28], [sflag:$0x4] =	stream.indirect_vreg.gather [hbm4b:s11+s25], $0x80, v0, vm0, $0xb8;
	[tilespmem:$0x10400] =	vst v63  }
0x170: {  	s20 =	sadd.s32 s1, s20;
	s26 =	sadd.s32 s0, s5  }
0x171: {  	[tilespmem:s29], [sflag:$0x8] =	stream.linear.gather [hbm4b:s20+s25], $0x2000, $0x38;
	[tilespmem:$0x10400] =	vst v63  }
0x172: {  	s20 =	sadd.s32 $0x8, s26;
	s25 =	simm.s32 $0x0;
	s26 =	simm.s32 $0x200  }
.LBB2_5:
0x173: {  	p0 =	sne.s32 s26, $0xE00;
	v0 =	vld [tilespmem:s25+$0xC070]  }
0x174: {  	v2 =	vld [tilespmem:s25+$0xA400]  }
0x175: {  	v3 =	vld [tilespmem:s25+$0xA410]  }
0x176: {  	v4 =	vld [tilespmem:s25+$0xA420]  }
0x177: {  	v5 =	vld [tilespmem:s25+$0xA430]  }
0x178: {  	[tilespmem:s25+$0x4070] =	vst.add.f32.msk $0xffff, v0  }
0x179: {  	v0 =	vld [tilespmem:s25+$0xA440]  }
0x17a: {  	v6 =	vld [tilespmem:s25+$0xA450]  }
0x17b: {  	v7 =	vld [tilespmem:s25+$0xA460]  }
0x17c: {  	v8 =	vld [tilespmem:s25+$0xA470]  }
0x17d: {  	v9 =	vld [tilespmem:s25+$0xA800]  }
0x17e: {  	v10 =	vld [tilespmem:s25+$0xA810]  }
0x17f: {  	v11 =	vld [tilespmem:s25+$0xA820]  }
0x180: {  	v12 =	vld [tilespmem:s25+$0xA830]  }
0x181: {  	v13 =	vld [tilespmem:s25+$0xA840]  }
0x182: {  	v14 =	vld [tilespmem:s25+$0xA850]  }
0x183: {  	v15 =	vld [tilespmem:s25+$0xA860]  }
0x184: {  	v16 =	vld [tilespmem:s25+$0xA870]  }
0x185: {  	v17 =	vld [tilespmem:s25+$0xAC00]  }
0x186: {  	v18 =	vld [tilespmem:s25+$0xAC10]  }
0x187: {  	v19 =	vld [tilespmem:s25+$0xAC20]  }
0x188: {  	v20 =	vld [tilespmem:s25+$0xAC30]  }
0x189: {  	v21 =	vld [tilespmem:s25+$0xAC40]  }
0x18a: {  	v22 =	vld [tilespmem:s25+$0xAC50]  }
0x18b: {  	v23 =	vld [tilespmem:s25+$0xAC60]  }
0x18c: {  	v24 =	vld [tilespmem:s25+$0xAC70]  }
0x18d: {  	v25 =	vld [tilespmem:s25+$0xB000]  }
0x18e: {  	v26 =	vld [tilespmem:s25+$0xB010]  }
0x18f: {  	v27 =	vld [tilespmem:s25+$0xB020]  }
0x190: {  	v28 =	vld [tilespmem:s25+$0xB030]  }
0x191: {  	v29 =	vld [tilespmem:s25+$0xB040]  }
0x192: {  	v30 =	vld [tilespmem:s25+$0xB050]  }
0x193: {  	v31 =	vld [tilespmem:s25+$0xB060]  }
0x194: {  	v32 =	vld [tilespmem:s25+$0xB070]  }
0x195: {  	v33 =	vld [tilespmem:s25+$0xB400]  }
0x196: {  	v34 =	vld [tilespmem:s25+$0xB410]  }
0x197: {  	v35 =	vld [tilespmem:s25+$0xB420]  }
0x198: {  	v36 =	vld [tilespmem:s25+$0xB430]  }
0x199: {  	v37 =	vld [tilespmem:s25+$0xB440]  }
0x19a: {  	v38 =	vld [tilespmem:s25+$0xB450]  }
0x19b: {  	v39 =	vld [tilespmem:s25+$0xB460]  }
0x19c: {  	v40 =	vld [tilespmem:s25+$0xB470]  }
0x19d: {  	v41 =	vld [tilespmem:s25+$0xB800]  }
0x19e: {  	v42 =	vld [tilespmem:s25+$0xB810]  }
0x19f: {  	v43 =	vld [tilespmem:s25+$0xB820]  }
0x1a0: {  	v44 =	vld [tilespmem:s25+$0xB830]  }
0x1a1: {  	v45 =	vld [tilespmem:s25+$0xB840]  }
0x1a2: {  	v46 =	vld [tilespmem:s25+$0xB850]  }
0x1a3: {  	v47 =	vld [tilespmem:s25+$0xB860]  }
0x1a4: {  	v48 =	vld [tilespmem:s25+$0xB870]  }
0x1a5: {  	v49 =	vld [tilespmem:s25+$0xBC00]  }
0x1a6: {  	v50 =	vld [tilespmem:s25+$0xBC10]  }
0x1a7: {  	v51 =	vld [tilespmem:s25+$0xBC20]  }
0x1a8: {  	v52 =	vld [tilespmem:s25+$0xBC30]  }
0x1a9: {  	v53 =	vld [tilespmem:s25+$0xBC40]  }
0x1aa: {  	v54 =	vld [tilespmem:s25+$0xBC50]  }
0x1ab: {  	v55 =	vld [tilespmem:s25+$0xBC60]  }
0x1ac: {  	v56 =	vld [tilespmem:s25+$0xBC70]  }
0x1ad: {  	v57 =	vld [tilespmem:s25+$0xC000]  }
0x1ae: {  	v58 =	vld [tilespmem:s25+$0xC010]  }
0x1af: {  	v59 =	vld [tilespmem:s25+$0xC020]  }
0x1b0: {  	v60 =	vld [tilespmem:s25+$0xC030]  }
0x1b1: {  	v61 =	vld [tilespmem:s25+$0xC040]  }
0x1b2: {  	v62 =	vld [tilespmem:s25+$0xC050]  }
0x1b3: {  	v63 =	vld [tilespmem:s25+$0xC060]  }
0x1b4: {  	[tilespmem:s25+$0x2400] =	vst.add.f32.msk $0xffff, v2  }
0x1b5: {  	[tilespmem:s25+$0x2410] =	vst.add.f32.msk $0xffff, v3  }
0x1b6: {  	[tilespmem:s25+$0x2420] =	vst.add.f32.msk $0xffff, v4  }
0x1b7: {  	[tilespmem:s25+$0x2430] =	vst.add.f32.msk $0xffff, v5  }
0x1b8: {  	[tilespmem:s25+$0x2440] =	vst.add.f32.msk $0xffff, v0  }
0x1b9: {  	[tilespmem:s25+$0x2450] =	vst.add.f32.msk $0xffff, v6  }
0x1ba: {  	[tilespmem:s25+$0x2460] =	vst.add.f32.msk $0xffff, v7  }
0x1bb: {  	[tilespmem:s25+$0x2470] =	vst.add.f32.msk $0xffff, v8  }
0x1bc: {  	[tilespmem:s25+$0x2800] =	vst.add.f32.msk $0xffff, v9  }
0x1bd: {  	[tilespmem:s25+$0x2810] =	vst.add.f32.msk $0xffff, v10  }
0x1be: {  	[tilespmem:s25+$0x2820] =	vst.add.f32.msk $0xffff, v11  }
0x1bf: {  	[tilespmem:s25+$0x2830] =	vst.add.f32.msk $0xffff, v12  }
0x1c0: {  	[tilespmem:s25+$0x2840] =	vst.add.f32.msk $0xffff, v13  }
0x1c1: {  	[tilespmem:s25+$0x2850] =	vst.add.f32.msk $0xffff, v14  }
0x1c2: {  	[tilespmem:s25+$0x2860] =	vst.add.f32.msk $0xffff, v15  }
0x1c3: {  	[tilespmem:s25+$0x2870] =	vst.add.f32.msk $0xffff, v16  }
0x1c4: {  	[tilespmem:s25+$0x2C00] =	vst.add.f32.msk $0xffff, v17  }
0x1c5: {  	[tilespmem:s25+$0x2C10] =	vst.add.f32.msk $0xffff, v18  }
0x1c6: {  	[tilespmem:s25+$0x2C20] =	vst.add.f32.msk $0xffff, v19  }
0x1c7: {  	[tilespmem:s25+$0x2C30] =	vst.add.f32.msk $0xffff, v20  }
0x1c8: {  	[tilespmem:s25+$0x2C40] =	vst.add.f32.msk $0xffff, v21  }
0x1c9: {  	[tilespmem:s25+$0x2C50] =	vst.add.f32.msk $0xffff, v22  }
0x1ca: {  	[tilespmem:s25+$0x2C60] =	vst.add.f32.msk $0xffff, v23  }
0x1cb: {  	[tilespmem:s25+$0x2C70] =	vst.add.f32.msk $0xffff, v24  }
0x1cc: {  	[tilespmem:s25+$0x3000] =	vst.add.f32.msk $0xffff, v25  }
0x1cd: {  	[tilespmem:s25+$0x3010] =	vst.add.f32.msk $0xffff, v26  }
0x1ce: {  	[tilespmem:s25+$0x3020] =	vst.add.f32.msk $0xffff, v27  }
0x1cf: {  	[tilespmem:s25+$0x3030] =	vst.add.f32.msk $0xffff, v28  }
0x1d0: {  	[tilespmem:s25+$0x3040] =	vst.add.f32.msk $0xffff, v29  }
0x1d1: {  	[tilespmem:s25+$0x3050] =	vst.add.f32.msk $0xffff, v30  }
0x1d2: {  	[tilespmem:s25+$0x3060] =	vst.add.f32.msk $0xffff, v31  }
0x1d3: {  	[tilespmem:s25+$0x3070] =	vst.add.f32.msk $0xffff, v32  }
0x1d4: {  	[tilespmem:s25+$0x3400] =	vst.add.f32.msk $0xffff, v33  }
0x1d5: {  	[tilespmem:s25+$0x3410] =	vst.add.f32.msk $0xffff, v34  }
0x1d6: {  	[tilespmem:s25+$0x3420] =	vst.add.f32.msk $0xffff, v35  }
0x1d7: {  	[tilespmem:s25+$0x3430] =	vst.add.f32.msk $0xffff, v36  }
0x1d8: {  	[tilespmem:s25+$0x3440] =	vst.add.f32.msk $0xffff, v37  }
0x1d9: {  	[tilespmem:s25+$0x3450] =	vst.add.f32.msk $0xffff, v38  }
0x1da: {  	[tilespmem:s25+$0x3460] =	vst.add.f32.msk $0xffff, v39  }
0x1db: {  	[tilespmem:s25+$0x3470] =	vst.add.f32.msk $0xffff, v40  }
0x1dc: {  	[tilespmem:s25+$0x3800] =	vst.add.f32.msk $0xffff, v41  }
0x1dd: {  	[tilespmem:s25+$0x3810] =	vst.add.f32.msk $0xffff, v42  }
0x1de: {  	[tilespmem:s25+$0x3820] =	vst.add.f32.msk $0xffff, v43  }
0x1df: {  	[tilespmem:s25+$0x3830] =	vst.add.f32.msk $0xffff, v44  }
0x1e0: {  	[tilespmem:s25+$0x3840] =	vst.add.f32.msk $0xffff, v45  }
0x1e1: {  	[tilespmem:s25+$0x3850] =	vst.add.f32.msk $0xffff, v46  }
0x1e2: {  	[tilespmem:s25+$0x3860] =	vst.add.f32.msk $0xffff, v47  }
0x1e3: {  	[tilespmem:s25+$0x3870] =	vst.add.f32.msk $0xffff, v48  }
0x1e4: {  	[tilespmem:s25+$0x3C00] =	vst.add.f32.msk $0xffff, v49  }
0x1e5: {  	[tilespmem:s25+$0x3C10] =	vst.add.f32.msk $0xffff, v50  }
0x1e6: {  	[tilespmem:s25+$0x3C20] =	vst.add.f32.msk $0xffff, v51  }
0x1e7: {  	[tilespmem:s25+$0x3C30] =	vst.add.f32.msk $0xffff, v52  }
0x1e8: {  	[tilespmem:s25+$0x3C40] =	vst.add.f32.msk $0xffff, v53  }
0x1e9: {  	[tilespmem:s25+$0x3C50] =	vst.add.f32.msk $0xffff, v54  }
0x1ea: {  	[tilespmem:s25+$0x3C60] =	vst.add.f32.msk $0xffff, v55  }
0x1eb: {  	[tilespmem:s25+$0x3C70] =	vst.add.f32.msk $0xffff, v56  }
0x1ec: {  	[tilespmem:s25+$0x4000] =	vst.add.f32.msk $0xffff, v57  }
0x1ed: {  	[tilespmem:s25+$0x4010] =	vst.add.f32.msk $0xffff, v58  }
.Ltmp1:
0x1ee: {  	[tilespmem:s25+$0x4020] =	vst.add.f32.msk $0xffff, v59;
	(pc) =	sbr.rel @p0 .LBB2_5-.Ltmp1, $4  }
0x1ef: {  	[tilespmem:s25+$0x4030] =	vst.add.f32.msk $0xffff, v60  }
0x1f0: {  	[tilespmem:s25+$0x4040] =	vst.add.f32.msk $0xffff, v61  }
0x1f1: {  	[tilespmem:s25+$0x4050] =	vst.add.f32.msk $0xffff, v62  }
0x1f2: {  	[tilespmem:s25+$0x4060] =	vst.add.f32.msk $0xffff, v63;
	s25 =	sshra.s32 s26, $0x2;
	s26 =	sadd.s32 $0x200, s26  }
0x1f3: {  	v0 =	vld [tilespmem:s25+$0xC070]  }
0x1f4: {  	v2 =	vld [tilespmem:s25+$0xA400]  }
0x1f5: {  	v3 =	vld [tilespmem:s25+$0xA410]  }
0x1f6: {  	v4 =	vld [tilespmem:s25+$0xA420]  }
0x1f7: {  	v5 =	vld [tilespmem:s25+$0xA430]  }
0x1f8: {  	v6 =	vld [tilespmem:s25+$0xA450]  }
0x1f9: {  	v7 =	vld [tilespmem:s25+$0xA460]  }
0x1fa: {  	v8 =	vld [tilespmem:s25+$0xA470]  }
0x1fb: {  	v9 =	vld [tilespmem:s25+$0xA800]  }
0x1fc: {  	v10 =	vld [tilespmem:s25+$0xA810]  }
0x1fd: {  	v11 =	vld [tilespmem:s25+$0xA820]  }
0x1fe: {  	v12 =	vld [tilespmem:s25+$0xA830]  }
0x1ff: {  	v13 =	vld [tilespmem:s25+$0xA840]  }
0x200: {  	v14 =	vld [tilespmem:s25+$0xA850]  }
0x201: {  	v15 =	vld [tilespmem:s25+$0xA860]  }
0x202: {  	v16 =	vld [tilespmem:s25+$0xA870]  }
0x203: {  	v17 =	vld [tilespmem:s25+$0xAC00]  }
0x204: {  	v18 =	vld [tilespmem:s25+$0xAC10]  }
0x205: {  	v19 =	vld [tilespmem:s25+$0xAC20]  }
0x206: {  	v20 =	vld [tilespmem:s25+$0xAC30]  }
0x207: {  	v21 =	vld [tilespmem:s25+$0xAC40]  }
0x208: {  	v22 =	vld [tilespmem:s25+$0xAC50]  }
0x209: {  	v23 =	vld [tilespmem:s25+$0xAC60]  }
0x20a: {  	v24 =	vld [tilespmem:s25+$0xAC70]  }
0x20b: {  	v25 =	vld [tilespmem:s25+$0xB000]  }
0x20c: {  	v26 =	vld [tilespmem:s25+$0xB010]  }
0x20d: {  	v27 =	vld [tilespmem:s25+$0xB020]  }
0x20e: {  	v28 =	vld [tilespmem:s25+$0xB030]  }
0x20f: {  	v29 =	vld [tilespmem:s25+$0xB040]  }
0x210: {  	v30 =	vld [tilespmem:s25+$0xB050]  }
0x211: {  	v31 =	vld [tilespmem:s25+$0xB060]  }
0x212: {  	v32 =	vld [tilespmem:s25+$0xB070]  }
0x213: {  	v33 =	vld [tilespmem:s25+$0xB400]  }
0x214: {  	v34 =	vld [tilespmem:s25+$0xB410]  }
0x215: {  	v35 =	vld [tilespmem:s25+$0xB420]  }
0x216: {  	v36 =	vld [tilespmem:s25+$0xB430]  }
0x217: {  	v37 =	vld [tilespmem:s25+$0xB440]  }
0x218: {  	v38 =	vld [tilespmem:s25+$0xB450]  }
0x219: {  	v39 =	vld [tilespmem:s25+$0xB460]  }
0x21a: {  	v40 =	vld [tilespmem:s25+$0xB470]  }
0x21b: {  	v41 =	vld [tilespmem:s25+$0xB800]  }
0x21c: {  	v42 =	vld [tilespmem:s25+$0xB810]  }
0x21d: {  	v43 =	vld [tilespmem:s25+$0xB820]  }
0x21e: {  	v44 =	vld [tilespmem:s25+$0xB830]  }
0x21f: {  	v45 =	vld [tilespmem:s25+$0xB840]  }
0x220: {  	v46 =	vld [tilespmem:s25+$0xB850]  }
0x221: {  	v47 =	vld [tilespmem:s25+$0xB860]  }
0x222: {  	v48 =	vld [tilespmem:s25+$0xB870]  }
0x223: {  	v49 =	vld [tilespmem:s25+$0xBC00]  }
0x224: {  	v50 =	vld [tilespmem:s25+$0xBC10]  }
0x225: {  	v51 =	vld [tilespmem:s25+$0xBC20]  }
0x226: {  	v52 =	vld [tilespmem:s25+$0xBC30]  }
0x227: {  	v53 =	vld [tilespmem:s25+$0xBC40]  }
0x228: {  	v54 =	vld [tilespmem:s25+$0xBC50]  }
0x229: {  	v55 =	vld [tilespmem:s25+$0xBC60]  }
0x22a: {  	v56 =	vld [tilespmem:s25+$0xBC70]  }
0x22b: {  	v57 =	vld [tilespmem:s25+$0xC000]  }
0x22c: {  	v58 =	vld [tilespmem:s25+$0xC010]  }
0x22d: {  	v59 =	vld [tilespmem:s25+$0xC020]  }
0x22e: {  	v60 =	vld [tilespmem:s25+$0xC030]  }
0x22f: {  	v61 =	vld [tilespmem:s25+$0xC040]  }
0x230: {  	v62 =	vld [tilespmem:s25+$0xC050]  }
0x231: {  	v63 =	vld [tilespmem:s25+$0xC060]  }
0x232: {  	[tilespmem:s25+$0x4070] =	vst.add.f32.msk $0xffff, v0  }
0x233: {  	v0 =	vld [tilespmem:s25+$0xA440]  }
0x234: {  	[tilespmem:s25+$0x2400] =	vst.add.f32.msk $0xffff, v2  }
0x235: {  	[tilespmem:s25+$0x2410] =	vst.add.f32.msk $0xffff, v3  }
0x236: {  	[tilespmem:s25+$0x2420] =	vst.add.f32.msk $0xffff, v4  }
0x237: {  	[tilespmem:s25+$0x2430] =	vst.add.f32.msk $0xffff, v5  }
0x238: {  	[tilespmem:s25+$0x2450] =	vst.add.f32.msk $0xffff, v6  }
0x239: {  	[tilespmem:s25+$0x2460] =	vst.add.f32.msk $0xffff, v7  }
0x23a: {  	[tilespmem:s25+$0x2470] =	vst.add.f32.msk $0xffff, v8  }
0x23b: {  	[tilespmem:s25+$0x2800] =	vst.add.f32.msk $0xffff, v9  }
0x23c: {  	[tilespmem:s25+$0x2810] =	vst.add.f32.msk $0xffff, v10  }
0x23d: {  	[tilespmem:s25+$0x2820] =	vst.add.f32.msk $0xffff, v11  }
0x23e: {  	[tilespmem:s25+$0x2830] =	vst.add.f32.msk $0xffff, v12  }
0x23f: {  	[tilespmem:s25+$0x2840] =	vst.add.f32.msk $0xffff, v13  }
0x240: {  	[tilespmem:s25+$0x2850] =	vst.add.f32.msk $0xffff, v14  }
0x241: {  	[tilespmem:s25+$0x2860] =	vst.add.f32.msk $0xffff, v15  }
0x242: {  	[tilespmem:s25+$0x2870] =	vst.add.f32.msk $0xffff, v16  }
0x243: {  	[tilespmem:s25+$0x2C00] =	vst.add.f32.msk $0xffff, v17  }
0x244: {  	[tilespmem:s25+$0x2C10] =	vst.add.f32.msk $0xffff, v18  }
0x245: {  	[tilespmem:s25+$0x2C20] =	vst.add.f32.msk $0xffff, v19  }
0x246: {  	[tilespmem:s25+$0x2C30] =	vst.add.f32.msk $0xffff, v20  }
0x247: {  	[tilespmem:s25+$0x2C40] =	vst.add.f32.msk $0xffff, v21  }
0x248: {  	[tilespmem:s25+$0x2C50] =	vst.add.f32.msk $0xffff, v22  }
0x249: {  	[tilespmem:s25+$0x2C60] =	vst.add.f32.msk $0xffff, v23  }
0x24a: {  	[tilespmem:s25+$0x2C70] =	vst.add.f32.msk $0xffff, v24  }
0x24b: {  	[tilespmem:s25+$0x3000] =	vst.add.f32.msk $0xffff, v25  }
0x24c: {  	[tilespmem:s25+$0x3010] =	vst.add.f32.msk $0xffff, v26  }
0x24d: {  	[tilespmem:s25+$0x3020] =	vst.add.f32.msk $0xffff, v27  }
0x24e: {  	[tilespmem:s25+$0x3030] =	vst.add.f32.msk $0xffff, v28  }
0x24f: {  	[tilespmem:s25+$0x3040] =	vst.add.f32.msk $0xffff, v29  }
0x250: {  	[tilespmem:s25+$0x3050] =	vst.add.f32.msk $0xffff, v30  }
0x251: {  	[tilespmem:s25+$0x3060] =	vst.add.f32.msk $0xffff, v31  }
0x252: {  	[tilespmem:s25+$0x3070] =	vst.add.f32.msk $0xffff, v32  }
0x253: {  	[tilespmem:s25+$0x3400] =	vst.add.f32.msk $0xffff, v33  }
0x254: {  	[tilespmem:s25+$0x3410] =	vst.add.f32.msk $0xffff, v34  }
0x255: {  	[tilespmem:s25+$0x3420] =	vst.add.f32.msk $0xffff, v35  }
0x256: {  	[tilespmem:s25+$0x3430] =	vst.add.f32.msk $0xffff, v36  }
0x257: {  	[tilespmem:s25+$0x3440] =	vst.add.f32.msk $0xffff, v37  }
0x258: {  	[tilespmem:s25+$0x3450] =	vst.add.f32.msk $0xffff, v38  }
0x259: {  	[tilespmem:s25+$0x3460] =	vst.add.f32.msk $0xffff, v39  }
0x25a: {  	[tilespmem:s25+$0x3470] =	vst.add.f32.msk $0xffff, v40  }
0x25b: {  	[tilespmem:s25+$0x3800] =	vst.add.f32.msk $0xffff, v41  }
0x25c: {  	[tilespmem:s25+$0x3810] =	vst.add.f32.msk $0xffff, v42  }
0x25d: {  	[tilespmem:s25+$0x3820] =	vst.add.f32.msk $0xffff, v43  }
0x25e: {  	[tilespmem:s25+$0x3830] =	vst.add.f32.msk $0xffff, v44  }
0x25f: {  	[tilespmem:s25+$0x3840] =	vst.add.f32.msk $0xffff, v45  }
0x260: {  	[tilespmem:s25+$0x3850] =	vst.add.f32.msk $0xffff, v46  }
0x261: {  	[tilespmem:s25+$0x3860] =	vst.add.f32.msk $0xffff, v47  }
0x262: {  	[tilespmem:s25+$0x3870] =	vst.add.f32.msk $0xffff, v48  }
0x263: {  	[tilespmem:s25+$0x3C00] =	vst.add.f32.msk $0xffff, v49  }
0x264: {  	[tilespmem:s25+$0x3C10] =	vst.add.f32.msk $0xffff, v50  }
0x265: {  	[tilespmem:s25+$0x3C20] =	vst.add.f32.msk $0xffff, v51  }
0x266: {  	[tilespmem:s25+$0x3C30] =	vst.add.f32.msk $0xffff, v52  }
0x267: {  	[tilespmem:s25+$0x3C40] =	vst.add.f32.msk $0xffff, v53  }
0x268: {  	[tilespmem:s25+$0x3C50] =	vst.add.f32.msk $0xffff, v54  }
0x269: {  	[tilespmem:s25+$0x3C60] =	vst.add.f32.msk $0xffff, v55  }
0x26a: {  	[tilespmem:s25+$0x3C70] =	vst.add.f32.msk $0xffff, v56  }
0x26b: {  	[tilespmem:s25+$0x4000] =	vst.add.f32.msk $0xffff, v57  }
0x26c: {  	[tilespmem:s25+$0x4010] =	vst.add.f32.msk $0xffff, v58  }
0x26d: {  	[tilespmem:s25+$0x4020] =	vst.add.f32.msk $0xffff, v59  }
0x26e: {  	[tilespmem:s25+$0x4030] =	vst.add.f32.msk $0xffff, v60  }
0x26f: {  	[tilespmem:s25+$0x4040] =	vst.add.f32.msk $0xffff, v61  }
0x270: {  	[tilespmem:s25+$0x4050] =	vst.add.f32.msk $0xffff, v62  }
0x271: {  	s20 =	sshll.u32 s20, $0x7;
	[tilespmem:s25+$0x4060] =	vst.add.f32.msk $0xffff, v63  }
0x272: {  	s20 =	sadd.s32 s4, s20;
	[tilespmem:s25+$0x2440] =	vst.add.f32.msk $0xffff, v0  }
0x273: {  	[hbm4b:s20+s6] =	stream.linear.scatter [tilespmem:s24], [sflag:$0xA], $0x2000, $0x38;
	[tilespmem:$0x10400] =	vst v63  }
0x274: {  	_ =	swait.ge [sflag:s8], $0x2000  }
0x275: {  	[sflag:s8] =	ssyncset.done $0x0  }
0x276: {  	[sflag:s8] =	ssyncadd.s32 $0xFFFFE000  }
0x277: {  	_ =	swait.ge [sflag:s14], $0x2000  }
0x278: {  	[sflag:s14] =	ssyncset.done $0x0  }
0x279: {  	[sflag:s14] =	ssyncadd.s32 $0xFFFFE000  }
0x27a: {  	_ =	swait.ge [sflag:s15], $0x2000  }
0x27b: {  	[sflag:s15] =	ssyncset.done $0x0  }
0x27c: {  	p0 =	seq.s32 s31, $0x1F;
	[sflag:s15] =	ssyncadd.s32 $0xFFFFE000  }
0x27d: {  	v0 =	vld.msk @!p0 [tilespmem:s0+$0x20], $0xff;
	_ =	sdelay $0x4  }
0x27e: {  	v2 =	vshll.u32 @!p0 v0, $0x3  }
0x27f: {  	v3 =	vlaneseq.u32 @!p0;
	v0 =	vand.u32 @!p0 $0x7, v0;
	v2 =	vand.u32 @!p0 $0xFFFFFFC0, v2  }
0x280: {  	v0 =	vor.u32 @!p0 v0, v2;
	v2 =	vand.u32 @!p0 $0x7, v3;
	v3 =	vshrl.u32 @!p0 v3, $0x3  }
0x281: {  	v0 =	vperm.xlane @!p0 v0, v2;
	v2 =	vmul.u32 @!p0 $0x8, v3;
	_ =	sdelay $0x1  }
0x282: {  	v0 =	vadd.s32 @!p0 v2, v0;
	_ =	sdelay $0x3  }
0x283: {  	vm1 =	vmmov @!p0 $0xffff;
	s25 =	simm.s32 @!p0 $0x400;
	s20 =	simm.s32 @!p0 $0x0  }
0x284: {  	[tilespmem:s25], [sflag:$0x1] =	stream.indirect_vreg.gather @!p0 [hbm4b:s3+s20], $0x80, v0, vm1, $0xb8;
	[tilespmem:$0x10400] =	vst v63  }
0x285: {  	s25 =	simm.s32 @!p0 $0xC00  }
0x286: {  	[tilespmem:s25], [sflag:$0x1] =	stream.indirect_vreg.gather @!p0 [hbm4b:s9+s20], $0x80, v0, vm1, $0xb8;
	[tilespmem:$0x10400] =	vst v63  }
0x287: {  	s25 =	simm.s32 @!p0 $0x1400  }
0x288: {  	[tilespmem:s25], [sflag:$0x1] =	stream.indirect_vreg.gather @!p0 [hbm4b:s10+s20], $0x80, v0, vm1, $0xb8;
	[tilespmem:$0x10400] =	vst v63  }
0x289: {  	s25 =	sadd.s32 @!p0 $0x20, s0  }
0x28a: {  	s26 =	simm.s32 @!p0 $0x1C00;
	s25 =	sadd.s32 @!p0 s5, s25  }
0x28b: {  	[tilespmem:s26], [sflag:$0x1] =	stream.indirect_vreg.gather @!p0 [hbm4b:s11+s20], $0x80, v0, vm1, $0xb8;
	[tilespmem:$0x10400] =	vst v63  }
0x28c: {  	s25 =	sshll.u32 @!p0 s25, $0x7  }
0x28d: {  	s26 =	simm.s32 @!p0 $0x8400;
	s25 =	sadd.s32 @!p0 s1, s25  }
0x28e: {  	[tilespmem:s26], [sflag:$0x5] =	stream.linear.gather @!p0 [hbm4b:s25+s20], $0x2000, $0x38;
	[tilespmem:$0x10400] =	vst v63  }
0x28f: {  	s20 =	simm.s32 $0x0;
	s25 =	simm.s32 $0x200  }
.LBB2_7:
0x290: {  	p1 =	sne.s32 s25, $0xE00;
	v0 =	vld [tilespmem:s20+$0xE070]  }
0x291: {  	v2 =	vld [tilespmem:s20+$0xC400]  }
0x292: {  	v3 =	vld [tilespmem:s20+$0xC410]  }
0x293: {  	v4 =	vld [tilespmem:s20+$0xC420]  }
0x294: {  	v5 =	vld [tilespmem:s20+$0xC430]  }
0x295: {  	[tilespmem:s20+$0x6070] =	vst.add.f32.msk $0xffff, v0  }
0x296: {  	v0 =	vld [tilespmem:s20+$0xC440]  }
0x297: {  	v6 =	vld [tilespmem:s20+$0xC450]  }
0x298: {  	v7 =	vld [tilespmem:s20+$0xC460]  }
0x299: {  	v8 =	vld [tilespmem:s20+$0xC470]  }
0x29a: {  	v9 =	vld [tilespmem:s20+$0xC800]  }
0x29b: {  	v10 =	vld [tilespmem:s20+$0xC810]  }
0x29c: {  	v11 =	vld [tilespmem:s20+$0xC820]  }
0x29d: {  	v12 =	vld [tilespmem:s20+$0xC830]  }
0x29e: {  	v13 =	vld [tilespmem:s20+$0xC840]  }
0x29f: {  	v14 =	vld [tilespmem:s20+$0xC850]  }
0x2a0: {  	v15 =	vld [tilespmem:s20+$0xC860]  }
0x2a1: {  	v16 =	vld [tilespmem:s20+$0xC870]  }
0x2a2: {  	v17 =	vld [tilespmem:s20+$0xCC00]  }
0x2a3: {  	v18 =	vld [tilespmem:s20+$0xCC10]  }
0x2a4: {  	v19 =	vld [tilespmem:s20+$0xCC20]  }
0x2a5: {  	v20 =	vld [tilespmem:s20+$0xCC30]  }
0x2a6: {  	v21 =	vld [tilespmem:s20+$0xCC40]  }
0x2a7: {  	v22 =	vld [tilespmem:s20+$0xCC50]  }
0x2a8: {  	v23 =	vld [tilespmem:s20+$0xCC60]  }
0x2a9: {  	v24 =	vld [tilespmem:s20+$0xCC70]  }
0x2aa: {  	v25 =	vld [tilespmem:s20+$0xD000]  }
0x2ab: {  	v26 =	vld [tilespmem:s20+$0xD010]  }
0x2ac: {  	v27 =	vld [tilespmem:s20+$0xD020]  }
0x2ad: {  	v28 =	vld [tilespmem:s20+$0xD030]  }
0x2ae: {  	v29 =	vld [tilespmem:s20+$0xD040]  }
0x2af: {  	v30 =	vld [tilespmem:s20+$0xD050]  }
0x2b0: {  	v31 =	vld [tilespmem:s20+$0xD060]  }
0x2b1: {  	v32 =	vld [tilespmem:s20+$0xD070]  }
0x2b2: {  	v33 =	vld [tilespmem:s20+$0xD400]  }
0x2b3: {  	v34 =	vld [tilespmem:s20+$0xD410]  }
0x2b4: {  	v35 =	vld [tilespmem:s20+$0xD420]  }
0x2b5: {  	v36 =	vld [tilespmem:s20+$0xD430]  }
0x2b6: {  	v37 =	vld [tilespmem:s20+$0xD440]  }
0x2b7: {  	v38 =	vld [tilespmem:s20+$0xD450]  }
0x2b8: {  	v39 =	vld [tilespmem:s20+$0xD460]  }
0x2b9: {  	v40 =	vld [tilespmem:s20+$0xD470]  }
0x2ba: {  	v41 =	vld [tilespmem:s20+$0xD800]  }
0x2bb: {  	v42 =	vld [tilespmem:s20+$0xD810]  }
0x2bc: {  	v43 =	vld [tilespmem:s20+$0xD820]  }
0x2bd: {  	v44 =	vld [tilespmem:s20+$0xD830]  }
0x2be: {  	v45 =	vld [tilespmem:s20+$0xD840]  }
0x2bf: {  	v46 =	vld [tilespmem:s20+$0xD850]  }
0x2c0: {  	v47 =	vld [tilespmem:s20+$0xD860]  }
0x2c1: {  	v48 =	vld [tilespmem:s20+$0xD870]  }
0x2c2: {  	v49 =	vld [tilespmem:s20+$0xDC00]  }
0x2c3: {  	v50 =	vld [tilespmem:s20+$0xDC10]  }
0x2c4: {  	v51 =	vld [tilespmem:s20+$0xDC20]  }
0x2c5: {  	v52 =	vld [tilespmem:s20+$0xDC30]  }
0x2c6: {  	v53 =	vld [tilespmem:s20+$0xDC40]  }
0x2c7: {  	v54 =	vld [tilespmem:s20+$0xDC50]  }
0x2c8: {  	v55 =	vld [tilespmem:s20+$0xDC60]  }
0x2c9: {  	v56 =	vld [tilespmem:s20+$0xDC70]  }
0x2ca: {  	v57 =	vld [tilespmem:s20+$0xE000]  }
0x2cb: {  	v58 =	vld [tilespmem:s20+$0xE010]  }
0x2cc: {  	v59 =	vld [tilespmem:s20+$0xE020]  }
0x2cd: {  	v60 =	vld [tilespmem:s20+$0xE030]  }
0x2ce: {  	v61 =	vld [tilespmem:s20+$0xE040]  }
0x2cf: {  	v62 =	vld [tilespmem:s20+$0xE050]  }
0x2d0: {  	v63 =	vld [tilespmem:s20+$0xE060]  }
0x2d1: {  	[tilespmem:s20+$0x4400] =	vst.add.f32.msk $0xffff, v2  }
0x2d2: {  	[tilespmem:s20+$0x4410] =	vst.add.f32.msk $0xffff, v3  }
0x2d3: {  	[tilespmem:s20+$0x4420] =	vst.add.f32.msk $0xffff, v4  }
0x2d4: {  	[tilespmem:s20+$0x4430] =	vst.add.f32.msk $0xffff, v5  }
0x2d5: {  	[tilespmem:s20+$0x4440] =	vst.add.f32.msk $0xffff, v0  }
0x2d6: {  	[tilespmem:s20+$0x4450] =	vst.add.f32.msk $0xffff, v6  }
0x2d7: {  	[tilespmem:s20+$0x4460] =	vst.add.f32.msk $0xffff, v7  }
0x2d8: {  	[tilespmem:s20+$0x4470] =	vst.add.f32.msk $0xffff, v8  }
0x2d9: {  	[tilespmem:s20+$0x4800] =	vst.add.f32.msk $0xffff, v9  }
0x2da: {  	[tilespmem:s20+$0x4810] =	vst.add.f32.msk $0xffff, v10  }
0x2db: {  	[tilespmem:s20+$0x4820] =	vst.add.f32.msk $0xffff, v11  }
0x2dc: {  	[tilespmem:s20+$0x4830] =	vst.add.f32.msk $0xffff, v12  }
0x2dd: {  	[tilespmem:s20+$0x4840] =	vst.add.f32.msk $0xffff, v13  }
0x2de: {  	[tilespmem:s20+$0x4850] =	vst.add.f32.msk $0xffff, v14  }
0x2df: {  	[tilespmem:s20+$0x4860] =	vst.add.f32.msk $0xffff, v15  }
0x2e0: {  	[tilespmem:s20+$0x4870] =	vst.add.f32.msk $0xffff, v16  }
0x2e1: {  	[tilespmem:s20+$0x4C00] =	vst.add.f32.msk $0xffff, v17  }
0x2e2: {  	[tilespmem:s20+$0x4C10] =	vst.add.f32.msk $0xffff, v18  }
0x2e3: {  	[tilespmem:s20+$0x4C20] =	vst.add.f32.msk $0xffff, v19  }
0x2e4: {  	[tilespmem:s20+$0x4C30] =	vst.add.f32.msk $0xffff, v20  }
0x2e5: {  	[tilespmem:s20+$0x4C40] =	vst.add.f32.msk $0xffff, v21  }
0x2e6: {  	[tilespmem:s20+$0x4C50] =	vst.add.f32.msk $0xffff, v22  }
0x2e7: {  	[tilespmem:s20+$0x4C60] =	vst.add.f32.msk $0xffff, v23  }
0x2e8: {  	[tilespmem:s20+$0x4C70] =	vst.add.f32.msk $0xffff, v24  }
0x2e9: {  	[tilespmem:s20+$0x5000] =	vst.add.f32.msk $0xffff, v25  }
0x2ea: {  	[tilespmem:s20+$0x5010] =	vst.add.f32.msk $0xffff, v26  }
0x2eb: {  	[tilespmem:s20+$0x5020] =	vst.add.f32.msk $0xffff, v27  }
0x2ec: {  	[tilespmem:s20+$0x5030] =	vst.add.f32.msk $0xffff, v28  }
0x2ed: {  	[tilespmem:s20+$0x5040] =	vst.add.f32.msk $0xffff, v29  }
0x2ee: {  	[tilespmem:s20+$0x5050] =	vst.add.f32.msk $0xffff, v30  }
0x2ef: {  	[tilespmem:s20+$0x5060] =	vst.add.f32.msk $0xffff, v31  }
0x2f0: {  	[tilespmem:s20+$0x5070] =	vst.add.f32.msk $0xffff, v32  }
0x2f1: {  	[tilespmem:s20+$0x5400] =	vst.add.f32.msk $0xffff, v33  }
0x2f2: {  	[tilespmem:s20+$0x5410] =	vst.add.f32.msk $0xffff, v34  }
0x2f3: {  	[tilespmem:s20+$0x5420] =	vst.add.f32.msk $0xffff, v35  }
0x2f4: {  	[tilespmem:s20+$0x5430] =	vst.add.f32.msk $0xffff, v36  }
0x2f5: {  	[tilespmem:s20+$0x5440] =	vst.add.f32.msk $0xffff, v37  }
0x2f6: {  	[tilespmem:s20+$0x5450] =	vst.add.f32.msk $0xffff, v38  }
0x2f7: {  	[tilespmem:s20+$0x5460] =	vst.add.f32.msk $0xffff, v39  }
0x2f8: {  	[tilespmem:s20+$0x5470] =	vst.add.f32.msk $0xffff, v40  }
0x2f9: {  	[tilespmem:s20+$0x5800] =	vst.add.f32.msk $0xffff, v41  }
0x2fa: {  	[tilespmem:s20+$0x5810] =	vst.add.f32.msk $0xffff, v42  }
0x2fb: {  	[tilespmem:s20+$0x5820] =	vst.add.f32.msk $0xffff, v43  }
0x2fc: {  	[tilespmem:s20+$0x5830] =	vst.add.f32.msk $0xffff, v44  }
0x2fd: {  	[tilespmem:s20+$0x5840] =	vst.add.f32.msk $0xffff, v45  }
0x2fe: {  	[tilespmem:s20+$0x5850] =	vst.add.f32.msk $0xffff, v46  }
0x2ff: {  	[tilespmem:s20+$0x5860] =	vst.add.f32.msk $0xffff, v47  }
0x300: {  	[tilespmem:s20+$0x5870] =	vst.add.f32.msk $0xffff, v48  }
0x301: {  	[tilespmem:s20+$0x5C00] =	vst.add.f32.msk $0xffff, v49  }
0x302: {  	[tilespmem:s20+$0x5C10] =	vst.add.f32.msk $0xffff, v50  }
0x303: {  	[tilespmem:s20+$0x5C20] =	vst.add.f32.msk $0xffff, v51  }
0x304: {  	[tilespmem:s20+$0x5C30] =	vst.add.f32.msk $0xffff, v52  }
0x305: {  	[tilespmem:s20+$0x5C40] =	vst.add.f32.msk $0xffff, v53  }
0x306: {  	[tilespmem:s20+$0x5C50] =	vst.add.f32.msk $0xffff, v54  }
0x307: {  	[tilespmem:s20+$0x5C60] =	vst.add.f32.msk $0xffff, v55  }
0x308: {  	[tilespmem:s20+$0x5C70] =	vst.add.f32.msk $0xffff, v56  }
0x309: {  	[tilespmem:s20+$0x6000] =	vst.add.f32.msk $0xffff, v57  }
0x30a: {  	[tilespmem:s20+$0x6010] =	vst.add.f32.msk $0xffff, v58  }
.Ltmp2:
0x30b: {  	[tilespmem:s20+$0x6020] =	vst.add.f32.msk $0xffff, v59;
	(pc) =	sbr.rel @p1 .LBB2_7-.Ltmp2, $4  }
0x30c: {  	[tilespmem:s20+$0x6030] =	vst.add.f32.msk $0xffff, v60  }
0x30d: {  	[tilespmem:s20+$0x6040] =	vst.add.f32.msk $0xffff, v61  }
0x30e: {  	[tilespmem:s20+$0x6050] =	vst.add.f32.msk $0xffff, v62  }
0x30f: {  	[tilespmem:s20+$0x6060] =	vst.add.f32.msk $0xffff, v63;
	s20 =	sshra.s32 s25, $0x2;
	s25 =	sadd.s32 $0x200, s25  }
0x310: {  	v0 =	vld [tilespmem:s20+$0xE070]  }
0x311: {  	v2 =	vld [tilespmem:s20+$0xC400]  }
0x312: {  	v3 =	vld [tilespmem:s20+$0xC410]  }
0x313: {  	v4 =	vld [tilespmem:s20+$0xC420]  }
0x314: {  	v5 =	vld [tilespmem:s20+$0xC430]  }
0x315: {  	v6 =	vld [tilespmem:s20+$0xC450]  }
0x316: {  	v7 =	vld [tilespmem:s20+$0xC460]  }
0x317: {  	v8 =	vld [tilespmem:s20+$0xC470]  }
0x318: {  	v9 =	vld [tilespmem:s20+$0xC800]  }
0x319: {  	v10 =	vld [tilespmem:s20+$0xC810]  }
0x31a: {  	v11 =	vld [tilespmem:s20+$0xC820]  }
0x31b: {  	v12 =	vld [tilespmem:s20+$0xC830]  }
0x31c: {  	v13 =	vld [tilespmem:s20+$0xC840]  }
0x31d: {  	v14 =	vld [tilespmem:s20+$0xC850]  }
0x31e: {  	v15 =	vld [tilespmem:s20+$0xC860]  }
0x31f: {  	v16 =	vld [tilespmem:s20+$0xC870]  }
0x320: {  	v17 =	vld [tilespmem:s20+$0xCC00]  }
0x321: {  	v18 =	vld [tilespmem:s20+$0xCC10]  }
0x322: {  	v19 =	vld [tilespmem:s20+$0xCC20]  }
0x323: {  	v20 =	vld [tilespmem:s20+$0xCC30]  }
0x324: {  	v21 =	vld [tilespmem:s20+$0xCC40]  }
0x325: {  	v22 =	vld [tilespmem:s20+$0xCC50]  }
0x326: {  	v23 =	vld [tilespmem:s20+$0xCC60]  }
0x327: {  	v24 =	vld [tilespmem:s20+$0xCC70]  }
0x328: {  	v25 =	vld [tilespmem:s20+$0xD000]  }
0x329: {  	v26 =	vld [tilespmem:s20+$0xD010]  }
0x32a: {  	v27 =	vld [tilespmem:s20+$0xD020]  }
0x32b: {  	v28 =	vld [tilespmem:s20+$0xD030]  }
0x32c: {  	v29 =	vld [tilespmem:s20+$0xD040]  }
0x32d: {  	v30 =	vld [tilespmem:s20+$0xD050]  }
0x32e: {  	v31 =	vld [tilespmem:s20+$0xD060]  }
0x32f: {  	v32 =	vld [tilespmem:s20+$0xD070]  }
0x330: {  	v33 =	vld [tilespmem:s20+$0xD400]  }
0x331: {  	v34 =	vld [tilespmem:s20+$0xD410]  }
0x332: {  	v35 =	vld [tilespmem:s20+$0xD420]  }
0x333: {  	v36 =	vld [tilespmem:s20+$0xD430]  }
0x334: {  	v37 =	vld [tilespmem:s20+$0xD440]  }
0x335: {  	v38 =	vld [tilespmem:s20+$0xD450]  }
0x336: {  	v39 =	vld [tilespmem:s20+$0xD460]  }
0x337: {  	v40 =	vld [tilespmem:s20+$0xD470]  }
0x338: {  	v41 =	vld [tilespmem:s20+$0xD800]  }
0x339: {  	v42 =	vld [tilespmem:s20+$0xD810]  }
0x33a: {  	v43 =	vld [tilespmem:s20+$0xD820]  }
0x33b: {  	v44 =	vld [tilespmem:s20+$0xD830]  }
0x33c: {  	v45 =	vld [tilespmem:s20+$0xD840]  }
0x33d: {  	v46 =	vld [tilespmem:s20+$0xD850]  }
0x33e: {  	v47 =	vld [tilespmem:s20+$0xD860]  }
0x33f: {  	v48 =	vld [tilespmem:s20+$0xD870]  }
0x340: {  	v49 =	vld [tilespmem:s20+$0xDC00]  }
0x341: {  	v50 =	vld [tilespmem:s20+$0xDC10]  }
0x342: {  	v51 =	vld [tilespmem:s20+$0xDC20]  }
0x343: {  	v52 =	vld [tilespmem:s20+$0xDC30]  }
0x344: {  	v53 =	vld [tilespmem:s20+$0xDC40]  }
0x345: {  	v54 =	vld [tilespmem:s20+$0xDC50]  }
0x346: {  	v55 =	vld [tilespmem:s20+$0xDC60]  }
0x347: {  	v56 =	vld [tilespmem:s20+$0xDC70]  }
0x348: {  	v57 =	vld [tilespmem:s20+$0xE000]  }
0x349: {  	v58 =	vld [tilespmem:s20+$0xE010]  }
0x34a: {  	v59 =	vld [tilespmem:s20+$0xE020]  }
0x34b: {  	v60 =	vld [tilespmem:s20+$0xE030]  }
0x34c: {  	v61 =	vld [tilespmem:s20+$0xE040]  }
0x34d: {  	v62 =	vld [tilespmem:s20+$0xE050]  }
0x34e: {  	v63 =	vld [tilespmem:s20+$0xE060]  }
0x34f: {  	[tilespmem:s20+$0x6070] =	vst.add.f32.msk $0xffff, v0  }
0x350: {  	v0 =	vld [tilespmem:s20+$0xC440]  }
0x351: {  	[tilespmem:s20+$0x4400] =	vst.add.f32.msk $0xffff, v2  }
0x352: {  	[tilespmem:s20+$0x4410] =	vst.add.f32.msk $0xffff, v3  }
0x353: {  	[tilespmem:s20+$0x4420] =	vst.add.f32.msk $0xffff, v4  }
0x354: {  	[tilespmem:s20+$0x4430] =	vst.add.f32.msk $0xffff, v5  }
0x355: {  	[tilespmem:s20+$0x4450] =	vst.add.f32.msk $0xffff, v6  }
0x356: {  	[tilespmem:s20+$0x4460] =	vst.add.f32.msk $0xffff, v7  }
0x357: {  	[tilespmem:s20+$0x4470] =	vst.add.f32.msk $0xffff, v8  }
0x358: {  	[tilespmem:s20+$0x4800] =	vst.add.f32.msk $0xffff, v9  }
0x359: {  	[tilespmem:s20+$0x4810] =	vst.add.f32.msk $0xffff, v10  }
0x35a: {  	[tilespmem:s20+$0x4820] =	vst.add.f32.msk $0xffff, v11  }
0x35b: {  	[tilespmem:s20+$0x4830] =	vst.add.f32.msk $0xffff, v12  }
0x35c: {  	[tilespmem:s20+$0x4840] =	vst.add.f32.msk $0xffff, v13  }
0x35d: {  	[tilespmem:s20+$0x4850] =	vst.add.f32.msk $0xffff, v14  }
0x35e: {  	[tilespmem:s20+$0x4860] =	vst.add.f32.msk $0xffff, v15  }
0x35f: {  	[tilespmem:s20+$0x4870] =	vst.add.f32.msk $0xffff, v16  }
0x360: {  	[tilespmem:s20+$0x4C00] =	vst.add.f32.msk $0xffff, v17  }
0x361: {  	[tilespmem:s20+$0x4C10] =	vst.add.f32.msk $0xffff, v18  }
0x362: {  	[tilespmem:s20+$0x4C20] =	vst.add.f32.msk $0xffff, v19  }
0x363: {  	[tilespmem:s20+$0x4C30] =	vst.add.f32.msk $0xffff, v20  }
0x364: {  	[tilespmem:s20+$0x4C40] =	vst.add.f32.msk $0xffff, v21  }
0x365: {  	[tilespmem:s20+$0x4C50] =	vst.add.f32.msk $0xffff, v22  }
0x366: {  	[tilespmem:s20+$0x4C60] =	vst.add.f32.msk $0xffff, v23  }
0x367: {  	[tilespmem:s20+$0x4C70] =	vst.add.f32.msk $0xffff, v24  }
0x368: {  	[tilespmem:s20+$0x5000] =	vst.add.f32.msk $0xffff, v25  }
0x369: {  	[tilespmem:s20+$0x5010] =	vst.add.f32.msk $0xffff, v26  }
0x36a: {  	[tilespmem:s20+$0x5020] =	vst.add.f32.msk $0xffff, v27  }
0x36b: {  	[tilespmem:s20+$0x5030] =	vst.add.f32.msk $0xffff, v28  }
0x36c: {  	[tilespmem:s20+$0x5040] =	vst.add.f32.msk $0xffff, v29  }
0x36d: {  	[tilespmem:s20+$0x5050] =	vst.add.f32.msk $0xffff, v30  }
0x36e: {  	[tilespmem:s20+$0x5060] =	vst.add.f32.msk $0xffff, v31  }
0x36f: {  	[tilespmem:s20+$0x5070] =	vst.add.f32.msk $0xffff, v32  }
0x370: {  	[tilespmem:s20+$0x5400] =	vst.add.f32.msk $0xffff, v33  }
0x371: {  	[tilespmem:s20+$0x5410] =	vst.add.f32.msk $0xffff, v34  }
0x372: {  	[tilespmem:s20+$0x5420] =	vst.add.f32.msk $0xffff, v35  }
0x373: {  	[tilespmem:s20+$0x5430] =	vst.add.f32.msk $0xffff, v36  }
0x374: {  	[tilespmem:s20+$0x5440] =	vst.add.f32.msk $0xffff, v37  }
0x375: {  	[tilespmem:s20+$0x5450] =	vst.add.f32.msk $0xffff, v38  }
0x376: {  	[tilespmem:s20+$0x5460] =	vst.add.f32.msk $0xffff, v39  }
0x377: {  	[tilespmem:s20+$0x5470] =	vst.add.f32.msk $0xffff, v40  }
0x378: {  	[tilespmem:s20+$0x5800] =	vst.add.f32.msk $0xffff, v41  }
0x379: {  	[tilespmem:s20+$0x5810] =	vst.add.f32.msk $0xffff, v42  }
0x37a: {  	[tilespmem:s20+$0x5820] =	vst.add.f32.msk $0xffff, v43  }
0x37b: {  	[tilespmem:s20+$0x5830] =	vst.add.f32.msk $0xffff, v44  }
0x37c: {  	[tilespmem:s20+$0x5840] =	vst.add.f32.msk $0xffff, v45  }
0x37d: {  	[tilespmem:s20+$0x5850] =	vst.add.f32.msk $0xffff, v46  }
0x37e: {  	[tilespmem:s20+$0x5860] =	vst.add.f32.msk $0xffff, v47  }
0x37f: {  	[tilespmem:s20+$0x5870] =	vst.add.f32.msk $0xffff, v48  }
0x380: {  	[tilespmem:s20+$0x5C00] =	vst.add.f32.msk $0xffff, v49  }
0x381: {  	[tilespmem:s20+$0x5C10] =	vst.add.f32.msk $0xffff, v50  }
0x382: {  	[tilespmem:s20+$0x5C20] =	vst.add.f32.msk $0xffff, v51  }
0x383: {  	[tilespmem:s20+$0x5C30] =	vst.add.f32.msk $0xffff, v52  }
0x384: {  	[tilespmem:s20+$0x5C40] =	vst.add.f32.msk $0xffff, v53  }
0x385: {  	[tilespmem:s20+$0x5C50] =	vst.add.f32.msk $0xffff, v54  }
0x386: {  	[tilespmem:s20+$0x5C60] =	vst.add.f32.msk $0xffff, v55  }
0x387: {  	[tilespmem:s20+$0x5C70] =	vst.add.f32.msk $0xffff, v56  }
0x388: {  	[tilespmem:s20+$0x6000] =	vst.add.f32.msk $0xffff, v57  }
0x389: {  	[tilespmem:s20+$0x6010] =	vst.add.f32.msk $0xffff, v58  }
0x38a: {  	[tilespmem:s20+$0x6020] =	vst.add.f32.msk $0xffff, v59  }
0x38b: {  	[tilespmem:s20+$0x6030] =	vst.add.f32.msk $0xffff, v60  }
0x38c: {  	[tilespmem:s20+$0x6040] =	vst.add.f32.msk $0xffff, v61  }
0x38d: {  	s2 =	sadd.s32 s7, s2;
	[tilespmem:s20+$0x6050] =	vst.add.f32.msk $0xffff, v62  }
0x38e: {  	s2 =	sshll.u32 s2, $0xA;
	[tilespmem:s20+$0x6060] =	vst.add.f32.msk $0xffff, v63  }
0x38f: {  	s2 =	sadd.s32 s4, s2;
	[tilespmem:s20+$0x4440] =	vst.add.f32.msk $0xffff, v0  }
0x390: {  	[hbm4b:s2+s6] =	stream.linear.scatter [tilespmem:s30], [sflag:$0xB], $0x2000, $0x38;
	[tilespmem:$0x10400] =	vst v63  }
0x391: {  	_ =	swait.ge [sflag:s16], $0x2000  }
0x392: {  	[sflag:s16] =	ssyncset.done $0x0  }
0x393: {  	[sflag:s16] =	ssyncadd.s32 $0xFFFFE000  }
0x394: {  	_ =	swait.ge [sflag:s12], $0x2000  }
0x395: {  	[sflag:s12] =	ssyncset.done $0x0  }
0x396: {  	[sflag:s12] =	ssyncadd.s32 $0xFFFFE000  }
0x397: {  	_ =	swait.ge [sflag:s18], $0x2000  }
0x398: {  	[sflag:s18] =	ssyncset.done $0x0  }
0x399: {  	[sflag:s18] =	ssyncadd.s32 $0xFFFFE000  }
0x39a: {  	v0 =	vld.msk @!p0 [tilespmem:s0+$0x28], $0xff;
	_ =	sdelay $0x4  }
0x39b: {  	v2 =	vshll.u32 @!p0 v0, $0x3  }
0x39c: {  	v3 =	vlaneseq.u32 @!p0;
	v0 =	vand.u32 @!p0 $0x7, v0;
	v2 =	vand.u32 @!p0 $0xFFFFFFC0, v2  }
0x39d: {  	v0 =	vor.u32 @!p0 v0, v2;
	v2 =	vand.u32 @!p0 $0x7, v3;
	v3 =	vshrl.u32 @!p0 v3, $0x3  }
0x39e: {  	v0 =	vperm.xlane @!p0 v0, v2;
	v2 =	vmul.u32 @!p0 $0x8, v3;
	_ =	sdelay $0x1  }
0x39f: {  	v0 =	vadd.s32 @!p0 v2, v0;
	_ =	sdelay $0x3  }
0x3a0: {  	s20 =	simm.s32 @!p0 $0x2400;
	s2 =	simm.s32 @!p0 $0x0  }
0x3a1: {  	[tilespmem:s20], [sflag:$0x2] =	stream.indirect_vreg.gather @!p0 [hbm4b:s3+s2], $0x80, v0, vm1, $0xb8;
	[tilespmem:$0x10400] =	vst v63  }
0x3a2: {  	s0 =	sadd.s32 @!p0 $0x28, s0;
	s20 =	simm.s32 @!p0 $0x2C00  }
0x3a3: {  	[tilespmem:s20], [sflag:$0x2] =	stream.indirect_vreg.gather @!p0 [hbm4b:s9+s2], $0x80, v0, vm1, $0xb8;
	[tilespmem:$0x10400] =	vst v63  }
0x3a4: {  	s0 =	sadd.s32 @!p0 s5, s0;
	s20 =	simm.s32 @!p0 $0x3400  }
0x3a5: {  	[tilespmem:s20], [sflag:$0x2] =	stream.indirect_vreg.gather @!p0 [hbm4b:s10+s2], $0x80, v0, vm1, $0xb8;
	[tilespmem:$0x10400] =	vst v63  }
0x3a6: {  	s0 =	sshll.u32 @!p0 s0, $0x7;
	s20 =	simm.s32 @!p0 $0x3C00  }
0x3a7: {  	[tilespmem:s20], [sflag:$0x2] =	stream.indirect_vreg.gather @!p0 [hbm4b:s11+s2], $0x80, v0, vm1, $0xb8;
	[tilespmem:$0x10400] =	vst v63  }
0x3a8: {  	s0 =	sadd.s32 @!p0 s1, s0;
	s20 =	simm.s32 @!p0 $0xA400  }
0x3a9: {  	[tilespmem:s20], [sflag:$0x6] =	stream.linear.gather @!p0 [hbm4b:s0+s2], $0x2000, $0x38;
	[tilespmem:$0x10400] =	vst v63  }
0x3aa: {  	s0 =	simm.s32 $0x0;
	s2 =	simm.s32 $0x200  }
.LBB2_9:
0x3ab: {  	p0 =	sne.s32 s2, $0xE00;
	v0 =	vld [tilespmem:s0+$0x10070]  }
0x3ac: {  	v2 =	vld [tilespmem:s0+$0xE400]  }
0x3ad: {  	v3 =	vld [tilespmem:s0+$0xE410]  }
0x3ae: {  	v4 =	vld [tilespmem:s0+$0xE420]  }
0x3af: {  	v5 =	vld [tilespmem:s0+$0xE430]  }
0x3b0: {  	[tilespmem:s0+$0x8070] =	vst.add.f32.msk $0xffff, v0  }
0x3b1: {  	v0 =	vld [tilespmem:s0+$0xE440]  }
0x3b2: {  	v6 =	vld [tilespmem:s0+$0xE450]  }
0x3b3: {  	v7 =	vld [tilespmem:s0+$0xE460]  }
0x3b4: {  	v8 =	vld [tilespmem:s0+$0xE470]  }
0x3b5: {  	v9 =	vld [tilespmem:s0+$0xE800]  }
0x3b6: {  	v10 =	vld [tilespmem:s0+$0xE810]  }
0x3b7: {  	v11 =	vld [tilespmem:s0+$0xE820]  }
0x3b8: {  	v12 =	vld [tilespmem:s0+$0xE830]  }
0x3b9: {  	v13 =	vld [tilespmem:s0+$0xE840]  }
0x3ba: {  	v14 =	vld [tilespmem:s0+$0xE850]  }
0x3bb: {  	v15 =	vld [tilespmem:s0+$0xE860]  }
0x3bc: {  	v16 =	vld [tilespmem:s0+$0xE870]  }
0x3bd: {  	v17 =	vld [tilespmem:s0+$0xEC00]  }
0x3be: {  	v18 =	vld [tilespmem:s0+$0xEC10]  }
0x3bf: {  	v19 =	vld [tilespmem:s0+$0xEC20]  }
0x3c0: {  	v20 =	vld [tilespmem:s0+$0xEC30]  }
0x3c1: {  	v21 =	vld [tilespmem:s0+$0xEC40]  }
0x3c2: {  	v22 =	vld [tilespmem:s0+$0xEC50]  }
0x3c3: {  	v23 =	vld [tilespmem:s0+$0xEC60]  }
0x3c4: {  	v24 =	vld [tilespmem:s0+$0xEC70]  }
0x3c5: {  	v25 =	vld [tilespmem:s0+$0xF000]  }
0x3c6: {  	v26 =	vld [tilespmem:s0+$0xF010]  }
0x3c7: {  	v27 =	vld [tilespmem:s0+$0xF020]  }
0x3c8: {  	v28 =	vld [tilespmem:s0+$0xF030]  }
0x3c9: {  	v29 =	vld [tilespmem:s0+$0xF040]  }
0x3ca: {  	v30 =	vld [tilespmem:s0+$0xF050]  }
0x3cb: {  	v31 =	vld [tilespmem:s0+$0xF060]  }
0x3cc: {  	v32 =	vld [tilespmem:s0+$0xF070]  }
0x3cd: {  	v33 =	vld [tilespmem:s0+$0xF400]  }
0x3ce: {  	v34 =	vld [tilespmem:s0+$0xF410]  }
0x3cf: {  	v35 =	vld [tilespmem:s0+$0xF420]  }
0x3d0: {  	v36 =	vld [tilespmem:s0+$0xF430]  }
0x3d1: {  	v37 =	vld [tilespmem:s0+$0xF440]  }
0x3d2: {  	v38 =	vld [tilespmem:s0+$0xF450]  }
0x3d3: {  	v39 =	vld [tilespmem:s0+$0xF460]  }
0x3d4: {  	v40 =	vld [tilespmem:s0+$0xF470]  }
0x3d5: {  	v41 =	vld [tilespmem:s0+$0xF800]  }
0x3d6: {  	v42 =	vld [tilespmem:s0+$0xF810]  }
0x3d7: {  	v43 =	vld [tilespmem:s0+$0xF820]  }
0x3d8: {  	v44 =	vld [tilespmem:s0+$0xF830]  }
0x3d9: {  	v45 =	vld [tilespmem:s0+$0xF840]  }
0x3da: {  	v46 =	vld [tilespmem:s0+$0xF850]  }
0x3db: {  	v47 =	vld [tilespmem:s0+$0xF860]  }
0x3dc: {  	v48 =	vld [tilespmem:s0+$0xF870]  }
0x3dd: {  	v49 =	vld [tilespmem:s0+$0xFC00]  }
0x3de: {  	v50 =	vld [tilespmem:s0+$0xFC10]  }
0x3df: {  	v51 =	vld [tilespmem:s0+$0xFC20]  }
0x3e0: {  	v52 =	vld [tilespmem:s0+$0xFC30]  }
0x3e1: {  	v53 =	vld [tilespmem:s0+$0xFC40]  }
0x3e2: {  	v54 =	vld [tilespmem:s0+$0xFC50]  }
0x3e3: {  	v55 =	vld [tilespmem:s0+$0xFC60]  }
0x3e4: {  	v56 =	vld [tilespmem:s0+$0xFC70]  }
0x3e5: {  	v57 =	vld [tilespmem:s0+$0x10000]  }
0x3e6: {  	v58 =	vld [tilespmem:s0+$0x10010]  }
0x3e7: {  	v59 =	vld [tilespmem:s0+$0x10020]  }
0x3e8: {  	v60 =	vld [tilespmem:s0+$0x10030]  }
0x3e9: {  	v61 =	vld [tilespmem:s0+$0x10040]  }
0x3ea: {  	v62 =	vld [tilespmem:s0+$0x10050]  }
0x3eb: {  	v63 =	vld [tilespmem:s0+$0x10060]  }
0x3ec: {  	[tilespmem:s0+$0x6400] =	vst.add.f32.msk $0xffff, v2  }
0x3ed: {  	[tilespmem:s0+$0x6410] =	vst.add.f32.msk $0xffff, v3  }
0x3ee: {  	[tilespmem:s0+$0x6420] =	vst.add.f32.msk $0xffff, v4  }
0x3ef: {  	[tilespmem:s0+$0x6430] =	vst.add.f32.msk $0xffff, v5  }
0x3f0: {  	[tilespmem:s0+$0x6440] =	vst.add.f32.msk $0xffff, v0  }
0x3f1: {  	[tilespmem:s0+$0x6450] =	vst.add.f32.msk $0xffff, v6  }
0x3f2: {  	[tilespmem:s0+$0x6460] =	vst.add.f32.msk $0xffff, v7  }
0x3f3: {  	[tilespmem:s0+$0x6470] =	vst.add.f32.msk $0xffff, v8  }
0x3f4: {  	[tilespmem:s0+$0x6800] =	vst.add.f32.msk $0xffff, v9  }
0x3f5: {  	[tilespmem:s0+$0x6810] =	vst.add.f32.msk $0xffff, v10  }
0x3f6: {  	[tilespmem:s0+$0x6820] =	vst.add.f32.msk $0xffff, v11  }
0x3f7: {  	[tilespmem:s0+$0x6830] =	vst.add.f32.msk $0xffff, v12  }
0x3f8: {  	[tilespmem:s0+$0x6840] =	vst.add.f32.msk $0xffff, v13  }
0x3f9: {  	[tilespmem:s0+$0x6850] =	vst.add.f32.msk $0xffff, v14  }
0x3fa: {  	[tilespmem:s0+$0x6860] =	vst.add.f32.msk $0xffff, v15  }
0x3fb: {  	[tilespmem:s0+$0x6870] =	vst.add.f32.msk $0xffff, v16  }
0x3fc: {  	[tilespmem:s0+$0x6C00] =	vst.add.f32.msk $0xffff, v17  }
0x3fd: {  	[tilespmem:s0+$0x6C10] =	vst.add.f32.msk $0xffff, v18  }
0x3fe: {  	[tilespmem:s0+$0x6C20] =	vst.add.f32.msk $0xffff, v19  }
0x3ff: {  	[tilespmem:s0+$0x6C30] =	vst.add.f32.msk $0xffff, v20  }
0x400: {  	[tilespmem:s0+$0x6C40] =	vst.add.f32.msk $0xffff, v21  }
0x401: {  	[tilespmem:s0+$0x6C50] =	vst.add.f32.msk $0xffff, v22  }
0x402: {  	[tilespmem:s0+$0x6C60] =	vst.add.f32.msk $0xffff, v23  }
0x403: {  	[tilespmem:s0+$0x6C70] =	vst.add.f32.msk $0xffff, v24  }
0x404: {  	[tilespmem:s0+$0x7000] =	vst.add.f32.msk $0xffff, v25  }
0x405: {  	[tilespmem:s0+$0x7010] =	vst.add.f32.msk $0xffff, v26  }
0x406: {  	[tilespmem:s0+$0x7020] =	vst.add.f32.msk $0xffff, v27  }
0x407: {  	[tilespmem:s0+$0x7030] =	vst.add.f32.msk $0xffff, v28  }
0x408: {  	[tilespmem:s0+$0x7040] =	vst.add.f32.msk $0xffff, v29  }
0x409: {  	[tilespmem:s0+$0x7050] =	vst.add.f32.msk $0xffff, v30  }
0x40a: {  	[tilespmem:s0+$0x7060] =	vst.add.f32.msk $0xffff, v31  }
0x40b: {  	[tilespmem:s0+$0x7070] =	vst.add.f32.msk $0xffff, v32  }
0x40c: {  	[tilespmem:s0+$0x7400] =	vst.add.f32.msk $0xffff, v33  }
0x40d: {  	[tilespmem:s0+$0x7410] =	vst.add.f32.msk $0xffff, v34  }
0x40e: {  	[tilespmem:s0+$0x7420] =	vst.add.f32.msk $0xffff, v35  }
0x40f: {  	[tilespmem:s0+$0x7430] =	vst.add.f32.msk $0xffff, v36  }
0x410: {  	[tilespmem:s0+$0x7440] =	vst.add.f32.msk $0xffff, v37  }
0x411: {  	[tilespmem:s0+$0x7450] =	vst.add.f32.msk $0xffff, v38  }
0x412: {  	[tilespmem:s0+$0x7460] =	vst.add.f32.msk $0xffff, v39  }
0x413: {  	[tilespmem:s0+$0x7470] =	vst.add.f32.msk $0xffff, v40  }
0x414: {  	[tilespmem:s0+$0x7800] =	vst.add.f32.msk $0xffff, v41  }
0x415: {  	[tilespmem:s0+$0x7810] =	vst.add.f32.msk $0xffff, v42  }
0x416: {  	[tilespmem:s0+$0x7820] =	vst.add.f32.msk $0xffff, v43  }
0x417: {  	[tilespmem:s0+$0x7830] =	vst.add.f32.msk $0xffff, v44  }
0x418: {  	[tilespmem:s0+$0x7840] =	vst.add.f32.msk $0xffff, v45  }
0x419: {  	[tilespmem:s0+$0x7850] =	vst.add.f32.msk $0xffff, v46  }
0x41a: {  	[tilespmem:s0+$0x7860] =	vst.add.f32.msk $0xffff, v47  }
0x41b: {  	[tilespmem:s0+$0x7870] =	vst.add.f32.msk $0xffff, v48  }
0x41c: {  	[tilespmem:s0+$0x7C00] =	vst.add.f32.msk $0xffff, v49  }
0x41d: {  	[tilespmem:s0+$0x7C10] =	vst.add.f32.msk $0xffff, v50  }
0x41e: {  	[tilespmem:s0+$0x7C20] =	vst.add.f32.msk $0xffff, v51  }
0x41f: {  	[tilespmem:s0+$0x7C30] =	vst.add.f32.msk $0xffff, v52  }
0x420: {  	[tilespmem:s0+$0x7C40] =	vst.add.f32.msk $0xffff, v53  }
0x421: {  	[tilespmem:s0+$0x7C50] =	vst.add.f32.msk $0xffff, v54  }
0x422: {  	[tilespmem:s0+$0x7C60] =	vst.add.f32.msk $0xffff, v55  }
0x423: {  	[tilespmem:s0+$0x7C70] =	vst.add.f32.msk $0xffff, v56  }
0x424: {  	[tilespmem:s0+$0x8000] =	vst.add.f32.msk $0xffff, v57  }
0x425: {  	[tilespmem:s0+$0x8010] =	vst.add.f32.msk $0xffff, v58  }
.Ltmp3:
0x426: {  	[tilespmem:s0+$0x8020] =	vst.add.f32.msk $0xffff, v59;
	(pc) =	sbr.rel @p0 .LBB2_9-.Ltmp3, $4  }
0x427: {  	[tilespmem:s0+$0x8030] =	vst.add.f32.msk $0xffff, v60  }
0x428: {  	[tilespmem:s0+$0x8040] =	vst.add.f32.msk $0xffff, v61  }
0x429: {  	[tilespmem:s0+$0x8050] =	vst.add.f32.msk $0xffff, v62  }
0x42a: {  	[tilespmem:s0+$0x8060] =	vst.add.f32.msk $0xffff, v63;
	s0 =	sshra.s32 s2, $0x2;
	s2 =	sadd.s32 $0x200, s2  }
0x42b: {  	v0 =	vld [tilespmem:s0+$0x10070]  }
0x42c: {  	v2 =	vld [tilespmem:s0+$0xE400]  }
0x42d: {  	v3 =	vld [tilespmem:s0+$0xE410]  }
0x42e: {  	v4 =	vld [tilespmem:s0+$0xE420]  }
0x42f: {  	v5 =	vld [tilespmem:s0+$0xE430]  }
0x430: {  	v6 =	vld [tilespmem:s0+$0xE450]  }
0x431: {  	v7 =	vld [tilespmem:s0+$0xE460]  }
0x432: {  	v8 =	vld [tilespmem:s0+$0xE470]  }
0x433: {  	v9 =	vld [tilespmem:s0+$0xE800]  }
0x434: {  	v10 =	vld [tilespmem:s0+$0xE810]  }
0x435: {  	v11 =	vld [tilespmem:s0+$0xE820]  }
0x436: {  	v12 =	vld [tilespmem:s0+$0xE830]  }
0x437: {  	v13 =	vld [tilespmem:s0+$0xE840]  }
0x438: {  	v14 =	vld [tilespmem:s0+$0xE850]  }
0x439: {  	v15 =	vld [tilespmem:s0+$0xE860]  }
0x43a: {  	v16 =	vld [tilespmem:s0+$0xE870]  }
0x43b: {  	v17 =	vld [tilespmem:s0+$0xEC00]  }
0x43c: {  	v18 =	vld [tilespmem:s0+$0xEC10]  }
0x43d: {  	v19 =	vld [tilespmem:s0+$0xEC20]  }
0x43e: {  	v20 =	vld [tilespmem:s0+$0xEC30]  }
0x43f: {  	v21 =	vld [tilespmem:s0+$0xEC40]  }
0x440: {  	v22 =	vld [tilespmem:s0+$0xEC50]  }
0x441: {  	v23 =	vld [tilespmem:s0+$0xEC60]  }
0x442: {  	v24 =	vld [tilespmem:s0+$0xEC70]  }
0x443: {  	v25 =	vld [tilespmem:s0+$0xF000]  }
0x444: {  	v26 =	vld [tilespmem:s0+$0xF010]  }
0x445: {  	v27 =	vld [tilespmem:s0+$0xF020]  }
0x446: {  	v28 =	vld [tilespmem:s0+$0xF030]  }
0x447: {  	v29 =	vld [tilespmem:s0+$0xF040]  }
0x448: {  	v30 =	vld [tilespmem:s0+$0xF050]  }
0x449: {  	v31 =	vld [tilespmem:s0+$0xF060]  }
0x44a: {  	v32 =	vld [tilespmem:s0+$0xF070]  }
0x44b: {  	v33 =	vld [tilespmem:s0+$0xF400]  }
0x44c: {  	v34 =	vld [tilespmem:s0+$0xF410]  }
0x44d: {  	v35 =	vld [tilespmem:s0+$0xF420]  }
0x44e: {  	v36 =	vld [tilespmem:s0+$0xF430]  }
0x44f: {  	v37 =	vld [tilespmem:s0+$0xF440]  }
0x450: {  	v38 =	vld [tilespmem:s0+$0xF450]  }
0x451: {  	v39 =	vld [tilespmem:s0+$0xF460]  }
0x452: {  	v40 =	vld [tilespmem:s0+$0xF470]  }
0x453: {  	v41 =	vld [tilespmem:s0+$0xF800]  }
0x454: {  	v42 =	vld [tilespmem:s0+$0xF810]  }
0x455: {  	v43 =	vld [tilespmem:s0+$0xF820]  }
0x456: {  	v44 =	vld [tilespmem:s0+$0xF830]  }
0x457: {  	v45 =	vld [tilespmem:s0+$0xF840]  }
0x458: {  	v46 =	vld [tilespmem:s0+$0xF850]  }
0x459: {  	v47 =	vld [tilespmem:s0+$0xF860]  }
0x45a: {  	v48 =	vld [tilespmem:s0+$0xF870]  }
0x45b: {  	v49 =	vld [tilespmem:s0+$0xFC00]  }
0x45c: {  	v50 =	vld [tilespmem:s0+$0xFC10]  }
0x45d: {  	v51 =	vld [tilespmem:s0+$0xFC20]  }
0x45e: {  	v52 =	vld [tilespmem:s0+$0xFC30]  }
0x45f: {  	v53 =	vld [tilespmem:s0+$0xFC40]  }
0x460: {  	v54 =	vld [tilespmem:s0+$0xFC50]  }
0x461: {  	v55 =	vld [tilespmem:s0+$0xFC60]  }
0x462: {  	v56 =	vld [tilespmem:s0+$0xFC70]  }
0x463: {  	v57 =	vld [tilespmem:s0+$0x10000]  }
0x464: {  	v58 =	vld [tilespmem:s0+$0x10010]  }
0x465: {  	v59 =	vld [tilespmem:s0+$0x10020]  }
0x466: {  	v60 =	vld [tilespmem:s0+$0x10030]  }
0x467: {  	v61 =	vld [tilespmem:s0+$0x10040]  }
0x468: {  	v62 =	vld [tilespmem:s0+$0x10050]  }
0x469: {  	v63 =	vld [tilespmem:s0+$0x10060]  }
0x46a: {  	[tilespmem:s0+$0x8070] =	vst.add.f32.msk $0xffff, v0  }
0x46b: {  	v0 =	vld [tilespmem:s0+$0xE440]  }
0x46c: {  	[tilespmem:s0+$0x6400] =	vst.add.f32.msk $0xffff, v2  }
0x46d: {  	[tilespmem:s0+$0x6410] =	vst.add.f32.msk $0xffff, v3  }
0x46e: {  	[tilespmem:s0+$0x6420] =	vst.add.f32.msk $0xffff, v4  }
0x46f: {  	[tilespmem:s0+$0x6430] =	vst.add.f32.msk $0xffff, v5  }
0x470: {  	[tilespmem:s0+$0x6450] =	vst.add.f32.msk $0xffff, v6  }
0x471: {  	[tilespmem:s0+$0x6460] =	vst.add.f32.msk $0xffff, v7  }
0x472: {  	[tilespmem:s0+$0x6470] =	vst.add.f32.msk $0xffff, v8  }
0x473: {  	[tilespmem:s0+$0x6800] =	vst.add.f32.msk $0xffff, v9  }
0x474: {  	[tilespmem:s0+$0x6810] =	vst.add.f32.msk $0xffff, v10  }
0x475: {  	[tilespmem:s0+$0x6820] =	vst.add.f32.msk $0xffff, v11  }
0x476: {  	[tilespmem:s0+$0x6830] =	vst.add.f32.msk $0xffff, v12  }
0x477: {  	[tilespmem:s0+$0x6840] =	vst.add.f32.msk $0xffff, v13  }
0x478: {  	[tilespmem:s0+$0x6850] =	vst.add.f32.msk $0xffff, v14  }
0x479: {  	[tilespmem:s0+$0x6860] =	vst.add.f32.msk $0xffff, v15  }
0x47a: {  	[tilespmem:s0+$0x6870] =	vst.add.f32.msk $0xffff, v16  }
0x47b: {  	[tilespmem:s0+$0x6C00] =	vst.add.f32.msk $0xffff, v17  }
0x47c: {  	[tilespmem:s0+$0x6C10] =	vst.add.f32.msk $0xffff, v18  }
0x47d: {  	[tilespmem:s0+$0x6C20] =	vst.add.f32.msk $0xffff, v19  }
0x47e: {  	[tilespmem:s0+$0x6C30] =	vst.add.f32.msk $0xffff, v20  }
0x47f: {  	[tilespmem:s0+$0x6C40] =	vst.add.f32.msk $0xffff, v21  }
0x480: {  	[tilespmem:s0+$0x6C50] =	vst.add.f32.msk $0xffff, v22  }
0x481: {  	[tilespmem:s0+$0x6C60] =	vst.add.f32.msk $0xffff, v23  }
0x482: {  	[tilespmem:s0+$0x6C70] =	vst.add.f32.msk $0xffff, v24  }
0x483: {  	[tilespmem:s0+$0x7000] =	vst.add.f32.msk $0xffff, v25  }
0x484: {  	[tilespmem:s0+$0x7010] =	vst.add.f32.msk $0xffff, v26  }
0x485: {  	[tilespmem:s0+$0x7020] =	vst.add.f32.msk $0xffff, v27  }
0x486: {  	[tilespmem:s0+$0x7030] =	vst.add.f32.msk $0xffff, v28  }
0x487: {  	[tilespmem:s0+$0x7040] =	vst.add.f32.msk $0xffff, v29  }
0x488: {  	[tilespmem:s0+$0x7050] =	vst.add.f32.msk $0xffff, v30  }
0x489: {  	[tilespmem:s0+$0x7060] =	vst.add.f32.msk $0xffff, v31  }
0x48a: {  	[tilespmem:s0+$0x7070] =	vst.add.f32.msk $0xffff, v32  }
0x48b: {  	[tilespmem:s0+$0x7400] =	vst.add.f32.msk $0xffff, v33  }
0x48c: {  	[tilespmem:s0+$0x7410] =	vst.add.f32.msk $0xffff, v34  }
0x48d: {  	[tilespmem:s0+$0x7420] =	vst.add.f32.msk $0xffff, v35  }
0x48e: {  	[tilespmem:s0+$0x7430] =	vst.add.f32.msk $0xffff, v36  }
0x48f: {  	[tilespmem:s0+$0x7440] =	vst.add.f32.msk $0xffff, v37  }
0x490: {  	[tilespmem:s0+$0x7450] =	vst.add.f32.msk $0xffff, v38  }
0x491: {  	[tilespmem:s0+$0x7460] =	vst.add.f32.msk $0xffff, v39  }
0x492: {  	[tilespmem:s0+$0x7470] =	vst.add.f32.msk $0xffff, v40  }
0x493: {  	[tilespmem:s0+$0x7800] =	vst.add.f32.msk $0xffff, v41  }
0x494: {  	[tilespmem:s0+$0x7810] =	vst.add.f32.msk $0xffff, v42  }
0x495: {  	[tilespmem:s0+$0x7820] =	vst.add.f32.msk $0xffff, v43  }
0x496: {  	[tilespmem:s0+$0x7830] =	vst.add.f32.msk $0xffff, v44  }
0x497: {  	[tilespmem:s0+$0x7840] =	vst.add.f32.msk $0xffff, v45  }
0x498: {  	[tilespmem:s0+$0x7850] =	vst.add.f32.msk $0xffff, v46  }
0x499: {  	[tilespmem:s0+$0x7860] =	vst.add.f32.msk $0xffff, v47  }
0x49a: {  	[tilespmem:s0+$0x7870] =	vst.add.f32.msk $0xffff, v48  }
0x49b: {  	[tilespmem:s0+$0x7C00] =	vst.add.f32.msk $0xffff, v49  }
0x49c: {  	[tilespmem:s0+$0x7C10] =	vst.add.f32.msk $0xffff, v50  }
0x49d: {  	[tilespmem:s0+$0x7C20] =	vst.add.f32.msk $0xffff, v51  }
0x49e: {  	[tilespmem:s0+$0x7C30] =	vst.add.f32.msk $0xffff, v52  }
0x49f: {  	[tilespmem:s0+$0x7C40] =	vst.add.f32.msk $0xffff, v53  }
0x4a0: {  	[tilespmem:s0+$0x7C50] =	vst.add.f32.msk $0xffff, v54  }
0x4a1: {  	[tilespmem:s0+$0x7C60] =	vst.add.f32.msk $0xffff, v55  }
0x4a2: {  	[tilespmem:s0+$0x7C70] =	vst.add.f32.msk $0xffff, v56  }
0x4a3: {  	[tilespmem:s0+$0x8000] =	vst.add.f32.msk $0xffff, v57  }
0x4a4: {  	s31 =	sadd.s32 $0x1, s31;
	[tilespmem:s0+$0x8010] =	vst.add.f32.msk $0xffff, v58  }
0x4a5: {  	p0 =	sne.s32 s31, $0x20;
	[tilespmem:s0+$0x8020] =	vst.add.f32.msk $0xffff, v59  }
.Ltmp4:
0x4a6: {  	[tilespmem:s0+$0x8030] =	vst.add.f32.msk $0xffff, v60;
	(pc) =	sbr.rel @p0 .LBB2_2-.Ltmp4, $4  }
0x4a7: {  	[tilespmem:s0+$0x8040] =	vst.add.f32.msk $0xffff, v61  }
0x4a8: {  	[tilespmem:s0+$0x8050] =	vst.add.f32.msk $0xffff, v62  }
0x4a9: {  	[tilespmem:s0+$0x8060] =	vst.add.f32.msk $0xffff, v63  }
0x4aa: {  	[tilespmem:s0+$0x6440] =	vst.add.f32.msk $0xffff, v0  }
0x4ab: {  	s0 =	rddreg [dreg:$0x8];
	s26 =	simm.s32 $0xB  }
0x4ac: {  	[hbm4b:s0+s6] =	stream.linear.scatter [tilespmem:s23], [sflag:$0xC], $0x2000, $0x38;
	[tilespmem:$0x10400] =	vst v63  }
0x4ad: {  	_ =	swait.ge [sflag:s26], $0x2000  }
0x4ae: {  	[sflag:s26] =	ssyncset.done $0x0  }
0x4af: {  	s2 =	simm.s32 $0xC;
	[sflag:s26] =	ssyncadd.s32 $0xFFFFE000  }
0x4b0: {  	_ =	swait.ge [sflag:s2], $0x2000  }
0x4b1: {  	s20 =	rddreg [dreg:$0xa]  }
0x4b2: {  	s31 =	rddreg [dreg:$0x9];
	s20 =	sadd.s32 $0x1, s20  }
0x4b3: {  	p0 =	sne.s32 s20, s31  }
.Ltmp5:
0x4b4: {  	_ = 	snop;
	(pc) =	sbr.rel @p0 .LBB2_1-.Ltmp5, $3  }
0x4b5: {  	_ =	sdelay $0x1  }
0x4b6: {  	[sflag:s2] =	ssyncset.done $0x0  }
0x4b7: {  	[sflag:s2] =	ssyncadd.s32 $0xFFFFE000  }
0x4b8: {  	_ =	sfence.sel $0x180000  }
0x4b9: {  	[bflag:$0x0] =	sbarrier.arrive $0xFFFF  }
0x4ba: {  	_ =	strace $0x90000047  }
0x4bb: {  	s0 =	stileid.u32;
	[bflag:$0x2] =	sbarrier.arrive $0xFFFF  }
0x4bc: {  	p0 =	sne.s32 s0, $0x0;
	s0 =	rddreg [dreg:$0x4]  }
0x4bd: {  	s0 =	sadd.s32 @!p0 $0x100000, s0  }
0x4be: {  	[sflag:s0] =	ssyncadd.tile.s32 @!p0 $0x1;
	_ =	shalt  }
.Lfunc_end2:
_tile_overlayer_lowered:
.L_overlay_start_2:
0x4bf: {  	(tag) =	ssettag $0x2  }
0x4c0: {  	s0 =	rddreg [dreg:$0x0];
	s2 =	stileid.u32  }
0x4c1: {  	s1 =	rddreg [dreg:$0x1];
	p0 =	sne.s32 s2, $0x0  }
0x4c2: {  	s3 =	rddreg [dreg:$0x2];
	[bflag:$0x3] =	sbarrier.arrive $0xFFFF;
	s2 =	simm.s32 @!p0 $0x1C0D  }
0x4c3: {  	[timem:s3], [sflag:s2] =	dma.local @!p0 [hbm:s0], s1  }
0x4c4: {  	s0 =	simm.s32 @!p0 $0xD  }
0x4c5: {  	_ =	swait.ge @!p0 [sflag:s0], s1  }
0x4c6: {  	s1 =	ssub.s32 @!p0 $0x0, s1;
	[sflag:s0] =	ssyncset.done @!p0 $0x0  }
0x4c7: {  	[sflag:s0] =	ssyncadd.s32 @!p0 s1  }
0x4c8: {  	[bflag:$0x3] =	sbarrier.arrive $0xFFFF  }
0x4c9: {  	_ =	shalt  }

</sc_bundles>
